<compile_context>
chip_gen: v7x
topology: tpu7x:2x2x1
jax: 0.10.2.dev20260603
libtpu: 0.0.44.dev20260713+nightly
codegen_flags: <defaults>
</compile_context>

<pallas_src>
import functools

import jax
import jax.numpy as jnp
from jax import lax
from jax.experimental import pallas as pl
from jax.experimental.pallas import tpu as pltpu
from jax.experimental.pallas import tpu_sc as plsc

_NC = 2
_NS = 16
_L = 16
_C = 64

_SC_PARAMS = pltpu.CompilerParams(needs_layout_passes=False)


def _leaky_exp(z):
    return jnp.exp(jnp.where(z >= 0, z, 0.2 * z))



def _sc_gat(hs, lt, srcp, dstp, z128, *, n_acc, k_chunks, heads_mode):
    rpt = n_acc // _NS
    mesh = plsc.VectorSubcoreMesh(core_axis_name="c", subcore_axis_name="s")

    @functools.partial(
        pl.kernel,
        out_type=jax.ShapeDtypeStruct((_NC, n_acc, 128), jnp.float32),
        mesh=mesh,
        compiler_params=_SC_PARAMS,
        scratch_types=[
            pltpu.VMEM((_C,), jnp.int32),
            pltpu.VMEM((_C,), jnp.int32),
            pltpu.VMEM((_C, 128), jnp.float32),
            pltpu.VMEM((_C, 128), jnp.float32),
            pltpu.VMEM((_C, 128), jnp.float32),
            pltpu.VMEM_SHARED((n_acc, 128), jnp.float32),
            pltpu.SemaphoreType.DMA,
        ],
    )
    def body(hs_hbm, lt_hbm, src_hbm, dst_hbm, z_hbm, out_hbm,
             src_v, dst_v, hs_v, mw_v, ld_v, acc, sem):
        cid = lax.axis_index("c")
        sid = lax.axis_index("s")
        wid = sid * _NC + cid
        r0 = sid * rpt
        pltpu.sync_copy(z_hbm.at[pl.ds(r0, rpt)], acc.at[pl.ds(r0, rpt)])

        def zrow(i, c):
            for g in range(5, 8):
                mw_v[i, pl.ds(g * _L, _L)] = jnp.zeros((_L,), jnp.float32)
            return c

        lax.fori_loop(0, _C, zrow, 0)
        plsc.subcore_barrier()
        ebase = wid * (k_chunks * _C)

        def chunk(j, carry):
            off = ebase + j * _C
            pltpu.sync_copy(src_hbm.at[pl.ds(off, _C)], src_v)
            pltpu.sync_copy(dst_hbm.at[pl.ds(off, _C)], dst_v)
            cp_h = pltpu.async_copy(hs_hbm.at[src_v], hs_v, sem)
            cp_l = pltpu.async_copy(lt_hbm.at[dst_v], ld_v, sem)
            cp_h.wait()
            cp_l.wait()

            def blk16(j16, c1):
                for ii in range(_L):
                    e = j16 * _L + ii
                    vad = ld_v[e, pl.ds(0, _L)]
                    vas = hs_v[e, pl.ds(64, _L)]
                    w = _leaky_exp(vas + vad)
                    mw_v[e, pl.ds(64, _L)] = w
                    for g in range(4):
                        if heads_mode:
                            wb = jnp.where(
                                lax.iota(jnp.int32, _L) < 8,
                                jnp.full((_L,), w[2 * g], jnp.float32),
                                jnp.full((_L,), w[2 * g + 1], jnp.float32))
                        else:
                            wb = w
                        mw_v[e, pl.ds(g * _L, _L)] = (
                            hs_v[e, pl.ds(g * _L, _L)] * wb)
                return c1

            lax.fori_loop(0, _C // _L, blk16, 0)
            pltpu.sync_copy(mw_v, acc.at[dst_v], add=True)
            return carry

        lax.fori_loop(0, k_chunks, chunk, 0)
        plsc.subcore_barrier()
        pltpu.sync_copy(acc.at[pl.ds(r0, rpt)], out_hbm.at[cid, pl.ds(r0, rpt)])

    return body(hs, lt, srcp, dstp, z128)



def _tc_layer1(x, w1, a1s, a1d, rb):
    n, d_in = x.shape
    hid1 = w1.shape[1]
    heads = a1s.shape[1]

    def body(x_ref, w1_ref, a1s_ref, a1d_ref, hs_ref, ltd_ref):
        h = jnp.dot(x_ref[...], w1_ref[...], preferred_element_type=jnp.float32)
        als = jnp.dot(h, a1s_ref[...], preferred_element_type=jnp.float32)
        ald = jnp.dot(h, a1d_ref[...], preferred_element_type=jnp.float32)
        hs_ref[...] = jnp.concatenate(
            [h, als, jnp.zeros((rb, 128 - hid1 - heads), jnp.float32)], axis=1)
        ltd_ref[...] = jnp.concatenate(
            [ald, jnp.zeros((rb, 16 - heads), jnp.float32)], axis=1)

    return pl.pallas_call(
        body,
        grid=(n // rb,),
        in_specs=[
            pl.BlockSpec((rb, d_in), lambda i: (i, 0)),
            pl.BlockSpec((d_in, hid1), lambda i: (0, 0)),
            pl.BlockSpec((hid1, heads), lambda i: (0, 0)),
            pl.BlockSpec((hid1, heads), lambda i: (0, 0)),
        ],
        out_specs=[
            pl.BlockSpec((rb, 128), lambda i: (i, 0)),
            pl.BlockSpec((rb, 16), lambda i: (i, 0)),
        ],
        out_shape=[
            jax.ShapeDtypeStruct((n, 128), jnp.float32),
            jax.ShapeDtypeStruct((n, 16), jnp.float32),
        ],
    )(x, w1, a1s, a1d)


def _tc_layer2(p0, p1, bexp, b1, w2, a2v, rb):
    n = p0.shape[0]
    hid1 = b1.shape[1]
    d_out = w2.shape[1]

    def body(p0_ref, p1_ref, bexp_ref, b1_ref, w2_ref,
             a2v_ref, hs2_ref, ld2_ref):
        num = p0_ref[:, :hid1] + p1_ref[:, :hid1]
        den = p0_ref[:, hid1:hid1 + 8] + p1_ref[:, hid1:hid1 + 8]
        r = 1.0 / (den + 1e-16)
        rexp = jnp.dot(r, bexp_ref[...], preferred_element_type=jnp.float32)
        h1 = num * rexp + b1_ref[...]
        h1 = jnp.where(h1 > 0, h1, jnp.exp(jnp.minimum(h1, 0.0)) - 1.0)
        wa = jnp.dot(w2_ref[...], a2v_ref[...],
                     preferred_element_type=jnp.float32)
        al2 = jnp.dot(h1, wa, preferred_element_type=jnp.float32)
        ones16 = jnp.ones((1, 16), jnp.float32)
        hs2_ref[...] = jnp.concatenate(
            [h1, al2[:, :1] * ones16,
             jnp.zeros((rb, 128 - hid1 - 16), jnp.float32)], axis=1)
        ld2_ref[...] = al2[:, 1:2] * ones16

    return pl.pallas_call(
        body,
        grid=(n // rb,),
        in_specs=[
            pl.BlockSpec((rb, 128), lambda i: (i, 0)),
            pl.BlockSpec((rb, 128), lambda i: (i, 0)),
            pl.BlockSpec((8, hid1), lambda i: (0, 0)),
            pl.BlockSpec((1, hid1), lambda i: (0, 0)),
            pl.BlockSpec((hid1, d_out), lambda i: (0, 0)),
            pl.BlockSpec((d_out, 2), lambda i: (0, 0)),
        ],
        out_specs=[
            pl.BlockSpec((rb, 128), lambda i: (i, 0)),
            pl.BlockSpec((rb, 16), lambda i: (i, 0)),
        ],
        out_shape=[
            jax.ShapeDtypeStruct((n, 128), jnp.float32),
            jax.ShapeDtypeStruct((n, 16), jnp.float32),
        ],
    )(p0, p1, bexp, b1, w2, a2v)


def _tc_final(q0, q1, w2, b2, rb, n_out):
    hid1 = w2.shape[0]
    d_out = b2.shape[1]

    def body(q0_ref, q1_ref, w2_ref, b2_ref, out_ref):
        num = q0_ref[:, :hid1] + q1_ref[:, :hid1]
        den = q0_ref[:, hid1:hid1 + 1] + q1_ref[:, hid1:hid1 + 1]
        hbar = num / (den + 1e-16)
        out_ref[...] = jnp.dot(
            hbar, w2_ref[...], preferred_element_type=jnp.float32) + b2_ref[...]

    return pl.pallas_call(
        body,
        grid=(n_out // rb,),
        in_specs=[
            pl.BlockSpec((rb, 128), lambda i: (i, 0)),
            pl.BlockSpec((rb, 128), lambda i: (i, 0)),
            pl.BlockSpec((hid1, d_out), lambda i: (0, 0)),
            pl.BlockSpec((1, d_out), lambda i: (0, 0)),
        ],
        out_specs=pl.BlockSpec((rb, d_out), lambda i: (i, 0)),
        out_shape=jax.ShapeDtypeStruct((n_out, d_out), jnp.float32),
    )(q0, q1, w2, b2)



def kernel(x, adj, W1, a1_src, a1_dst, b1, W2, a2_src, a2_dst, b2):
    n, d_in = x.shape
    e = adj.shape[1]
    heads, hid = a1_src.shape
    hid1 = W1.shape[1]
    d_out = W2.shape[1]

    n_tab = ((n + _NS - 1) // _NS) * _NS + _NS
    n_acc = ((n + 127) // 128) * 128
    nw = _NC * _NS
    k_chunks = (e + nw * _C - 1) // (nw * _C)
    e_pad = nw * k_chunks * _C

    karange = jnp.arange(hid1)
    a1s = jnp.zeros((hid1, heads), jnp.float32).at[
        karange, karange // hid].set(a1_src.reshape(hid1))
    a1d = jnp.zeros((hid1, heads), jnp.float32).at[
        karange, karange // hid].set(a1_dst.reshape(hid1))
    bexp = jnp.zeros((heads, hid1), jnp.float32).at[
        karange // hid, karange].set(1.0)
    a2v = jnp.concatenate([a2_src, a2_dst], axis=0).T
    b1r = b1.reshape(1, hid1)
    b2r = b2.reshape(1, d_out)

    srcp = jnp.concatenate([adj[0], jnp.full((e_pad - e,), n, jnp.int32)])
    dstp = jnp.concatenate([adj[1], jnp.zeros((e_pad - e,), jnp.int32)])

    z128 = jnp.zeros((n_acc, 128), jnp.float32)

    hs, ltd = _tc_layer1(x, W1, a1s, a1d, rb=1000)
    sentinel = jnp.concatenate(
        [jnp.zeros((n_tab - n, hid1), jnp.float32),
         jnp.full((n_tab - n, 16), -1e30, jnp.float32),
         jnp.zeros((n_tab - n, 128 - hid1 - 16), jnp.float32)], axis=1)
    hs = jnp.concatenate([hs, sentinel])
    ltd = jnp.concatenate([ltd, jnp.zeros((n, 112), jnp.float32)], axis=1)
    ltd = jnp.concatenate([ltd, jnp.zeros((n_acc - n, 128), jnp.float32)])
    p = _sc_gat(hs, ltd, srcp, dstp, z128, n_acc=n_acc, k_chunks=k_chunks,
                heads_mode=True)

    hs2, ld2 = _tc_layer2(p[0, :n], p[1, :n], bexp, b1r, W2, a2v, rb=1000)
    hs2 = jnp.concatenate([hs2, sentinel])
    ld2 = jnp.concatenate([ld2, jnp.zeros((n, 112), jnp.float32)], axis=1)
    ld2 = jnp.concatenate([ld2, jnp.zeros((n_acc - n, 128), jnp.float32)])
    q = _sc_gat(hs2, ld2, srcp, dstp, z128, n_acc=n_acc, k_chunks=k_chunks,
                heads_mode=False)

    return _tc_final(q[0, :n], q[1, :n], W2, b2r, rb=1000, n_out=n)

# --- scband reference (transcript-rebuilt; emitter-appended) ---
"""Pipeline reference for scband-gat-77979426226193 (READ-ONLY COPY).

The authoritative reference and input builder live on the scoring server;
editing this copy changes nothing except your own understanding.
"""

import jax, jax.numpy as jnp
import numpy as np

N = 10000
E = 320000
D_IN = 128
HID = 8
HEADS = 8
D_OUT = 128


def setup_inputs(seed: int = 0) -> dict:
    key = jax.random.key(seed)
    ks = jax.random.split(key, 10)
    x = jax.random.normal(ks[0], (N, D_IN), dtype=jnp.float32)
    adj = jax.random.randint(ks[1], (2, E), 0, N, dtype=jnp.int32)
    s = 0.1
    W1 = jax.random.normal(ks[2], (D_IN, HEADS * HID), dtype=jnp.float32) * s
    a1_src = jax.random.normal(ks[3], (HEADS, HID), dtype=jnp.float32) * s
    a1_dst = jax.random.normal(ks[4], (HEADS, HID), dtype=jnp.float32) * s
    b1 = jnp.zeros((HEADS * HID,), dtype=jnp.float32)
    W2 = jax.random.normal(ks[5], (HEADS * HID, D_OUT), dtype=jnp.float32) * s
    a2_src = jax.random.normal(ks[6], (1, D_OUT), dtype=jnp.float32) * s
    a2_dst = jax.random.normal(ks[7], (1, D_OUT), dtype=jnp.float32) * s
    b2 = jnp.zeros((D_OUT,), dtype=jnp.float32)
    return {"x": x, "adj": adj, "W1": W1, "a1_src": a1_src, "a1_dst": a1_dst, "b1": b1,
            "W2": W2, "a2_src": a2_src, "a2_dst": a2_dst, "b2": b2}


def _gat_conv(x, src, dst, W, a_src, a_dst, b, heads, dim, concat):
    n = x.shape[0]
    h = (x @ W).reshape(n, heads, dim)
    # per-node attention logits
    al_s = jnp.sum(h * a_src[None, :, :], axis=-1)  # [N, heads]
    al_d = jnp.sum(h * a_dst[None, :, :], axis=-1)  # [N, heads]
    e = jax.nn.leaky_relu(al_s[src] + al_d[dst], negative_slope=0.2)  # [E, heads]
    # segment softmax over incoming edges of each dst node
    e_max = jax.ops.segment_max(e, dst, num_segments=n)
    e_max = jax.lax.stop_gradient(e_max)
    ex = jnp.exp(e - e_max[dst])
    denom = jax.ops.segment_sum(ex, dst, num_segments=n)
    alpha = ex / (denom[dst] + 1e-16)  # [E, heads]
    msg = h[src] * alpha[:, :, None]  # [E, heads, dim]
    out = jax.ops.segment_sum(msg, dst, num_segments=n)  # [N, heads, dim]
    if concat:
        out = out.reshape(n, heads * dim)
    else:
        out = out.mean(axis=1)
    return out + b


def reference(x, adj, W1, a1_src, a1_dst, b1, W2, a2_src, a2_dst, b2):
    src = adj[0]
    dst = adj[1]
    # dropout layers act as identity in eval mode
    h = _gat_conv(x, src, dst, W1, a1_src, a1_dst, b1, HEADS, HID, True)
    h = jax.nn.elu(h)
    out = _gat_conv(h, src, dst, W2, a2_src, a2_dst, b2, 1, D_OUT, False)
    return out

if __name__ == "__main__":
    import jax
    _d = setup_inputs()
    print(jax.jit(kernel)(*tuple(_d.values())))

</pallas_src>

<mosaic_0001>
#map = affine_map<(d0, d1) -> (0, 0)>
#map1 = affine_map<(d0, d1) -> (0)>
#map2 = affine_map<(d0, d1) -> (0, 0, 0)>
module attributes {stable_mosaic.version = 14 : i64} {
  func.func @body(%arg0: i32, %arg1: i32, %arg2: memref<10016x128xf32, #tpu.memory_space<hbm>>, %arg3: memref<10112x128xf32, #tpu.memory_space<hbm>>, %arg4: memref<321536xi32, #tpu.memory_space<hbm>>, %arg5: memref<321536xi32, #tpu.memory_space<hbm>>, %arg6: memref<10112x128xf32, #tpu.memory_space<hbm>>, %arg7: memref<2x10112x128xf32, #tpu.memory_space<hbm>>, %arg8: memref<64xi32, #tpu.memory_space<vmem>>, %arg9: memref<64xi32, #tpu.memory_space<vmem>>, %arg10: memref<64x128xf32, #tpu.memory_space<vmem>>, %arg11: memref<64x128xf32, #tpu.memory_space<vmem>>, %arg12: memref<64x128xf32, #tpu.memory_space<vmem>>, %arg13: memref<10112x128xf32, #tpu.memory_space<vmem_shared>>, %arg14: memref<!tpu.dma_semaphore, #tpu.memory_space<semaphore_mem>>) attributes {dimension_semantics = [#tpu.dimension_semantics<core_parallel>, #tpu.dimension_semantics<subcore_parallel>], iteration_bounds = array<i64: 2, 16>, scalar_prefetch = 0 : i64, scratch_operands = 7 : i64, tpu.core_type = #tpu.core_type<sc_vector_subcore>, window_params = [{transform_indices = #map}, {transform_indices = #map}, {transform_indices = #map1}, {transform_indices = #map1}, {transform_indices = #map}, {transform_indices = #map2}]} {
    %mul3A = arith.constant 2 : i32
    %mul3A_0 = arith.muli %arg1, %mul3A : i32
    %add3A = arith.addi %mul3A_0, %arg0 : i32
    %mul3A_1 = arith.constant 632 : i32
    %mul3A_2 = arith.muli %arg1, %mul3A_1 : i32
    "tpu.region"() ({
      %run_scoped3A = tpu.sem_alloc : memref<!tpu.dma_semaphore, #tpu.memory_space<semaphore_mem>>
      %dma_start3A = arith.constant 0 : i32
      %dma_start3A_17 = tpu.memref_slice %arg13[%mul3A_2, %dma_start3A] : memref<10112x128xf32, #tpu.memory_space<vmem_shared>> -> memref<632x128xf32, #tpu.memory_space<vmem_shared>>
      %dma_start3A_18 = arith.constant 0 : i32
      %dma_start3A_19 = tpu.memref_slice %arg6[%mul3A_2, %dma_start3A_18] : memref<10112x128xf32, #tpu.memory_space<hbm>> -> memref<632x128xf32, #tpu.memory_space<hbm>>
      tpu.enqueue_dma source(%dma_start3A_19 : memref<632x128xf32, #tpu.memory_space<hbm>>) target(%dma_start3A_17 : memref<632x128xf32, #tpu.memory_space<vmem_shared>>) target_semaphore(%run_scoped3A : memref<!tpu.dma_semaphore, #tpu.memory_space<semaphore_mem>>)
      %dma_wait3A = arith.constant 0 : i32
      %dma_wait3A_20 = tpu.memref_slice %arg13[%mul3A_2, %dma_wait3A] : memref<10112x128xf32, #tpu.memory_space<vmem_shared>> -> memref<632x128xf32, #tpu.memory_space<vmem_shared>>
      %dma_wait3A_21 = arith.constant 0 : i32
      %dma_wait3A_22 = tpu.memref_slice %arg6[%mul3A_2, %dma_wait3A_21] : memref<10112x128xf32, #tpu.memory_space<hbm>> -> memref<632x128xf32, #tpu.memory_space<hbm>>
      tpu.wait_dma2 semaphore(%run_scoped3A : memref<!tpu.dma_semaphore, #tpu.memory_space<semaphore_mem>>) src(%dma_wait3A_22 : memref<632x128xf32, #tpu.memory_space<hbm>>) dst(%dma_wait3A_20 : memref<632x128xf32, #tpu.memory_space<vmem_shared>>)
      tpu.yield
    }) : () -> ()
    %scan3A = arith.constant 0 : i32
    %scan3A_3 = arith.constant 0 : i32
    %scan3A_4 = arith.constant 64 : i32
    %scan3A_5 = arith.addi %scan3A_3, %scan3A_4 : i32
    %scan3A_6 = arith.constant 1 : i32
    scf.for %scan3A_17 = %scan3A_3 to %scan3A_5 step %scan3A_6  : i32 {
      %broadcast_in_dim3A = arith.constant 0.000000e+00 : f32
      %broadcast_in_dim3A_18 = vector.broadcast %broadcast_in_dim3A : f32 to vector<16xf32>
      %swap3A = arith.index_cast %scan3A_17 : i32 to index
      %swap3A_19 = arith.constant 80 : index
      %swap3A_20 = tpu.vector_load %arg11[%swap3A, %swap3A_19] {strides = array<i32>} : memref<64x128xf32, #tpu.memory_space<vmem>>, vector<16xf32>,
      tpu.vector_store %arg11[%swap3A, %swap3A_19], %broadcast_in_dim3A_18 {strides = array<i32>} : memref<64x128xf32, #tpu.memory_space<vmem>>, vector<16xf32>,
      %broadcast_in_dim3A_21 = arith.constant 0.000000e+00 : f32
      %broadcast_in_dim3A_22 = vector.broadcast %broadcast_in_dim3A_21 : f32 to vector<16xf32>
      %swap3A_23 = arith.index_cast %scan3A_17 : i32 to index
      %swap3A_24 = arith.constant 96 : index
      %swap3A_25 = tpu.vector_load %arg11[%swap3A_23, %swap3A_24] {strides = array<i32>} : memref<64x128xf32, #tpu.memory_space<vmem>>, vector<16xf32>,
      tpu.vector_store %arg11[%swap3A_23, %swap3A_24], %broadcast_in_dim3A_22 {strides = array<i32>} : memref<64x128xf32, #tpu.memory_space<vmem>>, vector<16xf32>,
      %broadcast_in_dim3A_26 = arith.constant 0.000000e+00 : f32
      %broadcast_in_dim3A_27 = vector.broadcast %broadcast_in_dim3A_26 : f32 to vector<16xf32>
      %swap3A_28 = arith.index_cast %scan3A_17 : i32 to index
      %swap3A_29 = arith.constant 112 : index
      %swap3A_30 = tpu.vector_load %arg11[%swap3A_28, %swap3A_29] {strides = array<i32>} : memref<64x128xf32, #tpu.memory_space<vmem>>, vector<16xf32>,
      tpu.vector_store %arg11[%swap3A_28, %swap3A_29], %broadcast_in_dim3A_27 {strides = array<i32>} : memref<64x128xf32, #tpu.memory_space<vmem>>, vector<16xf32>,
    }
    %scan3A_7 = arith.constant 64 : i32
    %barrier3A = arith.constant 0 : index
    tpu.barrier barrier_id(%barrier3A)
    %mul3A_8 = arith.constant 10048 : i32
    %mul3A_9 = arith.muli %add3A, %mul3A_8 : i32
    %scan3A_10 = arith.constant 0 : i32
    %scan3A_11 = arith.constant 0 : i32
    %scan3A_12 = arith.constant 157 : i32
    %scan3A_13 = arith.addi %scan3A_11, %scan3A_12 : i32
    %scan3A_14 = arith.constant 1 : i32
    scf.for %scan3A_17 = %scan3A_11 to %scan3A_13 step %scan3A_14  : i32 {
      %mul3A_18 = arith.constant 64 : i32
      %mul3A_19 = arith.muli %scan3A_17, %mul3A_18 : i32
      %add3A_20 = arith.addi %mul3A_9, %mul3A_19 : i32
      "tpu.region"() ({
        %run_scoped3A = tpu.sem_alloc : memref<!tpu.dma_semaphore, #tpu.memory_space<semaphore_mem>>
        %dma_start3A_37 = tpu.memref_slice %arg4[%add3A_20] : memref<321536xi32, #tpu.memory_space<hbm>> -> memref<64xi32, #tpu.memory_space<hbm>>
        %dma_start3A_38 = tpu.memref_slice %arg4[%add3A_20] : memref<321536xi32, #tpu.memory_space<hbm>> -> memref<64xi32, #tpu.memory_space<hbm>>
        tpu.enqueue_dma source(%dma_start3A_38 : memref<64xi32, #tpu.memory_space<hbm>>) target(%arg8 : memref<64xi32, #tpu.memory_space<vmem>>) target_semaphore(%run_scoped3A : memref<!tpu.dma_semaphore, #tpu.memory_space<semaphore_mem>>)
        %dma_wait3A_39 = tpu.memref_slice %arg4[%add3A_20] : memref<321536xi32, #tpu.memory_space<hbm>> -> memref<64xi32, #tpu.memory_space<hbm>>
        %dma_wait3A_40 = tpu.memref_slice %arg4[%add3A_20] : memref<321536xi32, #tpu.memory_space<hbm>> -> memref<64xi32, #tpu.memory_space<hbm>>
        tpu.wait_dma2 semaphore(%run_scoped3A : memref<!tpu.dma_semaphore, #tpu.memory_space<semaphore_mem>>) src(%dma_wait3A_40 : memref<64xi32, #tpu.memory_space<hbm>>) dst(%arg8 : memref<64xi32, #tpu.memory_space<vmem>>)
        tpu.yield
      }) : () -> ()
      "tpu.region"() ({
        %run_scoped3A = tpu.sem_alloc : memref<!tpu.dma_semaphore, #tpu.memory_space<semaphore_mem>>
        %dma_start3A_37 = tpu.memref_slice %arg5[%add3A_20] : memref<321536xi32, #tpu.memory_space<hbm>> -> memref<64xi32, #tpu.memory_space<hbm>>
        %dma_start3A_38 = tpu.memref_slice %arg5[%add3A_20] : memref<321536xi32, #tpu.memory_space<hbm>> -> memref<64xi32, #tpu.memory_space<hbm>>
        tpu.enqueue_dma source(%dma_start3A_38 : memref<64xi32, #tpu.memory_space<hbm>>) target(%arg9 : memref<64xi32, #tpu.memory_space<vmem>>) target_semaphore(%run_scoped3A : memref<!tpu.dma_semaphore, #tpu.memory_space<semaphore_mem>>)
        %dma_wait3A_39 = tpu.memref_slice %arg5[%add3A_20] : memref<321536xi32, #tpu.memory_space<hbm>> -> memref<64xi32, #tpu.memory_space<hbm>>
        %dma_wait3A_40 = tpu.memref_slice %arg5[%add3A_20] : memref<321536xi32, #tpu.memory_space<hbm>> -> memref<64xi32, #tpu.memory_space<hbm>>
        tpu.wait_dma2 semaphore(%run_scoped3A : memref<!tpu.dma_semaphore, #tpu.memory_space<semaphore_mem>>) src(%dma_wait3A_40 : memref<64xi32, #tpu.memory_space<hbm>>) dst(%arg9 : memref<64xi32, #tpu.memory_space<vmem>>)
        tpu.yield
      }) : () -> ()
      %dma_start3A = arith.constant 0 : i32
      %dma_start3A_21 = arith.constant 0 : i32
      %dma_start3A_22 = tpu.memref_slice %arg2[%dma_start3A, %dma_start3A_21] : memref<10016x128xf32, #tpu.memory_space<hbm>> -> memref<10016x128xf32, #tpu.memory_space<hbm>>
      tpu.enqueue_indirect_dma source(%dma_start3A_22 : memref<10016x128xf32, #tpu.memory_space<hbm>>) target(%arg10 : memref<64x128xf32, #tpu.memory_space<vmem>>) offsets(%arg8 : memref<64xi32, #tpu.memory_space<vmem>>) semaphore(%arg14 : memref<!tpu.dma_semaphore, #tpu.memory_space<semaphore_mem>>)
      %dma_start3A_23 = arith.constant 0 : i32
      %dma_start3A_24 = arith.constant 0 : i32
      %dma_start3A_25 = tpu.memref_slice %arg3[%dma_start3A_23, %dma_start3A_24] : memref<10112x128xf32, #tpu.memory_space<hbm>> -> memref<10112x128xf32, #tpu.memory_space<hbm>>
      tpu.enqueue_indirect_dma source(%dma_start3A_25 : memref<10112x128xf32, #tpu.memory_space<hbm>>) target(%arg12 : memref<64x128xf32, #tpu.memory_space<vmem>>) offsets(%arg9 : memref<64xi32, #tpu.memory_space<vmem>>) semaphore(%arg14 : memref<!tpu.dma_semaphore, #tpu.memory_space<semaphore_mem>>)
      %dma_wait3A = arith.constant 0 : i32
      %dma_wait3A_26 = arith.constant 0 : i32
      %dma_wait3A_27 = tpu.memref_slice %arg2[%dma_wait3A, %dma_wait3A_26] : memref<10016x128xf32, #tpu.memory_space<hbm>> -> memref<10016x128xf32, #tpu.memory_space<hbm>>
      tpu.wait_indirect_dma semaphore(%arg14 : memref<!tpu.dma_semaphore, #tpu.memory_space<semaphore_mem>>) src(%dma_wait3A_27 : memref<10016x128xf32, #tpu.memory_space<hbm>>) dst(%arg10 : memref<64x128xf32, #tpu.memory_space<vmem>>)
      %dma_wait3A_28 = arith.constant 0 : i32
      %dma_wait3A_29 = arith.constant 0 : i32
      %dma_wait3A_30 = tpu.memref_slice %arg3[%dma_wait3A_28, %dma_wait3A_29] : memref<10112x128xf32, #tpu.memory_space<hbm>> -> memref<10112x128xf32, #tpu.memory_space<hbm>>
      tpu.wait_indirect_dma semaphore(%arg14 : memref<!tpu.dma_semaphore, #tpu.memory_space<semaphore_mem>>) src(%dma_wait3A_30 : memref<10112x128xf32, #tpu.memory_space<hbm>>) dst(%arg12 : memref<64x128xf32, #tpu.memory_space<vmem>>)
      %scan3A_31 = arith.constant 0 : i32
      %scan3A_32 = arith.constant 0 : i32
      %scan3A_33 = arith.constant 4 : i32
      %scan3A_34 = arith.addi %scan3A_32, %scan3A_33 : i32
      %scan3A_35 = arith.constant 1 : i32
      scf.for %scan3A_37 = %scan3A_32 to %scan3A_34 step %scan3A_35  : i32 {
        %mul3A_38 = arith.constant 16 : i32
        %mul3A_39 = arith.muli %scan3A_37, %mul3A_38 : i32
        %add3A_40 = arith.constant 0 : i32
        %add3A_41 = arith.addi %mul3A_39, %add3A_40 : i32
        %get3A = arith.index_cast %add3A_41 : i32 to index
        %get3A_42 = arith.constant 0 : index
        %get3A_43 = tpu.vector_load %arg12[%get3A, %get3A_42] {strides = array<i32>} : memref<64x128xf32, #tpu.memory_space<vmem>>, vector<16xf32>,
        %get3A_44 = arith.index_cast %add3A_41 : i32 to index
        %get3A_45 = arith.constant 64 : index
        %get3A_46 = tpu.vector_load %arg10[%get3A_44, %get3A_45] {strides = array<i32>} : memref<64x128xf32, #tpu.memory_space<vmem>>, vector<16xf32>,
        %add3A_47 = arith.addf %get3A_46, %get3A_43 : vector<16xf32>
        %ge3A = arith.constant 0.000000e+00 : f32
        %ge3A_48 = vector.broadcast %ge3A : f32 to vector<16xf32>
        %ge3A_49 = arith.cmpf oge, %add3A_47, %ge3A_48 : vector<16xf32>
        %mul3A_50 = arith.constant 2.000000e-01 : f32
        %mul3A_51 = vector.broadcast %mul3A_50 : f32 to vector<16xf32>
        %mul3A_52 = arith.mulf %mul3A_51, %add3A_47 : vector<16xf32>
        %select_n3A = arith.select %ge3A_49, %add3A_47, %mul3A_52 : vector<16xi1>, vector<16xf32>
        %exp3A = math.exp %select_n3A : vector<16xf32>
        %swap3A = arith.index_cast %add3A_41 : i32 to index
        %swap3A_53 = arith.constant 64 : index
        %swap3A_54 = tpu.vector_load %arg11[%swap3A, %swap3A_53] {strides = array<i32>} : memref<64x128xf32, #tpu.memory_space<vmem>>, vector<16xf32>,
        tpu.vector_store %arg11[%swap3A, %swap3A_53], %exp3A {strides = array<i32>} : memref<64x128xf32, #tpu.memory_space<vmem>>, vector<16xf32>,
        %iota3A = tpu.iota {dimensions = array<i32: 0>} : vector<16xi32>
        %lt3A = arith.constant 8 : i32
        %lt3A_55 = vector.broadcast %lt3A : i32 to vector<16xi32>
        %lt3A_56 = arith.cmpi slt, %iota3A, %lt3A_55 : vector<16xi32>
        %slice3A = vector.extract_strided_slice %exp3A {offsets = [0], sizes = [1], strides = [1]} : vector<16xf32> to vector<1xf32>
        %squeeze3A = vector.extract %slice3A[0] : f32 from vector<1xf32>
        %broadcast_in_dim3A = vector.broadcast %squeeze3A : f32 to vector<16xf32>
        %slice3A_57 = vector.extract_strided_slice %exp3A {offsets = [1], sizes = [1], strides = [1]} : vector<16xf32> to vector<1xf32>
        %squeeze3A_58 = vector.extract %slice3A_57[0] : f32 from vector<1xf32>
        %broadcast_in_dim3A_59 = vector.broadcast %squeeze3A_58 : f32 to vector<16xf32>
        %select_n3A_60 = arith.select %lt3A_56, %broadcast_in_dim3A, %broadcast_in_dim3A_59 : vector<16xi1>, vector<16xf32>
        %get3A_61 = arith.index_cast %add3A_41 : i32 to index
        %get3A_62 = arith.constant 0 : index
        %get3A_63 = tpu.vector_load %arg10[%get3A_61, %get3A_62] {strides = array<i32>} : memref<64x128xf32, #tpu.memory_space<vmem>>, vector<16xf32>,
        %mul3A_64 = arith.mulf %get3A_63, %select_n3A_60 : vector<16xf32>
        %swap3A_65 = arith.index_cast %add3A_41 : i32 to index
        %swap3A_66 = arith.constant 0 : index
        %swap3A_67 = tpu.vector_load %arg11[%swap3A_65, %swap3A_66] {strides = array<i32>} : memref<64x128xf32, #tpu.memory_space<vmem>>, vector<16xf32>,
        tpu.vector_store %arg11[%swap3A_65, %swap3A_66], %mul3A_64 {strides = array<i32>} : memref<64x128xf32, #tpu.memory_space<vmem>>, vector<16xf32>,
        %iota3A_68 = tpu.iota {dimensions = array<i32: 0>} : vector<16xi32>
        %lt3A_69 = arith.constant 8 : i32
        %lt3A_70 = vector.broadcast %lt3A_69 : i32 to vector<16xi32>
        %lt3A_71 = arith.cmpi slt, %iota3A_68, %lt3A_70 : vector<16xi32>
        %slice3A_72 = vector.extract_strided_slice %exp3A {offsets = [2], sizes = [1], strides = [1]} : vector<16xf32> to vector<1xf32>
        %squeeze3A_73 = vector.extract %slice3A_72[0] : f32 from vector<1xf32>
        %broadcast_in_dim3A_74 = vector.broadcast %squeeze3A_73 : f32 to vector<16xf32>
        %slice3A_75 = vector.extract_strided_slice %exp3A {offsets = [3], sizes = [1], strides = [1]} : vector<16xf32> to vector<1xf32>
        %squeeze3A_76 = vector.extract %slice3A_75[0] : f32 from vector<1xf32>
        %broadcast_in_dim3A_77 = vector.broadcast %squeeze3A_76 : f32 to vector<16xf32>
        %select_n3A_78 = arith.select %lt3A_71, %broadcast_in_dim3A_74, %broadcast_in_dim3A_77 : vector<16xi1>, vector<16xf32>
        %get3A_79 = arith.index_cast %add3A_41 : i32 to index
        %get3A_80 = arith.constant 16 : index
        %get3A_81 = tpu.vector_load %arg10[%get3A_79, %get3A_80] {strides = array<i32>} : memref<64x128xf32, #tpu.memory_space<vmem>>, vector<16xf32>,
        %mul3A_82 = arith.mulf %get3A_81, %select_n3A_78 : vector<16xf32>
        %swap3A_83 = arith.index_cast %add3A_41 : i32 to index
        %swap3A_84 = arith.constant 16 : index
        %swap3A_85 = tpu.vector_load %arg11[%swap3A_83, %swap3A_84] {strides = array<i32>} : memref<64x128xf32, #tpu.memory_space<vmem>>, vector<16xf32>,
        tpu.vector_store %arg11[%swap3A_83, %swap3A_84], %mul3A_82 {strides = array<i32>} : memref<64x128xf32, #tpu.memory_space<vmem>>, vector<16xf32>,
        %iota3A_86 = tpu.iota {dimensions = array<i32: 0>} : vector<16xi32>
        %lt3A_87 = arith.constant 8 : i32
        %lt3A_88 = vector.broadcast %lt3A_87 : i32 to vector<16xi32>
        %lt3A_89 = arith.cmpi slt, %iota3A_86, %lt3A_88 : vector<16xi32>
        %slice3A_90 = vector.extract_strided_slice %exp3A {offsets = [4], sizes = [1], strides = [1]} : vector<16xf32> to vector<1xf32>
        %squeeze3A_91 = vector.extract %slice3A_90[0] : f32 from vector<1xf32>
        %broadcast_in_dim3A_92 = vector.broadcast %squeeze3A_91 : f32 to vector<16xf32>
        %slice3A_93 = vector.extract_strided_slice %exp3A {offsets = [5], sizes = [1], strides = [1]} : vector<16xf32> to vector<1xf32>
        %squeeze3A_94 = vector.extract %slice3A_93[0] : f32 from vector<1xf32>
        %broadcast_in_dim3A_95 = vector.broadcast %squeeze3A_94 : f32 to vector<16xf32>
        %select_n3A_96 = arith.select %lt3A_89, %broadcast_in_dim3A_92, %broadcast_in_dim3A_95 : vector<16xi1>, vector<16xf32>
        %get3A_97 = arith.index_cast %add3A_41 : i32 to index
        %get3A_98 = arith.constant 32 : index
        %get3A_99 = tpu.vector_load %arg10[%get3A_97, %get3A_98] {strides = array<i32>} : memref<64x128xf32, #tpu.memory_space<vmem>>, vector<16xf32>,
        %mul3A_100 = arith.mulf %get3A_99, %select_n3A_96 : vector<16xf32>
        %swap3A_101 = arith.index_cast %add3A_41 : i32 to index
        %swap3A_102 = arith.constant 32 : index
        %swap3A_103 = tpu.vector_load %arg11[%swap3A_101, %swap3A_102] {strides = array<i32>} : memref<64x128xf32, #tpu.memory_space<vmem>>, vector<16xf32>,
        tpu.vector_store %arg11[%swap3A_101, %swap3A_102], %mul3A_100 {strides = array<i32>} : memref<64x128xf32, #tpu.memory_space<vmem>>, vector<16xf32>,
        %iota3A_104 = tpu.iota {dimensions = array<i32: 0>} : vector<16xi32>
        %lt3A_105 = arith.constant 8 : i32
        %lt3A_106 = vector.broadcast %lt3A_105 : i32 to vector<16xi32>
        %lt3A_107 = arith.cmpi slt, %iota3A_104, %lt3A_106 : vector<16xi32>
        %slice3A_108 = vector.extract_strided_slice %exp3A {offsets = [6], sizes = [1], strides = [1]} : vector<16xf32> to vector<1xf32>
        %squeeze3A_109 = vector.extract %slice3A_108[0] : f32 from vector<1xf32>
        %broadcast_in_dim3A_110 = vector.broadcast %squeeze3A_109 : f32 to vector<16xf32>
        %slice3A_111 = vector.extract_strided_slice %exp3A {offsets = [7], sizes = [1], strides = [1]} : vector<16xf32> to vector<1xf32>
        %squeeze3A_112 = vector.extract %slice3A_111[0] : f32 from vector<1xf32>
        %broadcast_in_dim3A_113 = vector.broadcast %squeeze3A_112 : f32 to vector<16xf32>
        %select_n3A_114 = arith.select %lt3A_107, %broadcast_in_dim3A_110, %broadcast_in_dim3A_113 : vector<16xi1>, vector<16xf32>
        %get3A_115 = arith.index_cast %add3A_41 : i32 to index
        %get3A_116 = arith.constant 48 : index
        %get3A_117 = tpu.vector_load %arg10[%get3A_115, %get3A_116] {strides = array<i32>} : memref<64x128xf32, #tpu.memory_space<vmem>>, vector<16xf32>,
        %mul3A_118 = arith.mulf %get3A_117, %select_n3A_114 : vector<16xf32>
        %swap3A_119 = arith.index_cast %add3A_41 : i32 to index
        %swap3A_120 = arith.constant 48 : index
        %swap3A_121 = tpu.vector_load %arg11[%swap3A_119, %swap3A_120] {strides = array<i32>} : memref<64x128xf32, #tpu.memory_space<vmem>>, vector<16xf32>,
        tpu.vector_store %arg11[%swap3A_119, %swap3A_120], %mul3A_118 {strides = array<i32>} : memref<64x128xf32, #tpu.memory_space<vmem>>, vector<16xf32>,
        %mul3A_122 = arith.constant 16 : i32
        %mul3A_123 = arith.muli %scan3A_37, %mul3A_122 : i32
        %add3A_124 = arith.constant 1 : i32
        %add3A_125 = arith.addi %mul3A_123, %add3A_124 : i32
        %get3A_126 = arith.index_cast %add3A_125 : i32 to index
        %get3A_127 = arith.constant 0 : index
        %get3A_128 = tpu.vector_load %arg12[%get3A_126, %get3A_127] {strides = array<i32>} : memref<64x128xf32, #tpu.memory_space<vmem>>, vector<16xf32>,
        %get3A_129 = arith.index_cast %add3A_125 : i32 to index
        %get3A_130 = arith.constant 64 : index
        %get3A_131 = tpu.vector_load %arg10[%get3A_129, %get3A_130] {strides = array<i32>} : memref<64x128xf32, #tpu.memory_space<vmem>>, vector<16xf32>,
        %add3A_132 = arith.addf %get3A_131, %get3A_128 : vector<16xf32>
        %ge3A_133 = arith.constant 0.000000e+00 : f32
        %ge3A_134 = vector.broadcast %ge3A_133 : f32 to vector<16xf32>
        %ge3A_135 = arith.cmpf oge, %add3A_132, %ge3A_134 : vector<16xf32>
        %mul3A_136 = arith.constant 2.000000e-01 : f32
        %mul3A_137 = vector.broadcast %mul3A_136 : f32 to vector<16xf32>
        %mul3A_138 = arith.mulf %mul3A_137, %add3A_132 : vector<16xf32>
        %select_n3A_139 = arith.select %ge3A_135, %add3A_132, %mul3A_138 : vector<16xi1>, vector<16xf32>
        %exp3A_140 = math.exp %select_n3A_139 : vector<16xf32>
        %swap3A_141 = arith.index_cast %add3A_125 : i32 to index
        %swap3A_142 = arith.constant 64 : index
        %swap3A_143 = tpu.vector_load %arg11[%swap3A_141, %swap3A_142] {strides = array<i32>} : memref<64x128xf32, #tpu.memory_space<vmem>>, vector<16xf32>,
        tpu.vector_store %arg11[%swap3A_141, %swap3A_142], %exp3A_140 {strides = array<i32>} : memref<64x128xf32, #tpu.memory_space<vmem>>, vector<16xf32>,
        %iota3A_144 = tpu.iota {dimensions = array<i32: 0>} : vector<16xi32>
        %lt3A_145 = arith.constant 8 : i32
        %lt3A_146 = vector.broadcast %lt3A_145 : i32 to vector<16xi32>
        %lt3A_147 = arith.cmpi slt, %iota3A_144, %lt3A_146 : vector<16xi32>
        %slice3A_148 = vector.extract_strided_slice %exp3A_140 {offsets = [0], sizes = [1], strides = [1]} : vector<16xf32> to vector<1xf32>
        %squeeze3A_149 = vector.extract %slice3A_148[0] : f32 from vector<1xf32>
        %broadcast_in_dim3A_150 = vector.broadcast %squeeze3A_149 : f32 to vector<16xf32>
        %slice3A_151 = vector.extract_strided_slice %exp3A_140 {offsets = [1], sizes = [1], strides = [1]} : vector<16xf32> to vector<1xf32>
        %squeeze3A_152 = vector.extract %slice3A_151[0] : f32 from vector<1xf32>
        %broadcast_in_dim3A_153 = vector.broadcast %squeeze3A_152 : f32 to vector<16xf32>
        %select_n3A_154 = arith.select %lt3A_147, %broadcast_in_dim3A_150, %broadcast_in_dim3A_153 : vector<16xi1>, vector<16xf32>
        %get3A_155 = arith.index_cast %add3A_125 : i32 to index
        %get3A_156 = arith.constant 0 : index
        %get3A_157 = tpu.vector_load %arg10[%get3A_155, %get3A_156] {strides = array<i32>} : memref<64x128xf32, #tpu.memory_space<vmem>>, vector<16xf32>,
        %mul3A_158 = arith.mulf %get3A_157, %select_n3A_154 : vector<16xf32>
        %swap3A_159 = arith.index_cast %add3A_125 : i32 to index
        %swap3A_160 = arith.constant 0 : index
        %swap3A_161 = tpu.vector_load %arg11[%swap3A_159, %swap3A_160] {strides = array<i32>} : memref<64x128xf32, #tpu.memory_space<vmem>>, vector<16xf32>,
        tpu.vector_store %arg11[%swap3A_159, %swap3A_160], %mul3A_158 {strides = array<i32>} : memref<64x128xf32, #tpu.memory_space<vmem>>, vector<16xf32>,
        %iota3A_162 = tpu.iota {dimensions = array<i32: 0>} : vector<16xi32>
        %lt3A_163 = arith.constant 8 : i32
        %lt3A_164 = vector.broadcast %lt3A_163 : i32 to vector<16xi32>
        %lt3A_165 = arith.cmpi slt, %iota3A_162, %lt3A_164 : vector<16xi32>
        %slice3A_166 = vector.extract_strided_slice %exp3A_140 {offsets = [2], sizes = [1], strides = [1]} : vector<16xf32> to vector<1xf32>
        %squeeze3A_167 = vector.extract %slice3A_166[0] : f32 from vector<1xf32>
        %broadcast_in_dim3A_168 = vector.broadcast %squeeze3A_167 : f32 to vector<16xf32>
        %slice3A_169 = vector.extract_strided_slice %exp3A_140 {offsets = [3], sizes = [1], strides = [1]} : vector<16xf32> to vector<1xf32>
        %squeeze3A_170 = vector.extract %slice3A_169[0] : f32 from vector<1xf32>
        %broadcast_in_dim3A_171 = vector.broadcast %squeeze3A_170 : f32 to vector<16xf32>
        %select_n3A_172 = arith.select %lt3A_165, %broadcast_in_dim3A_168, %broadcast_in_dim3A_171 : vector<16xi1>, vector<16xf32>
        %get3A_173 = arith.index_cast %add3A_125 : i32 to index
        %get3A_174 = arith.constant 16 : index
        %get3A_175 = tpu.vector_load %arg10[%get3A_173, %get3A_174] {strides = array<i32>} : memref<64x128xf32, #tpu.memory_space<vmem>>, vector<16xf32>,
        %mul3A_176 = arith.mulf %get3A_175, %select_n3A_172 : vector<16xf32>
        %swap3A_177 = arith.index_cast %add3A_125 : i32 to index
        %swap3A_178 = arith.constant 16 : index
        %swap3A_179 = tpu.vector_load %arg11[%swap3A_177, %swap3A_178] {strides = array<i32>} : memref<64x128xf32, #tpu.memory_space<vmem>>, vector<16xf32>,
        tpu.vector_store %arg11[%swap3A_177, %swap3A_178], %mul3A_176 {strides = array<i32>} : memref<64x128xf32, #tpu.memory_space<vmem>>, vector<16xf32>,
        %iota3A_180 = tpu.iota {dimensions = array<i32: 0>} : vector<16xi32>
        %lt3A_181 = arith.constant 8 : i32
        %lt3A_182 = vector.broadcast %lt3A_181 : i32 to vector<16xi32>
        %lt3A_183 = arith.cmpi slt, %iota3A_180, %lt3A_182 : vector<16xi32>
        %slice3A_184 = vector.extract_strided_slice %exp3A_140 {offsets = [4], sizes = [1], strides = [1]} : vector<16xf32> to vector<1xf32>
        %squeeze3A_185 = vector.extract %slice3A_184[0] : f32 from vector<1xf32>
        %broadcast_in_dim3A_186 = vector.broadcast %squeeze3A_185 : f32 to vector<16xf32>
        %slice3A_187 = vector.extract_strided_slice %exp3A_140 {offsets = [5], sizes = [1], strides = [1]} : vector<16xf32> to vector<1xf32>
        %squeeze3A_188 = vector.extract %slice3A_187[0] : f32 from vector<1xf32>
        %broadcast_in_dim3A_189 = vector.broadcast %squeeze3A_188 : f32 to vector<16xf32>
        %select_n3A_190 = arith.select %lt3A_183, %broadcast_in_dim3A_186, %broadcast_in_dim3A_189 : vector<16xi1>, vector<16xf32>
        %get3A_191 = arith.index_cast %add3A_125 : i32 to index
        %get3A_192 = arith.constant 32 : index
        %get3A_193 = tpu.vector_load %arg10[%get3A_191, %get3A_192] {strides = array<i32>} : memref<64x128xf32, #tpu.memory_space<vmem>>, vector<16xf32>,
        %mul3A_194 = arith.mulf %get3A_193, %select_n3A_190 : vector<16xf32>
        %swap3A_195 = arith.index_cast %add3A_125 : i32 to index
        %swap3A_196 = arith.constant 32 : index
        %swap3A_197 = tpu.vector_load %arg11[%swap3A_195, %swap3A_196] {strides = array<i32>} : memref<64x128xf32, #tpu.memory_space<vmem>>, vector<16xf32>,
        tpu.vector_store %arg11[%swap3A_195, %swap3A_196], %mul3A_194 {strides = array<i32>} : memref<64x128xf32, #tpu.memory_space<vmem>>, vector<16xf32>,
        %iota3A_198 = tpu.iota {dimensions = array<i32: 0>} : vector<16xi32>
        %lt3A_199 = arith.constant 8 : i32
        %lt3A_200 = vector.broadcast %lt3A_199 : i32 to vector<16xi32>
        %lt3A_201 = arith.cmpi slt, %iota3A_198, %lt3A_200 : vector<16xi32>
        %slice3A_202 = vector.extract_strided_slice %exp3A_140 {offsets = [6], sizes = [1], strides = [1]} : vector<16xf32> to vector<1xf32>
        %squeeze3A_203 = vector.extract %slice3A_202[0] : f32 from vector<1xf32>
        %broadcast_in_dim3A_204 = vector.broadcast %squeeze3A_203 : f32 to vector<16xf32>
        %slice3A_205 = vector.extract_strided_slice %exp3A_140 {offsets = [7], sizes = [1], strides = [1]} : vector<16xf32> to vector<1xf32>
        %squeeze3A_206 = vector.extract %slice3A_205[0] : f32 from vector<1xf32>
        %broadcast_in_dim3A_207 = vector.broadcast %squeeze3A_206 : f32 to vector<16xf32>
        %select_n3A_208 = arith.select %lt3A_201, %broadcast_in_dim3A_204, %broadcast_in_dim3A_207 : vector<16xi1>, vector<16xf32>
        %get3A_209 = arith.index_cast %add3A_125 : i32 to index
        %get3A_210 = arith.constant 48 : index
        %get3A_211 = tpu.vector_load %arg10[%get3A_209, %get3A_210] {strides = array<i32>} : memref<64x128xf32, #tpu.memory_space<vmem>>, vector<16xf32>,
        %mul3A_212 = arith.mulf %get3A_211, %select_n3A_208 : vector<16xf32>
        %swap3A_213 = arith.index_cast %add3A_125 : i32 to index
        %swap3A_214 = arith.constant 48 : index
        %swap3A_215 = tpu.vector_load %arg11[%swap3A_213, %swap3A_214] {strides = array<i32>} : memref<64x128xf32, #tpu.memory_space<vmem>>, vector<16xf32>,
        tpu.vector_store %arg11[%swap3A_213, %swap3A_214], %mul3A_212 {strides = array<i32>} : memref<64x128xf32, #tpu.memory_space<vmem>>, vector<16xf32>,
        %mul3A_216 = arith.constant 16 : i32
        %mul3A_217 = arith.muli %scan3A_37, %mul3A_216 : i32
        %add3A_218 = arith.constant 2 : i32
        %add3A_219 = arith.addi %mul3A_217, %add3A_218 : i32
        %get3A_220 = arith.index_cast %add3A_219 : i32 to index
        %get3A_221 = arith.constant 0 : index
        %get3A_222 = tpu.vector_load %arg12[%get3A_220, %get3A_221] {strides = array<i32>} : memref<64x128xf32, #tpu.memory_space<vmem>>, vector<16xf32>,
        %get3A_223 = arith.index_cast %add3A_219 : i32 to index
        %get3A_224 = arith.constant 64 : index
        %get3A_225 = tpu.vector_load %arg10[%get3A_223, %get3A_224] {strides = array<i32>} : memref<64x128xf32, #tpu.memory_space<vmem>>, vector<16xf32>,
        %add3A_226 = arith.addf %get3A_225, %get3A_222 : vector<16xf32>
        %ge3A_227 = arith.constant 0.000000e+00 : f32
        %ge3A_228 = vector.broadcast %ge3A_227 : f32 to vector<16xf32>
        %ge3A_229 = arith.cmpf oge, %add3A_226, %ge3A_228 : vector<16xf32>
        %mul3A_230 = arith.constant 2.000000e-01 : f32
        %mul3A_231 = vector.broadcast %mul3A_230 : f32 to vector<16xf32>
        %mul3A_232 = arith.mulf %mul3A_231, %add3A_226 : vector<16xf32>
        %select_n3A_233 = arith.select %ge3A_229, %add3A_226, %mul3A_232 : vector<16xi1>, vector<16xf32>
        %exp3A_234 = math.exp %select_n3A_233 : vector<16xf32>
        %swap3A_235 = arith.index_cast %add3A_219 : i32 to index
        %swap3A_236 = arith.constant 64 : index
        %swap3A_237 = tpu.vector_load %arg11[%swap3A_235, %swap3A_236] {strides = array<i32>} : memref<64x128xf32, #tpu.memory_space<vmem>>, vector<16xf32>,
        tpu.vector_store %arg11[%swap3A_235, %swap3A_236], %exp3A_234 {strides = array<i32>} : memref<64x128xf32, #tpu.memory_space<vmem>>, vector<16xf32>,
        %iota3A_238 = tpu.iota {dimensions = array<i32: 0>} : vector<16xi32>
        %lt3A_239 = arith.constant 8 : i32
        %lt3A_240 = vector.broadcast %lt3A_239 : i32 to vector<16xi32>
        %lt3A_241 = arith.cmpi slt, %iota3A_238, %lt3A_240 : vector<16xi32>
        %slice3A_242 = vector.extract_strided_slice %exp3A_234 {offsets = [0], sizes = [1], strides = [1]} : vector<16xf32> to vector<1xf32>
        %squeeze3A_243 = vector.extract %slice3A_242[0] : f32 from vector<1xf32>
        %broadcast_in_dim3A_244 = vector.broadcast %squeeze3A_243 : f32 to vector<16xf32>
        %slice3A_245 = vector.extract_strided_slice %exp3A_234 {offsets = [1], sizes = [1], strides = [1]} : vector<16xf32> to vector<1xf32>
        %squeeze3A_246 = vector.extract %slice3A_245[0] : f32 from vector<1xf32>
        %broadcast_in_dim3A_247 = vector.broadcast %squeeze3A_246 : f32 to vector<16xf32>
        %select_n3A_248 = arith.select %lt3A_241, %broadcast_in_dim3A_244, %broadcast_in_dim3A_247 : vector<16xi1>, vector<16xf32>
        %get3A_249 = arith.index_cast %add3A_219 : i32 to index
        %get3A_250 = arith.constant 0 : index
        %get3A_251 = tpu.vector_load %arg10[%get3A_249, %get3A_250] {strides = array<i32>} : memref<64x128xf32, #tpu.memory_space<vmem>>, vector<16xf32>,
        %mul3A_252 = arith.mulf %get3A_251, %select_n3A_248 : vector<16xf32>
        %swap3A_253 = arith.index_cast %add3A_219 : i32 to index
        %swap3A_254 = arith.constant 0 : index
        %swap3A_255 = tpu.vector_load %arg11[%swap3A_253, %swap3A_254] {strides = array<i32>} : memref<64x128xf32, #tpu.memory_space<vmem>>, vector<16xf32>,
        tpu.vector_store %arg11[%swap3A_253, %swap3A_254], %mul3A_252 {strides = array<i32>} : memref<64x128xf32, #tpu.memory_space<vmem>>, vector<16xf32>,
        %iota3A_256 = tpu.iota {dimensions = array<i32: 0>} : vector<16xi32>
        %lt3A_257 = arith.constant 8 : i32
        %lt3A_258 = vector.broadcast %lt3A_257 : i32 to vector<16xi32>
        %lt3A_259 = arith.cmpi slt, %iota3A_256, %lt3A_258 : vector<16xi32>
        %slice3A_260 = vector.extract_strided_slice %exp3A_234 {offsets = [2], sizes = [1], strides = [1]} : vector<16xf32> to vector<1xf32>
        %squeeze3A_261 = vector.extract %slice3A_260[0] : f32 from vector<1xf32>
        %broadcast_in_dim3A_262 = vector.broadcast %squeeze3A_261 : f32 to vector<16xf32>
        %slice3A_263 = vector.extract_strided_slice %exp3A_234 {offsets = [3], sizes = [1], strides = [1]} : vector<16xf32> to vector<1xf32>
        %squeeze3A_264 = vector.extract %slice3A_263[0] : f32 from vector<1xf32>
        %broadcast_in_dim3A_265 = vector.broadcast %squeeze3A_264 : f32 to vector<16xf32>
        %select_n3A_266 = arith.select %lt3A_259, %broadcast_in_dim3A_262, %broadcast_in_dim3A_265 : vector<16xi1>, vector<16xf32>
        %get3A_267 = arith.index_cast %add3A_219 : i32 to index
        %get3A_268 = arith.constant 16 : index
        %get3A_269 = tpu.vector_load %arg10[%get3A_267, %get3A_268] {strides = array<i32>} : memref<64x128xf32, #tpu.memory_space<vmem>>, vector<16xf32>,
        %mul3A_270 = arith.mulf %get3A_269, %select_n3A_266 : vector<16xf32>
        %swap3A_271 = arith.index_cast %add3A_219 : i32 to index
        %swap3A_272 = arith.constant 16 : index
        %swap3A_273 = tpu.vector_load %arg11[%swap3A_271, %swap3A_272] {strides = array<i32>} : memref<64x128xf32, #tpu.memory_space<vmem>>, vector<16xf32>,
        tpu.vector_store %arg11[%swap3A_271, %swap3A_272], %mul3A_270 {strides = array<i32>} : memref<64x128xf32, #tpu.memory_space<vmem>>, vector<16xf32>,
        %iota3A_274 = tpu.iota {dimensions = array<i32: 0>} : vector<16xi32>
        %lt3A_275 = arith.constant 8 : i32
        %lt3A_276 = vector.broadcast %lt3A_275 : i32 to vector<16xi32>
        %lt3A_277 = arith.cmpi slt, %iota3A_274, %lt3A_276 : vector<16xi32>
        %slice3A_278 = vector.extract_strided_slice %exp3A_234 {offsets = [4], sizes = [1], strides = [1]} : vector<16xf32> to vector<1xf32>
        %squeeze3A_279 = vector.extract %slice3A_278[0] : f32 from vector<1xf32>
        %broadcast_in_dim3A_280 = vector.broadcast %squeeze3A_279 : f32 to vector<16xf32>
        %slice3A_281 = vector.extract_strided_slice %exp3A_234 {offsets = [5], sizes = [1], strides = [1]} : vector<16xf32> to vector<1xf32>
        %squeeze3A_282 = vector.extract %slice3A_281[0] : f32 from vector<1xf32>
        %broadcast_in_dim3A_283 = vector.broadcast %squeeze3A_282 : f32 to vector<16xf32>
        %select_n3A_284 = arith.select %lt3A_277, %broadcast_in_dim3A_280, %broadcast_in_dim3A_283 : vector<16xi1>, vector<16xf32>
        %get3A_285 = arith.index_cast %add3A_219 : i32 to index
        %get3A_286 = arith.constant 32 : index
        %get3A_287 = tpu.vector_load %arg10[%get3A_285, %get3A_286] {strides = array<i32>} : memref<64x128xf32, #tpu.memory_space<vmem>>, vector<16xf32>,
        %mul3A_288 = arith.mulf %get3A_287, %select_n3A_284 : vector<16xf32>
        %swap3A_289 = arith.index_cast %add3A_219 : i32 to index
        %swap3A_290 = arith.constant 32 : index
        %swap3A_291 = tpu.vector_load %arg11[%swap3A_289, %swap3A_290] {strides = array<i32>} : memref<64x128xf32, #tpu.memory_space<vmem>>, vector<16xf32>,
        tpu.vector_store %arg11[%swap3A_289, %swap3A_290], %mul3A_288 {strides = array<i32>} : memref<64x128xf32, #tpu.memory_space<vmem>>, vector<16xf32>,
        %iota3A_292 = tpu.iota {dimensions = array<i32: 0>} : vector<16xi32>
        %lt3A_293 = arith.constant 8 : i32
        %lt3A_294 = vector.broadcast %lt3A_293 : i32 to vector<16xi32>
        %lt3A_295 = arith.cmpi slt, %iota3A_292, %lt3A_294 : vector<16xi32>
        %slice3A_296 = vector.extract_strided_slice %exp3A_234 {offsets = [6], sizes = [1], strides = [1]} : vector<16xf32> to vector<1xf32>
        %squeeze3A_297 = vector.extract %slice3A_296[0] : f32 from vector<1xf32>
        %broadcast_in_dim3A_298 = vector.broadcast %squeeze3A_297 : f32 to vector<16xf32>
        %slice3A_299 = vector.extract_strided_slice %exp3A_234 {offsets = [7], sizes = [1], strides = [1]} : vector<16xf32> to vector<1xf32>
        %squeeze3A_300 = vector.extract %slice3A_299[0] : f32 from vector<1xf32>
        %broadcast_in_dim3A_301 = vector.broadcast %squeeze3A_300 : f32 to vector<16xf32>
        %select_n3A_302 = arith.select %lt3A_295, %broadcast_in_dim3A_298, %broadcast_in_dim3A_301 : vector<16xi1>, vector<16xf32>
        %get3A_303 = arith.index_cast %add3A_219 : i32 to index
        %get3A_304 = arith.constant 48 : index
        %get3A_305 = tpu.vector_load %arg10[%get3A_303, %get3A_304] {strides = array<i32>} : memref<64x128xf32, #tpu.memory_space<vmem>>, vector<16xf32>,
        %mul3A_306 = arith.mulf %get3A_305, %select_n3A_302 : vector<16xf32>
        %swap3A_307 = arith.index_cast %add3A_219 : i32 to index
        %swap3A_308 = arith.constant 48 : index
        %swap3A_309 = tpu.vector_load %arg11[%swap3A_307, %swap3A_308] {strides = array<i32>} : memref<64x128xf32, #tpu.memory_space<vmem>>, vector<16xf32>,
        tpu.vector_store %arg11[%swap3A_307, %swap3A_308], %mul3A_306 {strides = array<i32>} : memref<64x128xf32, #tpu.memory_space<vmem>>, vector<16xf32>,
        %mul3A_310 = arith.constant 16 : i32
        %mul3A_311 = arith.muli %scan3A_37, %mul3A_310 : i32
        %add3A_312 = arith.constant 3 : i32
        %add3A_313 = arith.addi %mul3A_311, %add3A_312 : i32
        %get3A_314 = arith.index_cast %add3A_313 : i32 to index
        %get3A_315 = arith.constant 0 : index
        %get3A_316 = tpu.vector_load %arg12[%get3A_314, %get3A_315] {strides = array<i32>} : memref<64x128xf32, #tpu.memory_space<vmem>>, vector<16xf32>,
        %get3A_317 = arith.index_cast %add3A_313 : i32 to index
        %get3A_318 = arith.constant 64 : index
        %get3A_319 = tpu.vector_load %arg10[%get3A_317, %get3A_318] {strides = array<i32>} : memref<64x128xf32, #tpu.memory_space<vmem>>, vector<16xf32>,
        %add3A_320 = arith.addf %get3A_319, %get3A_316 : vector<16xf32>
        %ge3A_321 = arith.constant 0.000000e+00 : f32
        %ge3A_322 = vector.broadcast %ge3A_321 : f32 to vector<16xf32>
        %ge3A_323 = arith.cmpf oge, %add3A_320, %ge3A_322 : vector<16xf32>
        %mul3A_324 = arith.constant 2.000000e-01 : f32
        %mul3A_325 = vector.broadcast %mul3A_324 : f32 to vector<16xf32>
        %mul3A_326 = arith.mulf %mul3A_325, %add3A_320 : vector<16xf32>
        %select_n3A_327 = arith.select %ge3A_323, %add3A_320, %mul3A_326 : vector<16xi1>, vector<16xf32>
        %exp3A_328 = math.exp %select_n3A_327 : vector<16xf32>
        %swap3A_329 = arith.index_cast %add3A_313 : i32 to index
        %swap3A_330 = arith.constant 64 : index
        %swap3A_331 = tpu.vector_load %arg11[%swap3A_329, %swap3A_330] {strides = array<i32>} : memref<64x128xf32, #tpu.memory_space<vmem>>, vector<16xf32>,
        tpu.vector_store %arg11[%swap3A_329, %swap3A_330], %exp3A_328 {strides = array<i32>} : memref<64x128xf32, #tpu.memory_space<vmem>>, vector<16xf32>,
        %iota3A_332 = tpu.iota {dimensions = array<i32: 0>} : vector<16xi32>
        %lt3A_333 = arith.constant 8 : i32
        %lt3A_334 = vector.broadcast %lt3A_333 : i32 to vector<16xi32>
        %lt3A_335 = arith.cmpi slt, %iota3A_332, %lt3A_334 : vector<16xi32>
        %slice3A_336 = vector.extract_strided_slice %exp3A_328 {offsets = [0], sizes = [1], strides = [1]} : vector<16xf32> to vector<1xf32>
        %squeeze3A_337 = vector.extract %slice3A_336[0] : f32 from vector<1xf32>
        %broadcast_in_dim3A_338 = vector.broadcast %squeeze3A_337 : f32 to vector<16xf32>
        %slice3A_339 = vector.extract_strided_slice %exp3A_328 {offsets = [1], sizes = [1], strides = [1]} : vector<16xf32> to vector<1xf32>
        %squeeze3A_340 = vector.extract %slice3A_339[0] : f32 from vector<1xf32>
        %broadcast_in_dim3A_341 = vector.broadcast %squeeze3A_340 : f32 to vector<16xf32>
        %select_n3A_342 = arith.select %lt3A_335, %broadcast_in_dim3A_338, %broadcast_in_dim3A_341 : vector<16xi1>, vector<16xf32>
        %get3A_343 = arith.index_cast %add3A_313 : i32 to index
        %get3A_344 = arith.constant 0 : index
        %get3A_345 = tpu.vector_load %arg10[%get3A_343, %get3A_344] {strides = array<i32>} : memref<64x128xf32, #tpu.memory_space<vmem>>, vector<16xf32>,
        %mul3A_346 = arith.mulf %get3A_345, %select_n3A_342 : vector<16xf32>
        %swap3A_347 = arith.index_cast %add3A_313 : i32 to index
        %swap3A_348 = arith.constant 0 : index
        %swap3A_349 = tpu.vector_load %arg11[%swap3A_347, %swap3A_348] {strides = array<i32>} : memref<64x128xf32, #tpu.memory_space<vmem>>, vector<16xf32>,
        tpu.vector_store %arg11[%swap3A_347, %swap3A_348], %mul3A_346 {strides = array<i32>} : memref<64x128xf32, #tpu.memory_space<vmem>>, vector<16xf32>,
        %iota3A_350 = tpu.iota {dimensions = array<i32: 0>} : vector<16xi32>
        %lt3A_351 = arith.constant 8 : i32
        %lt3A_352 = vector.broadcast %lt3A_351 : i32 to vector<16xi32>
        %lt3A_353 = arith.cmpi slt, %iota3A_350, %lt3A_352 : vector<16xi32>
        %slice3A_354 = vector.extract_strided_slice %exp3A_328 {offsets = [2], sizes = [1], strides = [1]} : vector<16xf32> to vector<1xf32>
        %squeeze3A_355 = vector.extract %slice3A_354[0] : f32 from vector<1xf32>
        %broadcast_in_dim3A_356 = vector.broadcast %squeeze3A_355 : f32 to vector<16xf32>
        %slice3A_357 = vector.extract_strided_slice %exp3A_328 {offsets = [3], sizes = [1], strides = [1]} : vector<16xf32> to vector<1xf32>
        %squeeze3A_358 = vector.extract %slice3A_357[0] : f32 from vector<1xf32>
        %broadcast_in_dim3A_359 = vector.broadcast %squeeze3A_358 : f32 to vector<16xf32>
        %select_n3A_360 = arith.select %lt3A_353, %broadcast_in_dim3A_356, %broadcast_in_dim3A_359 : vector<16xi1>, vector<16xf32>
        %get3A_361 = arith.index_cast %add3A_313 : i32 to index
        %get3A_362 = arith.constant 16 : index
        %get3A_363 = tpu.vector_load %arg10[%get3A_361, %get3A_362] {strides = array<i32>} : memref<64x128xf32, #tpu.memory_space<vmem>>, vector<16xf32>,
        %mul3A_364 = arith.mulf %get3A_363, %select_n3A_360 : vector<16xf32>
        %swap3A_365 = arith.index_cast %add3A_313 : i32 to index
        %swap3A_366 = arith.constant 16 : index
        %swap3A_367 = tpu.vector_load %arg11[%swap3A_365, %swap3A_366] {strides = array<i32>} : memref<64x128xf32, #tpu.memory_space<vmem>>, vector<16xf32>,
        tpu.vector_store %arg11[%swap3A_365, %swap3A_366], %mul3A_364 {strides = array<i32>} : memref<64x128xf32, #tpu.memory_space<vmem>>, vector<16xf32>,
        %iota3A_368 = tpu.iota {dimensions = array<i32: 0>} : vector<16xi32>
        %lt3A_369 = arith.constant 8 : i32
        %lt3A_370 = vector.broadcast %lt3A_369 : i32 to vector<16xi32>
        %lt3A_371 = arith.cmpi slt, %iota3A_368, %lt3A_370 : vector<16xi32>
        %slice3A_372 = vector.extract_strided_slice %exp3A_328 {offsets = [4], sizes = [1], strides = [1]} : vector<16xf32> to vector<1xf32>
        %squeeze3A_373 = vector.extract %slice3A_372[0] : f32 from vector<1xf32>
        %broadcast_in_dim3A_374 = vector.broadcast %squeeze3A_373 : f32 to vector<16xf32>
        %slice3A_375 = vector.extract_strided_slice %exp3A_328 {offsets = [5], sizes = [1], strides = [1]} : vector<16xf32> to vector<1xf32>
        %squeeze3A_376 = vector.extract %slice3A_375[0] : f32 from vector<1xf32>
        %broadcast_in_dim3A_377 = vector.broadcast %squeeze3A_376 : f32 to vector<16xf32>
        %select_n3A_378 = arith.select %lt3A_371, %broadcast_in_dim3A_374, %broadcast_in_dim3A_377 : vector<16xi1>, vector<16xf32>
        %get3A_379 = arith.index_cast %add3A_313 : i32 to index
        %get3A_380 = arith.constant 32 : index
        %get3A_381 = tpu.vector_load %arg10[%get3A_379, %get3A_380] {strides = array<i32>} : memref<64x128xf32, #tpu.memory_space<vmem>>, vector<16xf32>,
        %mul3A_382 = arith.mulf %get3A_381, %select_n3A_378 : vector<16xf32>
        %swap3A_383 = arith.index_cast %add3A_313 : i32 to index
        %swap3A_384 = arith.constant 32 : index
        %swap3A_385 = tpu.vector_load %arg11[%swap3A_383, %swap3A_384] {strides = array<i32>} : memref<64x128xf32, #tpu.memory_space<vmem>>, vector<16xf32>,
        tpu.vector_store %arg11[%swap3A_383, %swap3A_384], %mul3A_382 {strides = array<i32>} : memref<64x128xf32, #tpu.memory_space<vmem>>, vector<16xf32>,
        %iota3A_386 = tpu.iota {dimensions = array<i32: 0>} : vector<16xi32>
        %lt3A_387 = arith.constant 8 : i32
        %lt3A_388 = vector.broadcast %lt3A_387 : i32 to vector<16xi32>
        %lt3A_389 = arith.cmpi slt, %iota3A_386, %lt3A_388 : vector<16xi32>
        %slice3A_390 = vector.extract_strided_slice %exp3A_328 {offsets = [6], sizes = [1], strides = [1]} : vector<16xf32> to vector<1xf32>
        %squeeze3A_391 = vector.extract %slice3A_390[0] : f32 from vector<1xf32>
        %broadcast_in_dim3A_392 = vector.broadcast %squeeze3A_391 : f32 to vector<16xf32>
        %slice3A_393 = vector.extract_strided_slice %exp3A_328 {offsets = [7], sizes = [1], strides = [1]} : vector<16xf32> to vector<1xf32>
        %squeeze3A_394 = vector.extract %slice3A_393[0] : f32 from vector<1xf32>
        %broadcast_in_dim3A_395 = vector.broadcast %squeeze3A_394 : f32 to vector<16xf32>
        %select_n3A_396 = arith.select %lt3A_389, %broadcast_in_dim3A_392, %broadcast_in_dim3A_395 : vector<16xi1>, vector<16xf32>
        %get3A_397 = arith.index_cast %add3A_313 : i32 to index
        %get3A_398 = arith.constant 48 : index
        %get3A_399 = tpu.vector_load %arg10[%get3A_397, %get3A_398] {strides = array<i32>} : memref<64x128xf32, #tpu.memory_space<vmem>>, vector<16xf32>,
        %mul3A_400 = arith.mulf %get3A_399, %select_n3A_396 : vector<16xf32>
        %swap3A_401 = arith.index_cast %add3A_313 : i32 to index
        %swap3A_402 = arith.constant 48 : index
        %swap3A_403 = tpu.vector_load %arg11[%swap3A_401, %swap3A_402] {strides = array<i32>} : memref<64x128xf32, #tpu.memory_space<vmem>>, vector<16xf32>,
        tpu.vector_store %arg11[%swap3A_401, %swap3A_402], %mul3A_400 {strides = array<i32>} : memref<64x128xf32, #tpu.memory_space<vmem>>, vector<16xf32>,
        %mul3A_404 = arith.constant 16 : i32
        %mul3A_405 = arith.muli %scan3A_37, %mul3A_404 : i32
        %add3A_406 = arith.constant 4 : i32
        %add3A_407 = arith.addi %mul3A_405, %add3A_406 : i32
        %get3A_408 = arith.index_cast %add3A_407 : i32 to index
        %get3A_409 = arith.constant 0 : index
        %get3A_410 = tpu.vector_load %arg12[%get3A_408, %get3A_409] {strides = array<i32>} : memref<64x128xf32, #tpu.memory_space<vmem>>, vector<16xf32>,
        %get3A_411 = arith.index_cast %add3A_407 : i32 to index
        %get3A_412 = arith.constant 64 : index
        %get3A_413 = tpu.vector_load %arg10[%get3A_411, %get3A_412] {strides = array<i32>} : memref<64x128xf32, #tpu.memory_space<vmem>>, vector<16xf32>,
        %add3A_414 = arith.addf %get3A_413, %get3A_410 : vector<16xf32>
        %ge3A_415 = arith.constant 0.000000e+00 : f32
        %ge3A_416 = vector.broadcast %ge3A_415 : f32 to vector<16xf32>
        %ge3A_417 = arith.cmpf oge, %add3A_414, %ge3A_416 : vector<16xf32>
        %mul3A_418 = arith.constant 2.000000e-01 : f32
        %mul3A_419 = vector.broadcast %mul3A_418 : f32 to vector<16xf32>
        %mul3A_420 = arith.mulf %mul3A_419, %add3A_414 : vector<16xf32>
        %select_n3A_421 = arith.select %ge3A_417, %add3A_414, %mul3A_420 : vector<16xi1>, vector<16xf32>
        %exp3A_422 = math.exp %select_n3A_421 : vector<16xf32>
        %swap3A_423 = arith.index_cast %add3A_407 : i32 to index
        %swap3A_424 = arith.constant 64 : index
        %swap3A_425 = tpu.vector_load %arg11[%swap3A_423, %swap3A_424] {strides = array<i32>} : memref<64x128xf32, #tpu.memory_space<vmem>>, vector<16xf32>,
        tpu.vector_store %arg11[%swap3A_423, %swap3A_424], %exp3A_422 {strides = array<i32>} : memref<64x128xf32, #tpu.memory_space<vmem>>, vector<16xf32>,
        %iota3A_426 = tpu.iota {dimensions = array<i32: 0>} : vector<16xi32>
        %lt3A_427 = arith.constant 8 : i32
        %lt3A_428 = vector.broadcast %lt3A_427 : i32 to vector<16xi32>
        %lt3A_429 = arith.cmpi slt, %iota3A_426, %lt3A_428 : vector<16xi32>
        %slice3A_430 = vector.extract_strided_slice %exp3A_422 {offsets = [0], sizes = [1], strides = [1]} : vector<16xf32> to vector<1xf32>
        %squeeze3A_431 = vector.extract %slice3A_430[0] : f32 from vector<1xf32>
        %broadcast_in_dim3A_432 = vector.broadcast %squeeze3A_431 : f32 to vector<16xf32>
        %slice3A_433 = vector.extract_strided_slice %exp3A_422 {offsets = [1], sizes = [1], strides = [1]} : vector<16xf32> to vector<1xf32>
        %squeeze3A_434 = vector.extract %slice3A_433[0] : f32 from vector<1xf32>
        %broadcast_in_dim3A_435 = vector.broadcast %squeeze3A_434 : f32 to vector<16xf32>
        %select_n3A_436 = arith.select %lt3A_429, %broadcast_in_dim3A_432, %broadcast_in_dim3A_435 : vector<16xi1>, vector<16xf32>
        %get3A_437 = arith.index_cast %add3A_407 : i32 to index
        %get3A_438 = arith.constant 0 : index
        %get3A_439 = tpu.vector_load %arg10[%get3A_437, %get3A_438] {strides = array<i32>} : memref<64x128xf32, #tpu.memory_space<vmem>>, vector<16xf32>,
        %mul3A_440 = arith.mulf %get3A_439, %select_n3A_436 : vector<16xf32>
        %swap3A_441 = arith.index_cast %add3A_407 : i32 to index
        %swap3A_442 = arith.constant 0 : index
        %swap3A_443 = tpu.vector_load %arg11[%swap3A_441, %swap3A_442] {strides = array<i32>} : memref<64x128xf32, #tpu.memory_space<vmem>>, vector<16xf32>,
        tpu.vector_store %arg11[%swap3A_441, %swap3A_442], %mul3A_440 {strides = array<i32>} : memref<64x128xf32, #tpu.memory_space<vmem>>, vector<16xf32>,
        %iota3A_444 = tpu.iota {dimensions = array<i32: 0>} : vector<16xi32>
        %lt3A_445 = arith.constant 8 : i32
        %lt3A_446 = vector.broadcast %lt3A_445 : i32 to vector<16xi32>
        %lt3A_447 = arith.cmpi slt, %iota3A_444, %lt3A_446 : vector<16xi32>
        %slice3A_448 = vector.extract_strided_slice %exp3A_422 {offsets = [2], sizes = [1], strides = [1]} : vector<16xf32> to vector<1xf32>
        %squeeze3A_449 = vector.extract %slice3A_448[0] : f32 from vector<1xf32>
        %broadcast_in_dim3A_450 = vector.broadcast %squeeze3A_449 : f32 to vector<16xf32>
        %slice3A_451 = vector.extract_strided_slice %exp3A_422 {offsets = [3], sizes = [1], strides = [1]} : vector<16xf32> to vector<1xf32>
        %squeeze3A_452 = vector.extract %slice3A_451[0] : f32 from vector<1xf32>
        %broadcast_in_dim3A_453 = vector.broadcast %squeeze3A_452 : f32 to vector<16xf32>
        %select_n3A_454 = arith.select %lt3A_447, %broadcast_in_dim3A_450, %broadcast_in_dim3A_453 : vector<16xi1>, vector<16xf32>
        %get3A_455 = arith.index_cast %add3A_407 : i32 to index
        %get3A_456 = arith.constant 16 : index
        %get3A_457 = tpu.vector_load %arg10[%get3A_455, %get3A_456] {strides = array<i32>} : memref<64x128xf32, #tpu.memory_space<vmem>>, vector<16xf32>,
        %mul3A_458 = arith.mulf %get3A_457, %select_n3A_454 : vector<16xf32>
        %swap3A_459 = arith.index_cast %add3A_407 : i32 to index
        %swap3A_460 = arith.constant 16 : index
        %swap3A_461 = tpu.vector_load %arg11[%swap3A_459, %swap3A_460] {strides = array<i32>} : memref<64x128xf32, #tpu.memory_space<vmem>>, vector<16xf32>,
        tpu.vector_store %arg11[%swap3A_459, %swap3A_460], %mul3A_458 {strides = array<i32>} : memref<64x128xf32, #tpu.memory_space<vmem>>, vector<16xf32>,
        %iota3A_462 = tpu.iota {dimensions = array<i32: 0>} : vector<16xi32>
        %lt3A_463 = arith.constant 8 : i32
        %lt3A_464 = vector.broadcast %lt3A_463 : i32 to vector<16xi32>
        %lt3A_465 = arith.cmpi slt, %iota3A_462, %lt3A_464 : vector<16xi32>
        %slice3A_466 = vector.extract_strided_slice %exp3A_422 {offsets = [4], sizes = [1], strides = [1]} : vector<16xf32> to vector<1xf32>
        %squeeze3A_467 = vector.extract %slice3A_466[0] : f32 from vector<1xf32>
        %broadcast_in_dim3A_468 = vector.broadcast %squeeze3A_467 : f32 to vector<16xf32>
        %slice3A_469 = vector.extract_strided_slice %exp3A_422 {offsets = [5], sizes = [1], strides = [1]} : vector<16xf32> to vector<1xf32>
        %squeeze3A_470 = vector.extract %slice3A_469[0] : f32 from vector<1xf32>
        %broadcast_in_dim3A_471 = vector.broadcast %squeeze3A_470 : f32 to vector<16xf32>
        %select_n3A_472 = arith.select %lt3A_465, %broadcast_in_dim3A_468, %broadcast_in_dim3A_471 : vector<16xi1>, vector<16xf32>
        %get3A_473 = arith.index_cast %add3A_407 : i32 to index
        %get3A_474 = arith.constant 32 : index
        %get3A_475 = tpu.vector_load %arg10[%get3A_473, %get3A_474] {strides = array<i32>} : memref<64x128xf32, #tpu.memory_space<vmem>>, vector<16xf32>,
        %mul3A_476 = arith.mulf %get3A_475, %select_n3A_472 : vector<16xf32>
        %swap3A_477 = arith.index_cast %add3A_407 : i32 to index
        %swap3A_478 = arith.constant 32 : index
        %swap3A_479 = tpu.vector_load %arg11[%swap3A_477, %swap3A_478] {strides = array<i32>} : memref<64x128xf32, #tpu.memory_space<vmem>>, vector<16xf32>,
        tpu.vector_store %arg11[%swap3A_477, %swap3A_478], %mul3A_476 {strides = array<i32>} : memref<64x128xf32, #tpu.memory_space<vmem>>, vector<16xf32>,
        %iota3A_480 = tpu.iota {dimensions = array<i32: 0>} : vector<16xi32>
        %lt3A_481 = arith.constant 8 : i32
        %lt3A_482 = vector.broadcast %lt3A_481 : i32 to vector<16xi32>
        %lt3A_483 = arith.cmpi slt, %iota3A_480, %lt3A_482 : vector<16xi32>
        %slice3A_484 = vector.extract_strided_slice %exp3A_422 {offsets = [6], sizes = [1], strides = [1]} : vector<16xf32> to vector<1xf32>
        %squeeze3A_485 = vector.extract %slice3A_484[0] : f32 from vector<1xf32>
        %broadcast_in_dim3A_486 = vector.broadcast %squeeze3A_485 : f32 to vector<16xf32>
        %slice3A_487 = vector.extract_strided_slice %exp3A_422 {offsets = [7], sizes = [1], strides = [1]} : vector<16xf32> to vector<1xf32>
        %squeeze3A_488 = vector.extract %slice3A_487[0] : f32 from vector<1xf32>
        %broadcast_in_dim3A_489 = vector.broadcast %squeeze3A_488 : f32 to vector<16xf32>
        %select_n3A_490 = arith.select %lt3A_483, %broadcast_in_dim3A_486, %broadcast_in_dim3A_489 : vector<16xi1>, vector<16xf32>
        %get3A_491 = arith.index_cast %add3A_407 : i32 to index
        %get3A_492 = arith.constant 48 : index
        %get3A_493 = tpu.vector_load %arg10[%get3A_491, %get3A_492] {strides = array<i32>} : memref<64x128xf32, #tpu.memory_space<vmem>>, vector<16xf32>,
        %mul3A_494 = arith.mulf %get3A_493, %select_n3A_490 : vector<16xf32>
        %swap3A_495 = arith.index_cast %add3A_407 : i32 to index
        %swap3A_496 = arith.constant 48 : index
        %swap3A_497 = tpu.vector_load %arg11[%swap3A_495, %swap3A_496] {strides = array<i32>} : memref<64x128xf32, #tpu.memory_space<vmem>>, vector<16xf32>,
        tpu.vector_store %arg11[%swap3A_495, %swap3A_496], %mul3A_494 {strides = array<i32>} : memref<64x128xf32, #tpu.memory_space<vmem>>, vector<16xf32>,
        %mul3A_498 = arith.constant 16 : i32
        %mul3A_499 = arith.muli %scan3A_37, %mul3A_498 : i32
        %add3A_500 = arith.constant 5 : i32
        %add3A_501 = arith.addi %mul3A_499, %add3A_500 : i32
        %get3A_502 = arith.index_cast %add3A_501 : i32 to index
        %get3A_503 = arith.constant 0 : index
        %get3A_504 = tpu.vector_load %arg12[%get3A_502, %get3A_503] {strides = array<i32>} : memref<64x128xf32, #tpu.memory_space<vmem>>, vector<16xf32>,
        %get3A_505 = arith.index_cast %add3A_501 : i32 to index
        %get3A_506 = arith.constant 64 : index
        %get3A_507 = tpu.vector_load %arg10[%get3A_505, %get3A_506] {strides = array<i32>} : memref<64x128xf32, #tpu.memory_space<vmem>>, vector<16xf32>,
        %add3A_508 = arith.addf %get3A_507, %get3A_504 : vector<16xf32>
        %ge3A_509 = arith.constant 0.000000e+00 : f32
        %ge3A_510 = vector.broadcast %ge3A_509 : f32 to vector<16xf32>
        %ge3A_511 = arith.cmpf oge, %add3A_508, %ge3A_510 : vector<16xf32>
        %mul3A_512 = arith.constant 2.000000e-01 : f32
        %mul3A_513 = vector.broadcast %mul3A_512 : f32 to vector<16xf32>
        %mul3A_514 = arith.mulf %mul3A_513, %add3A_508 : vector<16xf32>
        %select_n3A_515 = arith.select %ge3A_511, %add3A_508, %mul3A_514 : vector<16xi1>, vector<16xf32>
        %exp3A_516 = math.exp %select_n3A_515 : vector<16xf32>
        %swap3A_517 = arith.index_cast %add3A_501 : i32 to index
        %swap3A_518 = arith.constant 64 : index
        %swap3A_519 = tpu.vector_load %arg11[%swap3A_517, %swap3A_518] {strides = array<i32>} : memref<64x128xf32, #tpu.memory_space<vmem>>, vector<16xf32>,
        tpu.vector_store %arg11[%swap3A_517, %swap3A_518], %exp3A_516 {strides = array<i32>} : memref<64x128xf32, #tpu.memory_space<vmem>>, vector<16xf32>,
        %iota3A_520 = tpu.iota {dimensions = array<i32: 0>} : vector<16xi32>
        %lt3A_521 = arith.constant 8 : i32
        %lt3A_522 = vector.broadcast %lt3A_521 : i32 to vector<16xi32>
        %lt3A_523 = arith.cmpi slt, %iota3A_520, %lt3A_522 : vector<16xi32>
        %slice3A_524 = vector.extract_strided_slice %exp3A_516 {offsets = [0], sizes = [1], strides = [1]} : vector<16xf32> to vector<1xf32>
        %squeeze3A_525 = vector.extract %slice3A_524[0] : f32 from vector<1xf32>
        %broadcast_in_dim3A_526 = vector.broadcast %squeeze3A_525 : f32 to vector<16xf32>
        %slice3A_527 = vector.extract_strided_slice %exp3A_516 {offsets = [1], sizes = [1], strides = [1]} : vector<16xf32> to vector<1xf32>
        %squeeze3A_528 = vector.extract %slice3A_527[0] : f32 from vector<1xf32>
        %broadcast_in_dim3A_529 = vector.broadcast %squeeze3A_528 : f32 to vector<16xf32>
        %select_n3A_530 = arith.select %lt3A_523, %broadcast_in_dim3A_526, %broadcast_in_dim3A_529 : vector<16xi1>, vector<16xf32>
        %get3A_531 = arith.index_cast %add3A_501 : i32 to index
        %get3A_532 = arith.constant 0 : index
        %get3A_533 = tpu.vector_load %arg10[%get3A_531, %get3A_532] {strides = array<i32>} : memref<64x128xf32, #tpu.memory_space<vmem>>, vector<16xf32>,
        %mul3A_534 = arith.mulf %get3A_533, %select_n3A_530 : vector<16xf32>
        %swap3A_535 = arith.index_cast %add3A_501 : i32 to index
        %swap3A_536 = arith.constant 0 : index
        %swap3A_537 = tpu.vector_load %arg11[%swap3A_535, %swap3A_536] {strides = array<i32>} : memref<64x128xf32, #tpu.memory_space<vmem>>, vector<16xf32>,
        tpu.vector_store %arg11[%swap3A_535, %swap3A_536], %mul3A_534 {strides = array<i32>} : memref<64x128xf32, #tpu.memory_space<vmem>>, vector<16xf32>,
        %iota3A_538 = tpu.iota {dimensions = array<i32: 0>} : vector<16xi32>
        %lt3A_539 = arith.constant 8 : i32
        %lt3A_540 = vector.broadcast %lt3A_539 : i32 to vector<16xi32>
        %lt3A_541 = arith.cmpi slt, %iota3A_538, %lt3A_540 : vector<16xi32>
        %slice3A_542 = vector.extract_strided_slice %exp3A_516 {offsets = [2], sizes = [1], strides = [1]} : vector<16xf32> to vector<1xf32>
        %squeeze3A_543 = vector.extract %slice3A_542[0] : f32 from vector<1xf32>
        %broadcast_in_dim3A_544 = vector.broadcast %squeeze3A_543 : f32 to vector<16xf32>
        %slice3A_545 = vector.extract_strided_slice %exp3A_516 {offsets = [3], sizes = [1], strides = [1]} : vector<16xf32> to vector<1xf32>
        %squeeze3A_546 = vector.extract %slice3A_545[0] : f32 from vector<1xf32>
        %broadcast_in_dim3A_547 = vector.broadcast %squeeze3A_546 : f32 to vector<16xf32>
        %select_n3A_548 = arith.select %lt3A_541, %broadcast_in_dim3A_544, %broadcast_in_dim3A_547 : vector<16xi1>, vector<16xf32>
        %get3A_549 = arith.index_cast %add3A_501 : i32 to index
        %get3A_550 = arith.constant 16 : index
        %get3A_551 = tpu.vector_load %arg10[%get3A_549, %get3A_550] {strides = array<i32>} : memref<64x128xf32, #tpu.memory_space<vmem>>, vector<16xf32>,
        %mul3A_552 = arith.mulf %get3A_551, %select_n3A_548 : vector<16xf32>
        %swap3A_553 = arith.index_cast %add3A_501 : i32 to index
        %swap3A_554 = arith.constant 16 : index
        %swap3A_555 = tpu.vector_load %arg11[%swap3A_553, %swap3A_554] {strides = array<i32>} : memref<64x128xf32, #tpu.memory_space<vmem>>, vector<16xf32>,
        tpu.vector_store %arg11[%swap3A_553, %swap3A_554], %mul3A_552 {strides = array<i32>} : memref<64x128xf32, #tpu.memory_space<vmem>>, vector<16xf32>,
        %iota3A_556 = tpu.iota {dimensions = array<i32: 0>} : vector<16xi32>
        %lt3A_557 = arith.constant 8 : i32
        %lt3A_558 = vector.broadcast %lt3A_557 : i32 to vector<16xi32>
        %lt3A_559 = arith.cmpi slt, %iota3A_556, %lt3A_558 : vector<16xi32>
        %slice3A_560 = vector.extract_strided_slice %exp3A_516 {offsets = [4], sizes = [1], strides = [1]} : vector<16xf32> to vector<1xf32>
        %squeeze3A_561 = vector.extract %slice3A_560[0] : f32 from vector<1xf32>
        %broadcast_in_dim3A_562 = vector.broadcast %squeeze3A_561 : f32 to vector<16xf32>
        %slice3A_563 = vector.extract_strided_slice %exp3A_516 {offsets = [5], sizes = [1], strides = [1]} : vector<16xf32> to vector<1xf32>
        %squeeze3A_564 = vector.extract %slice3A_563[0] : f32 from vector<1xf32>
        %broadcast_in_dim3A_565 = vector.broadcast %squeeze3A_564 : f32 to vector<16xf32>
        %select_n3A_566 = arith.select %lt3A_559, %broadcast_in_dim3A_562, %broadcast_in_dim3A_565 : vector<16xi1>, vector<16xf32>
        %get3A_567 = arith.index_cast %add3A_501 : i32 to index
        %get3A_568 = arith.constant 32 : index
        %get3A_569 = tpu.vector_load %arg10[%get3A_567, %get3A_568] {strides = array<i32>} : memref<64x128xf32, #tpu.memory_space<vmem>>, vector<16xf32>,
        %mul3A_570 = arith.mulf %get3A_569, %select_n3A_566 : vector<16xf32>
        %swap3A_571 = arith.index_cast %add3A_501 : i32 to index
        %swap3A_572 = arith.constant 32 : index
        %swap3A_573 = tpu.vector_load %arg11[%swap3A_571, %swap3A_572] {strides = array<i32>} : memref<64x128xf32, #tpu.memory_space<vmem>>, vector<16xf32>,
        tpu.vector_store %arg11[%swap3A_571, %swap3A_572], %mul3A_570 {strides = array<i32>} : memref<64x128xf32, #tpu.memory_space<vmem>>, vector<16xf32>,
        %iota3A_574 = tpu.iota {dimensions = array<i32: 0>} : vector<16xi32>
        %lt3A_575 = arith.constant 8 : i32
        %lt3A_576 = vector.broadcast %lt3A_575 : i32 to vector<16xi32>
        %lt3A_577 = arith.cmpi slt, %iota3A_574, %lt3A_576 : vector<16xi32>
        %slice3A_578 = vector.extract_strided_slice %exp3A_516 {offsets = [6], sizes = [1], strides = [1]} : vector<16xf32> to vector<1xf32>
        %squeeze3A_579 = vector.extract %slice3A_578[0] : f32 from vector<1xf32>
        %broadcast_in_dim3A_580 = vector.broadcast %squeeze3A_579 : f32 to vector<16xf32>
        %slice3A_581 = vector.extract_strided_slice %exp3A_516 {offsets = [7], sizes = [1], strides = [1]} : vector<16xf32> to vector<1xf32>
        %squeeze3A_582 = vector.extract %slice3A_581[0] : f32 from vector<1xf32>
        %broadcast_in_dim3A_583 = vector.broadcast %squeeze3A_582 : f32 to vector<16xf32>
        %select_n3A_584 = arith.select %lt3A_577, %broadcast_in_dim3A_580, %broadcast_in_dim3A_583 : vector<16xi1>, vector<16xf32>
        %get3A_585 = arith.index_cast %add3A_501 : i32 to index
        %get3A_586 = arith.constant 48 : index
        %get3A_587 = tpu.vector_load %arg10[%get3A_585, %get3A_586] {strides = array<i32>} : memref<64x128xf32, #tpu.memory_space<vmem>>, vector<16xf32>,
        %mul3A_588 = arith.mulf %get3A_587, %select_n3A_584 : vector<16xf32>
        %swap3A_589 = arith.index_cast %add3A_501 : i32 to index
        %swap3A_590 = arith.constant 48 : index
        %swap3A_591 = tpu.vector_load %arg11[%swap3A_589, %swap3A_590] {strides = array<i32>} : memref<64x128xf32, #tpu.memory_space<vmem>>, vector<16xf32>,
        tpu.vector_store %arg11[%swap3A_589, %swap3A_590], %mul3A_588 {strides = array<i32>} : memref<64x128xf32, #tpu.memory_space<vmem>>, vector<16xf32>,
        %mul3A_592 = arith.constant 16 : i32
        %mul3A_593 = arith.muli %scan3A_37, %mul3A_592 : i32
        %add3A_594 = arith.constant 6 : i32
        %add3A_595 = arith.addi %mul3A_593, %add3A_594 : i32
        %get3A_596 = arith.index_cast %add3A_595 : i32 to index
        %get3A_597 = arith.constant 0 : index
        %get3A_598 = tpu.vector_load %arg12[%get3A_596, %get3A_597] {strides = array<i32>} : memref<64x128xf32, #tpu.memory_space<vmem>>, vector<16xf32>,
        %get3A_599 = arith.index_cast %add3A_595 : i32 to index
        %get3A_600 = arith.constant 64 : index
        %get3A_601 = tpu.vector_load %arg10[%get3A_599, %get3A_600] {strides = array<i32>} : memref<64x128xf32, #tpu.memory_space<vmem>>, vector<16xf32>,
        %add3A_602 = arith.addf %get3A_601, %get3A_598 : vector<16xf32>
        %ge3A_603 = arith.constant 0.000000e+00 : f32
        %ge3A_604 = vector.broadcast %ge3A_603 : f32 to vector<16xf32>
        %ge3A_605 = arith.cmpf oge, %add3A_602, %ge3A_604 : vector<16xf32>
        %mul3A_606 = arith.constant 2.000000e-01 : f32
        %mul3A_607 = vector.broadcast %mul3A_606 : f32 to vector<16xf32>
        %mul3A_608 = arith.mulf %mul3A_607, %add3A_602 : vector<16xf32>
        %select_n3A_609 = arith.select %ge3A_605, %add3A_602, %mul3A_608 : vector<16xi1>, vector<16xf32>
        %exp3A_610 = math.exp %select_n3A_609 : vector<16xf32>
        %swap3A_611 = arith.index_cast %add3A_595 : i32 to index
        %swap3A_612 = arith.constant 64 : index
        %swap3A_613 = tpu.vector_load %arg11[%swap3A_611, %swap3A_612] {strides = array<i32>} : memref<64x128xf32, #tpu.memory_space<vmem>>, vector<16xf32>,
        tpu.vector_store %arg11[%swap3A_611, %swap3A_612], %exp3A_610 {strides = array<i32>} : memref<64x128xf32, #tpu.memory_space<vmem>>, vector<16xf32>,
        %iota3A_614 = tpu.iota {dimensions = array<i32: 0>} : vector<16xi32>
        %lt3A_615 = arith.constant 8 : i32
        %lt3A_616 = vector.broadcast %lt3A_615 : i32 to vector<16xi32>
        %lt3A_617 = arith.cmpi slt, %iota3A_614, %lt3A_616 : vector<16xi32>
        %slice3A_618 = vector.extract_strided_slice %exp3A_610 {offsets = [0], sizes = [1], strides = [1]} : vector<16xf32> to vector<1xf32>
        %squeeze3A_619 = vector.extract %slice3A_618[0] : f32 from vector<1xf32>
        %broadcast_in_dim3A_620 = vector.broadcast %squeeze3A_619 : f32 to vector<16xf32>
        %slice3A_621 = vector.extract_strided_slice %exp3A_610 {offsets = [1], sizes = [1], strides = [1]} : vector<16xf32> to vector<1xf32>
        %squeeze3A_622 = vector.extract %slice3A_621[0] : f32 from vector<1xf32>
        %broadcast_in_dim3A_623 = vector.broadcast %squeeze3A_622 : f32 to vector<16xf32>
        %select_n3A_624 = arith.select %lt3A_617, %broadcast_in_dim3A_620, %broadcast_in_dim3A_623 : vector<16xi1>, vector<16xf32>
        %get3A_625 = arith.index_cast %add3A_595 : i32 to index
        %get3A_626 = arith.constant 0 : index
        %get3A_627 = tpu.vector_load %arg10[%get3A_625, %get3A_626] {strides = array<i32>} : memref<64x128xf32, #tpu.memory_space<vmem>>, vector<16xf32>,
        %mul3A_628 = arith.mulf %get3A_627, %select_n3A_624 : vector<16xf32>
        %swap3A_629 = arith.index_cast %add3A_595 : i32 to index
        %swap3A_630 = arith.constant 0 : index
        %swap3A_631 = tpu.vector_load %arg11[%swap3A_629, %swap3A_630] {strides = array<i32>} : memref<64x128xf32, #tpu.memory_space<vmem>>, vector<16xf32>,
        tpu.vector_store %arg11[%swap3A_629, %swap3A_630], %mul3A_628 {strides = array<i32>} : memref<64x128xf32, #tpu.memory_space<vmem>>, vector<16xf32>,
        %iota3A_632 = tpu.iota {dimensions = array<i32: 0>} : vector<16xi32>
        %lt3A_633 = arith.constant 8 : i32
        %lt3A_634 = vector.broadcast %lt3A_633 : i32 to vector<16xi32>
        %lt3A_635 = arith.cmpi slt, %iota3A_632, %lt3A_634 : vector<16xi32>
        %slice3A_636 = vector.extract_strided_slice %exp3A_610 {offsets = [2], sizes = [1], strides = [1]} : vector<16xf32> to vector<1xf32>
        %squeeze3A_637 = vector.extract %slice3A_636[0] : f32 from vector<1xf32>
        %broadcast_in_dim3A_638 = vector.broadcast %squeeze3A_637 : f32 to vector<16xf32>
        %slice3A_639 = vector.extract_strided_slice %exp3A_610 {offsets = [3], sizes = [1], strides = [1]} : vector<16xf32> to vector<1xf32>
        %squeeze3A_640 = vector.extract %slice3A_639[0] : f32 from vector<1xf32>
        %broadcast_in_dim3A_641 = vector.broadcast %squeeze3A_640 : f32 to vector<16xf32>
        %select_n3A_642 = arith.select %lt3A_635, %broadcast_in_dim3A_638, %broadcast_in_dim3A_641 : vector<16xi1>, vector<16xf32>
        %get3A_643 = arith.index_cast %add3A_595 : i32 to index
        %get3A_644 = arith.constant 16 : index
        %get3A_645 = tpu.vector_load %arg10[%get3A_643, %get3A_644] {strides = array<i32>} : memref<64x128xf32, #tpu.memory_space<vmem>>, vector<16xf32>,
        %mul3A_646 = arith.mulf %get3A_645, %select_n3A_642 : vector<16xf32>
        %swap3A_647 = arith.index_cast %add3A_595 : i32 to index
        %swap3A_648 = arith.constant 16 : index
        %swap3A_649 = tpu.vector_load %arg11[%swap3A_647, %swap3A_648] {strides = array<i32>} : memref<64x128xf32, #tpu.memory_space<vmem>>, vector<16xf32>,
        tpu.vector_store %arg11[%swap3A_647, %swap3A_648], %mul3A_646 {strides = array<i32>} : memref<64x128xf32, #tpu.memory_space<vmem>>, vector<16xf32>,
        %iota3A_650 = tpu.iota {dimensions = array<i32: 0>} : vector<16xi32>
        %lt3A_651 = arith.constant 8 : i32
        %lt3A_652 = vector.broadcast %lt3A_651 : i32 to vector<16xi32>
        %lt3A_653 = arith.cmpi slt, %iota3A_650, %lt3A_652 : vector<16xi32>
        %slice3A_654 = vector.extract_strided_slice %exp3A_610 {offsets = [4], sizes = [1], strides = [1]} : vector<16xf32> to vector<1xf32>
        %squeeze3A_655 = vector.extract %slice3A_654[0] : f32 from vector<1xf32>
        %broadcast_in_dim3A_656 = vector.broadcast %squeeze3A_655 : f32 to vector<16xf32>
        %slice3A_657 = vector.extract_strided_slice %exp3A_610 {offsets = [5], sizes = [1], strides = [1]} : vector<16xf32> to vector<1xf32>
        %squeeze3A_658 = vector.extract %slice3A_657[0] : f32 from vector<1xf32>
        %broadcast_in_dim3A_659 = vector.broadcast %squeeze3A_658 : f32 to vector<16xf32>
        %select_n3A_660 = arith.select %lt3A_653, %broadcast_in_dim3A_656, %broadcast_in_dim3A_659 : vector<16xi1>, vector<16xf32>
        %get3A_661 = arith.index_cast %add3A_595 : i32 to index
        %get3A_662 = arith.constant 32 : index
        %get3A_663 = tpu.vector_load %arg10[%get3A_661, %get3A_662] {strides = array<i32>} : memref<64x128xf32, #tpu.memory_space<vmem>>, vector<16xf32>,
        %mul3A_664 = arith.mulf %get3A_663, %select_n3A_660 : vector<16xf32>
        %swap3A_665 = arith.index_cast %add3A_595 : i32 to index
        %swap3A_666 = arith.constant 32 : index
        %swap3A_667 = tpu.vector_load %arg11[%swap3A_665, %swap3A_666] {strides = array<i32>} : memref<64x128xf32, #tpu.memory_space<vmem>>, vector<16xf32>,
        tpu.vector_store %arg11[%swap3A_665, %swap3A_666], %mul3A_664 {strides = array<i32>} : memref<64x128xf32, #tpu.memory_space<vmem>>, vector<16xf32>,
        %iota3A_668 = tpu.iota {dimensions = array<i32: 0>} : vector<16xi32>
        %lt3A_669 = arith.constant 8 : i32
        %lt3A_670 = vector.broadcast %lt3A_669 : i32 to vector<16xi32>
        %lt3A_671 = arith.cmpi slt, %iota3A_668, %lt3A_670 : vector<16xi32>
        %slice3A_672 = vector.extract_strided_slice %exp3A_610 {offsets = [6], sizes = [1], strides = [1]} : vector<16xf32> to vector<1xf32>
        %squeeze3A_673 = vector.extract %slice3A_672[0] : f32 from vector<1xf32>
        %broadcast_in_dim3A_674 = vector.broadcast %squeeze3A_673 : f32 to vector<16xf32>
        %slice3A_675 = vector.extract_strided_slice %exp3A_610 {offsets = [7], sizes = [1], strides = [1]} : vector<16xf32> to vector<1xf32>
        %squeeze3A_676 = vector.extract %slice3A_675[0] : f32 from vector<1xf32>
        %broadcast_in_dim3A_677 = vector.broadcast %squeeze3A_676 : f32 to vector<16xf32>
        %select_n3A_678 = arith.select %lt3A_671, %broadcast_in_dim3A_674, %broadcast_in_dim3A_677 : vector<16xi1>, vector<16xf32>
        %get3A_679 = arith.index_cast %add3A_595 : i32 to index
        %get3A_680 = arith.constant 48 : index
        %get3A_681 = tpu.vector_load %arg10[%get3A_679, %get3A_680] {strides = array<i32>} : memref<64x128xf32, #tpu.memory_space<vmem>>, vector<16xf32>,
        %mul3A_682 = arith.mulf %get3A_681, %select_n3A_678 : vector<16xf32>
        %swap3A_683 = arith.index_cast %add3A_595 : i32 to index
        %swap3A_684 = arith.constant 48 : index
        %swap3A_685 = tpu.vector_load %arg11[%swap3A_683, %swap3A_684] {strides = array<i32>} : memref<64x128xf32, #tpu.memory_space<vmem>>, vector<16xf32>,
        tpu.vector_store %arg11[%swap3A_683, %swap3A_684], %mul3A_682 {strides = array<i32>} : memref<64x128xf32, #tpu.memory_space<vmem>>, vector<16xf32>,
        %mul3A_686 = arith.constant 16 : i32
        %mul3A_687 = arith.muli %scan3A_37, %mul3A_686 : i32
        %add3A_688 = arith.constant 7 : i32
        %add3A_689 = arith.addi %mul3A_687, %add3A_688 : i32
        %get3A_690 = arith.index_cast %add3A_689 : i32 to index
        %get3A_691 = arith.constant 0 : index
        %get3A_692 = tpu.vector_load %arg12[%get3A_690, %get3A_691] {strides = array<i32>} : memref<64x128xf32, #tpu.memory_space<vmem>>, vector<16xf32>,
        %get3A_693 = arith.index_cast %add3A_689 : i32 to index
        %get3A_694 = arith.constant 64 : index
        %get3A_695 = tpu.vector_load %arg10[%get3A_693, %get3A_694] {strides = array<i32>} : memref<64x128xf32, #tpu.memory_space<vmem>>, vector<16xf32>,
        %add3A_696 = arith.addf %get3A_695, %get3A_692 : vector<16xf32>
        %ge3A_697 = arith.constant 0.000000e+00 : f32
        %ge3A_698 = vector.broadcast %ge3A_697 : f32 to vector<16xf32>
        %ge3A_699 = arith.cmpf oge, %add3A_696, %ge3A_698 : vector<16xf32>
        %mul3A_700 = arith.constant 2.000000e-01 : f32
        %mul3A_701 = vector.broadcast %mul3A_700 : f32 to vector<16xf32>
        %mul3A_702 = arith.mulf %mul3A_701, %add3A_696 : vector<16xf32>
        %select_n3A_703 = arith.select %ge3A_699, %add3A_696, %mul3A_702 : vector<16xi1>, vector<16xf32>
        %exp3A_704 = math.exp %select_n3A_703 : vector<16xf32>
        %swap3A_705 = arith.index_cast %add3A_689 : i32 to index
        %swap3A_706 = arith.constant 64 : index
        %swap3A_707 = tpu.vector_load %arg11[%swap3A_705, %swap3A_706] {strides = array<i32>} : memref<64x128xf32, #tpu.memory_space<vmem>>, vector<16xf32>,
        tpu.vector_store %arg11[%swap3A_705, %swap3A_706], %exp3A_704 {strides = array<i32>} : memref<64x128xf32, #tpu.memory_space<vmem>>, vector<16xf32>,
        %iota3A_708 = tpu.iota {dimensions = array<i32: 0>} : vector<16xi32>
        %lt3A_709 = arith.constant 8 : i32
        %lt3A_710 = vector.broadcast %lt3A_709 : i32 to vector<16xi32>
        %lt3A_711 = arith.cmpi slt, %iota3A_708, %lt3A_710 : vector<16xi32>
        %slice3A_712 = vector.extract_strided_slice %exp3A_704 {offsets = [0], sizes = [1], strides = [1]} : vector<16xf32> to vector<1xf32>
        %squeeze3A_713 = vector.extract %slice3A_712[0] : f32 from vector<1xf32>
        %broadcast_in_dim3A_714 = vector.broadcast %squeeze3A_713 : f32 to vector<16xf32>
        %slice3A_715 = vector.extract_strided_slice %exp3A_704 {offsets = [1], sizes = [1], strides = [1]} : vector<16xf32> to vector<1xf32>
        %squeeze3A_716 = vector.extract %slice3A_715[0] : f32 from vector<1xf32>
        %broadcast_in_dim3A_717 = vector.broadcast %squeeze3A_716 : f32 to vector<16xf32>
        %select_n3A_718 = arith.select %lt3A_711, %broadcast_in_dim3A_714, %broadcast_in_dim3A_717 : vector<16xi1>, vector<16xf32>
        %get3A_719 = arith.index_cast %add3A_689 : i32 to index
        %get3A_720 = arith.constant 0 : index
        %get3A_721 = tpu.vector_load %arg10[%get3A_719, %get3A_720] {strides = array<i32>} : memref<64x128xf32, #tpu.memory_space<vmem>>, vector<16xf32>,
        %mul3A_722 = arith.mulf %get3A_721, %select_n3A_718 : vector<16xf32>
        %swap3A_723 = arith.index_cast %add3A_689 : i32 to index
        %swap3A_724 = arith.constant 0 : index
        %swap3A_725 = tpu.vector_load %arg11[%swap3A_723, %swap3A_724] {strides = array<i32>} : memref<64x128xf32, #tpu.memory_space<vmem>>, vector<16xf32>,
        tpu.vector_store %arg11[%swap3A_723, %swap3A_724], %mul3A_722 {strides = array<i32>} : memref<64x128xf32, #tpu.memory_space<vmem>>, vector<16xf32>,
        %iota3A_726 = tpu.iota {dimensions = array<i32: 0>} : vector<16xi32>
        %lt3A_727 = arith.constant 8 : i32
        %lt3A_728 = vector.broadcast %lt3A_727 : i32 to vector<16xi32>
        %lt3A_729 = arith.cmpi slt, %iota3A_726, %lt3A_728 : vector<16xi32>
        %slice3A_730 = vector.extract_strided_slice %exp3A_704 {offsets = [2], sizes = [1], strides = [1]} : vector<16xf32> to vector<1xf32>
        %squeeze3A_731 = vector.extract %slice3A_730[0] : f32 from vector<1xf32>
        %broadcast_in_dim3A_732 = vector.broadcast %squeeze3A_731 : f32 to vector<16xf32>
        %slice3A_733 = vector.extract_strided_slice %exp3A_704 {offsets = [3], sizes = [1], strides = [1]} : vector<16xf32> to vector<1xf32>
        %squeeze3A_734 = vector.extract %slice3A_733[0] : f32 from vector<1xf32>
        %broadcast_in_dim3A_735 = vector.broadcast %squeeze3A_734 : f32 to vector<16xf32>
        %select_n3A_736 = arith.select %lt3A_729, %broadcast_in_dim3A_732, %broadcast_in_dim3A_735 : vector<16xi1>, vector<16xf32>
        %get3A_737 = arith.index_cast %add3A_689 : i32 to index
        %get3A_738 = arith.constant 16 : index
        %get3A_739 = tpu.vector_load %arg10[%get3A_737, %get3A_738] {strides = array<i32>} : memref<64x128xf32, #tpu.memory_space<vmem>>, vector<16xf32>,
        %mul3A_740 = arith.mulf %get3A_739, %select_n3A_736 : vector<16xf32>
        %swap3A_741 = arith.index_cast %add3A_689 : i32 to index
        %swap3A_742 = arith.constant 16 : index
        %swap3A_743 = tpu.vector_load %arg11[%swap3A_741, %swap3A_742] {strides = array<i32>} : memref<64x128xf32, #tpu.memory_space<vmem>>, vector<16xf32>,
        tpu.vector_store %arg11[%swap3A_741, %swap3A_742], %mul3A_740 {strides = array<i32>} : memref<64x128xf32, #tpu.memory_space<vmem>>, vector<16xf32>,
        %iota3A_744 = tpu.iota {dimensions = array<i32: 0>} : vector<16xi32>
        %lt3A_745 = arith.constant 8 : i32
        %lt3A_746 = vector.broadcast %lt3A_745 : i32 to vector<16xi32>
        %lt3A_747 = arith.cmpi slt, %iota3A_744, %lt3A_746 : vector<16xi32>
        %slice3A_748 = vector.extract_strided_slice %exp3A_704 {offsets = [4], sizes = [1], strides = [1]} : vector<16xf32> to vector<1xf32>
        %squeeze3A_749 = vector.extract %slice3A_748[0] : f32 from vector<1xf32>
        %broadcast_in_dim3A_750 = vector.broadcast %squeeze3A_749 : f32 to vector<16xf32>
        %slice3A_751 = vector.extract_strided_slice %exp3A_704 {offsets = [5], sizes = [1], strides = [1]} : vector<16xf32> to vector<1xf32>
        %squeeze3A_752 = vector.extract %slice3A_751[0] : f32 from vector<1xf32>
        %broadcast_in_dim3A_753 = vector.broadcast %squeeze3A_752 : f32 to vector<16xf32>
        %select_n3A_754 = arith.select %lt3A_747, %broadcast_in_dim3A_750, %broadcast_in_dim3A_753 : vector<16xi1>, vector<16xf32>
        %get3A_755 = arith.index_cast %add3A_689 : i32 to index
        %get3A_756 = arith.constant 32 : index
        %get3A_757 = tpu.vector_load %arg10[%get3A_755, %get3A_756] {strides = array<i32>} : memref<64x128xf32, #tpu.memory_space<vmem>>, vector<16xf32>,
        %mul3A_758 = arith.mulf %get3A_757, %select_n3A_754 : vector<16xf32>
        %swap3A_759 = arith.index_cast %add3A_689 : i32 to index
        %swap3A_760 = arith.constant 32 : index
        %swap3A_761 = tpu.vector_load %arg11[%swap3A_759, %swap3A_760] {strides = array<i32>} : memref<64x128xf32, #tpu.memory_space<vmem>>, vector<16xf32>,
        tpu.vector_store %arg11[%swap3A_759, %swap3A_760], %mul3A_758 {strides = array<i32>} : memref<64x128xf32, #tpu.memory_space<vmem>>, vector<16xf32>,
        %iota3A_762 = tpu.iota {dimensions = array<i32: 0>} : vector<16xi32>
        %lt3A_763 = arith.constant 8 : i32
        %lt3A_764 = vector.broadcast %lt3A_763 : i32 to vector<16xi32>
        %lt3A_765 = arith.cmpi slt, %iota3A_762, %lt3A_764 : vector<16xi32>
        %slice3A_766 = vector.extract_strided_slice %exp3A_704 {offsets = [6], sizes = [1], strides = [1]} : vector<16xf32> to vector<1xf32>
        %squeeze3A_767 = vector.extract %slice3A_766[0] : f32 from vector<1xf32>
        %broadcast_in_dim3A_768 = vector.broadcast %squeeze3A_767 : f32 to vector<16xf32>
        %slice3A_769 = vector.extract_strided_slice %exp3A_704 {offsets = [7], sizes = [1], strides = [1]} : vector<16xf32> to vector<1xf32>
        %squeeze3A_770 = vector.extract %slice3A_769[0] : f32 from vector<1xf32>
        %broadcast_in_dim3A_771 = vector.broadcast %squeeze3A_770 : f32 to vector<16xf32>
        %select_n3A_772 = arith.select %lt3A_765, %broadcast_in_dim3A_768, %broadcast_in_dim3A_771 : vector<16xi1>, vector<16xf32>
        %get3A_773 = arith.index_cast %add3A_689 : i32 to index
        %get3A_774 = arith.constant 48 : index
        %get3A_775 = tpu.vector_load %arg10[%get3A_773, %get3A_774] {strides = array<i32>} : memref<64x128xf32, #tpu.memory_space<vmem>>, vector<16xf32>,
        %mul3A_776 = arith.mulf %get3A_775, %select_n3A_772 : vector<16xf32>
        %swap3A_777 = arith.index_cast %add3A_689 : i32 to index
        %swap3A_778 = arith.constant 48 : index
        %swap3A_779 = tpu.vector_load %arg11[%swap3A_777, %swap3A_778] {strides = array<i32>} : memref<64x128xf32, #tpu.memory_space<vmem>>, vector<16xf32>,
        tpu.vector_store %arg11[%swap3A_777, %swap3A_778], %mul3A_776 {strides = array<i32>} : memref<64x128xf32, #tpu.memory_space<vmem>>, vector<16xf32>,
        %mul3A_780 = arith.constant 16 : i32
        %mul3A_781 = arith.muli %scan3A_37, %mul3A_780 : i32
        %add3A_782 = arith.constant 8 : i32
        %add3A_783 = arith.addi %mul3A_781, %add3A_782 : i32
        %get3A_784 = arith.index_cast %add3A_783 : i32 to index
        %get3A_785 = arith.constant 0 : index
        %get3A_786 = tpu.vector_load %arg12[%get3A_784, %get3A_785] {strides = array<i32>} : memref<64x128xf32, #tpu.memory_space<vmem>>, vector<16xf32>,
        %get3A_787 = arith.index_cast %add3A_783 : i32 to index
        %get3A_788 = arith.constant 64 : index
        %get3A_789 = tpu.vector_load %arg10[%get3A_787, %get3A_788] {strides = array<i32>} : memref<64x128xf32, #tpu.memory_space<vmem>>, vector<16xf32>,
        %add3A_790 = arith.addf %get3A_789, %get3A_786 : vector<16xf32>
        %ge3A_791 = arith.constant 0.000000e+00 : f32
        %ge3A_792 = vector.broadcast %ge3A_791 : f32 to vector<16xf32>
        %ge3A_793 = arith.cmpf oge, %add3A_790, %ge3A_792 : vector<16xf32>
        %mul3A_794 = arith.constant 2.000000e-01 : f32
        %mul3A_795 = vector.broadcast %mul3A_794 : f32 to vector<16xf32>
        %mul3A_796 = arith.mulf %mul3A_795, %add3A_790 : vector<16xf32>
        %select_n3A_797 = arith.select %ge3A_793, %add3A_790, %mul3A_796 : vector<16xi1>, vector<16xf32>
        %exp3A_798 = math.exp %select_n3A_797 : vector<16xf32>
        %swap3A_799 = arith.index_cast %add3A_783 : i32 to index
        %swap3A_800 = arith.constant 64 : index
        %swap3A_801 = tpu.vector_load %arg11[%swap3A_799, %swap3A_800] {strides = array<i32>} : memref<64x128xf32, #tpu.memory_space<vmem>>, vector<16xf32>,
        tpu.vector_store %arg11[%swap3A_799, %swap3A_800], %exp3A_798 {strides = array<i32>} : memref<64x128xf32, #tpu.memory_space<vmem>>, vector<16xf32>,
        %iota3A_802 = tpu.iota {dimensions = array<i32: 0>} : vector<16xi32>
        %lt3A_803 = arith.constant 8 : i32
        %lt3A_804 = vector.broadcast %lt3A_803 : i32 to vector<16xi32>
        %lt3A_805 = arith.cmpi slt, %iota3A_802, %lt3A_804 : vector<16xi32>
        %slice3A_806 = vector.extract_strided_slice %exp3A_798 {offsets = [0], sizes = [1], strides = [1]} : vector<16xf32> to vector<1xf32>
        %squeeze3A_807 = vector.extract %slice3A_806[0] : f32 from vector<1xf32>
        %broadcast_in_dim3A_808 = vector.broadcast %squeeze3A_807 : f32 to vector<16xf32>
        %slice3A_809 = vector.extract_strided_slice %exp3A_798 {offsets = [1], sizes = [1], strides = [1]} : vector<16xf32> to vector<1xf32>
        %squeeze3A_810 = vector.extract %slice3A_809[0] : f32 from vector<1xf32>
        %broadcast_in_dim3A_811 = vector.broadcast %squeeze3A_810 : f32 to vector<16xf32>
        %select_n3A_812 = arith.select %lt3A_805, %broadcast_in_dim3A_808, %broadcast_in_dim3A_811 : vector<16xi1>, vector<16xf32>
        %get3A_813 = arith.index_cast %add3A_783 : i32 to index
        %get3A_814 = arith.constant 0 : index
        %get3A_815 = tpu.vector_load %arg10[%get3A_813, %get3A_814] {strides = array<i32>} : memref<64x128xf32, #tpu.memory_space<vmem>>, vector<16xf32>,
        %mul3A_816 = arith.mulf %get3A_815, %select_n3A_812 : vector<16xf32>
        %swap3A_817 = arith.index_cast %add3A_783 : i32 to index
        %swap3A_818 = arith.constant 0 : index
        %swap3A_819 = tpu.vector_load %arg11[%swap3A_817, %swap3A_818] {strides = array<i32>} : memref<64x128xf32, #tpu.memory_space<vmem>>, vector<16xf32>,
        tpu.vector_store %arg11[%swap3A_817, %swap3A_818], %mul3A_816 {strides = array<i32>} : memref<64x128xf32, #tpu.memory_space<vmem>>, vector<16xf32>,
        %iota3A_820 = tpu.iota {dimensions = array<i32: 0>} : vector<16xi32>
        %lt3A_821 = arith.constant 8 : i32
        %lt3A_822 = vector.broadcast %lt3A_821 : i32 to vector<16xi32>
        %lt3A_823 = arith.cmpi slt, %iota3A_820, %lt3A_822 : vector<16xi32>
        %slice3A_824 = vector.extract_strided_slice %exp3A_798 {offsets = [2], sizes = [1], strides = [1]} : vector<16xf32> to vector<1xf32>
        %squeeze3A_825 = vector.extract %slice3A_824[0] : f32 from vector<1xf32>
        %broadcast_in_dim3A_826 = vector.broadcast %squeeze3A_825 : f32 to vector<16xf32>
        %slice3A_827 = vector.extract_strided_slice %exp3A_798 {offsets = [3], sizes = [1], strides = [1]} : vector<16xf32> to vector<1xf32>
        %squeeze3A_828 = vector.extract %slice3A_827[0] : f32 from vector<1xf32>
        %broadcast_in_dim3A_829 = vector.broadcast %squeeze3A_828 : f32 to vector<16xf32>
        %select_n3A_830 = arith.select %lt3A_823, %broadcast_in_dim3A_826, %broadcast_in_dim3A_829 : vector<16xi1>, vector<16xf32>
        %get3A_831 = arith.index_cast %add3A_783 : i32 to index
        %get3A_832 = arith.constant 16 : index
        %get3A_833 = tpu.vector_load %arg10[%get3A_831, %get3A_832] {strides = array<i32>} : memref<64x128xf32, #tpu.memory_space<vmem>>, vector<16xf32>,
        %mul3A_834 = arith.mulf %get3A_833, %select_n3A_830 : vector<16xf32>
        %swap3A_835 = arith.index_cast %add3A_783 : i32 to index
        %swap3A_836 = arith.constant 16 : index
        %swap3A_837 = tpu.vector_load %arg11[%swap3A_835, %swap3A_836] {strides = array<i32>} : memref<64x128xf32, #tpu.memory_space<vmem>>, vector<16xf32>,
        tpu.vector_store %arg11[%swap3A_835, %swap3A_836], %mul3A_834 {strides = array<i32>} : memref<64x128xf32, #tpu.memory_space<vmem>>, vector<16xf32>,
        %iota3A_838 = tpu.iota {dimensions = array<i32: 0>} : vector<16xi32>
        %lt3A_839 = arith.constant 8 : i32
        %lt3A_840 = vector.broadcast %lt3A_839 : i32 to vector<16xi32>
        %lt3A_841 = arith.cmpi slt, %iota3A_838, %lt3A_840 : vector<16xi32>
        %slice3A_842 = vector.extract_strided_slice %exp3A_798 {offsets = [4], sizes = [1], strides = [1]} : vector<16xf32> to vector<1xf32>
        %squeeze3A_843 = vector.extract %slice3A_842[0] : f32 from vector<1xf32>
        %broadcast_in_dim3A_844 = vector.broadcast %squeeze3A_843 : f32 to vector<16xf32>
        %slice3A_845 = vector.extract_strided_slice %exp3A_798 {offsets = [5], sizes = [1], strides = [1]} : vector<16xf32> to vector<1xf32>
        %squeeze3A_846 = vector.extract %slice3A_845[0] : f32 from vector<1xf32>
        %broadcast_in_dim3A_847 = vector.broadcast %squeeze3A_846 : f32 to vector<16xf32>
        %select_n3A_848 = arith.select %lt3A_841, %broadcast_in_dim3A_844, %broadcast_in_dim3A_847 : vector<16xi1>, vector<16xf32>
        %get3A_849 = arith.index_cast %add3A_783 : i32 to index
        %get3A_850 = arith.constant 32 : index
        %get3A_851 = tpu.vector_load %arg10[%get3A_849, %get3A_850] {strides = array<i32>} : memref<64x128xf32, #tpu.memory_space<vmem>>, vector<16xf32>,
        %mul3A_852 = arith.mulf %get3A_851, %select_n3A_848 : vector<16xf32>
        %swap3A_853 = arith.index_cast %add3A_783 : i32 to index
        %swap3A_854 = arith.constant 32 : index
        %swap3A_855 = tpu.vector_load %arg11[%swap3A_853, %swap3A_854] {strides = array<i32>} : memref<64x128xf32, #tpu.memory_space<vmem>>, vector<16xf32>,
        tpu.vector_store %arg11[%swap3A_853, %swap3A_854], %mul3A_852 {strides = array<i32>} : memref<64x128xf32, #tpu.memory_space<vmem>>, vector<16xf32>,
        %iota3A_856 = tpu.iota {dimensions = array<i32: 0>} : vector<16xi32>
        %lt3A_857 = arith.constant 8 : i32
        %lt3A_858 = vector.broadcast %lt3A_857 : i32 to vector<16xi32>
        %lt3A_859 = arith.cmpi slt, %iota3A_856, %lt3A_858 : vector<16xi32>
        %slice3A_860 = vector.extract_strided_slice %exp3A_798 {offsets = [6], sizes = [1], strides = [1]} : vector<16xf32> to vector<1xf32>
        %squeeze3A_861 = vector.extract %slice3A_860[0] : f32 from vector<1xf32>
        %broadcast_in_dim3A_862 = vector.broadcast %squeeze3A_861 : f32 to vector<16xf32>
        %slice3A_863 = vector.extract_strided_slice %exp3A_798 {offsets = [7], sizes = [1], strides = [1]} : vector<16xf32> to vector<1xf32>
        %squeeze3A_864 = vector.extract %slice3A_863[0] : f32 from vector<1xf32>
        %broadcast_in_dim3A_865 = vector.broadcast %squeeze3A_864 : f32 to vector<16xf32>
        %select_n3A_866 = arith.select %lt3A_859, %broadcast_in_dim3A_862, %broadcast_in_dim3A_865 : vector<16xi1>, vector<16xf32>
        %get3A_867 = arith.index_cast %add3A_783 : i32 to index
        %get3A_868 = arith.constant 48 : index
        %get3A_869 = tpu.vector_load %arg10[%get3A_867, %get3A_868] {strides = array<i32>} : memref<64x128xf32, #tpu.memory_space<vmem>>, vector<16xf32>,
        %mul3A_870 = arith.mulf %get3A_869, %select_n3A_866 : vector<16xf32>
        %swap3A_871 = arith.index_cast %add3A_783 : i32 to index
        %swap3A_872 = arith.constant 48 : index
        %swap3A_873 = tpu.vector_load %arg11[%swap3A_871, %swap3A_872] {strides = array<i32>} : memref<64x128xf32, #tpu.memory_space<vmem>>, vector<16xf32>,
        tpu.vector_store %arg11[%swap3A_871, %swap3A_872], %mul3A_870 {strides = array<i32>} : memref<64x128xf32, #tpu.memory_space<vmem>>, vector<16xf32>,
        %mul3A_874 = arith.constant 16 : i32
        %mul3A_875 = arith.muli %scan3A_37, %mul3A_874 : i32
        %add3A_876 = arith.constant 9 : i32
        %add3A_877 = arith.addi %mul3A_875, %add3A_876 : i32
        %get3A_878 = arith.index_cast %add3A_877 : i32 to index
        %get3A_879 = arith.constant 0 : index
        %get3A_880 = tpu.vector_load %arg12[%get3A_878, %get3A_879] {strides = array<i32>} : memref<64x128xf32, #tpu.memory_space<vmem>>, vector<16xf32>,
        %get3A_881 = arith.index_cast %add3A_877 : i32 to index
        %get3A_882 = arith.constant 64 : index
        %get3A_883 = tpu.vector_load %arg10[%get3A_881, %get3A_882] {strides = array<i32>} : memref<64x128xf32, #tpu.memory_space<vmem>>, vector<16xf32>,
        %add3A_884 = arith.addf %get3A_883, %get3A_880 : vector<16xf32>
        %ge3A_885 = arith.constant 0.000000e+00 : f32
        %ge3A_886 = vector.broadcast %ge3A_885 : f32 to vector<16xf32>
        %ge3A_887 = arith.cmpf oge, %add3A_884, %ge3A_886 : vector<16xf32>
        %mul3A_888 = arith.constant 2.000000e-01 : f32
        %mul3A_889 = vector.broadcast %mul3A_888 : f32 to vector<16xf32>
        %mul3A_890 = arith.mulf %mul3A_889, %add3A_884 : vector<16xf32>
        %select_n3A_891 = arith.select %ge3A_887, %add3A_884, %mul3A_890 : vector<16xi1>, vector<16xf32>
        %exp3A_892 = math.exp %select_n3A_891 : vector<16xf32>
        %swap3A_893 = arith.index_cast %add3A_877 : i32 to index
        %swap3A_894 = arith.constant 64 : index
        %swap3A_895 = tpu.vector_load %arg11[%swap3A_893, %swap3A_894] {strides = array<i32>} : memref<64x128xf32, #tpu.memory_space<vmem>>, vector<16xf32>,
        tpu.vector_store %arg11[%swap3A_893, %swap3A_894], %exp3A_892 {strides = array<i32>} : memref<64x128xf32, #tpu.memory_space<vmem>>, vector<16xf32>,
        %iota3A_896 = tpu.iota {dimensions = array<i32: 0>} : vector<16xi32>
        %lt3A_897 = arith.constant 8 : i32
        %lt3A_898 = vector.broadcast %lt3A_897 : i32 to vector<16xi32>
        %lt3A_899 = arith.cmpi slt, %iota3A_896, %lt3A_898 : vector<16xi32>
        %slice3A_900 = vector.extract_strided_slice %exp3A_892 {offsets = [0], sizes = [1], strides = [1]} : vector<16xf32> to vector<1xf32>
        %squeeze3A_901 = vector.extract %slice3A_900[0] : f32 from vector<1xf32>
        %broadcast_in_dim3A_902 = vector.broadcast %squeeze3A_901 : f32 to vector<16xf32>
        %slice3A_903 = vector.extract_strided_slice %exp3A_892 {offsets = [1], sizes = [1], strides = [1]} : vector<16xf32> to vector<1xf32>
        %squeeze3A_904 = vector.extract %slice3A_903[0] : f32 from vector<1xf32>
        %broadcast_in_dim3A_905 = vector.broadcast %squeeze3A_904 : f32 to vector<16xf32>
        %select_n3A_906 = arith.select %lt3A_899, %broadcast_in_dim3A_902, %broadcast_in_dim3A_905 : vector<16xi1>, vector<16xf32>
        %get3A_907 = arith.index_cast %add3A_877 : i32 to index
        %get3A_908 = arith.constant 0 : index
        %get3A_909 = tpu.vector_load %arg10[%get3A_907, %get3A_908] {strides = array<i32>} : memref<64x128xf32, #tpu.memory_space<vmem>>, vector<16xf32>,
        %mul3A_910 = arith.mulf %get3A_909, %select_n3A_906 : vector<16xf32>
        %swap3A_911 = arith.index_cast %add3A_877 : i32 to index
        %swap3A_912 = arith.constant 0 : index
        %swap3A_913 = tpu.vector_load %arg11[%swap3A_911, %swap3A_912] {strides = array<i32>} : memref<64x128xf32, #tpu.memory_space<vmem>>, vector<16xf32>,
        tpu.vector_store %arg11[%swap3A_911, %swap3A_912], %mul3A_910 {strides = array<i32>} : memref<64x128xf32, #tpu.memory_space<vmem>>, vector<16xf32>,
        %iota3A_914 = tpu.iota {dimensions = array<i32: 0>} : vector<16xi32>
        %lt3A_915 = arith.constant 8 : i32
        %lt3A_916 = vector.broadcast %lt3A_915 : i32 to vector<16xi32>
        %lt3A_917 = arith.cmpi slt, %iota3A_914, %lt3A_916 : vector<16xi32>
        %slice3A_918 = vector.extract_strided_slice %exp3A_892 {offsets = [2], sizes = [1], strides = [1]} : vector<16xf32> to vector<1xf32>
        %squeeze3A_919 = vector.extract %slice3A_918[0] : f32 from vector<1xf32>
        %broadcast_in_dim3A_920 = vector.broadcast %squeeze3A_919 : f32 to vector<16xf32>
        %slice3A_921 = vector.extract_strided_slice %exp3A_892 {offsets = [3], sizes = [1], strides = [1]} : vector<16xf32> to vector<1xf32>
        %squeeze3A_922 = vector.extract %slice3A_921[0] : f32 from vector<1xf32>
        %broadcast_in_dim3A_923 = vector.broadcast %squeeze3A_922 : f32 to vector<16xf32>
        %select_n3A_924 = arith.select %lt3A_917, %broadcast_in_dim3A_920, %broadcast_in_dim3A_923 : vector<16xi1>, vector<16xf32>
        %get3A_925 = arith.index_cast %add3A_877 : i32 to index
        %get3A_926 = arith.constant 16 : index
        %get3A_927 = tpu.vector_load %arg10[%get3A_925, %get3A_926] {strides = array<i32>} : memref<64x128xf32, #tpu.memory_space<vmem>>, vector<16xf32>,
        %mul3A_928 = arith.mulf %get3A_927, %select_n3A_924 : vector<16xf32>
        %swap3A_929 = arith.index_cast %add3A_877 : i32 to index
        %swap3A_930 = arith.constant 16 : index
        %swap3A_931 = tpu.vector_load %arg11[%swap3A_929, %swap3A_930] {strides = array<i32>} : memref<64x128xf32, #tpu.memory_space<vmem>>, vector<16xf32>,
        tpu.vector_store %arg11[%swap3A_929, %swap3A_930], %mul3A_928 {strides = array<i32>} : memref<64x128xf32, #tpu.memory_space<vmem>>, vector<16xf32>,
        %iota3A_932 = tpu.iota {dimensions = array<i32: 0>} : vector<16xi32>
        %lt3A_933 = arith.constant 8 : i32
        %lt3A_934 = vector.broadcast %lt3A_933 : i32 to vector<16xi32>
        %lt3A_935 = arith.cmpi slt, %iota3A_932, %lt3A_934 : vector<16xi32>
        %slice3A_936 = vector.extract_strided_slice %exp3A_892 {offsets = [4], sizes = [1], strides = [1]} : vector<16xf32> to vector<1xf32>
        %squeeze3A_937 = vector.extract %slice3A_936[0] : f32 from vector<1xf32>
        %broadcast_in_dim3A_938 = vector.broadcast %squeeze3A_937 : f32 to vector<16xf32>
        %slice3A_939 = vector.extract_strided_slice %exp3A_892 {offsets = [5], sizes = [1], strides = [1]} : vector<16xf32> to vector<1xf32>
        %squeeze3A_940 = vector.extract %slice3A_939[0] : f32 from vector<1xf32>
        %broadcast_in_dim3A_941 = vector.broadcast %squeeze3A_940 : f32 to vector<16xf32>
        %select_n3A_942 = arith.select %lt3A_935, %broadcast_in_dim3A_938, %broadcast_in_dim3A_941 : vector<16xi1>, vector<16xf32>
        %get3A_943 = arith.index_cast %add3A_877 : i32 to index
        %get3A_944 = arith.constant 32 : index
        %get3A_945 = tpu.vector_load %arg10[%get3A_943, %get3A_944] {strides = array<i32>} : memref<64x128xf32, #tpu.memory_space<vmem>>, vector<16xf32>,
        %mul3A_946 = arith.mulf %get3A_945, %select_n3A_942 : vector<16xf32>
        %swap3A_947 = arith.index_cast %add3A_877 : i32 to index
        %swap3A_948 = arith.constant 32 : index
        %swap3A_949 = tpu.vector_load %arg11[%swap3A_947, %swap3A_948] {strides = array<i32>} : memref<64x128xf32, #tpu.memory_space<vmem>>, vector<16xf32>,
        tpu.vector_store %arg11[%swap3A_947, %swap3A_948], %mul3A_946 {strides = array<i32>} : memref<64x128xf32, #tpu.memory_space<vmem>>, vector<16xf32>,
        %iota3A_950 = tpu.iota {dimensions = array<i32: 0>} : vector<16xi32>
        %lt3A_951 = arith.constant 8 : i32
        %lt3A_952 = vector.broadcast %lt3A_951 : i32 to vector<16xi32>
        %lt3A_953 = arith.cmpi slt, %iota3A_950, %lt3A_952 : vector<16xi32>
        %slice3A_954 = vector.extract_strided_slice %exp3A_892 {offsets = [6], sizes = [1], strides = [1]} : vector<16xf32> to vector<1xf32>
        %squeeze3A_955 = vector.extract %slice3A_954[0] : f32 from vector<1xf32>
        %broadcast_in_dim3A_956 = vector.broadcast %squeeze3A_955 : f32 to vector<16xf32>
        %slice3A_957 = vector.extract_strided_slice %exp3A_892 {offsets = [7], sizes = [1], strides = [1]} : vector<16xf32> to vector<1xf32>
        %squeeze3A_958 = vector.extract %slice3A_957[0] : f32 from vector<1xf32>
        %broadcast_in_dim3A_959 = vector.broadcast %squeeze3A_958 : f32 to vector<16xf32>
        %select_n3A_960 = arith.select %lt3A_953, %broadcast_in_dim3A_956, %broadcast_in_dim3A_959 : vector<16xi1>, vector<16xf32>
        %get3A_961 = arith.index_cast %add3A_877 : i32 to index
        %get3A_962 = arith.constant 48 : index
        %get3A_963 = tpu.vector_load %arg10[%get3A_961, %get3A_962] {strides = array<i32>} : memref<64x128xf32, #tpu.memory_space<vmem>>, vector<16xf32>,
        %mul3A_964 = arith.mulf %get3A_963, %select_n3A_960 : vector<16xf32>
        %swap3A_965 = arith.index_cast %add3A_877 : i32 to index
        %swap3A_966 = arith.constant 48 : index
        %swap3A_967 = tpu.vector_load %arg11[%swap3A_965, %swap3A_966] {strides = array<i32>} : memref<64x128xf32, #tpu.memory_space<vmem>>, vector<16xf32>,
        tpu.vector_store %arg11[%swap3A_965, %swap3A_966], %mul3A_964 {strides = array<i32>} : memref<64x128xf32, #tpu.memory_space<vmem>>, vector<16xf32>,
        %mul3A_968 = arith.constant 16 : i32
        %mul3A_969 = arith.muli %scan3A_37, %mul3A_968 : i32
        %add3A_970 = arith.constant 10 : i32
        %add3A_971 = arith.addi %mul3A_969, %add3A_970 : i32
        %get3A_972 = arith.index_cast %add3A_971 : i32 to index
        %get3A_973 = arith.constant 0 : index
        %get3A_974 = tpu.vector_load %arg12[%get3A_972, %get3A_973] {strides = array<i32>} : memref<64x128xf32, #tpu.memory_space<vmem>>, vector<16xf32>,
        %get3A_975 = arith.index_cast %add3A_971 : i32 to index
        %get3A_976 = arith.constant 64 : index
        %get3A_977 = tpu.vector_load %arg10[%get3A_975, %get3A_976] {strides = array<i32>} : memref<64x128xf32, #tpu.memory_space<vmem>>, vector<16xf32>,
        %add3A_978 = arith.addf %get3A_977, %get3A_974 : vector<16xf32>
        %ge3A_979 = arith.constant 0.000000e+00 : f32
        %ge3A_980 = vector.broadcast %ge3A_979 : f32 to vector<16xf32>
        %ge3A_981 = arith.cmpf oge, %add3A_978, %ge3A_980 : vector<16xf32>
        %mul3A_982 = arith.constant 2.000000e-01 : f32
        %mul3A_983 = vector.broadcast %mul3A_982 : f32 to vector<16xf32>
        %mul3A_984 = arith.mulf %mul3A_983, %add3A_978 : vector<16xf32>
        %select_n3A_985 = arith.select %ge3A_981, %add3A_978, %mul3A_984 : vector<16xi1>, vector<16xf32>
        %exp3A_986 = math.exp %select_n3A_985 : vector<16xf32>
        %swap3A_987 = arith.index_cast %add3A_971 : i32 to index
        %swap3A_988 = arith.constant 64 : index
        %swap3A_989 = tpu.vector_load %arg11[%swap3A_987, %swap3A_988] {strides = array<i32>} : memref<64x128xf32, #tpu.memory_space<vmem>>, vector<16xf32>,
        tpu.vector_store %arg11[%swap3A_987, %swap3A_988], %exp3A_986 {strides = array<i32>} : memref<64x128xf32, #tpu.memory_space<vmem>>, vector<16xf32>,
        %iota3A_990 = tpu.iota {dimensions = array<i32: 0>} : vector<16xi32>
        %lt3A_991 = arith.constant 8 : i32
        %lt3A_992 = vector.broadcast %lt3A_991 : i32 to vector<16xi32>
        %lt3A_993 = arith.cmpi slt, %iota3A_990, %lt3A_992 : vector<16xi32>
        %slice3A_994 = vector.extract_strided_slice %exp3A_986 {offsets = [0], sizes = [1], strides = [1]} : vector<16xf32> to vector<1xf32>
        %squeeze3A_995 = vector.extract %slice3A_994[0] : f32 from vector<1xf32>
        %broadcast_in_dim3A_996 = vector.broadcast %squeeze3A_995 : f32 to vector<16xf32>
        %slice3A_997 = vector.extract_strided_slice %exp3A_986 {offsets = [1], sizes = [1], strides = [1]} : vector<16xf32> to vector<1xf32>
        %squeeze3A_998 = vector.extract %slice3A_997[0] : f32 from vector<1xf32>
        %broadcast_in_dim3A_999 = vector.broadcast %squeeze3A_998 : f32 to vector<16xf32>
        %select_n3A_1000 = arith.select %lt3A_993, %broadcast_in_dim3A_996, %broadcast_in_dim3A_999 : vector<16xi1>, vector<16xf32>
        %get3A_1001 = arith.index_cast %add3A_971 : i32 to index
        %get3A_1002 = arith.constant 0 : index
        %get3A_1003 = tpu.vector_load %arg10[%get3A_1001, %get3A_1002] {strides = array<i32>} : memref<64x128xf32, #tpu.memory_space<vmem>>, vector<16xf32>,
        %mul3A_1004 = arith.mulf %get3A_1003, %select_n3A_1000 : vector<16xf32>
        %swap3A_1005 = arith.index_cast %add3A_971 : i32 to index
        %swap3A_1006 = arith.constant 0 : index
        %swap3A_1007 = tpu.vector_load %arg11[%swap3A_1005, %swap3A_1006] {strides = array<i32>} : memref<64x128xf32, #tpu.memory_space<vmem>>, vector<16xf32>,
        tpu.vector_store %arg11[%swap3A_1005, %swap3A_1006], %mul3A_1004 {strides = array<i32>} : memref<64x128xf32, #tpu.memory_space<vmem>>, vector<16xf32>,
        %iota3A_1008 = tpu.iota {dimensions = array<i32: 0>} : vector<16xi32>
        %lt3A_1009 = arith.constant 8 : i32
        %lt3A_1010 = vector.broadcast %lt3A_1009 : i32 to vector<16xi32>
        %lt3A_1011 = arith.cmpi slt, %iota3A_1008, %lt3A_1010 : vector<16xi32>
        %slice3A_1012 = vector.extract_strided_slice %exp3A_986 {offsets = [2], sizes = [1], strides = [1]} : vector<16xf32> to vector<1xf32>
        %squeeze3A_1013 = vector.extract %slice3A_1012[0] : f32 from vector<1xf32>
        %broadcast_in_dim3A_1014 = vector.broadcast %squeeze3A_1013 : f32 to vector<16xf32>
        %slice3A_1015 = vector.extract_strided_slice %exp3A_986 {offsets = [3], sizes = [1], strides = [1]} : vector<16xf32> to vector<1xf32>
        %squeeze3A_1016 = vector.extract %slice3A_1015[0] : f32 from vector<1xf32>
        %broadcast_in_dim3A_1017 = vector.broadcast %squeeze3A_1016 : f32 to vector<16xf32>
        %select_n3A_1018 = arith.select %lt3A_1011, %broadcast_in_dim3A_1014, %broadcast_in_dim3A_1017 : vector<16xi1>, vector<16xf32>
        %get3A_1019 = arith.index_cast %add3A_971 : i32 to index
        %get3A_1020 = arith.constant 16 : index
        %get3A_1021 = tpu.vector_load %arg10[%get3A_1019, %get3A_1020] {strides = array<i32>} : memref<64x128xf32, #tpu.memory_space<vmem>>, vector<16xf32>,
        %mul3A_1022 = arith.mulf %get3A_1021, %select_n3A_1018 : vector<16xf32>
        %swap3A_1023 = arith.index_cast %add3A_971 : i32 to index
        %swap3A_1024 = arith.constant 16 : index
        %swap3A_1025 = tpu.vector_load %arg11[%swap3A_1023, %swap3A_1024] {strides = array<i32>} : memref<64x128xf32, #tpu.memory_space<vmem>>, vector<16xf32>,
        tpu.vector_store %arg11[%swap3A_1023, %swap3A_1024], %mul3A_1022 {strides = array<i32>} : memref<64x128xf32, #tpu.memory_space<vmem>>, vector<16xf32>,
        %iota3A_1026 = tpu.iota {dimensions = array<i32: 0>} : vector<16xi32>
        %lt3A_1027 = arith.constant 8 : i32
        %lt3A_1028 = vector.broadcast %lt3A_1027 : i32 to vector<16xi32>
        %lt3A_1029 = arith.cmpi slt, %iota3A_1026, %lt3A_1028 : vector<16xi32>
        %slice3A_1030 = vector.extract_strided_slice %exp3A_986 {offsets = [4], sizes = [1], strides = [1]} : vector<16xf32> to vector<1xf32>
        %squeeze3A_1031 = vector.extract %slice3A_1030[0] : f32 from vector<1xf32>
        %broadcast_in_dim3A_1032 = vector.broadcast %squeeze3A_1031 : f32 to vector<16xf32>
        %slice3A_1033 = vector.extract_strided_slice %exp3A_986 {offsets = [5], sizes = [1], strides = [1]} : vector<16xf32> to vector<1xf32>
        %squeeze3A_1034 = vector.extract %slice3A_1033[0] : f32 from vector<1xf32>
        %broadcast_in_dim3A_1035 = vector.broadcast %squeeze3A_1034 : f32 to vector<16xf32>
        %select_n3A_1036 = arith.select %lt3A_1029, %broadcast_in_dim3A_1032, %broadcast_in_dim3A_1035 : vector<16xi1>, vector<16xf32>
        %get3A_1037 = arith.index_cast %add3A_971 : i32 to index
        %get3A_1038 = arith.constant 32 : index
        %get3A_1039 = tpu.vector_load %arg10[%get3A_1037, %get3A_1038] {strides = array<i32>} : memref<64x128xf32, #tpu.memory_space<vmem>>, vector<16xf32>,
        %mul3A_1040 = arith.mulf %get3A_1039, %select_n3A_1036 : vector<16xf32>
        %swap3A_1041 = arith.index_cast %add3A_971 : i32 to index
        %swap3A_1042 = arith.constant 32 : index
        %swap3A_1043 = tpu.vector_load %arg11[%swap3A_1041, %swap3A_1042] {strides = array<i32>} : memref<64x128xf32, #tpu.memory_space<vmem>>, vector<16xf32>,
        tpu.vector_store %arg11[%swap3A_1041, %swap3A_1042], %mul3A_1040 {strides = array<i32>} : memref<64x128xf32, #tpu.memory_space<vmem>>, vector<16xf32>,
        %iota3A_1044 = tpu.iota {dimensions = array<i32: 0>} : vector<16xi32>
        %lt3A_1045 = arith.constant 8 : i32
        %lt3A_1046 = vector.broadcast %lt3A_1045 : i32 to vector<16xi32>
        %lt3A_1047 = arith.cmpi slt, %iota3A_1044, %lt3A_1046 : vector<16xi32>
        %slice3A_1048 = vector.extract_strided_slice %exp3A_986 {offsets = [6], sizes = [1], strides = [1]} : vector<16xf32> to vector<1xf32>
        %squeeze3A_1049 = vector.extract %slice3A_1048[0] : f32 from vector<1xf32>
        %broadcast_in_dim3A_1050 = vector.broadcast %squeeze3A_1049 : f32 to vector<16xf32>
        %slice3A_1051 = vector.extract_strided_slice %exp3A_986 {offsets = [7], sizes = [1], strides = [1]} : vector<16xf32> to vector<1xf32>
        %squeeze3A_1052 = vector.extract %slice3A_1051[0] : f32 from vector<1xf32>
        %broadcast_in_dim3A_1053 = vector.broadcast %squeeze3A_1052 : f32 to vector<16xf32>
        %select_n3A_1054 = arith.select %lt3A_1047, %broadcast_in_dim3A_1050, %broadcast_in_dim3A_1053 : vector<16xi1>, vector<16xf32>
        %get3A_1055 = arith.index_cast %add3A_971 : i32 to index
        %get3A_1056 = arith.constant 48 : index
        %get3A_1057 = tpu.vector_load %arg10[%get3A_1055, %get3A_1056] {strides = array<i32>} : memref<64x128xf32, #tpu.memory_space<vmem>>, vector<16xf32>,
        %mul3A_1058 = arith.mulf %get3A_1057, %select_n3A_1054 : vector<16xf32>
        %swap3A_1059 = arith.index_cast %add3A_971 : i32 to index
        %swap3A_1060 = arith.constant 48 : index
        %swap3A_1061 = tpu.vector_load %arg11[%swap3A_1059, %swap3A_1060] {strides = array<i32>} : memref<64x128xf32, #tpu.memory_space<vmem>>, vector<16xf32>,
        tpu.vector_store %arg11[%swap3A_1059, %swap3A_1060], %mul3A_1058 {strides = array<i32>} : memref<64x128xf32, #tpu.memory_space<vmem>>, vector<16xf32>,
        %mul3A_1062 = arith.constant 16 : i32
        %mul3A_1063 = arith.muli %scan3A_37, %mul3A_1062 : i32
        %add3A_1064 = arith.constant 11 : i32
        %add3A_1065 = arith.addi %mul3A_1063, %add3A_1064 : i32
        %get3A_1066 = arith.index_cast %add3A_1065 : i32 to index
        %get3A_1067 = arith.constant 0 : index
        %get3A_1068 = tpu.vector_load %arg12[%get3A_1066, %get3A_1067] {strides = array<i32>} : memref<64x128xf32, #tpu.memory_space<vmem>>, vector<16xf32>,
        %get3A_1069 = arith.index_cast %add3A_1065 : i32 to index
        %get3A_1070 = arith.constant 64 : index
        %get3A_1071 = tpu.vector_load %arg10[%get3A_1069, %get3A_1070] {strides = array<i32>} : memref<64x128xf32, #tpu.memory_space<vmem>>, vector<16xf32>,
        %add3A_1072 = arith.addf %get3A_1071, %get3A_1068 : vector<16xf32>
        %ge3A_1073 = arith.constant 0.000000e+00 : f32
        %ge3A_1074 = vector.broadcast %ge3A_1073 : f32 to vector<16xf32>
        %ge3A_1075 = arith.cmpf oge, %add3A_1072, %ge3A_1074 : vector<16xf32>
        %mul3A_1076 = arith.constant 2.000000e-01 : f32
        %mul3A_1077 = vector.broadcast %mul3A_1076 : f32 to vector<16xf32>
        %mul3A_1078 = arith.mulf %mul3A_1077, %add3A_1072 : vector<16xf32>
        %select_n3A_1079 = arith.select %ge3A_1075, %add3A_1072, %mul3A_1078 : vector<16xi1>, vector<16xf32>
        %exp3A_1080 = math.exp %select_n3A_1079 : vector<16xf32>
        %swap3A_1081 = arith.index_cast %add3A_1065 : i32 to index
        %swap3A_1082 = arith.constant 64 : index
        %swap3A_1083 = tpu.vector_load %arg11[%swap3A_1081, %swap3A_1082] {strides = array<i32>} : memref<64x128xf32, #tpu.memory_space<vmem>>, vector<16xf32>,
        tpu.vector_store %arg11[%swap3A_1081, %swap3A_1082], %exp3A_1080 {strides = array<i32>} : memref<64x128xf32, #tpu.memory_space<vmem>>, vector<16xf32>,
        %iota3A_1084 = tpu.iota {dimensions = array<i32: 0>} : vector<16xi32>
        %lt3A_1085 = arith.constant 8 : i32
        %lt3A_1086 = vector.broadcast %lt3A_1085 : i32 to vector<16xi32>
        %lt3A_1087 = arith.cmpi slt, %iota3A_1084, %lt3A_1086 : vector<16xi32>
        %slice3A_1088 = vector.extract_strided_slice %exp3A_1080 {offsets = [0], sizes = [1], strides = [1]} : vector<16xf32> to vector<1xf32>
        %squeeze3A_1089 = vector.extract %slice3A_1088[0] : f32 from vector<1xf32>
        %broadcast_in_dim3A_1090 = vector.broadcast %squeeze3A_1089 : f32 to vector<16xf32>
        %slice3A_1091 = vector.extract_strided_slice %exp3A_1080 {offsets = [1], sizes = [1], strides = [1]} : vector<16xf32> to vector<1xf32>
        %squeeze3A_1092 = vector.extract %slice3A_1091[0] : f32 from vector<1xf32>
        %broadcast_in_dim3A_1093 = vector.broadcast %squeeze3A_1092 : f32 to vector<16xf32>
        %select_n3A_1094 = arith.select %lt3A_1087, %broadcast_in_dim3A_1090, %broadcast_in_dim3A_1093 : vector<16xi1>, vector<16xf32>
        %get3A_1095 = arith.index_cast %add3A_1065 : i32 to index
        %get3A_1096 = arith.constant 0 : index
        %get3A_1097 = tpu.vector_load %arg10[%get3A_1095, %get3A_1096] {strides = array<i32>} : memref<64x128xf32, #tpu.memory_space<vmem>>, vector<16xf32>,
        %mul3A_1098 = arith.mulf %get3A_1097, %select_n3A_1094 : vector<16xf32>
        %swap3A_1099 = arith.index_cast %add3A_1065 : i32 to index
        %swap3A_1100 = arith.constant 0 : index
        %swap3A_1101 = tpu.vector_load %arg11[%swap3A_1099, %swap3A_1100] {strides = array<i32>} : memref<64x128xf32, #tpu.memory_space<vmem>>, vector<16xf32>,
        tpu.vector_store %arg11[%swap3A_1099, %swap3A_1100], %mul3A_1098 {strides = array<i32>} : memref<64x128xf32, #tpu.memory_space<vmem>>, vector<16xf32>,
        %iota3A_1102 = tpu.iota {dimensions = array<i32: 0>} : vector<16xi32>
        %lt3A_1103 = arith.constant 8 : i32
        %lt3A_1104 = vector.broadcast %lt3A_1103 : i32 to vector<16xi32>
        %lt3A_1105 = arith.cmpi slt, %iota3A_1102, %lt3A_1104 : vector<16xi32>
        %slice3A_1106 = vector.extract_strided_slice %exp3A_1080 {offsets = [2], sizes = [1], strides = [1]} : vector<16xf32> to vector<1xf32>
        %squeeze3A_1107 = vector.extract %slice3A_1106[0] : f32 from vector<1xf32>
        %broadcast_in_dim3A_1108 = vector.broadcast %squeeze3A_1107 : f32 to vector<16xf32>
        %slice3A_1109 = vector.extract_strided_slice %exp3A_1080 {offsets = [3], sizes = [1], strides = [1]} : vector<16xf32> to vector<1xf32>
        %squeeze3A_1110 = vector.extract %slice3A_1109[0] : f32 from vector<1xf32>
        %broadcast_in_dim3A_1111 = vector.broadcast %squeeze3A_1110 : f32 to vector<16xf32>
        %select_n3A_1112 = arith.select %lt3A_1105, %broadcast_in_dim3A_1108, %broadcast_in_dim3A_1111 : vector<16xi1>, vector<16xf32>
        %get3A_1113 = arith.index_cast %add3A_1065 : i32 to index
        %get3A_1114 = arith.constant 16 : index
        %get3A_1115 = tpu.vector_load %arg10[%get3A_1113, %get3A_1114] {strides = array<i32>} : memref<64x128xf32, #tpu.memory_space<vmem>>, vector<16xf32>,
        %mul3A_1116 = arith.mulf %get3A_1115, %select_n3A_1112 : vector<16xf32>
        %swap3A_1117 = arith.index_cast %add3A_1065 : i32 to index
        %swap3A_1118 = arith.constant 16 : index
        %swap3A_1119 = tpu.vector_load %arg11[%swap3A_1117, %swap3A_1118] {strides = array<i32>} : memref<64x128xf32, #tpu.memory_space<vmem>>, vector<16xf32>,
        tpu.vector_store %arg11[%swap3A_1117, %swap3A_1118], %mul3A_1116 {strides = array<i32>} : memref<64x128xf32, #tpu.memory_space<vmem>>, vector<16xf32>,
        %iota3A_1120 = tpu.iota {dimensions = array<i32: 0>} : vector<16xi32>
        %lt3A_1121 = arith.constant 8 : i32
        %lt3A_1122 = vector.broadcast %lt3A_1121 : i32 to vector<16xi32>
        %lt3A_1123 = arith.cmpi slt, %iota3A_1120, %lt3A_1122 : vector<16xi32>
        %slice3A_1124 = vector.extract_strided_slice %exp3A_1080 {offsets = [4], sizes = [1], strides = [1]} : vector<16xf32> to vector<1xf32>
        %squeeze3A_1125 = vector.extract %slice3A_1124[0] : f32 from vector<1xf32>
        %broadcast_in_dim3A_1126 = vector.broadcast %squeeze3A_1125 : f32 to vector<16xf32>
        %slice3A_1127 = vector.extract_strided_slice %exp3A_1080 {offsets = [5], sizes = [1], strides = [1]} : vector<16xf32> to vector<1xf32>
        %squeeze3A_1128 = vector.extract %slice3A_1127[0] : f32 from vector<1xf32>
        %broadcast_in_dim3A_1129 = vector.broadcast %squeeze3A_1128 : f32 to vector<16xf32>
        %select_n3A_1130 = arith.select %lt3A_1123, %broadcast_in_dim3A_1126, %broadcast_in_dim3A_1129 : vector<16xi1>, vector<16xf32>
        %get3A_1131 = arith.index_cast %add3A_1065 : i32 to index
        %get3A_1132 = arith.constant 32 : index
        %get3A_1133 = tpu.vector_load %arg10[%get3A_1131, %get3A_1132] {strides = array<i32>} : memref<64x128xf32, #tpu.memory_space<vmem>>, vector<16xf32>,
        %mul3A_1134 = arith.mulf %get3A_1133, %select_n3A_1130 : vector<16xf32>
        %swap3A_1135 = arith.index_cast %add3A_1065 : i32 to index
        %swap3A_1136 = arith.constant 32 : index
        %swap3A_1137 = tpu.vector_load %arg11[%swap3A_1135, %swap3A_1136] {strides = array<i32>} : memref<64x128xf32, #tpu.memory_space<vmem>>, vector<16xf32>,
        tpu.vector_store %arg11[%swap3A_1135, %swap3A_1136], %mul3A_1134 {strides = array<i32>} : memref<64x128xf32, #tpu.memory_space<vmem>>, vector<16xf32>,
        %iota3A_1138 = tpu.iota {dimensions = array<i32: 0>} : vector<16xi32>
        %lt3A_1139 = arith.constant 8 : i32
        %lt3A_1140 = vector.broadcast %lt3A_1139 : i32 to vector<16xi32>
        %lt3A_1141 = arith.cmpi slt, %iota3A_1138, %lt3A_1140 : vector<16xi32>
        %slice3A_1142 = vector.extract_strided_slice %exp3A_1080 {offsets = [6], sizes = [1], strides = [1]} : vector<16xf32> to vector<1xf32>
        %squeeze3A_1143 = vector.extract %slice3A_1142[0] : f32 from vector<1xf32>
        %broadcast_in_dim3A_1144 = vector.broadcast %squeeze3A_1143 : f32 to vector<16xf32>
        %slice3A_1145 = vector.extract_strided_slice %exp3A_1080 {offsets = [7], sizes = [1], strides = [1]} : vector<16xf32> to vector<1xf32>
        %squeeze3A_1146 = vector.extract %slice3A_1145[0] : f32 from vector<1xf32>
        %broadcast_in_dim3A_1147 = vector.broadcast %squeeze3A_1146 : f32 to vector<16xf32>
        %select_n3A_1148 = arith.select %lt3A_1141, %broadcast_in_dim3A_1144, %broadcast_in_dim3A_1147 : vector<16xi1>, vector<16xf32>
        %get3A_1149 = arith.index_cast %add3A_1065 : i32 to index
        %get3A_1150 = arith.constant 48 : index
        %get3A_1151 = tpu.vector_load %arg10[%get3A_1149, %get3A_1150] {strides = array<i32>} : memref<64x128xf32, #tpu.memory_space<vmem>>, vector<16xf32>,
        %mul3A_1152 = arith.mulf %get3A_1151, %select_n3A_1148 : vector<16xf32>
        %swap3A_1153 = arith.index_cast %add3A_1065 : i32 to index
        %swap3A_1154 = arith.constant 48 : index
        %swap3A_1155 = tpu.vector_load %arg11[%swap3A_1153, %swap3A_1154] {strides = array<i32>} : memref<64x128xf32, #tpu.memory_space<vmem>>, vector<16xf32>,
        tpu.vector_store %arg11[%swap3A_1153, %swap3A_1154], %mul3A_1152 {strides = array<i32>} : memref<64x128xf32, #tpu.memory_space<vmem>>, vector<16xf32>,
        %mul3A_1156 = arith.constant 16 : i32
        %mul3A_1157 = arith.muli %scan3A_37, %mul3A_1156 : i32
        %add3A_1158 = arith.constant 12 : i32
        %add3A_1159 = arith.addi %mul3A_1157, %add3A_1158 : i32
        %get3A_1160 = arith.index_cast %add3A_1159 : i32 to index
        %get3A_1161 = arith.constant 0 : index
        %get3A_1162 = tpu.vector_load %arg12[%get3A_1160, %get3A_1161] {strides = array<i32>} : memref<64x128xf32, #tpu.memory_space<vmem>>, vector<16xf32>,
        %get3A_1163 = arith.index_cast %add3A_1159 : i32 to index
        %get3A_1164 = arith.constant 64 : index
        %get3A_1165 = tpu.vector_load %arg10[%get3A_1163, %get3A_1164] {strides = array<i32>} : memref<64x128xf32, #tpu.memory_space<vmem>>, vector<16xf32>,
        %add3A_1166 = arith.addf %get3A_1165, %get3A_1162 : vector<16xf32>
        %ge3A_1167 = arith.constant 0.000000e+00 : f32
        %ge3A_1168 = vector.broadcast %ge3A_1167 : f32 to vector<16xf32>
        %ge3A_1169 = arith.cmpf oge, %add3A_1166, %ge3A_1168 : vector<16xf32>
        %mul3A_1170 = arith.constant 2.000000e-01 : f32
        %mul3A_1171 = vector.broadcast %mul3A_1170 : f32 to vector<16xf32>
        %mul3A_1172 = arith.mulf %mul3A_1171, %add3A_1166 : vector<16xf32>
        %select_n3A_1173 = arith.select %ge3A_1169, %add3A_1166, %mul3A_1172 : vector<16xi1>, vector<16xf32>
        %exp3A_1174 = math.exp %select_n3A_1173 : vector<16xf32>
        %swap3A_1175 = arith.index_cast %add3A_1159 : i32 to index
        %swap3A_1176 = arith.constant 64 : index
        %swap3A_1177 = tpu.vector_load %arg11[%swap3A_1175, %swap3A_1176] {strides = array<i32>} : memref<64x128xf32, #tpu.memory_space<vmem>>, vector<16xf32>,
        tpu.vector_store %arg11[%swap3A_1175, %swap3A_1176], %exp3A_1174 {strides = array<i32>} : memref<64x128xf32, #tpu.memory_space<vmem>>, vector<16xf32>,
        %iota3A_1178 = tpu.iota {dimensions = array<i32: 0>} : vector<16xi32>
        %lt3A_1179 = arith.constant 8 : i32
        %lt3A_1180 = vector.broadcast %lt3A_1179 : i32 to vector<16xi32>
        %lt3A_1181 = arith.cmpi slt, %iota3A_1178, %lt3A_1180 : vector<16xi32>
        %slice3A_1182 = vector.extract_strided_slice %exp3A_1174 {offsets = [0], sizes = [1], strides = [1]} : vector<16xf32> to vector<1xf32>
        %squeeze3A_1183 = vector.extract %slice3A_1182[0] : f32 from vector<1xf32>
        %broadcast_in_dim3A_1184 = vector.broadcast %squeeze3A_1183 : f32 to vector<16xf32>
        %slice3A_1185 = vector.extract_strided_slice %exp3A_1174 {offsets = [1], sizes = [1], strides = [1]} : vector<16xf32> to vector<1xf32>
        %squeeze3A_1186 = vector.extract %slice3A_1185[0] : f32 from vector<1xf32>
        %broadcast_in_dim3A_1187 = vector.broadcast %squeeze3A_1186 : f32 to vector<16xf32>
        %select_n3A_1188 = arith.select %lt3A_1181, %broadcast_in_dim3A_1184, %broadcast_in_dim3A_1187 : vector<16xi1>, vector<16xf32>
        %get3A_1189 = arith.index_cast %add3A_1159 : i32 to index
        %get3A_1190 = arith.constant 0 : index
        %get3A_1191 = tpu.vector_load %arg10[%get3A_1189, %get3A_1190] {strides = array<i32>} : memref<64x128xf32, #tpu.memory_space<vmem>>, vector<16xf32>,
        %mul3A_1192 = arith.mulf %get3A_1191, %select_n3A_1188 : vector<16xf32>
        %swap3A_1193 = arith.index_cast %add3A_1159 : i32 to index
        %swap3A_1194 = arith.constant 0 : index
        %swap3A_1195 = tpu.vector_load %arg11[%swap3A_1193, %swap3A_1194] {strides = array<i32>} : memref<64x128xf32, #tpu.memory_space<vmem>>, vector<16xf32>,
        tpu.vector_store %arg11[%swap3A_1193, %swap3A_1194], %mul3A_1192 {strides = array<i32>} : memref<64x128xf32, #tpu.memory_space<vmem>>, vector<16xf32>,
        %iota3A_1196 = tpu.iota {dimensions = array<i32: 0>} : vector<16xi32>
        %lt3A_1197 = arith.constant 8 : i32
        %lt3A_1198 = vector.broadcast %lt3A_1197 : i32 to vector<16xi32>
        %lt3A_1199 = arith.cmpi slt, %iota3A_1196, %lt3A_1198 : vector<16xi32>
        %slice3A_1200 = vector.extract_strided_slice %exp3A_1174 {offsets = [2], sizes = [1], strides = [1]} : vector<16xf32> to vector<1xf32>
        %squeeze3A_1201 = vector.extract %slice3A_1200[0] : f32 from vector<1xf32>
        %broadcast_in_dim3A_1202 = vector.broadcast %squeeze3A_1201 : f32 to vector<16xf32>
        %slice3A_1203 = vector.extract_strided_slice %exp3A_1174 {offsets = [3], sizes = [1], strides = [1]} : vector<16xf32> to vector<1xf32>
        %squeeze3A_1204 = vector.extract %slice3A_1203[0] : f32 from vector<1xf32>
        %broadcast_in_dim3A_1205 = vector.broadcast %squeeze3A_1204 : f32 to vector<16xf32>
        %select_n3A_1206 = arith.select %lt3A_1199, %broadcast_in_dim3A_1202, %broadcast_in_dim3A_1205 : vector<16xi1>, vector<16xf32>
        %get3A_1207 = arith.index_cast %add3A_1159 : i32 to index
        %get3A_1208 = arith.constant 16 : index
        %get3A_1209 = tpu.vector_load %arg10[%get3A_1207, %get3A_1208] {strides = array<i32>} : memref<64x128xf32, #tpu.memory_space<vmem>>, vector<16xf32>,
        %mul3A_1210 = arith.mulf %get3A_1209, %select_n3A_1206 : vector<16xf32>
        %swap3A_1211 = arith.index_cast %add3A_1159 : i32 to index
        %swap3A_1212 = arith.constant 16 : index
        %swap3A_1213 = tpu.vector_load %arg11[%swap3A_1211, %swap3A_1212] {strides = array<i32>} : memref<64x128xf32, #tpu.memory_space<vmem>>, vector<16xf32>,
        tpu.vector_store %arg11[%swap3A_1211, %swap3A_1212], %mul3A_1210 {strides = array<i32>} : memref<64x128xf32, #tpu.memory_space<vmem>>, vector<16xf32>,
        %iota3A_1214 = tpu.iota {dimensions = array<i32: 0>} : vector<16xi32>
        %lt3A_1215 = arith.constant 8 : i32
        %lt3A_1216 = vector.broadcast %lt3A_1215 : i32 to vector<16xi32>
        %lt3A_1217 = arith.cmpi slt, %iota3A_1214, %lt3A_1216 : vector<16xi32>
        %slice3A_1218 = vector.extract_strided_slice %exp3A_1174 {offsets = [4], sizes = [1], strides = [1]} : vector<16xf32> to vector<1xf32>
        %squeeze3A_1219 = vector.extract %slice3A_1218[0] : f32 from vector<1xf32>
        %broadcast_in_dim3A_1220 = vector.broadcast %squeeze3A_1219 : f32 to vector<16xf32>
        %slice3A_1221 = vector.extract_strided_slice %exp3A_1174 {offsets = [5], sizes = [1], strides = [1]} : vector<16xf32> to vector<1xf32>
        %squeeze3A_1222 = vector.extract %slice3A_1221[0] : f32 from vector<1xf32>
        %broadcast_in_dim3A_1223 = vector.broadcast %squeeze3A_1222 : f32 to vector<16xf32>
        %select_n3A_1224 = arith.select %lt3A_1217, %broadcast_in_dim3A_1220, %broadcast_in_dim3A_1223 : vector<16xi1>, vector<16xf32>
        %get3A_1225 = arith.index_cast %add3A_1159 : i32 to index
        %get3A_1226 = arith.constant 32 : index
        %get3A_1227 = tpu.vector_load %arg10[%get3A_1225, %get3A_1226] {strides = array<i32>} : memref<64x128xf32, #tpu.memory_space<vmem>>, vector<16xf32>,
        %mul3A_1228 = arith.mulf %get3A_1227, %select_n3A_1224 : vector<16xf32>
        %swap3A_1229 = arith.index_cast %add3A_1159 : i32 to index
        %swap3A_1230 = arith.constant 32 : index
        %swap3A_1231 = tpu.vector_load %arg11[%swap3A_1229, %swap3A_1230] {strides = array<i32>} : memref<64x128xf32, #tpu.memory_space<vmem>>, vector<16xf32>,
        tpu.vector_store %arg11[%swap3A_1229, %swap3A_1230], %mul3A_1228 {strides = array<i32>} : memref<64x128xf32, #tpu.memory_space<vmem>>, vector<16xf32>,
        %iota3A_1232 = tpu.iota {dimensions = array<i32: 0>} : vector<16xi32>
        %lt3A_1233 = arith.constant 8 : i32
        %lt3A_1234 = vector.broadcast %lt3A_1233 : i32 to vector<16xi32>
        %lt3A_1235 = arith.cmpi slt, %iota3A_1232, %lt3A_1234 : vector<16xi32>
        %slice3A_1236 = vector.extract_strided_slice %exp3A_1174 {offsets = [6], sizes = [1], strides = [1]} : vector<16xf32> to vector<1xf32>
        %squeeze3A_1237 = vector.extract %slice3A_1236[0] : f32 from vector<1xf32>
        %broadcast_in_dim3A_1238 = vector.broadcast %squeeze3A_1237 : f32 to vector<16xf32>
        %slice3A_1239 = vector.extract_strided_slice %exp3A_1174 {offsets = [7], sizes = [1], strides = [1]} : vector<16xf32> to vector<1xf32>
        %squeeze3A_1240 = vector.extract %slice3A_1239[0] : f32 from vector<1xf32>
        %broadcast_in_dim3A_1241 = vector.broadcast %squeeze3A_1240 : f32 to vector<16xf32>
        %select_n3A_1242 = arith.select %lt3A_1235, %broadcast_in_dim3A_1238, %broadcast_in_dim3A_1241 : vector<16xi1>, vector<16xf32>
        %get3A_1243 = arith.index_cast %add3A_1159 : i32 to index
        %get3A_1244 = arith.constant 48 : index
        %get3A_1245 = tpu.vector_load %arg10[%get3A_1243, %get3A_1244] {strides = array<i32>} : memref<64x128xf32, #tpu.memory_space<vmem>>, vector<16xf32>,
        %mul3A_1246 = arith.mulf %get3A_1245, %select_n3A_1242 : vector<16xf32>
        %swap3A_1247 = arith.index_cast %add3A_1159 : i32 to index
        %swap3A_1248 = arith.constant 48 : index
        %swap3A_1249 = tpu.vector_load %arg11[%swap3A_1247, %swap3A_1248] {strides = array<i32>} : memref<64x128xf32, #tpu.memory_space<vmem>>, vector<16xf32>,
        tpu.vector_store %arg11[%swap3A_1247, %swap3A_1248], %mul3A_1246 {strides = array<i32>} : memref<64x128xf32, #tpu.memory_space<vmem>>, vector<16xf32>,
        %mul3A_1250 = arith.constant 16 : i32
        %mul3A_1251 = arith.muli %scan3A_37, %mul3A_1250 : i32
        %add3A_1252 = arith.constant 13 : i32
        %add3A_1253 = arith.addi %mul3A_1251, %add3A_1252 : i32
        %get3A_1254 = arith.index_cast %add3A_1253 : i32 to index
        %get3A_1255 = arith.constant 0 : index
        %get3A_1256 = tpu.vector_load %arg12[%get3A_1254, %get3A_1255] {strides = array<i32>} : memref<64x128xf32, #tpu.memory_space<vmem>>, vector<16xf32>,
        %get3A_1257 = arith.index_cast %add3A_1253 : i32 to index
        %get3A_1258 = arith.constant 64 : index
        %get3A_1259 = tpu.vector_load %arg10[%get3A_1257, %get3A_1258] {strides = array<i32>} : memref<64x128xf32, #tpu.memory_space<vmem>>, vector<16xf32>,
        %add3A_1260 = arith.addf %get3A_1259, %get3A_1256 : vector<16xf32>
        %ge3A_1261 = arith.constant 0.000000e+00 : f32
        %ge3A_1262 = vector.broadcast %ge3A_1261 : f32 to vector<16xf32>
        %ge3A_1263 = arith.cmpf oge, %add3A_1260, %ge3A_1262 : vector<16xf32>
        %mul3A_1264 = arith.constant 2.000000e-01 : f32
        %mul3A_1265 = vector.broadcast %mul3A_1264 : f32 to vector<16xf32>
        %mul3A_1266 = arith.mulf %mul3A_1265, %add3A_1260 : vector<16xf32>
        %select_n3A_1267 = arith.select %ge3A_1263, %add3A_1260, %mul3A_1266 : vector<16xi1>, vector<16xf32>
        %exp3A_1268 = math.exp %select_n3A_1267 : vector<16xf32>
        %swap3A_1269 = arith.index_cast %add3A_1253 : i32 to index
        %swap3A_1270 = arith.constant 64 : index
        %swap3A_1271 = tpu.vector_load %arg11[%swap3A_1269, %swap3A_1270] {strides = array<i32>} : memref<64x128xf32, #tpu.memory_space<vmem>>, vector<16xf32>,
        tpu.vector_store %arg11[%swap3A_1269, %swap3A_1270], %exp3A_1268 {strides = array<i32>} : memref<64x128xf32, #tpu.memory_space<vmem>>, vector<16xf32>,
        %iota3A_1272 = tpu.iota {dimensions = array<i32: 0>} : vector<16xi32>
        %lt3A_1273 = arith.constant 8 : i32
        %lt3A_1274 = vector.broadcast %lt3A_1273 : i32 to vector<16xi32>
        %lt3A_1275 = arith.cmpi slt, %iota3A_1272, %lt3A_1274 : vector<16xi32>
        %slice3A_1276 = vector.extract_strided_slice %exp3A_1268 {offsets = [0], sizes = [1], strides = [1]} : vector<16xf32> to vector<1xf32>
        %squeeze3A_1277 = vector.extract %slice3A_1276[0] : f32 from vector<1xf32>
        %broadcast_in_dim3A_1278 = vector.broadcast %squeeze3A_1277 : f32 to vector<16xf32>
        %slice3A_1279 = vector.extract_strided_slice %exp3A_1268 {offsets = [1], sizes = [1], strides = [1]} : vector<16xf32> to vector<1xf32>
        %squeeze3A_1280 = vector.extract %slice3A_1279[0] : f32 from vector<1xf32>
        %broadcast_in_dim3A_1281 = vector.broadcast %squeeze3A_1280 : f32 to vector<16xf32>
        %select_n3A_1282 = arith.select %lt3A_1275, %broadcast_in_dim3A_1278, %broadcast_in_dim3A_1281 : vector<16xi1>, vector<16xf32>
        %get3A_1283 = arith.index_cast %add3A_1253 : i32 to index
        %get3A_1284 = arith.constant 0 : index
        %get3A_1285 = tpu.vector_load %arg10[%get3A_1283, %get3A_1284] {strides = array<i32>} : memref<64x128xf32, #tpu.memory_space<vmem>>, vector<16xf32>,
        %mul3A_1286 = arith.mulf %get3A_1285, %select_n3A_1282 : vector<16xf32>
        %swap3A_1287 = arith.index_cast %add3A_1253 : i32 to index
        %swap3A_1288 = arith.constant 0 : index
        %swap3A_1289 = tpu.vector_load %arg11[%swap3A_1287, %swap3A_1288] {strides = array<i32>} : memref<64x128xf32, #tpu.memory_space<vmem>>, vector<16xf32>,
        tpu.vector_store %arg11[%swap3A_1287, %swap3A_1288], %mul3A_1286 {strides = array<i32>} : memref<64x128xf32, #tpu.memory_space<vmem>>, vector<16xf32>,
        %iota3A_1290 = tpu.iota {dimensions = array<i32: 0>} : vector<16xi32>
        %lt3A_1291 = arith.constant 8 : i32
        %lt3A_1292 = vector.broadcast %lt3A_1291 : i32 to vector<16xi32>
        %lt3A_1293 = arith.cmpi slt, %iota3A_1290, %lt3A_1292 : vector<16xi32>
        %slice3A_1294 = vector.extract_strided_slice %exp3A_1268 {offsets = [2], sizes = [1], strides = [1]} : vector<16xf32> to vector<1xf32>
        %squeeze3A_1295 = vector.extract %slice3A_1294[0] : f32 from vector<1xf32>
        %broadcast_in_dim3A_1296 = vector.broadcast %squeeze3A_1295 : f32 to vector<16xf32>
        %slice3A_1297 = vector.extract_strided_slice %exp3A_1268 {offsets = [3], sizes = [1], strides = [1]} : vector<16xf32> to vector<1xf32>
        %squeeze3A_1298 = vector.extract %slice3A_1297[0] : f32 from vector<1xf32>
        %broadcast_in_dim3A_1299 = vector.broadcast %squeeze3A_1298 : f32 to vector<16xf32>
        %select_n3A_1300 = arith.select %lt3A_1293, %broadcast_in_dim3A_1296, %broadcast_in_dim3A_1299 : vector<16xi1>, vector<16xf32>
        %get3A_1301 = arith.index_cast %add3A_1253 : i32 to index
        %get3A_1302 = arith.constant 16 : index
        %get3A_1303 = tpu.vector_load %arg10[%get3A_1301, %get3A_1302] {strides = array<i32>} : memref<64x128xf32, #tpu.memory_space<vmem>>, vector<16xf32>,
        %mul3A_1304 = arith.mulf %get3A_1303, %select_n3A_1300 : vector<16xf32>
        %swap3A_1305 = arith.index_cast %add3A_1253 : i32 to index
        %swap3A_1306 = arith.constant 16 : index
        %swap3A_1307 = tpu.vector_load %arg11[%swap3A_1305, %swap3A_1306] {strides = array<i32>} : memref<64x128xf32, #tpu.memory_space<vmem>>, vector<16xf32>,
        tpu.vector_store %arg11[%swap3A_1305, %swap3A_1306], %mul3A_1304 {strides = array<i32>} : memref<64x128xf32, #tpu.memory_space<vmem>>, vector<16xf32>,
        %iota3A_1308 = tpu.iota {dimensions = array<i32: 0>} : vector<16xi32>
        %lt3A_1309 = arith.constant 8 : i32
        %lt3A_1310 = vector.broadcast %lt3A_1309 : i32 to vector<16xi32>
        %lt3A_1311 = arith.cmpi slt, %iota3A_1308, %lt3A_1310 : vector<16xi32>
        %slice3A_1312 = vector.extract_strided_slice %exp3A_1268 {offsets = [4], sizes = [1], strides = [1]} : vector<16xf32> to vector<1xf32>
        %squeeze3A_1313 = vector.extract %slice3A_1312[0] : f32 from vector<1xf32>
        %broadcast_in_dim3A_1314 = vector.broadcast %squeeze3A_1313 : f32 to vector<16xf32>
        %slice3A_1315 = vector.extract_strided_slice %exp3A_1268 {offsets = [5], sizes = [1], strides = [1]} : vector<16xf32> to vector<1xf32>
        %squeeze3A_1316 = vector.extract %slice3A_1315[0] : f32 from vector<1xf32>
        %broadcast_in_dim3A_1317 = vector.broadcast %squeeze3A_1316 : f32 to vector<16xf32>
        %select_n3A_1318 = arith.select %lt3A_1311, %broadcast_in_dim3A_1314, %broadcast_in_dim3A_1317 : vector<16xi1>, vector<16xf32>
        %get3A_1319 = arith.index_cast %add3A_1253 : i32 to index
        %get3A_1320 = arith.constant 32 : index
        %get3A_1321 = tpu.vector_load %arg10[%get3A_1319, %get3A_1320] {strides = array<i32>} : memref<64x128xf32, #tpu.memory_space<vmem>>, vector<16xf32>,
        %mul3A_1322 = arith.mulf %get3A_1321, %select_n3A_1318 : vector<16xf32>
        %swap3A_1323 = arith.index_cast %add3A_1253 : i32 to index
        %swap3A_1324 = arith.constant 32 : index
        %swap3A_1325 = tpu.vector_load %arg11[%swap3A_1323, %swap3A_1324] {strides = array<i32>} : memref<64x128xf32, #tpu.memory_space<vmem>>, vector<16xf32>,
        tpu.vector_store %arg11[%swap3A_1323, %swap3A_1324], %mul3A_1322 {strides = array<i32>} : memref<64x128xf32, #tpu.memory_space<vmem>>, vector<16xf32>,
        %iota3A_1326 = tpu.iota {dimensions = array<i32: 0>} : vector<16xi32>
        %lt3A_1327 = arith.constant 8 : i32
        %lt3A_1328 = vector.broadcast %lt3A_1327 : i32 to vector<16xi32>
        %lt3A_1329 = arith.cmpi slt, %iota3A_1326, %lt3A_1328 : vector<16xi32>
        %slice3A_1330 = vector.extract_strided_slice %exp3A_1268 {offsets = [6], sizes = [1], strides = [1]} : vector<16xf32> to vector<1xf32>
        %squeeze3A_1331 = vector.extract %slice3A_1330[0] : f32 from vector<1xf32>
        %broadcast_in_dim3A_1332 = vector.broadcast %squeeze3A_1331 : f32 to vector<16xf32>
        %slice3A_1333 = vector.extract_strided_slice %exp3A_1268 {offsets = [7], sizes = [1], strides = [1]} : vector<16xf32> to vector<1xf32>
        %squeeze3A_1334 = vector.extract %slice3A_1333[0] : f32 from vector<1xf32>
        %broadcast_in_dim3A_1335 = vector.broadcast %squeeze3A_1334 : f32 to vector<16xf32>
        %select_n3A_1336 = arith.select %lt3A_1329, %broadcast_in_dim3A_1332, %broadcast_in_dim3A_1335 : vector<16xi1>, vector<16xf32>
        %get3A_1337 = arith.index_cast %add3A_1253 : i32 to index
        %get3A_1338 = arith.constant 48 : index
        %get3A_1339 = tpu.vector_load %arg10[%get3A_1337, %get3A_1338] {strides = array<i32>} : memref<64x128xf32, #tpu.memory_space<vmem>>, vector<16xf32>,
        %mul3A_1340 = arith.mulf %get3A_1339, %select_n3A_1336 : vector<16xf32>
        %swap3A_1341 = arith.index_cast %add3A_1253 : i32 to index
        %swap3A_1342 = arith.constant 48 : index
        %swap3A_1343 = tpu.vector_load %arg11[%swap3A_1341, %swap3A_1342] {strides = array<i32>} : memref<64x128xf32, #tpu.memory_space<vmem>>, vector<16xf32>,
        tpu.vector_store %arg11[%swap3A_1341, %swap3A_1342], %mul3A_1340 {strides = array<i32>} : memref<64x128xf32, #tpu.memory_space<vmem>>, vector<16xf32>,
        %mul3A_1344 = arith.constant 16 : i32
        %mul3A_1345 = arith.muli %scan3A_37, %mul3A_1344 : i32
        %add3A_1346 = arith.constant 14 : i32
        %add3A_1347 = arith.addi %mul3A_1345, %add3A_1346 : i32
        %get3A_1348 = arith.index_cast %add3A_1347 : i32 to index
        %get3A_1349 = arith.constant 0 : index
        %get3A_1350 = tpu.vector_load %arg12[%get3A_1348, %get3A_1349] {strides = array<i32>} : memref<64x128xf32, #tpu.memory_space<vmem>>, vector<16xf32>,
        %get3A_1351 = arith.index_cast %add3A_1347 : i32 to index
        %get3A_1352 = arith.constant 64 : index
        %get3A_1353 = tpu.vector_load %arg10[%get3A_1351, %get3A_1352] {strides = array<i32>} : memref<64x128xf32, #tpu.memory_space<vmem>>, vector<16xf32>,
        %add3A_1354 = arith.addf %get3A_1353, %get3A_1350 : vector<16xf32>
        %ge3A_1355 = arith.constant 0.000000e+00 : f32
        %ge3A_1356 = vector.broadcast %ge3A_1355 : f32 to vector<16xf32>
        %ge3A_1357 = arith.cmpf oge, %add3A_1354, %ge3A_1356 : vector<16xf32>
        %mul3A_1358 = arith.constant 2.000000e-01 : f32
        %mul3A_1359 = vector.broadcast %mul3A_1358 : f32 to vector<16xf32>
        %mul3A_1360 = arith.mulf %mul3A_1359, %add3A_1354 : vector<16xf32>
        %select_n3A_1361 = arith.select %ge3A_1357, %add3A_1354, %mul3A_1360 : vector<16xi1>, vector<16xf32>
        %exp3A_1362 = math.exp %select_n3A_1361 : vector<16xf32>
        %swap3A_1363 = arith.index_cast %add3A_1347 : i32 to index
        %swap3A_1364 = arith.constant 64 : index
        %swap3A_1365 = tpu.vector_load %arg11[%swap3A_1363, %swap3A_1364] {strides = array<i32>} : memref<64x128xf32, #tpu.memory_space<vmem>>, vector<16xf32>,
        tpu.vector_store %arg11[%swap3A_1363, %swap3A_1364], %exp3A_1362 {strides = array<i32>} : memref<64x128xf32, #tpu.memory_space<vmem>>, vector<16xf32>,
        %iota3A_1366 = tpu.iota {dimensions = array<i32: 0>} : vector<16xi32>
        %lt3A_1367 = arith.constant 8 : i32
        %lt3A_1368 = vector.broadcast %lt3A_1367 : i32 to vector<16xi32>
        %lt3A_1369 = arith.cmpi slt, %iota3A_1366, %lt3A_1368 : vector<16xi32>
        %slice3A_1370 = vector.extract_strided_slice %exp3A_1362 {offsets = [0], sizes = [1], strides = [1]} : vector<16xf32> to vector<1xf32>
        %squeeze3A_1371 = vector.extract %slice3A_1370[0] : f32 from vector<1xf32>
        %broadcast_in_dim3A_1372 = vector.broadcast %squeeze3A_1371 : f32 to vector<16xf32>
        %slice3A_1373 = vector.extract_strided_slice %exp3A_1362 {offsets = [1], sizes = [1], strides = [1]} : vector<16xf32> to vector<1xf32>
        %squeeze3A_1374 = vector.extract %slice3A_1373[0] : f32 from vector<1xf32>
        %broadcast_in_dim3A_1375 = vector.broadcast %squeeze3A_1374 : f32 to vector<16xf32>
        %select_n3A_1376 = arith.select %lt3A_1369, %broadcast_in_dim3A_1372, %broadcast_in_dim3A_1375 : vector<16xi1>, vector<16xf32>
        %get3A_1377 = arith.index_cast %add3A_1347 : i32 to index
        %get3A_1378 = arith.constant 0 : index
        %get3A_1379 = tpu.vector_load %arg10[%get3A_1377, %get3A_1378] {strides = array<i32>} : memref<64x128xf32, #tpu.memory_space<vmem>>, vector<16xf32>,
        %mul3A_1380 = arith.mulf %get3A_1379, %select_n3A_1376 : vector<16xf32>
        %swap3A_1381 = arith.index_cast %add3A_1347 : i32 to index
        %swap3A_1382 = arith.constant 0 : index
        %swap3A_1383 = tpu.vector_load %arg11[%swap3A_1381, %swap3A_1382] {strides = array<i32>} : memref<64x128xf32, #tpu.memory_space<vmem>>, vector<16xf32>,
        tpu.vector_store %arg11[%swap3A_1381, %swap3A_1382], %mul3A_1380 {strides = array<i32>} : memref<64x128xf32, #tpu.memory_space<vmem>>, vector<16xf32>,
        %iota3A_1384 = tpu.iota {dimensions = array<i32: 0>} : vector<16xi32>
        %lt3A_1385 = arith.constant 8 : i32
        %lt3A_1386 = vector.broadcast %lt3A_1385 : i32 to vector<16xi32>
        %lt3A_1387 = arith.cmpi slt, %iota3A_1384, %lt3A_1386 : vector<16xi32>
        %slice3A_1388 = vector.extract_strided_slice %exp3A_1362 {offsets = [2], sizes = [1], strides = [1]} : vector<16xf32> to vector<1xf32>
        %squeeze3A_1389 = vector.extract %slice3A_1388[0] : f32 from vector<1xf32>
        %broadcast_in_dim3A_1390 = vector.broadcast %squeeze3A_1389 : f32 to vector<16xf32>
        %slice3A_1391 = vector.extract_strided_slice %exp3A_1362 {offsets = [3], sizes = [1], strides = [1]} : vector<16xf32> to vector<1xf32>
        %squeeze3A_1392 = vector.extract %slice3A_1391[0] : f32 from vector<1xf32>
        %broadcast_in_dim3A_1393 = vector.broadcast %squeeze3A_1392 : f32 to vector<16xf32>
        %select_n3A_1394 = arith.select %lt3A_1387, %broadcast_in_dim3A_1390, %broadcast_in_dim3A_1393 : vector<16xi1>, vector<16xf32>
        %get3A_1395 = arith.index_cast %add3A_1347 : i32 to index
        %get3A_1396 = arith.constant 16 : index
        %get3A_1397 = tpu.vector_load %arg10[%get3A_1395, %get3A_1396] {strides = array<i32>} : memref<64x128xf32, #tpu.memory_space<vmem>>, vector<16xf32>,
        %mul3A_1398 = arith.mulf %get3A_1397, %select_n3A_1394 : vector<16xf32>
        %swap3A_1399 = arith.index_cast %add3A_1347 : i32 to index
        %swap3A_1400 = arith.constant 16 : index
        %swap3A_1401 = tpu.vector_load %arg11[%swap3A_1399, %swap3A_1400] {strides = array<i32>} : memref<64x128xf32, #tpu.memory_space<vmem>>, vector<16xf32>,
        tpu.vector_store %arg11[%swap3A_1399, %swap3A_1400], %mul3A_1398 {strides = array<i32>} : memref<64x128xf32, #tpu.memory_space<vmem>>, vector<16xf32>,
        %iota3A_1402 = tpu.iota {dimensions = array<i32: 0>} : vector<16xi32>
        %lt3A_1403 = arith.constant 8 : i32
        %lt3A_1404 = vector.broadcast %lt3A_1403 : i32 to vector<16xi32>
        %lt3A_1405 = arith.cmpi slt, %iota3A_1402, %lt3A_1404 : vector<16xi32>
        %slice3A_1406 = vector.extract_strided_slice %exp3A_1362 {offsets = [4], sizes = [1], strides = [1]} : vector<16xf32> to vector<1xf32>
        %squeeze3A_1407 = vector.extract %slice3A_1406[0] : f32 from vector<1xf32>
        %broadcast_in_dim3A_1408 = vector.broadcast %squeeze3A_1407 : f32 to vector<16xf32>
        %slice3A_1409 = vector.extract_strided_slice %exp3A_1362 {offsets = [5], sizes = [1], strides = [1]} : vector<16xf32> to vector<1xf32>
        %squeeze3A_1410 = vector.extract %slice3A_1409[0] : f32 from vector<1xf32>
        %broadcast_in_dim3A_1411 = vector.broadcast %squeeze3A_1410 : f32 to vector<16xf32>
        %select_n3A_1412 = arith.select %lt3A_1405, %broadcast_in_dim3A_1408, %broadcast_in_dim3A_1411 : vector<16xi1>, vector<16xf32>
        %get3A_1413 = arith.index_cast %add3A_1347 : i32 to index
        %get3A_1414 = arith.constant 32 : index
        %get3A_1415 = tpu.vector_load %arg10[%get3A_1413, %get3A_1414] {strides = array<i32>} : memref<64x128xf32, #tpu.memory_space<vmem>>, vector<16xf32>,
        %mul3A_1416 = arith.mulf %get3A_1415, %select_n3A_1412 : vector<16xf32>
        %swap3A_1417 = arith.index_cast %add3A_1347 : i32 to index
        %swap3A_1418 = arith.constant 32 : index
        %swap3A_1419 = tpu.vector_load %arg11[%swap3A_1417, %swap3A_1418] {strides = array<i32>} : memref<64x128xf32, #tpu.memory_space<vmem>>, vector<16xf32>,
        tpu.vector_store %arg11[%swap3A_1417, %swap3A_1418], %mul3A_1416 {strides = array<i32>} : memref<64x128xf32, #tpu.memory_space<vmem>>, vector<16xf32>,
        %iota3A_1420 = tpu.iota {dimensions = array<i32: 0>} : vector<16xi32>
        %lt3A_1421 = arith.constant 8 : i32
        %lt3A_1422 = vector.broadcast %lt3A_1421 : i32 to vector<16xi32>
        %lt3A_1423 = arith.cmpi slt, %iota3A_1420, %lt3A_1422 : vector<16xi32>
        %slice3A_1424 = vector.extract_strided_slice %exp3A_1362 {offsets = [6], sizes = [1], strides = [1]} : vector<16xf32> to vector<1xf32>
        %squeeze3A_1425 = vector.extract %slice3A_1424[0] : f32 from vector<1xf32>
        %broadcast_in_dim3A_1426 = vector.broadcast %squeeze3A_1425 : f32 to vector<16xf32>
        %slice3A_1427 = vector.extract_strided_slice %exp3A_1362 {offsets = [7], sizes = [1], strides = [1]} : vector<16xf32> to vector<1xf32>
        %squeeze3A_1428 = vector.extract %slice3A_1427[0] : f32 from vector<1xf32>
        %broadcast_in_dim3A_1429 = vector.broadcast %squeeze3A_1428 : f32 to vector<16xf32>
        %select_n3A_1430 = arith.select %lt3A_1423, %broadcast_in_dim3A_1426, %broadcast_in_dim3A_1429 : vector<16xi1>, vector<16xf32>
        %get3A_1431 = arith.index_cast %add3A_1347 : i32 to index
        %get3A_1432 = arith.constant 48 : index
        %get3A_1433 = tpu.vector_load %arg10[%get3A_1431, %get3A_1432] {strides = array<i32>} : memref<64x128xf32, #tpu.memory_space<vmem>>, vector<16xf32>,
        %mul3A_1434 = arith.mulf %get3A_1433, %select_n3A_1430 : vector<16xf32>
        %swap3A_1435 = arith.index_cast %add3A_1347 : i32 to index
        %swap3A_1436 = arith.constant 48 : index
        %swap3A_1437 = tpu.vector_load %arg11[%swap3A_1435, %swap3A_1436] {strides = array<i32>} : memref<64x128xf32, #tpu.memory_space<vmem>>, vector<16xf32>,
        tpu.vector_store %arg11[%swap3A_1435, %swap3A_1436], %mul3A_1434 {strides = array<i32>} : memref<64x128xf32, #tpu.memory_space<vmem>>, vector<16xf32>,
        %mul3A_1438 = arith.constant 16 : i32
        %mul3A_1439 = arith.muli %scan3A_37, %mul3A_1438 : i32
        %add3A_1440 = arith.constant 15 : i32
        %add3A_1441 = arith.addi %mul3A_1439, %add3A_1440 : i32
        %get3A_1442 = arith.index_cast %add3A_1441 : i32 to index
        %get3A_1443 = arith.constant 0 : index
        %get3A_1444 = tpu.vector_load %arg12[%get3A_1442, %get3A_1443] {strides = array<i32>} : memref<64x128xf32, #tpu.memory_space<vmem>>, vector<16xf32>,
        %get3A_1445 = arith.index_cast %add3A_1441 : i32 to index
        %get3A_1446 = arith.constant 64 : index
        %get3A_1447 = tpu.vector_load %arg10[%get3A_1445, %get3A_1446] {strides = array<i32>} : memref<64x128xf32, #tpu.memory_space<vmem>>, vector<16xf32>,
        %add3A_1448 = arith.addf %get3A_1447, %get3A_1444 : vector<16xf32>
        %ge3A_1449 = arith.constant 0.000000e+00 : f32
        %ge3A_1450 = vector.broadcast %ge3A_1449 : f32 to vector<16xf32>
        %ge3A_1451 = arith.cmpf oge, %add3A_1448, %ge3A_1450 : vector<16xf32>
        %mul3A_1452 = arith.constant 2.000000e-01 : f32
        %mul3A_1453 = vector.broadcast %mul3A_1452 : f32 to vector<16xf32>
        %mul3A_1454 = arith.mulf %mul3A_1453, %add3A_1448 : vector<16xf32>
        %select_n3A_1455 = arith.select %ge3A_1451, %add3A_1448, %mul3A_1454 : vector<16xi1>, vector<16xf32>
        %exp3A_1456 = math.exp %select_n3A_1455 : vector<16xf32>
        %swap3A_1457 = arith.index_cast %add3A_1441 : i32 to index
        %swap3A_1458 = arith.constant 64 : index
        %swap3A_1459 = tpu.vector_load %arg11[%swap3A_1457, %swap3A_1458] {strides = array<i32>} : memref<64x128xf32, #tpu.memory_space<vmem>>, vector<16xf32>,
        tpu.vector_store %arg11[%swap3A_1457, %swap3A_1458], %exp3A_1456 {strides = array<i32>} : memref<64x128xf32, #tpu.memory_space<vmem>>, vector<16xf32>,
        %iota3A_1460 = tpu.iota {dimensions = array<i32: 0>} : vector<16xi32>
        %lt3A_1461 = arith.constant 8 : i32
        %lt3A_1462 = vector.broadcast %lt3A_1461 : i32 to vector<16xi32>
        %lt3A_1463 = arith.cmpi slt, %iota3A_1460, %lt3A_1462 : vector<16xi32>
        %slice3A_1464 = vector.extract_strided_slice %exp3A_1456 {offsets = [0], sizes = [1], strides = [1]} : vector<16xf32> to vector<1xf32>
        %squeeze3A_1465 = vector.extract %slice3A_1464[0] : f32 from vector<1xf32>
        %broadcast_in_dim3A_1466 = vector.broadcast %squeeze3A_1465 : f32 to vector<16xf32>
        %slice3A_1467 = vector.extract_strided_slice %exp3A_1456 {offsets = [1], sizes = [1], strides = [1]} : vector<16xf32> to vector<1xf32>
        %squeeze3A_1468 = vector.extract %slice3A_1467[0] : f32 from vector<1xf32>
        %broadcast_in_dim3A_1469 = vector.broadcast %squeeze3A_1468 : f32 to vector<16xf32>
        %select_n3A_1470 = arith.select %lt3A_1463, %broadcast_in_dim3A_1466, %broadcast_in_dim3A_1469 : vector<16xi1>, vector<16xf32>
        %get3A_1471 = arith.index_cast %add3A_1441 : i32 to index
        %get3A_1472 = arith.constant 0 : index
        %get3A_1473 = tpu.vector_load %arg10[%get3A_1471, %get3A_1472] {strides = array<i32>} : memref<64x128xf32, #tpu.memory_space<vmem>>, vector<16xf32>,
        %mul3A_1474 = arith.mulf %get3A_1473, %select_n3A_1470 : vector<16xf32>
        %swap3A_1475 = arith.index_cast %add3A_1441 : i32 to index
        %swap3A_1476 = arith.constant 0 : index
        %swap3A_1477 = tpu.vector_load %arg11[%swap3A_1475, %swap3A_1476] {strides = array<i32>} : memref<64x128xf32, #tpu.memory_space<vmem>>, vector<16xf32>,
        tpu.vector_store %arg11[%swap3A_1475, %swap3A_1476], %mul3A_1474 {strides = array<i32>} : memref<64x128xf32, #tpu.memory_space<vmem>>, vector<16xf32>,
        %iota3A_1478 = tpu.iota {dimensions = array<i32: 0>} : vector<16xi32>
        %lt3A_1479 = arith.constant 8 : i32
        %lt3A_1480 = vector.broadcast %lt3A_1479 : i32 to vector<16xi32>
        %lt3A_1481 = arith.cmpi slt, %iota3A_1478, %lt3A_1480 : vector<16xi32>
        %slice3A_1482 = vector.extract_strided_slice %exp3A_1456 {offsets = [2], sizes = [1], strides = [1]} : vector<16xf32> to vector<1xf32>
        %squeeze3A_1483 = vector.extract %slice3A_1482[0] : f32 from vector<1xf32>
        %broadcast_in_dim3A_1484 = vector.broadcast %squeeze3A_1483 : f32 to vector<16xf32>
        %slice3A_1485 = vector.extract_strided_slice %exp3A_1456 {offsets = [3], sizes = [1], strides = [1]} : vector<16xf32> to vector<1xf32>
        %squeeze3A_1486 = vector.extract %slice3A_1485[0] : f32 from vector<1xf32>
        %broadcast_in_dim3A_1487 = vector.broadcast %squeeze3A_1486 : f32 to vector<16xf32>
        %select_n3A_1488 = arith.select %lt3A_1481, %broadcast_in_dim3A_1484, %broadcast_in_dim3A_1487 : vector<16xi1>, vector<16xf32>
        %get3A_1489 = arith.index_cast %add3A_1441 : i32 to index
        %get3A_1490 = arith.constant 16 : index
        %get3A_1491 = tpu.vector_load %arg10[%get3A_1489, %get3A_1490] {strides = array<i32>} : memref<64x128xf32, #tpu.memory_space<vmem>>, vector<16xf32>,
        %mul3A_1492 = arith.mulf %get3A_1491, %select_n3A_1488 : vector<16xf32>
        %swap3A_1493 = arith.index_cast %add3A_1441 : i32 to index
        %swap3A_1494 = arith.constant 16 : index
        %swap3A_1495 = tpu.vector_load %arg11[%swap3A_1493, %swap3A_1494] {strides = array<i32>} : memref<64x128xf32, #tpu.memory_space<vmem>>, vector<16xf32>,
        tpu.vector_store %arg11[%swap3A_1493, %swap3A_1494], %mul3A_1492 {strides = array<i32>} : memref<64x128xf32, #tpu.memory_space<vmem>>, vector<16xf32>,
        %iota3A_1496 = tpu.iota {dimensions = array<i32: 0>} : vector<16xi32>
        %lt3A_1497 = arith.constant 8 : i32
        %lt3A_1498 = vector.broadcast %lt3A_1497 : i32 to vector<16xi32>
        %lt3A_1499 = arith.cmpi slt, %iota3A_1496, %lt3A_1498 : vector<16xi32>
        %slice3A_1500 = vector.extract_strided_slice %exp3A_1456 {offsets = [4], sizes = [1], strides = [1]} : vector<16xf32> to vector<1xf32>
        %squeeze3A_1501 = vector.extract %slice3A_1500[0] : f32 from vector<1xf32>
        %broadcast_in_dim3A_1502 = vector.broadcast %squeeze3A_1501 : f32 to vector<16xf32>
        %slice3A_1503 = vector.extract_strided_slice %exp3A_1456 {offsets = [5], sizes = [1], strides = [1]} : vector<16xf32> to vector<1xf32>
        %squeeze3A_1504 = vector.extract %slice3A_1503[0] : f32 from vector<1xf32>
        %broadcast_in_dim3A_1505 = vector.broadcast %squeeze3A_1504 : f32 to vector<16xf32>
        %select_n3A_1506 = arith.select %lt3A_1499, %broadcast_in_dim3A_1502, %broadcast_in_dim3A_1505 : vector<16xi1>, vector<16xf32>
        %get3A_1507 = arith.index_cast %add3A_1441 : i32 to index
        %get3A_1508 = arith.constant 32 : index
        %get3A_1509 = tpu.vector_load %arg10[%get3A_1507, %get3A_1508] {strides = array<i32>} : memref<64x128xf32, #tpu.memory_space<vmem>>, vector<16xf32>,
        %mul3A_1510 = arith.mulf %get3A_1509, %select_n3A_1506 : vector<16xf32>
        %swap3A_1511 = arith.index_cast %add3A_1441 : i32 to index
        %swap3A_1512 = arith.constant 32 : index
        %swap3A_1513 = tpu.vector_load %arg11[%swap3A_1511, %swap3A_1512] {strides = array<i32>} : memref<64x128xf32, #tpu.memory_space<vmem>>, vector<16xf32>,
        tpu.vector_store %arg11[%swap3A_1511, %swap3A_1512], %mul3A_1510 {strides = array<i32>} : memref<64x128xf32, #tpu.memory_space<vmem>>, vector<16xf32>,
        %iota3A_1514 = tpu.iota {dimensions = array<i32: 0>} : vector<16xi32>
        %lt3A_1515 = arith.constant 8 : i32
        %lt3A_1516 = vector.broadcast %lt3A_1515 : i32 to vector<16xi32>
        %lt3A_1517 = arith.cmpi slt, %iota3A_1514, %lt3A_1516 : vector<16xi32>
        %slice3A_1518 = vector.extract_strided_slice %exp3A_1456 {offsets = [6], sizes = [1], strides = [1]} : vector<16xf32> to vector<1xf32>
        %squeeze3A_1519 = vector.extract %slice3A_1518[0] : f32 from vector<1xf32>
        %broadcast_in_dim3A_1520 = vector.broadcast %squeeze3A_1519 : f32 to vector<16xf32>
        %slice3A_1521 = vector.extract_strided_slice %exp3A_1456 {offsets = [7], sizes = [1], strides = [1]} : vector<16xf32> to vector<1xf32>
        %squeeze3A_1522 = vector.extract %slice3A_1521[0] : f32 from vector<1xf32>
        %broadcast_in_dim3A_1523 = vector.broadcast %squeeze3A_1522 : f32 to vector<16xf32>
        %select_n3A_1524 = arith.select %lt3A_1517, %broadcast_in_dim3A_1520, %broadcast_in_dim3A_1523 : vector<16xi1>, vector<16xf32>
        %get3A_1525 = arith.index_cast %add3A_1441 : i32 to index
        %get3A_1526 = arith.constant 48 : index
        %get3A_1527 = tpu.vector_load %arg10[%get3A_1525, %get3A_1526] {strides = array<i32>} : memref<64x128xf32, #tpu.memory_space<vmem>>, vector<16xf32>,
        %mul3A_1528 = arith.mulf %get3A_1527, %select_n3A_1524 : vector<16xf32>
        %swap3A_1529 = arith.index_cast %add3A_1441 : i32 to index
        %swap3A_1530 = arith.constant 48 : index
        %swap3A_1531 = tpu.vector_load %arg11[%swap3A_1529, %swap3A_1530] {strides = array<i32>} : memref<64x128xf32, #tpu.memory_space<vmem>>, vector<16xf32>,
        tpu.vector_store %arg11[%swap3A_1529, %swap3A_1530], %mul3A_1528 {strides = array<i32>} : memref<64x128xf32, #tpu.memory_space<vmem>>, vector<16xf32>,
      }
      %scan3A_36 = arith.constant 4 : i32
      "tpu.region"() ({
        %run_scoped3A = tpu.sem_alloc : memref<!tpu.dma_semaphore, #tpu.memory_space<semaphore_mem>>
        %dma_start3A_37 = arith.constant 0 : i32
        %dma_start3A_38 = arith.constant 0 : i32
        %dma_start3A_39 = tpu.memref_slice %arg13[%dma_start3A_37, %dma_start3A_38] : memref<10112x128xf32, #tpu.memory_space<vmem_shared>> -> memref<10112x128xf32, #tpu.memory_space<vmem_shared>>
        tpu.enqueue_indirect_dma source(%arg11 : memref<64x128xf32, #tpu.memory_space<vmem>>) target(%dma_start3A_39 : memref<10112x128xf32, #tpu.memory_space<vmem_shared>>) offsets(%arg9 : memref<64xi32, #tpu.memory_space<vmem>>) semaphore(%run_scoped3A : memref<!tpu.dma_semaphore, #tpu.memory_space<semaphore_mem>>) {add = true}
        %dma_wait3A_40 = arith.constant 0 : i32
        %dma_wait3A_41 = arith.constant 0 : i32
        %dma_wait3A_42 = tpu.memref_slice %arg13[%dma_wait3A_40, %dma_wait3A_41] : memref<10112x128xf32, #tpu.memory_space<vmem_shared>> -> memref<10112x128xf32, #tpu.memory_space<vmem_shared>>
        tpu.wait_indirect_dma semaphore(%run_scoped3A : memref<!tpu.dma_semaphore, #tpu.memory_space<semaphore_mem>>) src(%arg11 : memref<64x128xf32, #tpu.memory_space<vmem>>) dst(%dma_wait3A_42 : memref<10112x128xf32, #tpu.memory_space<vmem_shared>>)
        tpu.yield
      }) : () -> ()
    }
    %scan3A_15 = arith.constant 157 : i32
    %barrier3A_16 = arith.constant 0 : index
    tpu.barrier barrier_id(%barrier3A_16)
    "tpu.region"() ({
      %run_scoped3A = tpu.sem_alloc : memref<!tpu.dma_semaphore, #tpu.memory_space<semaphore_mem>>
      %dma_start3A = arith.constant 0 : i32
      %dma_start3A_17 = tpu.memref_slice %arg7[%arg0, %mul3A_2, %dma_start3A] : memref<2x10112x128xf32, #tpu.memory_space<hbm>> -> memref<1x632x128xf32, #tpu.memory_space<hbm>>
      %dma_start3A_18 = tpu.memref_squeeze %dma_start3A_17 : memref<1x632x128xf32, #tpu.memory_space<hbm>> -> memref<632x128xf32, #tpu.memory_space<hbm>>
      %dma_start3A_19 = arith.constant 0 : i32
      %dma_start3A_20 = tpu.memref_slice %arg13[%mul3A_2, %dma_start3A_19] : memref<10112x128xf32, #tpu.memory_space<vmem_shared>> -> memref<632x128xf32, #tpu.memory_space<vmem_shared>>
      tpu.enqueue_dma source(%dma_start3A_20 : memref<632x128xf32, #tpu.memory_space<vmem_shared>>) target(%dma_start3A_18 : memref<632x128xf32, #tpu.memory_space<hbm>>) target_semaphore(%run_scoped3A : memref<!tpu.dma_semaphore, #tpu.memory_space<semaphore_mem>>)
      %dma_wait3A = arith.constant 0 : i32
      %dma_wait3A_21 = tpu.memref_slice %arg7[%arg0, %mul3A_2, %dma_wait3A] : memref<2x10112x128xf32, #tpu.memory_space<hbm>> -> memref<1x632x128xf32, #tpu.memory_space<hbm>>
      %dma_wait3A_22 = tpu.memref_squeeze %dma_wait3A_21 : memref<1x632x128xf32, #tpu.memory_space<hbm>> -> memref<632x128xf32, #tpu.memory_space<hbm>>
      %dma_wait3A_23 = arith.constant 0 : i32
      %dma_wait3A_24 = tpu.memref_slice %arg13[%mul3A_2, %dma_wait3A_23] : memref<10112x128xf32, #tpu.memory_space<vmem_shared>> -> memref<632x128xf32, #tpu.memory_space<vmem_shared>>
      tpu.wait_dma2 semaphore(%run_scoped3A : memref<!tpu.dma_semaphore, #tpu.memory_space<semaphore_mem>>) src(%dma_wait3A_24 : memref<632x128xf32, #tpu.memory_space<vmem_shared>>) dst(%dma_wait3A_22 : memref<632x128xf32, #tpu.memory_space<hbm>>)
      tpu.yield
    }) : () -> ()
    return
  }
}

#map = affine_map<(d0, d1) -> (0, 0)>
#map1 = affine_map<(d0, d1) -> (0)>
#map2 = affine_map<(d0, d1) -> (0, 0, 0)>
module attributes {stable_mosaic.version = 14 : i64} {
  func.func @body(%arg0: i32, %arg1: i32, %arg2: memref<10016x128xf32, #tpu.memory_space<hbm>>, %arg3: memref<10112x128xf32, #tpu.memory_space<hbm>>, %arg4: memref<321536xi32, #tpu.memory_space<hbm>>, %arg5: memref<321536xi32, #tpu.memory_space<hbm>>, %arg6: memref<10112x128xf32, #tpu.memory_space<hbm>>, %arg7: memref<2x10112x128xf32, #tpu.memory_space<hbm>>, %arg8: memref<64xi32, #tpu.memory_space<vmem>>, %arg9: memref<64xi32, #tpu.memory_space<vmem>>, %arg10: memref<64x128xf32, #tpu.memory_space<vmem>>, %arg11: memref<64x128xf32, #tpu.memory_space<vmem>>, %arg12: memref<64x128xf32, #tpu.memory_space<vmem>>, %arg13: memref<10112x128xf32, #tpu.memory_space<vmem_shared>>, %arg14: memref<!tpu.dma_semaphore, #tpu.memory_space<semaphore_mem>>) attributes {dimension_semantics = [#tpu.dimension_semantics<core_parallel>, #tpu.dimension_semantics<subcore_parallel>], iteration_bounds = array<i64: 2, 16>, scalar_prefetch = 0 : i64, scratch_operands = 7 : i64, tpu.core_type = #tpu.core_type<sc_vector_subcore>, window_params = [{transform_indices = #map}, {transform_indices = #map}, {transform_indices = #map1}, {transform_indices = #map1}, {transform_indices = #map}, {transform_indices = #map2}]} {
    %mul3A = arith.constant 2 : i32
    %mul3A_0 = arith.muli %arg1, %mul3A : i32
    %add3A = arith.addi %mul3A_0, %arg0 : i32
    %mul3A_1 = arith.constant 632 : i32
    %mul3A_2 = arith.muli %arg1, %mul3A_1 : i32
    "tpu.region"() ({
      %run_scoped3A = tpu.sem_alloc : memref<!tpu.dma_semaphore, #tpu.memory_space<semaphore_mem>>
      %dma_start3A = arith.constant 0 : i32
      %dma_start3A_17 = tpu.memref_slice %arg13[%mul3A_2, %dma_start3A] : memref<10112x128xf32, #tpu.memory_space<vmem_shared>> -> memref<632x128xf32, #tpu.memory_space<vmem_shared>>
      %dma_start3A_18 = arith.constant 0 : i32
      %dma_start3A_19 = tpu.memref_slice %arg6[%mul3A_2, %dma_start3A_18] : memref<10112x128xf32, #tpu.memory_space<hbm>> -> memref<632x128xf32, #tpu.memory_space<hbm>>
      tpu.enqueue_dma source(%dma_start3A_19 : memref<632x128xf32, #tpu.memory_space<hbm>>) target(%dma_start3A_17 : memref<632x128xf32, #tpu.memory_space<vmem_shared>>) target_semaphore(%run_scoped3A : memref<!tpu.dma_semaphore, #tpu.memory_space<semaphore_mem>>)
      %dma_wait3A = arith.constant 0 : i32
      %dma_wait3A_20 = tpu.memref_slice %arg13[%mul3A_2, %dma_wait3A] : memref<10112x128xf32, #tpu.memory_space<vmem_shared>> -> memref<632x128xf32, #tpu.memory_space<vmem_shared>>
      %dma_wait3A_21 = arith.constant 0 : i32
      %dma_wait3A_22 = tpu.memref_slice %arg6[%mul3A_2, %dma_wait3A_21] : memref<10112x128xf32, #tpu.memory_space<hbm>> -> memref<632x128xf32, #tpu.memory_space<hbm>>
      tpu.wait_dma2 semaphore(%run_scoped3A : memref<!tpu.dma_semaphore, #tpu.memory_space<semaphore_mem>>) src(%dma_wait3A_22 : memref<632x128xf32, #tpu.memory_space<hbm>>) dst(%dma_wait3A_20 : memref<632x128xf32, #tpu.memory_space<vmem_shared>>)
      tpu.yield
    }) : () -> ()
    %scan3A = arith.constant 0 : i32
    %scan3A_3 = arith.constant 0 : i32
    %scan3A_4 = arith.constant 64 : i32
    %scan3A_5 = arith.addi %scan3A_3, %scan3A_4 : i32
    %scan3A_6 = arith.constant 1 : i32
    scf.for %scan3A_17 = %scan3A_3 to %scan3A_5 step %scan3A_6  : i32 {
      %broadcast_in_dim3A = arith.constant 0.000000e+00 : f32
      %broadcast_in_dim3A_18 = vector.broadcast %broadcast_in_dim3A : f32 to vector<16xf32>
      %swap3A = arith.index_cast %scan3A_17 : i32 to index
      %swap3A_19 = arith.constant 80 : index
      %swap3A_20 = tpu.vector_load %arg11[%swap3A, %swap3A_19] {strides = array<i32>} : memref<64x128xf32, #tpu.memory_space<vmem>>, vector<16xf32>,
      tpu.vector_store %arg11[%swap3A, %swap3A_19], %broadcast_in_dim3A_18 {strides = array<i32>} : memref<64x128xf32, #tpu.memory_space<vmem>>, vector<16xf32>,
      %broadcast_in_dim3A_21 = arith.constant 0.000000e+00 : f32
      %broadcast_in_dim3A_22 = vector.broadcast %broadcast_in_dim3A_21 : f32 to vector<16xf32>
      %swap3A_23 = arith.index_cast %scan3A_17 : i32 to index
      %swap3A_24 = arith.constant 96 : index
      %swap3A_25 = tpu.vector_load %arg11[%swap3A_23, %swap3A_24] {strides = array<i32>} : memref<64x128xf32, #tpu.memory_space<vmem>>, vector<16xf32>,
      tpu.vector_store %arg11[%swap3A_23, %swap3A_24], %broadcast_in_dim3A_22 {strides = array<i32>} : memref<64x128xf32, #tpu.memory_space<vmem>>, vector<16xf32>,
      %broadcast_in_dim3A_26 = arith.constant 0.000000e+00 : f32
      %broadcast_in_dim3A_27 = vector.broadcast %broadcast_in_dim3A_26 : f32 to vector<16xf32>
      %swap3A_28 = arith.index_cast %scan3A_17 : i32 to index
      %swap3A_29 = arith.constant 112 : index
      %swap3A_30 = tpu.vector_load %arg11[%swap3A_28, %swap3A_29] {strides = array<i32>} : memref<64x128xf32, #tpu.memory_space<vmem>>, vector<16xf32>,
      tpu.vector_store %arg11[%swap3A_28, %swap3A_29], %broadcast_in_dim3A_27 {strides = array<i32>} : memref<64x128xf32, #tpu.memory_space<vmem>>, vector<16xf32>,
    }
    %scan3A_7 = arith.constant 64 : i32
    %barrier3A = arith.constant 0 : index
    tpu.barrier barrier_id(%barrier3A)
    %mul3A_8 = arith.constant 10048 : i32
    %mul3A_9 = arith.muli %add3A, %mul3A_8 : i32
    %scan3A_10 = arith.constant 0 : i32
    %scan3A_11 = arith.constant 0 : i32
    %scan3A_12 = arith.constant 157 : i32
    %scan3A_13 = arith.addi %scan3A_11, %scan3A_12 : i32
    %scan3A_14 = arith.constant 1 : i32
    scf.for %scan3A_17 = %scan3A_11 to %scan3A_13 step %scan3A_14  : i32 {
      %mul3A_18 = arith.constant 64 : i32
      %mul3A_19 = arith.muli %scan3A_17, %mul3A_18 : i32
      %add3A_20 = arith.addi %mul3A_9, %mul3A_19 : i32
      "tpu.region"() ({
        %run_scoped3A = tpu.sem_alloc : memref<!tpu.dma_semaphore, #tpu.memory_space<semaphore_mem>>
        %dma_start3A_37 = tpu.memref_slice %arg4[%add3A_20] : memref<321536xi32, #tpu.memory_space<hbm>> -> memref<64xi32, #tpu.memory_space<hbm>>
        %dma_start3A_38 = tpu.memref_slice %arg4[%add3A_20] : memref<321536xi32, #tpu.memory_space<hbm>> -> memref<64xi32, #tpu.memory_space<hbm>>
        tpu.enqueue_dma source(%dma_start3A_38 : memref<64xi32, #tpu.memory_space<hbm>>) target(%arg8 : memref<64xi32, #tpu.memory_space<vmem>>) target_semaphore(%run_scoped3A : memref<!tpu.dma_semaphore, #tpu.memory_space<semaphore_mem>>)
        %dma_wait3A_39 = tpu.memref_slice %arg4[%add3A_20] : memref<321536xi32, #tpu.memory_space<hbm>> -> memref<64xi32, #tpu.memory_space<hbm>>
        %dma_wait3A_40 = tpu.memref_slice %arg4[%add3A_20] : memref<321536xi32, #tpu.memory_space<hbm>> -> memref<64xi32, #tpu.memory_space<hbm>>
        tpu.wait_dma2 semaphore(%run_scoped3A : memref<!tpu.dma_semaphore, #tpu.memory_space<semaphore_mem>>) src(%dma_wait3A_40 : memref<64xi32, #tpu.memory_space<hbm>>) dst(%arg8 : memref<64xi32, #tpu.memory_space<vmem>>)
        tpu.yield
      }) : () -> ()
      "tpu.region"() ({
        %run_scoped3A = tpu.sem_alloc : memref<!tpu.dma_semaphore, #tpu.memory_space<semaphore_mem>>
        %dma_start3A_37 = tpu.memref_slice %arg5[%add3A_20] : memref<321536xi32, #tpu.memory_space<hbm>> -> memref<64xi32, #tpu.memory_space<hbm>>
        %dma_start3A_38 = tpu.memref_slice %arg5[%add3A_20] : memref<321536xi32, #tpu.memory_space<hbm>> -> memref<64xi32, #tpu.memory_space<hbm>>
        tpu.enqueue_dma source(%dma_start3A_38 : memref<64xi32, #tpu.memory_space<hbm>>) target(%arg9 : memref<64xi32, #tpu.memory_space<vmem>>) target_semaphore(%run_scoped3A : memref<!tpu.dma_semaphore, #tpu.memory_space<semaphore_mem>>)
        %dma_wait3A_39 = tpu.memref_slice %arg5[%add3A_20] : memref<321536xi32, #tpu.memory_space<hbm>> -> memref<64xi32, #tpu.memory_space<hbm>>
        %dma_wait3A_40 = tpu.memref_slice %arg5[%add3A_20] : memref<321536xi32, #tpu.memory_space<hbm>> -> memref<64xi32, #tpu.memory_space<hbm>>
        tpu.wait_dma2 semaphore(%run_scoped3A : memref<!tpu.dma_semaphore, #tpu.memory_space<semaphore_mem>>) src(%dma_wait3A_40 : memref<64xi32, #tpu.memory_space<hbm>>) dst(%arg9 : memref<64xi32, #tpu.memory_space<vmem>>)
        tpu.yield
      }) : () -> ()
      %dma_start3A = arith.constant 0 : i32
      %dma_start3A_21 = arith.constant 0 : i32
      %dma_start3A_22 = tpu.memref_slice %arg2[%dma_start3A, %dma_start3A_21] : memref<10016x128xf32, #tpu.memory_space<hbm>> -> memref<10016x128xf32, #tpu.memory_space<hbm>>
      tpu.enqueue_indirect_dma source(%dma_start3A_22 : memref<10016x128xf32, #tpu.memory_space<hbm>>) target(%arg10 : memref<64x128xf32, #tpu.memory_space<vmem>>) offsets(%arg8 : memref<64xi32, #tpu.memory_space<vmem>>) semaphore(%arg14 : memref<!tpu.dma_semaphore, #tpu.memory_space<semaphore_mem>>)
      %dma_start3A_23 = arith.constant 0 : i32
      %dma_start3A_24 = arith.constant 0 : i32
      %dma_start3A_25 = tpu.memref_slice %arg3[%dma_start3A_23, %dma_start3A_24] : memref<10112x128xf32, #tpu.memory_space<hbm>> -> memref<10112x128xf32, #tpu.memory_space<hbm>>
      tpu.enqueue_indirect_dma source(%dma_start3A_25 : memref<10112x128xf32, #tpu.memory_space<hbm>>) target(%arg12 : memref<64x128xf32, #tpu.memory_space<vmem>>) offsets(%arg9 : memref<64xi32, #tpu.memory_space<vmem>>) semaphore(%arg14 : memref<!tpu.dma_semaphore, #tpu.memory_space<semaphore_mem>>)
      %dma_wait3A = arith.constant 0 : i32
      %dma_wait3A_26 = arith.constant 0 : i32
      %dma_wait3A_27 = tpu.memref_slice %arg2[%dma_wait3A, %dma_wait3A_26] : memref<10016x128xf32, #tpu.memory_space<hbm>> -> memref<10016x128xf32, #tpu.memory_space<hbm>>
      tpu.wait_indirect_dma semaphore(%arg14 : memref<!tpu.dma_semaphore, #tpu.memory_space<semaphore_mem>>) src(%dma_wait3A_27 : memref<10016x128xf32, #tpu.memory_space<hbm>>) dst(%arg10 : memref<64x128xf32, #tpu.memory_space<vmem>>)
      %dma_wait3A_28 = arith.constant 0 : i32
      %dma_wait3A_29 = arith.constant 0 : i32
      %dma_wait3A_30 = tpu.memref_slice %arg3[%dma_wait3A_28, %dma_wait3A_29] : memref<10112x128xf32, #tpu.memory_space<hbm>> -> memref<10112x128xf32, #tpu.memory_space<hbm>>
      tpu.wait_indirect_dma semaphore(%arg14 : memref<!tpu.dma_semaphore, #tpu.memory_space<semaphore_mem>>) src(%dma_wait3A_30 : memref<10112x128xf32, #tpu.memory_space<hbm>>) dst(%arg12 : memref<64x128xf32, #tpu.memory_space<vmem>>)
      %scan3A_31 = arith.constant 0 : i32
      %scan3A_32 = arith.constant 0 : i32
      %scan3A_33 = arith.constant 4 : i32
      %scan3A_34 = arith.addi %scan3A_32, %scan3A_33 : i32
      %scan3A_35 = arith.constant 1 : i32
      scf.for %scan3A_37 = %scan3A_32 to %scan3A_34 step %scan3A_35  : i32 {
        %mul3A_38 = arith.constant 16 : i32
        %mul3A_39 = arith.muli %scan3A_37, %mul3A_38 : i32
        %add3A_40 = arith.constant 0 : i32
        %add3A_41 = arith.addi %mul3A_39, %add3A_40 : i32
        %get3A = arith.index_cast %add3A_41 : i32 to index
        %get3A_42 = arith.constant 0 : index
        %get3A_43 = tpu.vector_load %arg12[%get3A, %get3A_42] {strides = array<i32>} : memref<64x128xf32, #tpu.memory_space<vmem>>, vector<16xf32>,
        %get3A_44 = arith.index_cast %add3A_41 : i32 to index
        %get3A_45 = arith.constant 64 : index
        %get3A_46 = tpu.vector_load %arg10[%get3A_44, %get3A_45] {strides = array<i32>} : memref<64x128xf32, #tpu.memory_space<vmem>>, vector<16xf32>,
        %add3A_47 = arith.addf %get3A_46, %get3A_43 : vector<16xf32>
        %ge3A = arith.constant 0.000000e+00 : f32
        %ge3A_48 = vector.broadcast %ge3A : f32 to vector<16xf32>
        %ge3A_49 = arith.cmpf oge, %add3A_47, %ge3A_48 : vector<16xf32>
        %mul3A_50 = arith.constant 2.000000e-01 : f32
        %mul3A_51 = vector.broadcast %mul3A_50 : f32 to vector<16xf32>
        %mul3A_52 = arith.mulf %mul3A_51, %add3A_47 : vector<16xf32>
        %select_n3A = arith.select %ge3A_49, %add3A_47, %mul3A_52 : vector<16xi1>, vector<16xf32>
        %exp3A = math.exp %select_n3A : vector<16xf32>
        %swap3A = arith.index_cast %add3A_41 : i32 to index
        %swap3A_53 = arith.constant 64 : index
        %swap3A_54 = tpu.vector_load %arg11[%swap3A, %swap3A_53] {strides = array<i32>} : memref<64x128xf32, #tpu.memory_space<vmem>>, vector<16xf32>,
        tpu.vector_store %arg11[%swap3A, %swap3A_53], %exp3A {strides = array<i32>} : memref<64x128xf32, #tpu.memory_space<vmem>>, vector<16xf32>,
        %get3A_55 = arith.index_cast %add3A_41 : i32 to index
        %get3A_56 = arith.constant 0 : index
        %get3A_57 = tpu.vector_load %arg10[%get3A_55, %get3A_56] {strides = array<i32>} : memref<64x128xf32, #tpu.memory_space<vmem>>, vector<16xf32>,
        %mul3A_58 = arith.mulf %get3A_57, %exp3A : vector<16xf32>
        %swap3A_59 = arith.index_cast %add3A_41 : i32 to index
        %swap3A_60 = arith.constant 0 : index
        %swap3A_61 = tpu.vector_load %arg11[%swap3A_59, %swap3A_60] {strides = array<i32>} : memref<64x128xf32, #tpu.memory_space<vmem>>, vector<16xf32>,
        tpu.vector_store %arg11[%swap3A_59, %swap3A_60], %mul3A_58 {strides = array<i32>} : memref<64x128xf32, #tpu.memory_space<vmem>>, vector<16xf32>,
        %get3A_62 = arith.index_cast %add3A_41 : i32 to index
        %get3A_63 = arith.constant 16 : index
        %get3A_64 = tpu.vector_load %arg10[%get3A_62, %get3A_63] {strides = array<i32>} : memref<64x128xf32, #tpu.memory_space<vmem>>, vector<16xf32>,
        %mul3A_65 = arith.mulf %get3A_64, %exp3A : vector<16xf32>
        %swap3A_66 = arith.index_cast %add3A_41 : i32 to index
        %swap3A_67 = arith.constant 16 : index
        %swap3A_68 = tpu.vector_load %arg11[%swap3A_66, %swap3A_67] {strides = array<i32>} : memref<64x128xf32, #tpu.memory_space<vmem>>, vector<16xf32>,
        tpu.vector_store %arg11[%swap3A_66, %swap3A_67], %mul3A_65 {strides = array<i32>} : memref<64x128xf32, #tpu.memory_space<vmem>>, vector<16xf32>,
        %get3A_69 = arith.index_cast %add3A_41 : i32 to index
        %get3A_70 = arith.constant 32 : index
        %get3A_71 = tpu.vector_load %arg10[%get3A_69, %get3A_70] {strides = array<i32>} : memref<64x128xf32, #tpu.memory_space<vmem>>, vector<16xf32>,
        %mul3A_72 = arith.mulf %get3A_71, %exp3A : vector<16xf32>
        %swap3A_73 = arith.index_cast %add3A_41 : i32 to index
        %swap3A_74 = arith.constant 32 : index
        %swap3A_75 = tpu.vector_load %arg11[%swap3A_73, %swap3A_74] {strides = array<i32>} : memref<64x128xf32, #tpu.memory_space<vmem>>, vector<16xf32>,
        tpu.vector_store %arg11[%swap3A_73, %swap3A_74], %mul3A_72 {strides = array<i32>} : memref<64x128xf32, #tpu.memory_space<vmem>>, vector<16xf32>,
        %get3A_76 = arith.index_cast %add3A_41 : i32 to index
        %get3A_77 = arith.constant 48 : index
        %get3A_78 = tpu.vector_load %arg10[%get3A_76, %get3A_77] {strides = array<i32>} : memref<64x128xf32, #tpu.memory_space<vmem>>, vector<16xf32>,
        %mul3A_79 = arith.mulf %get3A_78, %exp3A : vector<16xf32>
        %swap3A_80 = arith.index_cast %add3A_41 : i32 to index
        %swap3A_81 = arith.constant 48 : index
        %swap3A_82 = tpu.vector_load %arg11[%swap3A_80, %swap3A_81] {strides = array<i32>} : memref<64x128xf32, #tpu.memory_space<vmem>>, vector<16xf32>,
        tpu.vector_store %arg11[%swap3A_80, %swap3A_81], %mul3A_79 {strides = array<i32>} : memref<64x128xf32, #tpu.memory_space<vmem>>, vector<16xf32>,
        %mul3A_83 = arith.constant 16 : i32
        %mul3A_84 = arith.muli %scan3A_37, %mul3A_83 : i32
        %add3A_85 = arith.constant 1 : i32
        %add3A_86 = arith.addi %mul3A_84, %add3A_85 : i32
        %get3A_87 = arith.index_cast %add3A_86 : i32 to index
        %get3A_88 = arith.constant 0 : index
        %get3A_89 = tpu.vector_load %arg12[%get3A_87, %get3A_88] {strides = array<i32>} : memref<64x128xf32, #tpu.memory_space<vmem>>, vector<16xf32>,
        %get3A_90 = arith.index_cast %add3A_86 : i32 to index
        %get3A_91 = arith.constant 64 : index
        %get3A_92 = tpu.vector_load %arg10[%get3A_90, %get3A_91] {strides = array<i32>} : memref<64x128xf32, #tpu.memory_space<vmem>>, vector<16xf32>,
        %add3A_93 = arith.addf %get3A_92, %get3A_89 : vector<16xf32>
        %ge3A_94 = arith.constant 0.000000e+00 : f32
        %ge3A_95 = vector.broadcast %ge3A_94 : f32 to vector<16xf32>
        %ge3A_96 = arith.cmpf oge, %add3A_93, %ge3A_95 : vector<16xf32>
        %mul3A_97 = arith.constant 2.000000e-01 : f32
        %mul3A_98 = vector.broadcast %mul3A_97 : f32 to vector<16xf32>
        %mul3A_99 = arith.mulf %mul3A_98, %add3A_93 : vector<16xf32>
        %select_n3A_100 = arith.select %ge3A_96, %add3A_93, %mul3A_99 : vector<16xi1>, vector<16xf32>
        %exp3A_101 = math.exp %select_n3A_100 : vector<16xf32>
        %swap3A_102 = arith.index_cast %add3A_86 : i32 to index
        %swap3A_103 = arith.constant 64 : index
        %swap3A_104 = tpu.vector_load %arg11[%swap3A_102, %swap3A_103] {strides = array<i32>} : memref<64x128xf32, #tpu.memory_space<vmem>>, vector<16xf32>,
        tpu.vector_store %arg11[%swap3A_102, %swap3A_103], %exp3A_101 {strides = array<i32>} : memref<64x128xf32, #tpu.memory_space<vmem>>, vector<16xf32>,
        %get3A_105 = arith.index_cast %add3A_86 : i32 to index
        %get3A_106 = arith.constant 0 : index
        %get3A_107 = tpu.vector_load %arg10[%get3A_105, %get3A_106] {strides = array<i32>} : memref<64x128xf32, #tpu.memory_space<vmem>>, vector<16xf32>,
        %mul3A_108 = arith.mulf %get3A_107, %exp3A_101 : vector<16xf32>
        %swap3A_109 = arith.index_cast %add3A_86 : i32 to index
        %swap3A_110 = arith.constant 0 : index
        %swap3A_111 = tpu.vector_load %arg11[%swap3A_109, %swap3A_110] {strides = array<i32>} : memref<64x128xf32, #tpu.memory_space<vmem>>, vector<16xf32>,
        tpu.vector_store %arg11[%swap3A_109, %swap3A_110], %mul3A_108 {strides = array<i32>} : memref<64x128xf32, #tpu.memory_space<vmem>>, vector<16xf32>,
        %get3A_112 = arith.index_cast %add3A_86 : i32 to index
        %get3A_113 = arith.constant 16 : index
        %get3A_114 = tpu.vector_load %arg10[%get3A_112, %get3A_113] {strides = array<i32>} : memref<64x128xf32, #tpu.memory_space<vmem>>, vector<16xf32>,
        %mul3A_115 = arith.mulf %get3A_114, %exp3A_101 : vector<16xf32>
        %swap3A_116 = arith.index_cast %add3A_86 : i32 to index
        %swap3A_117 = arith.constant 16 : index
        %swap3A_118 = tpu.vector_load %arg11[%swap3A_116, %swap3A_117] {strides = array<i32>} : memref<64x128xf32, #tpu.memory_space<vmem>>, vector<16xf32>,
        tpu.vector_store %arg11[%swap3A_116, %swap3A_117], %mul3A_115 {strides = array<i32>} : memref<64x128xf32, #tpu.memory_space<vmem>>, vector<16xf32>,
        %get3A_119 = arith.index_cast %add3A_86 : i32 to index
        %get3A_120 = arith.constant 32 : index
        %get3A_121 = tpu.vector_load %arg10[%get3A_119, %get3A_120] {strides = array<i32>} : memref<64x128xf32, #tpu.memory_space<vmem>>, vector<16xf32>,
        %mul3A_122 = arith.mulf %get3A_121, %exp3A_101 : vector<16xf32>
        %swap3A_123 = arith.index_cast %add3A_86 : i32 to index
        %swap3A_124 = arith.constant 32 : index
        %swap3A_125 = tpu.vector_load %arg11[%swap3A_123, %swap3A_124] {strides = array<i32>} : memref<64x128xf32, #tpu.memory_space<vmem>>, vector<16xf32>,
        tpu.vector_store %arg11[%swap3A_123, %swap3A_124], %mul3A_122 {strides = array<i32>} : memref<64x128xf32, #tpu.memory_space<vmem>>, vector<16xf32>,
        %get3A_126 = arith.index_cast %add3A_86 : i32 to index
        %get3A_127 = arith.constant 48 : index
        %get3A_128 = tpu.vector_load %arg10[%get3A_126, %get3A_127] {strides = array<i32>} : memref<64x128xf32, #tpu.memory_space<vmem>>, vector<16xf32>,
        %mul3A_129 = arith.mulf %get3A_128, %exp3A_101 : vector<16xf32>
        %swap3A_130 = arith.index_cast %add3A_86 : i32 to index
        %swap3A_131 = arith.constant 48 : index
        %swap3A_132 = tpu.vector_load %arg11[%swap3A_130, %swap3A_131] {strides = array<i32>} : memref<64x128xf32, #tpu.memory_space<vmem>>, vector<16xf32>,
        tpu.vector_store %arg11[%swap3A_130, %swap3A_131], %mul3A_129 {strides = array<i32>} : memref<64x128xf32, #tpu.memory_space<vmem>>, vector<16xf32>,
        %mul3A_133 = arith.constant 16 : i32
        %mul3A_134 = arith.muli %scan3A_37, %mul3A_133 : i32
        %add3A_135 = arith.constant 2 : i32
        %add3A_136 = arith.addi %mul3A_134, %add3A_135 : i32
        %get3A_137 = arith.index_cast %add3A_136 : i32 to index
        %get3A_138 = arith.constant 0 : index
        %get3A_139 = tpu.vector_load %arg12[%get3A_137, %get3A_138] {strides = array<i32>} : memref<64x128xf32, #tpu.memory_space<vmem>>, vector<16xf32>,
        %get3A_140 = arith.index_cast %add3A_136 : i32 to index
        %get3A_141 = arith.constant 64 : index
        %get3A_142 = tpu.vector_load %arg10[%get3A_140, %get3A_141] {strides = array<i32>} : memref<64x128xf32, #tpu.memory_space<vmem>>, vector<16xf32>,
        %add3A_143 = arith.addf %get3A_142, %get3A_139 : vector<16xf32>
        %ge3A_144 = arith.constant 0.000000e+00 : f32
        %ge3A_145 = vector.broadcast %ge3A_144 : f32 to vector<16xf32>
        %ge3A_146 = arith.cmpf oge, %add3A_143, %ge3A_145 : vector<16xf32>
        %mul3A_147 = arith.constant 2.000000e-01 : f32
        %mul3A_148 = vector.broadcast %mul3A_147 : f32 to vector<16xf32>
        %mul3A_149 = arith.mulf %mul3A_148, %add3A_143 : vector<16xf32>
        %select_n3A_150 = arith.select %ge3A_146, %add3A_143, %mul3A_149 : vector<16xi1>, vector<16xf32>
        %exp3A_151 = math.exp %select_n3A_150 : vector<16xf32>
        %swap3A_152 = arith.index_cast %add3A_136 : i32 to index
        %swap3A_153 = arith.constant 64 : index
        %swap3A_154 = tpu.vector_load %arg11[%swap3A_152, %swap3A_153] {strides = array<i32>} : memref<64x128xf32, #tpu.memory_space<vmem>>, vector<16xf32>,
        tpu.vector_store %arg11[%swap3A_152, %swap3A_153], %exp3A_151 {strides = array<i32>} : memref<64x128xf32, #tpu.memory_space<vmem>>, vector<16xf32>,
        %get3A_155 = arith.index_cast %add3A_136 : i32 to index
        %get3A_156 = arith.constant 0 : index
        %get3A_157 = tpu.vector_load %arg10[%get3A_155, %get3A_156] {strides = array<i32>} : memref<64x128xf32, #tpu.memory_space<vmem>>, vector<16xf32>,
        %mul3A_158 = arith.mulf %get3A_157, %exp3A_151 : vector<16xf32>
        %swap3A_159 = arith.index_cast %add3A_136 : i32 to index
        %swap3A_160 = arith.constant 0 : index
        %swap3A_161 = tpu.vector_load %arg11[%swap3A_159, %swap3A_160] {strides = array<i32>} : memref<64x128xf32, #tpu.memory_space<vmem>>, vector<16xf32>,
        tpu.vector_store %arg11[%swap3A_159, %swap3A_160], %mul3A_158 {strides = array<i32>} : memref<64x128xf32, #tpu.memory_space<vmem>>, vector<16xf32>,
        %get3A_162 = arith.index_cast %add3A_136 : i32 to index
        %get3A_163 = arith.constant 16 : index
        %get3A_164 = tpu.vector_load %arg10[%get3A_162, %get3A_163] {strides = array<i32>} : memref<64x128xf32, #tpu.memory_space<vmem>>, vector<16xf32>,
        %mul3A_165 = arith.mulf %get3A_164, %exp3A_151 : vector<16xf32>
        %swap3A_166 = arith.index_cast %add3A_136 : i32 to index
        %swap3A_167 = arith.constant 16 : index
        %swap3A_168 = tpu.vector_load %arg11[%swap3A_166, %swap3A_167] {strides = array<i32>} : memref<64x128xf32, #tpu.memory_space<vmem>>, vector<16xf32>,
        tpu.vector_store %arg11[%swap3A_166, %swap3A_167], %mul3A_165 {strides = array<i32>} : memref<64x128xf32, #tpu.memory_space<vmem>>, vector<16xf32>,
        %get3A_169 = arith.index_cast %add3A_136 : i32 to index
        %get3A_170 = arith.constant 32 : index
        %get3A_171 = tpu.vector_load %arg10[%get3A_169, %get3A_170] {strides = array<i32>} : memref<64x128xf32, #tpu.memory_space<vmem>>, vector<16xf32>,
        %mul3A_172 = arith.mulf %get3A_171, %exp3A_151 : vector<16xf32>
        %swap3A_173 = arith.index_cast %add3A_136 : i32 to index
        %swap3A_174 = arith.constant 32 : index
        %swap3A_175 = tpu.vector_load %arg11[%swap3A_173, %swap3A_174] {strides = array<i32>} : memref<64x128xf32, #tpu.memory_space<vmem>>, vector<16xf32>,
        tpu.vector_store %arg11[%swap3A_173, %swap3A_174], %mul3A_172 {strides = array<i32>} : memref<64x128xf32, #tpu.memory_space<vmem>>, vector<16xf32>,
        %get3A_176 = arith.index_cast %add3A_136 : i32 to index
        %get3A_177 = arith.constant 48 : index
        %get3A_178 = tpu.vector_load %arg10[%get3A_176, %get3A_177] {strides = array<i32>} : memref<64x128xf32, #tpu.memory_space<vmem>>, vector<16xf32>,
        %mul3A_179 = arith.mulf %get3A_178, %exp3A_151 : vector<16xf32>
        %swap3A_180 = arith.index_cast %add3A_136 : i32 to index
        %swap3A_181 = arith.constant 48 : index
        %swap3A_182 = tpu.vector_load %arg11[%swap3A_180, %swap3A_181] {strides = array<i32>} : memref<64x128xf32, #tpu.memory_space<vmem>>, vector<16xf32>,
        tpu.vector_store %arg11[%swap3A_180, %swap3A_181], %mul3A_179 {strides = array<i32>} : memref<64x128xf32, #tpu.memory_space<vmem>>, vector<16xf32>,
        %mul3A_183 = arith.constant 16 : i32
        %mul3A_184 = arith.muli %scan3A_37, %mul3A_183 : i32
        %add3A_185 = arith.constant 3 : i32
        %add3A_186 = arith.addi %mul3A_184, %add3A_185 : i32
        %get3A_187 = arith.index_cast %add3A_186 : i32 to index
        %get3A_188 = arith.constant 0 : index
        %get3A_189 = tpu.vector_load %arg12[%get3A_187, %get3A_188] {strides = array<i32>} : memref<64x128xf32, #tpu.memory_space<vmem>>, vector<16xf32>,
        %get3A_190 = arith.index_cast %add3A_186 : i32 to index
        %get3A_191 = arith.constant 64 : index
        %get3A_192 = tpu.vector_load %arg10[%get3A_190, %get3A_191] {strides = array<i32>} : memref<64x128xf32, #tpu.memory_space<vmem>>, vector<16xf32>,
        %add3A_193 = arith.addf %get3A_192, %get3A_189 : vector<16xf32>
        %ge3A_194 = arith.constant 0.000000e+00 : f32
        %ge3A_195 = vector.broadcast %ge3A_194 : f32 to vector<16xf32>
        %ge3A_196 = arith.cmpf oge, %add3A_193, %ge3A_195 : vector<16xf32>
        %mul3A_197 = arith.constant 2.000000e-01 : f32
        %mul3A_198 = vector.broadcast %mul3A_197 : f32 to vector<16xf32>
        %mul3A_199 = arith.mulf %mul3A_198, %add3A_193 : vector<16xf32>
        %select_n3A_200 = arith.select %ge3A_196, %add3A_193, %mul3A_199 : vector<16xi1>, vector<16xf32>
        %exp3A_201 = math.exp %select_n3A_200 : vector<16xf32>
        %swap3A_202 = arith.index_cast %add3A_186 : i32 to index
        %swap3A_203 = arith.constant 64 : index
        %swap3A_204 = tpu.vector_load %arg11[%swap3A_202, %swap3A_203] {strides = array<i32>} : memref<64x128xf32, #tpu.memory_space<vmem>>, vector<16xf32>,
        tpu.vector_store %arg11[%swap3A_202, %swap3A_203], %exp3A_201 {strides = array<i32>} : memref<64x128xf32, #tpu.memory_space<vmem>>, vector<16xf32>,
        %get3A_205 = arith.index_cast %add3A_186 : i32 to index
        %get3A_206 = arith.constant 0 : index
        %get3A_207 = tpu.vector_load %arg10[%get3A_205, %get3A_206] {strides = array<i32>} : memref<64x128xf32, #tpu.memory_space<vmem>>, vector<16xf32>,
        %mul3A_208 = arith.mulf %get3A_207, %exp3A_201 : vector<16xf32>
        %swap3A_209 = arith.index_cast %add3A_186 : i32 to index
        %swap3A_210 = arith.constant 0 : index
        %swap3A_211 = tpu.vector_load %arg11[%swap3A_209, %swap3A_210] {strides = array<i32>} : memref<64x128xf32, #tpu.memory_space<vmem>>, vector<16xf32>,
        tpu.vector_store %arg11[%swap3A_209, %swap3A_210], %mul3A_208 {strides = array<i32>} : memref<64x128xf32, #tpu.memory_space<vmem>>, vector<16xf32>,
        %get3A_212 = arith.index_cast %add3A_186 : i32 to index
        %get3A_213 = arith.constant 16 : index
        %get3A_214 = tpu.vector_load %arg10[%get3A_212, %get3A_213] {strides = array<i32>} : memref<64x128xf32, #tpu.memory_space<vmem>>, vector<16xf32>,
        %mul3A_215 = arith.mulf %get3A_214, %exp3A_201 : vector<16xf32>
        %swap3A_216 = arith.index_cast %add3A_186 : i32 to index
        %swap3A_217 = arith.constant 16 : index
        %swap3A_218 = tpu.vector_load %arg11[%swap3A_216, %swap3A_217] {strides = array<i32>} : memref<64x128xf32, #tpu.memory_space<vmem>>, vector<16xf32>,
        tpu.vector_store %arg11[%swap3A_216, %swap3A_217], %mul3A_215 {strides = array<i32>} : memref<64x128xf32, #tpu.memory_space<vmem>>, vector<16xf32>,
        %get3A_219 = arith.index_cast %add3A_186 : i32 to index
        %get3A_220 = arith.constant 32 : index
        %get3A_221 = tpu.vector_load %arg10[%get3A_219, %get3A_220] {strides = array<i32>} : memref<64x128xf32, #tpu.memory_space<vmem>>, vector<16xf32>,
        %mul3A_222 = arith.mulf %get3A_221, %exp3A_201 : vector<16xf32>
        %swap3A_223 = arith.index_cast %add3A_186 : i32 to index
        %swap3A_224 = arith.constant 32 : index
        %swap3A_225 = tpu.vector_load %arg11[%swap3A_223, %swap3A_224] {strides = array<i32>} : memref<64x128xf32, #tpu.memory_space<vmem>>, vector<16xf32>,
        tpu.vector_store %arg11[%swap3A_223, %swap3A_224], %mul3A_222 {strides = array<i32>} : memref<64x128xf32, #tpu.memory_space<vmem>>, vector<16xf32>,
        %get3A_226 = arith.index_cast %add3A_186 : i32 to index
        %get3A_227 = arith.constant 48 : index
        %get3A_228 = tpu.vector_load %arg10[%get3A_226, %get3A_227] {strides = array<i32>} : memref<64x128xf32, #tpu.memory_space<vmem>>, vector<16xf32>,
        %mul3A_229 = arith.mulf %get3A_228, %exp3A_201 : vector<16xf32>
        %swap3A_230 = arith.index_cast %add3A_186 : i32 to index
        %swap3A_231 = arith.constant 48 : index
        %swap3A_232 = tpu.vector_load %arg11[%swap3A_230, %swap3A_231] {strides = array<i32>} : memref<64x128xf32, #tpu.memory_space<vmem>>, vector<16xf32>,
        tpu.vector_store %arg11[%swap3A_230, %swap3A_231], %mul3A_229 {strides = array<i32>} : memref<64x128xf32, #tpu.memory_space<vmem>>, vector<16xf32>,
        %mul3A_233 = arith.constant 16 : i32
        %mul3A_234 = arith.muli %scan3A_37, %mul3A_233 : i32
        %add3A_235 = arith.constant 4 : i32
        %add3A_236 = arith.addi %mul3A_234, %add3A_235 : i32
        %get3A_237 = arith.index_cast %add3A_236 : i32 to index
        %get3A_238 = arith.constant 0 : index
        %get3A_239 = tpu.vector_load %arg12[%get3A_237, %get3A_238] {strides = array<i32>} : memref<64x128xf32, #tpu.memory_space<vmem>>, vector<16xf32>,
        %get3A_240 = arith.index_cast %add3A_236 : i32 to index
        %get3A_241 = arith.constant 64 : index
        %get3A_242 = tpu.vector_load %arg10[%get3A_240, %get3A_241] {strides = array<i32>} : memref<64x128xf32, #tpu.memory_space<vmem>>, vector<16xf32>,
        %add3A_243 = arith.addf %get3A_242, %get3A_239 : vector<16xf32>
        %ge3A_244 = arith.constant 0.000000e+00 : f32
        %ge3A_245 = vector.broadcast %ge3A_244 : f32 to vector<16xf32>
        %ge3A_246 = arith.cmpf oge, %add3A_243, %ge3A_245 : vector<16xf32>
        %mul3A_247 = arith.constant 2.000000e-01 : f32
        %mul3A_248 = vector.broadcast %mul3A_247 : f32 to vector<16xf32>
        %mul3A_249 = arith.mulf %mul3A_248, %add3A_243 : vector<16xf32>
        %select_n3A_250 = arith.select %ge3A_246, %add3A_243, %mul3A_249 : vector<16xi1>, vector<16xf32>
        %exp3A_251 = math.exp %select_n3A_250 : vector<16xf32>
        %swap3A_252 = arith.index_cast %add3A_236 : i32 to index
        %swap3A_253 = arith.constant 64 : index
        %swap3A_254 = tpu.vector_load %arg11[%swap3A_252, %swap3A_253] {strides = array<i32>} : memref<64x128xf32, #tpu.memory_space<vmem>>, vector<16xf32>,
        tpu.vector_store %arg11[%swap3A_252, %swap3A_253], %exp3A_251 {strides = array<i32>} : memref<64x128xf32, #tpu.memory_space<vmem>>, vector<16xf32>,
        %get3A_255 = arith.index_cast %add3A_236 : i32 to index
        %get3A_256 = arith.constant 0 : index
        %get3A_257 = tpu.vector_load %arg10[%get3A_255, %get3A_256] {strides = array<i32>} : memref<64x128xf32, #tpu.memory_space<vmem>>, vector<16xf32>,
        %mul3A_258 = arith.mulf %get3A_257, %exp3A_251 : vector<16xf32>
        %swap3A_259 = arith.index_cast %add3A_236 : i32 to index
        %swap3A_260 = arith.constant 0 : index
        %swap3A_261 = tpu.vector_load %arg11[%swap3A_259, %swap3A_260] {strides = array<i32>} : memref<64x128xf32, #tpu.memory_space<vmem>>, vector<16xf32>,
        tpu.vector_store %arg11[%swap3A_259, %swap3A_260], %mul3A_258 {strides = array<i32>} : memref<64x128xf32, #tpu.memory_space<vmem>>, vector<16xf32>,
        %get3A_262 = arith.index_cast %add3A_236 : i32 to index
        %get3A_263 = arith.constant 16 : index
        %get3A_264 = tpu.vector_load %arg10[%get3A_262, %get3A_263] {strides = array<i32>} : memref<64x128xf32, #tpu.memory_space<vmem>>, vector<16xf32>,
        %mul3A_265 = arith.mulf %get3A_264, %exp3A_251 : vector<16xf32>
        %swap3A_266 = arith.index_cast %add3A_236 : i32 to index
        %swap3A_267 = arith.constant 16 : index
        %swap3A_268 = tpu.vector_load %arg11[%swap3A_266, %swap3A_267] {strides = array<i32>} : memref<64x128xf32, #tpu.memory_space<vmem>>, vector<16xf32>,
        tpu.vector_store %arg11[%swap3A_266, %swap3A_267], %mul3A_265 {strides = array<i32>} : memref<64x128xf32, #tpu.memory_space<vmem>>, vector<16xf32>,
        %get3A_269 = arith.index_cast %add3A_236 : i32 to index
        %get3A_270 = arith.constant 32 : index
        %get3A_271 = tpu.vector_load %arg10[%get3A_269, %get3A_270] {strides = array<i32>} : memref<64x128xf32, #tpu.memory_space<vmem>>, vector<16xf32>,
        %mul3A_272 = arith.mulf %get3A_271, %exp3A_251 : vector<16xf32>
        %swap3A_273 = arith.index_cast %add3A_236 : i32 to index
        %swap3A_274 = arith.constant 32 : index
        %swap3A_275 = tpu.vector_load %arg11[%swap3A_273, %swap3A_274] {strides = array<i32>} : memref<64x128xf32, #tpu.memory_space<vmem>>, vector<16xf32>,
        tpu.vector_store %arg11[%swap3A_273, %swap3A_274], %mul3A_272 {strides = array<i32>} : memref<64x128xf32, #tpu.memory_space<vmem>>, vector<16xf32>,
        %get3A_276 = arith.index_cast %add3A_236 : i32 to index
        %get3A_277 = arith.constant 48 : index
        %get3A_278 = tpu.vector_load %arg10[%get3A_276, %get3A_277] {strides = array<i32>} : memref<64x128xf32, #tpu.memory_space<vmem>>, vector<16xf32>,
        %mul3A_279 = arith.mulf %get3A_278, %exp3A_251 : vector<16xf32>
        %swap3A_280 = arith.index_cast %add3A_236 : i32 to index
        %swap3A_281 = arith.constant 48 : index
        %swap3A_282 = tpu.vector_load %arg11[%swap3A_280, %swap3A_281] {strides = array<i32>} : memref<64x128xf32, #tpu.memory_space<vmem>>, vector<16xf32>,
        tpu.vector_store %arg11[%swap3A_280, %swap3A_281], %mul3A_279 {strides = array<i32>} : memref<64x128xf32, #tpu.memory_space<vmem>>, vector<16xf32>,
        %mul3A_283 = arith.constant 16 : i32
        %mul3A_284 = arith.muli %scan3A_37, %mul3A_283 : i32
        %add3A_285 = arith.constant 5 : i32
        %add3A_286 = arith.addi %mul3A_284, %add3A_285 : i32
        %get3A_287 = arith.index_cast %add3A_286 : i32 to index
        %get3A_288 = arith.constant 0 : index
        %get3A_289 = tpu.vector_load %arg12[%get3A_287, %get3A_288] {strides = array<i32>} : memref<64x128xf32, #tpu.memory_space<vmem>>, vector<16xf32>,
        %get3A_290 = arith.index_cast %add3A_286 : i32 to index
        %get3A_291 = arith.constant 64 : index
        %get3A_292 = tpu.vector_load %arg10[%get3A_290, %get3A_291] {strides = array<i32>} : memref<64x128xf32, #tpu.memory_space<vmem>>, vector<16xf32>,
        %add3A_293 = arith.addf %get3A_292, %get3A_289 : vector<16xf32>
        %ge3A_294 = arith.constant 0.000000e+00 : f32
        %ge3A_295 = vector.broadcast %ge3A_294 : f32 to vector<16xf32>
        %ge3A_296 = arith.cmpf oge, %add3A_293, %ge3A_295 : vector<16xf32>
        %mul3A_297 = arith.constant 2.000000e-01 : f32
        %mul3A_298 = vector.broadcast %mul3A_297 : f32 to vector<16xf32>
        %mul3A_299 = arith.mulf %mul3A_298, %add3A_293 : vector<16xf32>
        %select_n3A_300 = arith.select %ge3A_296, %add3A_293, %mul3A_299 : vector<16xi1>, vector<16xf32>
        %exp3A_301 = math.exp %select_n3A_300 : vector<16xf32>
        %swap3A_302 = arith.index_cast %add3A_286 : i32 to index
        %swap3A_303 = arith.constant 64 : index
        %swap3A_304 = tpu.vector_load %arg11[%swap3A_302, %swap3A_303] {strides = array<i32>} : memref<64x128xf32, #tpu.memory_space<vmem>>, vector<16xf32>,
        tpu.vector_store %arg11[%swap3A_302, %swap3A_303], %exp3A_301 {strides = array<i32>} : memref<64x128xf32, #tpu.memory_space<vmem>>, vector<16xf32>,
        %get3A_305 = arith.index_cast %add3A_286 : i32 to index
        %get3A_306 = arith.constant 0 : index
        %get3A_307 = tpu.vector_load %arg10[%get3A_305, %get3A_306] {strides = array<i32>} : memref<64x128xf32, #tpu.memory_space<vmem>>, vector<16xf32>,
        %mul3A_308 = arith.mulf %get3A_307, %exp3A_301 : vector<16xf32>
        %swap3A_309 = arith.index_cast %add3A_286 : i32 to index
        %swap3A_310 = arith.constant 0 : index
        %swap3A_311 = tpu.vector_load %arg11[%swap3A_309, %swap3A_310] {strides = array<i32>} : memref<64x128xf32, #tpu.memory_space<vmem>>, vector<16xf32>,
        tpu.vector_store %arg11[%swap3A_309, %swap3A_310], %mul3A_308 {strides = array<i32>} : memref<64x128xf32, #tpu.memory_space<vmem>>, vector<16xf32>,
        %get3A_312 = arith.index_cast %add3A_286 : i32 to index
        %get3A_313 = arith.constant 16 : index
        %get3A_314 = tpu.vector_load %arg10[%get3A_312, %get3A_313] {strides = array<i32>} : memref<64x128xf32, #tpu.memory_space<vmem>>, vector<16xf32>,
        %mul3A_315 = arith.mulf %get3A_314, %exp3A_301 : vector<16xf32>
        %swap3A_316 = arith.index_cast %add3A_286 : i32 to index
        %swap3A_317 = arith.constant 16 : index
        %swap3A_318 = tpu.vector_load %arg11[%swap3A_316, %swap3A_317] {strides = array<i32>} : memref<64x128xf32, #tpu.memory_space<vmem>>, vector<16xf32>,
        tpu.vector_store %arg11[%swap3A_316, %swap3A_317], %mul3A_315 {strides = array<i32>} : memref<64x128xf32, #tpu.memory_space<vmem>>, vector<16xf32>,
        %get3A_319 = arith.index_cast %add3A_286 : i32 to index
        %get3A_320 = arith.constant 32 : index
        %get3A_321 = tpu.vector_load %arg10[%get3A_319, %get3A_320] {strides = array<i32>} : memref<64x128xf32, #tpu.memory_space<vmem>>, vector<16xf32>,
        %mul3A_322 = arith.mulf %get3A_321, %exp3A_301 : vector<16xf32>
        %swap3A_323 = arith.index_cast %add3A_286 : i32 to index
        %swap3A_324 = arith.constant 32 : index
        %swap3A_325 = tpu.vector_load %arg11[%swap3A_323, %swap3A_324] {strides = array<i32>} : memref<64x128xf32, #tpu.memory_space<vmem>>, vector<16xf32>,
        tpu.vector_store %arg11[%swap3A_323, %swap3A_324], %mul3A_322 {strides = array<i32>} : memref<64x128xf32, #tpu.memory_space<vmem>>, vector<16xf32>,
        %get3A_326 = arith.index_cast %add3A_286 : i32 to index
        %get3A_327 = arith.constant 48 : index
        %get3A_328 = tpu.vector_load %arg10[%get3A_326, %get3A_327] {strides = array<i32>} : memref<64x128xf32, #tpu.memory_space<vmem>>, vector<16xf32>,
        %mul3A_329 = arith.mulf %get3A_328, %exp3A_301 : vector<16xf32>
        %swap3A_330 = arith.index_cast %add3A_286 : i32 to index
        %swap3A_331 = arith.constant 48 : index
        %swap3A_332 = tpu.vector_load %arg11[%swap3A_330, %swap3A_331] {strides = array<i32>} : memref<64x128xf32, #tpu.memory_space<vmem>>, vector<16xf32>,
        tpu.vector_store %arg11[%swap3A_330, %swap3A_331], %mul3A_329 {strides = array<i32>} : memref<64x128xf32, #tpu.memory_space<vmem>>, vector<16xf32>,
        %mul3A_333 = arith.constant 16 : i32
        %mul3A_334 = arith.muli %scan3A_37, %mul3A_333 : i32
        %add3A_335 = arith.constant 6 : i32
        %add3A_336 = arith.addi %mul3A_334, %add3A_335 : i32
        %get3A_337 = arith.index_cast %add3A_336 : i32 to index
        %get3A_338 = arith.constant 0 : index
        %get3A_339 = tpu.vector_load %arg12[%get3A_337, %get3A_338] {strides = array<i32>} : memref<64x128xf32, #tpu.memory_space<vmem>>, vector<16xf32>,
        %get3A_340 = arith.index_cast %add3A_336 : i32 to index
        %get3A_341 = arith.constant 64 : index
        %get3A_342 = tpu.vector_load %arg10[%get3A_340, %get3A_341] {strides = array<i32>} : memref<64x128xf32, #tpu.memory_space<vmem>>, vector<16xf32>,
        %add3A_343 = arith.addf %get3A_342, %get3A_339 : vector<16xf32>
        %ge3A_344 = arith.constant 0.000000e+00 : f32
        %ge3A_345 = vector.broadcast %ge3A_344 : f32 to vector<16xf32>
        %ge3A_346 = arith.cmpf oge, %add3A_343, %ge3A_345 : vector<16xf32>
        %mul3A_347 = arith.constant 2.000000e-01 : f32
        %mul3A_348 = vector.broadcast %mul3A_347 : f32 to vector<16xf32>
        %mul3A_349 = arith.mulf %mul3A_348, %add3A_343 : vector<16xf32>
        %select_n3A_350 = arith.select %ge3A_346, %add3A_343, %mul3A_349 : vector<16xi1>, vector<16xf32>
        %exp3A_351 = math.exp %select_n3A_350 : vector<16xf32>
        %swap3A_352 = arith.index_cast %add3A_336 : i32 to index
        %swap3A_353 = arith.constant 64 : index
        %swap3A_354 = tpu.vector_load %arg11[%swap3A_352, %swap3A_353] {strides = array<i32>} : memref<64x128xf32, #tpu.memory_space<vmem>>, vector<16xf32>,
        tpu.vector_store %arg11[%swap3A_352, %swap3A_353], %exp3A_351 {strides = array<i32>} : memref<64x128xf32, #tpu.memory_space<vmem>>, vector<16xf32>,
        %get3A_355 = arith.index_cast %add3A_336 : i32 to index
        %get3A_356 = arith.constant 0 : index
        %get3A_357 = tpu.vector_load %arg10[%get3A_355, %get3A_356] {strides = array<i32>} : memref<64x128xf32, #tpu.memory_space<vmem>>, vector<16xf32>,
        %mul3A_358 = arith.mulf %get3A_357, %exp3A_351 : vector<16xf32>
        %swap3A_359 = arith.index_cast %add3A_336 : i32 to index
        %swap3A_360 = arith.constant 0 : index
        %swap3A_361 = tpu.vector_load %arg11[%swap3A_359, %swap3A_360] {strides = array<i32>} : memref<64x128xf32, #tpu.memory_space<vmem>>, vector<16xf32>,
        tpu.vector_store %arg11[%swap3A_359, %swap3A_360], %mul3A_358 {strides = array<i32>} : memref<64x128xf32, #tpu.memory_space<vmem>>, vector<16xf32>,
        %get3A_362 = arith.index_cast %add3A_336 : i32 to index
        %get3A_363 = arith.constant 16 : index
        %get3A_364 = tpu.vector_load %arg10[%get3A_362, %get3A_363] {strides = array<i32>} : memref<64x128xf32, #tpu.memory_space<vmem>>, vector<16xf32>,
        %mul3A_365 = arith.mulf %get3A_364, %exp3A_351 : vector<16xf32>
        %swap3A_366 = arith.index_cast %add3A_336 : i32 to index
        %swap3A_367 = arith.constant 16 : index
        %swap3A_368 = tpu.vector_load %arg11[%swap3A_366, %swap3A_367] {strides = array<i32>} : memref<64x128xf32, #tpu.memory_space<vmem>>, vector<16xf32>,
        tpu.vector_store %arg11[%swap3A_366, %swap3A_367], %mul3A_365 {strides = array<i32>} : memref<64x128xf32, #tpu.memory_space<vmem>>, vector<16xf32>,
        %get3A_369 = arith.index_cast %add3A_336 : i32 to index
        %get3A_370 = arith.constant 32 : index
        %get3A_371 = tpu.vector_load %arg10[%get3A_369, %get3A_370] {strides = array<i32>} : memref<64x128xf32, #tpu.memory_space<vmem>>, vector<16xf32>,
        %mul3A_372 = arith.mulf %get3A_371, %exp3A_351 : vector<16xf32>
        %swap3A_373 = arith.index_cast %add3A_336 : i32 to index
        %swap3A_374 = arith.constant 32 : index
        %swap3A_375 = tpu.vector_load %arg11[%swap3A_373, %swap3A_374] {strides = array<i32>} : memref<64x128xf32, #tpu.memory_space<vmem>>, vector<16xf32>,
        tpu.vector_store %arg11[%swap3A_373, %swap3A_374], %mul3A_372 {strides = array<i32>} : memref<64x128xf32, #tpu.memory_space<vmem>>, vector<16xf32>,
        %get3A_376 = arith.index_cast %add3A_336 : i32 to index
        %get3A_377 = arith.constant 48 : index
        %get3A_378 = tpu.vector_load %arg10[%get3A_376, %get3A_377] {strides = array<i32>} : memref<64x128xf32, #tpu.memory_space<vmem>>, vector<16xf32>,
        %mul3A_379 = arith.mulf %get3A_378, %exp3A_351 : vector<16xf32>
        %swap3A_380 = arith.index_cast %add3A_336 : i32 to index
        %swap3A_381 = arith.constant 48 : index
        %swap3A_382 = tpu.vector_load %arg11[%swap3A_380, %swap3A_381] {strides = array<i32>} : memref<64x128xf32, #tpu.memory_space<vmem>>, vector<16xf32>,
        tpu.vector_store %arg11[%swap3A_380, %swap3A_381], %mul3A_379 {strides = array<i32>} : memref<64x128xf32, #tpu.memory_space<vmem>>, vector<16xf32>,
        %mul3A_383 = arith.constant 16 : i32
        %mul3A_384 = arith.muli %scan3A_37, %mul3A_383 : i32
        %add3A_385 = arith.constant 7 : i32
        %add3A_386 = arith.addi %mul3A_384, %add3A_385 : i32
        %get3A_387 = arith.index_cast %add3A_386 : i32 to index
        %get3A_388 = arith.constant 0 : index
        %get3A_389 = tpu.vector_load %arg12[%get3A_387, %get3A_388] {strides = array<i32>} : memref<64x128xf32, #tpu.memory_space<vmem>>, vector<16xf32>,
        %get3A_390 = arith.index_cast %add3A_386 : i32 to index
        %get3A_391 = arith.constant 64 : index
        %get3A_392 = tpu.vector_load %arg10[%get3A_390, %get3A_391] {strides = array<i32>} : memref<64x128xf32, #tpu.memory_space<vmem>>, vector<16xf32>,
        %add3A_393 = arith.addf %get3A_392, %get3A_389 : vector<16xf32>
        %ge3A_394 = arith.constant 0.000000e+00 : f32
        %ge3A_395 = vector.broadcast %ge3A_394 : f32 to vector<16xf32>
        %ge3A_396 = arith.cmpf oge, %add3A_393, %ge3A_395 : vector<16xf32>
        %mul3A_397 = arith.constant 2.000000e-01 : f32
        %mul3A_398 = vector.broadcast %mul3A_397 : f32 to vector<16xf32>
        %mul3A_399 = arith.mulf %mul3A_398, %add3A_393 : vector<16xf32>
        %select_n3A_400 = arith.select %ge3A_396, %add3A_393, %mul3A_399 : vector<16xi1>, vector<16xf32>
        %exp3A_401 = math.exp %select_n3A_400 : vector<16xf32>
        %swap3A_402 = arith.index_cast %add3A_386 : i32 to index
        %swap3A_403 = arith.constant 64 : index
        %swap3A_404 = tpu.vector_load %arg11[%swap3A_402, %swap3A_403] {strides = array<i32>} : memref<64x128xf32, #tpu.memory_space<vmem>>, vector<16xf32>,
        tpu.vector_store %arg11[%swap3A_402, %swap3A_403], %exp3A_401 {strides = array<i32>} : memref<64x128xf32, #tpu.memory_space<vmem>>, vector<16xf32>,
        %get3A_405 = arith.index_cast %add3A_386 : i32 to index
        %get3A_406 = arith.constant 0 : index
        %get3A_407 = tpu.vector_load %arg10[%get3A_405, %get3A_406] {strides = array<i32>} : memref<64x128xf32, #tpu.memory_space<vmem>>, vector<16xf32>,
        %mul3A_408 = arith.mulf %get3A_407, %exp3A_401 : vector<16xf32>
        %swap3A_409 = arith.index_cast %add3A_386 : i32 to index
        %swap3A_410 = arith.constant 0 : index
        %swap3A_411 = tpu.vector_load %arg11[%swap3A_409, %swap3A_410] {strides = array<i32>} : memref<64x128xf32, #tpu.memory_space<vmem>>, vector<16xf32>,
        tpu.vector_store %arg11[%swap3A_409, %swap3A_410], %mul3A_408 {strides = array<i32>} : memref<64x128xf32, #tpu.memory_space<vmem>>, vector<16xf32>,
        %get3A_412 = arith.index_cast %add3A_386 : i32 to index
        %get3A_413 = arith.constant 16 : index
        %get3A_414 = tpu.vector_load %arg10[%get3A_412, %get3A_413] {strides = array<i32>} : memref<64x128xf32, #tpu.memory_space<vmem>>, vector<16xf32>,
        %mul3A_415 = arith.mulf %get3A_414, %exp3A_401 : vector<16xf32>
        %swap3A_416 = arith.index_cast %add3A_386 : i32 to index
        %swap3A_417 = arith.constant 16 : index
        %swap3A_418 = tpu.vector_load %arg11[%swap3A_416, %swap3A_417] {strides = array<i32>} : memref<64x128xf32, #tpu.memory_space<vmem>>, vector<16xf32>,
        tpu.vector_store %arg11[%swap3A_416, %swap3A_417], %mul3A_415 {strides = array<i32>} : memref<64x128xf32, #tpu.memory_space<vmem>>, vector<16xf32>,
        %get3A_419 = arith.index_cast %add3A_386 : i32 to index
        %get3A_420 = arith.constant 32 : index
        %get3A_421 = tpu.vector_load %arg10[%get3A_419, %get3A_420] {strides = array<i32>} : memref<64x128xf32, #tpu.memory_space<vmem>>, vector<16xf32>,
        %mul3A_422 = arith.mulf %get3A_421, %exp3A_401 : vector<16xf32>
        %swap3A_423 = arith.index_cast %add3A_386 : i32 to index
        %swap3A_424 = arith.constant 32 : index
        %swap3A_425 = tpu.vector_load %arg11[%swap3A_423, %swap3A_424] {strides = array<i32>} : memref<64x128xf32, #tpu.memory_space<vmem>>, vector<16xf32>,
        tpu.vector_store %arg11[%swap3A_423, %swap3A_424], %mul3A_422 {strides = array<i32>} : memref<64x128xf32, #tpu.memory_space<vmem>>, vector<16xf32>,
        %get3A_426 = arith.index_cast %add3A_386 : i32 to index
        %get3A_427 = arith.constant 48 : index
        %get3A_428 = tpu.vector_load %arg10[%get3A_426, %get3A_427] {strides = array<i32>} : memref<64x128xf32, #tpu.memory_space<vmem>>, vector<16xf32>,
        %mul3A_429 = arith.mulf %get3A_428, %exp3A_401 : vector<16xf32>
        %swap3A_430 = arith.index_cast %add3A_386 : i32 to index
        %swap3A_431 = arith.constant 48 : index
        %swap3A_432 = tpu.vector_load %arg11[%swap3A_430, %swap3A_431] {strides = array<i32>} : memref<64x128xf32, #tpu.memory_space<vmem>>, vector<16xf32>,
        tpu.vector_store %arg11[%swap3A_430, %swap3A_431], %mul3A_429 {strides = array<i32>} : memref<64x128xf32, #tpu.memory_space<vmem>>, vector<16xf32>,
        %mul3A_433 = arith.constant 16 : i32
        %mul3A_434 = arith.muli %scan3A_37, %mul3A_433 : i32
        %add3A_435 = arith.constant 8 : i32
        %add3A_436 = arith.addi %mul3A_434, %add3A_435 : i32
        %get3A_437 = arith.index_cast %add3A_436 : i32 to index
        %get3A_438 = arith.constant 0 : index
        %get3A_439 = tpu.vector_load %arg12[%get3A_437, %get3A_438] {strides = array<i32>} : memref<64x128xf32, #tpu.memory_space<vmem>>, vector<16xf32>,
        %get3A_440 = arith.index_cast %add3A_436 : i32 to index
        %get3A_441 = arith.constant 64 : index
        %get3A_442 = tpu.vector_load %arg10[%get3A_440, %get3A_441] {strides = array<i32>} : memref<64x128xf32, #tpu.memory_space<vmem>>, vector<16xf32>,
        %add3A_443 = arith.addf %get3A_442, %get3A_439 : vector<16xf32>
        %ge3A_444 = arith.constant 0.000000e+00 : f32
        %ge3A_445 = vector.broadcast %ge3A_444 : f32 to vector<16xf32>
        %ge3A_446 = arith.cmpf oge, %add3A_443, %ge3A_445 : vector<16xf32>
        %mul3A_447 = arith.constant 2.000000e-01 : f32
        %mul3A_448 = vector.broadcast %mul3A_447 : f32 to vector<16xf32>
        %mul3A_449 = arith.mulf %mul3A_448, %add3A_443 : vector<16xf32>
        %select_n3A_450 = arith.select %ge3A_446, %add3A_443, %mul3A_449 : vector<16xi1>, vector<16xf32>
        %exp3A_451 = math.exp %select_n3A_450 : vector<16xf32>
        %swap3A_452 = arith.index_cast %add3A_436 : i32 to index
        %swap3A_453 = arith.constant 64 : index
        %swap3A_454 = tpu.vector_load %arg11[%swap3A_452, %swap3A_453] {strides = array<i32>} : memref<64x128xf32, #tpu.memory_space<vmem>>, vector<16xf32>,
        tpu.vector_store %arg11[%swap3A_452, %swap3A_453], %exp3A_451 {strides = array<i32>} : memref<64x128xf32, #tpu.memory_space<vmem>>, vector<16xf32>,
        %get3A_455 = arith.index_cast %add3A_436 : i32 to index
        %get3A_456 = arith.constant 0 : index
        %get3A_457 = tpu.vector_load %arg10[%get3A_455, %get3A_456] {strides = array<i32>} : memref<64x128xf32, #tpu.memory_space<vmem>>, vector<16xf32>,
        %mul3A_458 = arith.mulf %get3A_457, %exp3A_451 : vector<16xf32>
        %swap3A_459 = arith.index_cast %add3A_436 : i32 to index
        %swap3A_460 = arith.constant 0 : index
        %swap3A_461 = tpu.vector_load %arg11[%swap3A_459, %swap3A_460] {strides = array<i32>} : memref<64x128xf32, #tpu.memory_space<vmem>>, vector<16xf32>,
        tpu.vector_store %arg11[%swap3A_459, %swap3A_460], %mul3A_458 {strides = array<i32>} : memref<64x128xf32, #tpu.memory_space<vmem>>, vector<16xf32>,
        %get3A_462 = arith.index_cast %add3A_436 : i32 to index
        %get3A_463 = arith.constant 16 : index
        %get3A_464 = tpu.vector_load %arg10[%get3A_462, %get3A_463] {strides = array<i32>} : memref<64x128xf32, #tpu.memory_space<vmem>>, vector<16xf32>,
        %mul3A_465 = arith.mulf %get3A_464, %exp3A_451 : vector<16xf32>
        %swap3A_466 = arith.index_cast %add3A_436 : i32 to index
        %swap3A_467 = arith.constant 16 : index
        %swap3A_468 = tpu.vector_load %arg11[%swap3A_466, %swap3A_467] {strides = array<i32>} : memref<64x128xf32, #tpu.memory_space<vmem>>, vector<16xf32>,
        tpu.vector_store %arg11[%swap3A_466, %swap3A_467], %mul3A_465 {strides = array<i32>} : memref<64x128xf32, #tpu.memory_space<vmem>>, vector<16xf32>,
        %get3A_469 = arith.index_cast %add3A_436 : i32 to index
        %get3A_470 = arith.constant 32 : index
        %get3A_471 = tpu.vector_load %arg10[%get3A_469, %get3A_470] {strides = array<i32>} : memref<64x128xf32, #tpu.memory_space<vmem>>, vector<16xf32>,
        %mul3A_472 = arith.mulf %get3A_471, %exp3A_451 : vector<16xf32>
        %swap3A_473 = arith.index_cast %add3A_436 : i32 to index
        %swap3A_474 = arith.constant 32 : index
        %swap3A_475 = tpu.vector_load %arg11[%swap3A_473, %swap3A_474] {strides = array<i32>} : memref<64x128xf32, #tpu.memory_space<vmem>>, vector<16xf32>,
        tpu.vector_store %arg11[%swap3A_473, %swap3A_474], %mul3A_472 {strides = array<i32>} : memref<64x128xf32, #tpu.memory_space<vmem>>, vector<16xf32>,
        %get3A_476 = arith.index_cast %add3A_436 : i32 to index
        %get3A_477 = arith.constant 48 : index
        %get3A_478 = tpu.vector_load %arg10[%get3A_476, %get3A_477] {strides = array<i32>} : memref<64x128xf32, #tpu.memory_space<vmem>>, vector<16xf32>,
        %mul3A_479 = arith.mulf %get3A_478, %exp3A_451 : vector<16xf32>
        %swap3A_480 = arith.index_cast %add3A_436 : i32 to index
        %swap3A_481 = arith.constant 48 : index
        %swap3A_482 = tpu.vector_load %arg11[%swap3A_480, %swap3A_481] {strides = array<i32>} : memref<64x128xf32, #tpu.memory_space<vmem>>, vector<16xf32>,
        tpu.vector_store %arg11[%swap3A_480, %swap3A_481], %mul3A_479 {strides = array<i32>} : memref<64x128xf32, #tpu.memory_space<vmem>>, vector<16xf32>,
        %mul3A_483 = arith.constant 16 : i32
        %mul3A_484 = arith.muli %scan3A_37, %mul3A_483 : i32
        %add3A_485 = arith.constant 9 : i32
        %add3A_486 = arith.addi %mul3A_484, %add3A_485 : i32
        %get3A_487 = arith.index_cast %add3A_486 : i32 to index
        %get3A_488 = arith.constant 0 : index
        %get3A_489 = tpu.vector_load %arg12[%get3A_487, %get3A_488] {strides = array<i32>} : memref<64x128xf32, #tpu.memory_space<vmem>>, vector<16xf32>,
        %get3A_490 = arith.index_cast %add3A_486 : i32 to index
        %get3A_491 = arith.constant 64 : index
        %get3A_492 = tpu.vector_load %arg10[%get3A_490, %get3A_491] {strides = array<i32>} : memref<64x128xf32, #tpu.memory_space<vmem>>, vector<16xf32>,
        %add3A_493 = arith.addf %get3A_492, %get3A_489 : vector<16xf32>
        %ge3A_494 = arith.constant 0.000000e+00 : f32
        %ge3A_495 = vector.broadcast %ge3A_494 : f32 to vector<16xf32>
        %ge3A_496 = arith.cmpf oge, %add3A_493, %ge3A_495 : vector<16xf32>
        %mul3A_497 = arith.constant 2.000000e-01 : f32
        %mul3A_498 = vector.broadcast %mul3A_497 : f32 to vector<16xf32>
        %mul3A_499 = arith.mulf %mul3A_498, %add3A_493 : vector<16xf32>
        %select_n3A_500 = arith.select %ge3A_496, %add3A_493, %mul3A_499 : vector<16xi1>, vector<16xf32>
        %exp3A_501 = math.exp %select_n3A_500 : vector<16xf32>
        %swap3A_502 = arith.index_cast %add3A_486 : i32 to index
        %swap3A_503 = arith.constant 64 : index
        %swap3A_504 = tpu.vector_load %arg11[%swap3A_502, %swap3A_503] {strides = array<i32>} : memref<64x128xf32, #tpu.memory_space<vmem>>, vector<16xf32>,
        tpu.vector_store %arg11[%swap3A_502, %swap3A_503], %exp3A_501 {strides = array<i32>} : memref<64x128xf32, #tpu.memory_space<vmem>>, vector<16xf32>,
        %get3A_505 = arith.index_cast %add3A_486 : i32 to index
        %get3A_506 = arith.constant 0 : index
        %get3A_507 = tpu.vector_load %arg10[%get3A_505, %get3A_506] {strides = array<i32>} : memref<64x128xf32, #tpu.memory_space<vmem>>, vector<16xf32>,
        %mul3A_508 = arith.mulf %get3A_507, %exp3A_501 : vector<16xf32>
        %swap3A_509 = arith.index_cast %add3A_486 : i32 to index
        %swap3A_510 = arith.constant 0 : index
        %swap3A_511 = tpu.vector_load %arg11[%swap3A_509, %swap3A_510] {strides = array<i32>} : memref<64x128xf32, #tpu.memory_space<vmem>>, vector<16xf32>,
        tpu.vector_store %arg11[%swap3A_509, %swap3A_510], %mul3A_508 {strides = array<i32>} : memref<64x128xf32, #tpu.memory_space<vmem>>, vector<16xf32>,
        %get3A_512 = arith.index_cast %add3A_486 : i32 to index
        %get3A_513 = arith.constant 16 : index
        %get3A_514 = tpu.vector_load %arg10[%get3A_512, %get3A_513] {strides = array<i32>} : memref<64x128xf32, #tpu.memory_space<vmem>>, vector<16xf32>,
        %mul3A_515 = arith.mulf %get3A_514, %exp3A_501 : vector<16xf32>
        %swap3A_516 = arith.index_cast %add3A_486 : i32 to index
        %swap3A_517 = arith.constant 16 : index
        %swap3A_518 = tpu.vector_load %arg11[%swap3A_516, %swap3A_517] {strides = array<i32>} : memref<64x128xf32, #tpu.memory_space<vmem>>, vector<16xf32>,
        tpu.vector_store %arg11[%swap3A_516, %swap3A_517], %mul3A_515 {strides = array<i32>} : memref<64x128xf32, #tpu.memory_space<vmem>>, vector<16xf32>,
        %get3A_519 = arith.index_cast %add3A_486 : i32 to index
        %get3A_520 = arith.constant 32 : index
        %get3A_521 = tpu.vector_load %arg10[%get3A_519, %get3A_520] {strides = array<i32>} : memref<64x128xf32, #tpu.memory_space<vmem>>, vector<16xf32>,
        %mul3A_522 = arith.mulf %get3A_521, %exp3A_501 : vector<16xf32>
        %swap3A_523 = arith.index_cast %add3A_486 : i32 to index
        %swap3A_524 = arith.constant 32 : index
        %swap3A_525 = tpu.vector_load %arg11[%swap3A_523, %swap3A_524] {strides = array<i32>} : memref<64x128xf32, #tpu.memory_space<vmem>>, vector<16xf32>,
        tpu.vector_store %arg11[%swap3A_523, %swap3A_524], %mul3A_522 {strides = array<i32>} : memref<64x128xf32, #tpu.memory_space<vmem>>, vector<16xf32>,
        %get3A_526 = arith.index_cast %add3A_486 : i32 to index
        %get3A_527 = arith.constant 48 : index
        %get3A_528 = tpu.vector_load %arg10[%get3A_526, %get3A_527] {strides = array<i32>} : memref<64x128xf32, #tpu.memory_space<vmem>>, vector<16xf32>,
        %mul3A_529 = arith.mulf %get3A_528, %exp3A_501 : vector<16xf32>
        %swap3A_530 = arith.index_cast %add3A_486 : i32 to index
        %swap3A_531 = arith.constant 48 : index
        %swap3A_532 = tpu.vector_load %arg11[%swap3A_530, %swap3A_531] {strides = array<i32>} : memref<64x128xf32, #tpu.memory_space<vmem>>, vector<16xf32>,
        tpu.vector_store %arg11[%swap3A_530, %swap3A_531], %mul3A_529 {strides = array<i32>} : memref<64x128xf32, #tpu.memory_space<vmem>>, vector<16xf32>,
        %mul3A_533 = arith.constant 16 : i32
        %mul3A_534 = arith.muli %scan3A_37, %mul3A_533 : i32
        %add3A_535 = arith.constant 10 : i32
        %add3A_536 = arith.addi %mul3A_534, %add3A_535 : i32
        %get3A_537 = arith.index_cast %add3A_536 : i32 to index
        %get3A_538 = arith.constant 0 : index
        %get3A_539 = tpu.vector_load %arg12[%get3A_537, %get3A_538] {strides = array<i32>} : memref<64x128xf32, #tpu.memory_space<vmem>>, vector<16xf32>,
        %get3A_540 = arith.index_cast %add3A_536 : i32 to index
        %get3A_541 = arith.constant 64 : index
        %get3A_542 = tpu.vector_load %arg10[%get3A_540, %get3A_541] {strides = array<i32>} : memref<64x128xf32, #tpu.memory_space<vmem>>, vector<16xf32>,
        %add3A_543 = arith.addf %get3A_542, %get3A_539 : vector<16xf32>
        %ge3A_544 = arith.constant 0.000000e+00 : f32
        %ge3A_545 = vector.broadcast %ge3A_544 : f32 to vector<16xf32>
        %ge3A_546 = arith.cmpf oge, %add3A_543, %ge3A_545 : vector<16xf32>
        %mul3A_547 = arith.constant 2.000000e-01 : f32
        %mul3A_548 = vector.broadcast %mul3A_547 : f32 to vector<16xf32>
        %mul3A_549 = arith.mulf %mul3A_548, %add3A_543 : vector<16xf32>
        %select_n3A_550 = arith.select %ge3A_546, %add3A_543, %mul3A_549 : vector<16xi1>, vector<16xf32>
        %exp3A_551 = math.exp %select_n3A_550 : vector<16xf32>
        %swap3A_552 = arith.index_cast %add3A_536 : i32 to index
        %swap3A_553 = arith.constant 64 : index
        %swap3A_554 = tpu.vector_load %arg11[%swap3A_552, %swap3A_553] {strides = array<i32>} : memref<64x128xf32, #tpu.memory_space<vmem>>, vector<16xf32>,
        tpu.vector_store %arg11[%swap3A_552, %swap3A_553], %exp3A_551 {strides = array<i32>} : memref<64x128xf32, #tpu.memory_space<vmem>>, vector<16xf32>,
        %get3A_555 = arith.index_cast %add3A_536 : i32 to index
        %get3A_556 = arith.constant 0 : index
        %get3A_557 = tpu.vector_load %arg10[%get3A_555, %get3A_556] {strides = array<i32>} : memref<64x128xf32, #tpu.memory_space<vmem>>, vector<16xf32>,
        %mul3A_558 = arith.mulf %get3A_557, %exp3A_551 : vector<16xf32>
        %swap3A_559 = arith.index_cast %add3A_536 : i32 to index
        %swap3A_560 = arith.constant 0 : index
        %swap3A_561 = tpu.vector_load %arg11[%swap3A_559, %swap3A_560] {strides = array<i32>} : memref<64x128xf32, #tpu.memory_space<vmem>>, vector<16xf32>,
        tpu.vector_store %arg11[%swap3A_559, %swap3A_560], %mul3A_558 {strides = array<i32>} : memref<64x128xf32, #tpu.memory_space<vmem>>, vector<16xf32>,
        %get3A_562 = arith.index_cast %add3A_536 : i32 to index
        %get3A_563 = arith.constant 16 : index
        %get3A_564 = tpu.vector_load %arg10[%get3A_562, %get3A_563] {strides = array<i32>} : memref<64x128xf32, #tpu.memory_space<vmem>>, vector<16xf32>,
        %mul3A_565 = arith.mulf %get3A_564, %exp3A_551 : vector<16xf32>
        %swap3A_566 = arith.index_cast %add3A_536 : i32 to index
        %swap3A_567 = arith.constant 16 : index
        %swap3A_568 = tpu.vector_load %arg11[%swap3A_566, %swap3A_567] {strides = array<i32>} : memref<64x128xf32, #tpu.memory_space<vmem>>, vector<16xf32>,
        tpu.vector_store %arg11[%swap3A_566, %swap3A_567], %mul3A_565 {strides = array<i32>} : memref<64x128xf32, #tpu.memory_space<vmem>>, vector<16xf32>,
        %get3A_569 = arith.index_cast %add3A_536 : i32 to index
        %get3A_570 = arith.constant 32 : index
        %get3A_571 = tpu.vector_load %arg10[%get3A_569, %get3A_570] {strides = array<i32>} : memref<64x128xf32, #tpu.memory_space<vmem>>, vector<16xf32>,
        %mul3A_572 = arith.mulf %get3A_571, %exp3A_551 : vector<16xf32>
        %swap3A_573 = arith.index_cast %add3A_536 : i32 to index
        %swap3A_574 = arith.constant 32 : index
        %swap3A_575 = tpu.vector_load %arg11[%swap3A_573, %swap3A_574] {strides = array<i32>} : memref<64x128xf32, #tpu.memory_space<vmem>>, vector<16xf32>,
        tpu.vector_store %arg11[%swap3A_573, %swap3A_574], %mul3A_572 {strides = array<i32>} : memref<64x128xf32, #tpu.memory_space<vmem>>, vector<16xf32>,
        %get3A_576 = arith.index_cast %add3A_536 : i32 to index
        %get3A_577 = arith.constant 48 : index
        %get3A_578 = tpu.vector_load %arg10[%get3A_576, %get3A_577] {strides = array<i32>} : memref<64x128xf32, #tpu.memory_space<vmem>>, vector<16xf32>,
        %mul3A_579 = arith.mulf %get3A_578, %exp3A_551 : vector<16xf32>
        %swap3A_580 = arith.index_cast %add3A_536 : i32 to index
        %swap3A_581 = arith.constant 48 : index
        %swap3A_582 = tpu.vector_load %arg11[%swap3A_580, %swap3A_581] {strides = array<i32>} : memref<64x128xf32, #tpu.memory_space<vmem>>, vector<16xf32>,
        tpu.vector_store %arg11[%swap3A_580, %swap3A_581], %mul3A_579 {strides = array<i32>} : memref<64x128xf32, #tpu.memory_space<vmem>>, vector<16xf32>,
        %mul3A_583 = arith.constant 16 : i32
        %mul3A_584 = arith.muli %scan3A_37, %mul3A_583 : i32
        %add3A_585 = arith.constant 11 : i32
        %add3A_586 = arith.addi %mul3A_584, %add3A_585 : i32
        %get3A_587 = arith.index_cast %add3A_586 : i32 to index
        %get3A_588 = arith.constant 0 : index
        %get3A_589 = tpu.vector_load %arg12[%get3A_587, %get3A_588] {strides = array<i32>} : memref<64x128xf32, #tpu.memory_space<vmem>>, vector<16xf32>,
        %get3A_590 = arith.index_cast %add3A_586 : i32 to index
        %get3A_591 = arith.constant 64 : index
        %get3A_592 = tpu.vector_load %arg10[%get3A_590, %get3A_591] {strides = array<i32>} : memref<64x128xf32, #tpu.memory_space<vmem>>, vector<16xf32>,
        %add3A_593 = arith.addf %get3A_592, %get3A_589 : vector<16xf32>
        %ge3A_594 = arith.constant 0.000000e+00 : f32
        %ge3A_595 = vector.broadcast %ge3A_594 : f32 to vector<16xf32>
        %ge3A_596 = arith.cmpf oge, %add3A_593, %ge3A_595 : vector<16xf32>
        %mul3A_597 = arith.constant 2.000000e-01 : f32
        %mul3A_598 = vector.broadcast %mul3A_597 : f32 to vector<16xf32>
        %mul3A_599 = arith.mulf %mul3A_598, %add3A_593 : vector<16xf32>
        %select_n3A_600 = arith.select %ge3A_596, %add3A_593, %mul3A_599 : vector<16xi1>, vector<16xf32>
        %exp3A_601 = math.exp %select_n3A_600 : vector<16xf32>
        %swap3A_602 = arith.index_cast %add3A_586 : i32 to index
        %swap3A_603 = arith.constant 64 : index
        %swap3A_604 = tpu.vector_load %arg11[%swap3A_602, %swap3A_603] {strides = array<i32>} : memref<64x128xf32, #tpu.memory_space<vmem>>, vector<16xf32>,
        tpu.vector_store %arg11[%swap3A_602, %swap3A_603], %exp3A_601 {strides = array<i32>} : memref<64x128xf32, #tpu.memory_space<vmem>>, vector<16xf32>,
        %get3A_605 = arith.index_cast %add3A_586 : i32 to index
        %get3A_606 = arith.constant 0 : index
        %get3A_607 = tpu.vector_load %arg10[%get3A_605, %get3A_606] {strides = array<i32>} : memref<64x128xf32, #tpu.memory_space<vmem>>, vector<16xf32>,
        %mul3A_608 = arith.mulf %get3A_607, %exp3A_601 : vector<16xf32>
        %swap3A_609 = arith.index_cast %add3A_586 : i32 to index
        %swap3A_610 = arith.constant 0 : index
        %swap3A_611 = tpu.vector_load %arg11[%swap3A_609, %swap3A_610] {strides = array<i32>} : memref<64x128xf32, #tpu.memory_space<vmem>>, vector<16xf32>,
        tpu.vector_store %arg11[%swap3A_609, %swap3A_610], %mul3A_608 {strides = array<i32>} : memref<64x128xf32, #tpu.memory_space<vmem>>, vector<16xf32>,
        %get3A_612 = arith.index_cast %add3A_586 : i32 to index
        %get3A_613 = arith.constant 16 : index
        %get3A_614 = tpu.vector_load %arg10[%get3A_612, %get3A_613] {strides = array<i32>} : memref<64x128xf32, #tpu.memory_space<vmem>>, vector<16xf32>,
        %mul3A_615 = arith.mulf %get3A_614, %exp3A_601 : vector<16xf32>
        %swap3A_616 = arith.index_cast %add3A_586 : i32 to index
        %swap3A_617 = arith.constant 16 : index
        %swap3A_618 = tpu.vector_load %arg11[%swap3A_616, %swap3A_617] {strides = array<i32>} : memref<64x128xf32, #tpu.memory_space<vmem>>, vector<16xf32>,
        tpu.vector_store %arg11[%swap3A_616, %swap3A_617], %mul3A_615 {strides = array<i32>} : memref<64x128xf32, #tpu.memory_space<vmem>>, vector<16xf32>,
        %get3A_619 = arith.index_cast %add3A_586 : i32 to index
        %get3A_620 = arith.constant 32 : index
        %get3A_621 = tpu.vector_load %arg10[%get3A_619, %get3A_620] {strides = array<i32>} : memref<64x128xf32, #tpu.memory_space<vmem>>, vector<16xf32>,
        %mul3A_622 = arith.mulf %get3A_621, %exp3A_601 : vector<16xf32>
        %swap3A_623 = arith.index_cast %add3A_586 : i32 to index
        %swap3A_624 = arith.constant 32 : index
        %swap3A_625 = tpu.vector_load %arg11[%swap3A_623, %swap3A_624] {strides = array<i32>} : memref<64x128xf32, #tpu.memory_space<vmem>>, vector<16xf32>,
        tpu.vector_store %arg11[%swap3A_623, %swap3A_624], %mul3A_622 {strides = array<i32>} : memref<64x128xf32, #tpu.memory_space<vmem>>, vector<16xf32>,
        %get3A_626 = arith.index_cast %add3A_586 : i32 to index
        %get3A_627 = arith.constant 48 : index
        %get3A_628 = tpu.vector_load %arg10[%get3A_626, %get3A_627] {strides = array<i32>} : memref<64x128xf32, #tpu.memory_space<vmem>>, vector<16xf32>,
        %mul3A_629 = arith.mulf %get3A_628, %exp3A_601 : vector<16xf32>
        %swap3A_630 = arith.index_cast %add3A_586 : i32 to index
        %swap3A_631 = arith.constant 48 : index
        %swap3A_632 = tpu.vector_load %arg11[%swap3A_630, %swap3A_631] {strides = array<i32>} : memref<64x128xf32, #tpu.memory_space<vmem>>, vector<16xf32>,
        tpu.vector_store %arg11[%swap3A_630, %swap3A_631], %mul3A_629 {strides = array<i32>} : memref<64x128xf32, #tpu.memory_space<vmem>>, vector<16xf32>,
        %mul3A_633 = arith.constant 16 : i32
        %mul3A_634 = arith.muli %scan3A_37, %mul3A_633 : i32
        %add3A_635 = arith.constant 12 : i32
        %add3A_636 = arith.addi %mul3A_634, %add3A_635 : i32
        %get3A_637 = arith.index_cast %add3A_636 : i32 to index
        %get3A_638 = arith.constant 0 : index
        %get3A_639 = tpu.vector_load %arg12[%get3A_637, %get3A_638] {strides = array<i32>} : memref<64x128xf32, #tpu.memory_space<vmem>>, vector<16xf32>,
        %get3A_640 = arith.index_cast %add3A_636 : i32 to index
        %get3A_641 = arith.constant 64 : index
        %get3A_642 = tpu.vector_load %arg10[%get3A_640, %get3A_641] {strides = array<i32>} : memref<64x128xf32, #tpu.memory_space<vmem>>, vector<16xf32>,
        %add3A_643 = arith.addf %get3A_642, %get3A_639 : vector<16xf32>
        %ge3A_644 = arith.constant 0.000000e+00 : f32
        %ge3A_645 = vector.broadcast %ge3A_644 : f32 to vector<16xf32>
        %ge3A_646 = arith.cmpf oge, %add3A_643, %ge3A_645 : vector<16xf32>
        %mul3A_647 = arith.constant 2.000000e-01 : f32
        %mul3A_648 = vector.broadcast %mul3A_647 : f32 to vector<16xf32>
        %mul3A_649 = arith.mulf %mul3A_648, %add3A_643 : vector<16xf32>
        %select_n3A_650 = arith.select %ge3A_646, %add3A_643, %mul3A_649 : vector<16xi1>, vector<16xf32>
        %exp3A_651 = math.exp %select_n3A_650 : vector<16xf32>
        %swap3A_652 = arith.index_cast %add3A_636 : i32 to index
        %swap3A_653 = arith.constant 64 : index
        %swap3A_654 = tpu.vector_load %arg11[%swap3A_652, %swap3A_653] {strides = array<i32>} : memref<64x128xf32, #tpu.memory_space<vmem>>, vector<16xf32>,
        tpu.vector_store %arg11[%swap3A_652, %swap3A_653], %exp3A_651 {strides = array<i32>} : memref<64x128xf32, #tpu.memory_space<vmem>>, vector<16xf32>,
        %get3A_655 = arith.index_cast %add3A_636 : i32 to index
        %get3A_656 = arith.constant 0 : index
        %get3A_657 = tpu.vector_load %arg10[%get3A_655, %get3A_656] {strides = array<i32>} : memref<64x128xf32, #tpu.memory_space<vmem>>, vector<16xf32>,
        %mul3A_658 = arith.mulf %get3A_657, %exp3A_651 : vector<16xf32>
        %swap3A_659 = arith.index_cast %add3A_636 : i32 to index
        %swap3A_660 = arith.constant 0 : index
        %swap3A_661 = tpu.vector_load %arg11[%swap3A_659, %swap3A_660] {strides = array<i32>} : memref<64x128xf32, #tpu.memory_space<vmem>>, vector<16xf32>,
        tpu.vector_store %arg11[%swap3A_659, %swap3A_660], %mul3A_658 {strides = array<i32>} : memref<64x128xf32, #tpu.memory_space<vmem>>, vector<16xf32>,
        %get3A_662 = arith.index_cast %add3A_636 : i32 to index
        %get3A_663 = arith.constant 16 : index
        %get3A_664 = tpu.vector_load %arg10[%get3A_662, %get3A_663] {strides = array<i32>} : memref<64x128xf32, #tpu.memory_space<vmem>>, vector<16xf32>,
        %mul3A_665 = arith.mulf %get3A_664, %exp3A_651 : vector<16xf32>
        %swap3A_666 = arith.index_cast %add3A_636 : i32 to index
        %swap3A_667 = arith.constant 16 : index
        %swap3A_668 = tpu.vector_load %arg11[%swap3A_666, %swap3A_667] {strides = array<i32>} : memref<64x128xf32, #tpu.memory_space<vmem>>, vector<16xf32>,
        tpu.vector_store %arg11[%swap3A_666, %swap3A_667], %mul3A_665 {strides = array<i32>} : memref<64x128xf32, #tpu.memory_space<vmem>>, vector<16xf32>,
        %get3A_669 = arith.index_cast %add3A_636 : i32 to index
        %get3A_670 = arith.constant 32 : index
        %get3A_671 = tpu.vector_load %arg10[%get3A_669, %get3A_670] {strides = array<i32>} : memref<64x128xf32, #tpu.memory_space<vmem>>, vector<16xf32>,
        %mul3A_672 = arith.mulf %get3A_671, %exp3A_651 : vector<16xf32>
        %swap3A_673 = arith.index_cast %add3A_636 : i32 to index
        %swap3A_674 = arith.constant 32 : index
        %swap3A_675 = tpu.vector_load %arg11[%swap3A_673, %swap3A_674] {strides = array<i32>} : memref<64x128xf32, #tpu.memory_space<vmem>>, vector<16xf32>,
        tpu.vector_store %arg11[%swap3A_673, %swap3A_674], %mul3A_672 {strides = array<i32>} : memref<64x128xf32, #tpu.memory_space<vmem>>, vector<16xf32>,
        %get3A_676 = arith.index_cast %add3A_636 : i32 to index
        %get3A_677 = arith.constant 48 : index
        %get3A_678 = tpu.vector_load %arg10[%get3A_676, %get3A_677] {strides = array<i32>} : memref<64x128xf32, #tpu.memory_space<vmem>>, vector<16xf32>,
        %mul3A_679 = arith.mulf %get3A_678, %exp3A_651 : vector<16xf32>
        %swap3A_680 = arith.index_cast %add3A_636 : i32 to index
        %swap3A_681 = arith.constant 48 : index
        %swap3A_682 = tpu.vector_load %arg11[%swap3A_680, %swap3A_681] {strides = array<i32>} : memref<64x128xf32, #tpu.memory_space<vmem>>, vector<16xf32>,
        tpu.vector_store %arg11[%swap3A_680, %swap3A_681], %mul3A_679 {strides = array<i32>} : memref<64x128xf32, #tpu.memory_space<vmem>>, vector<16xf32>,
        %mul3A_683 = arith.constant 16 : i32
        %mul3A_684 = arith.muli %scan3A_37, %mul3A_683 : i32
        %add3A_685 = arith.constant 13 : i32
        %add3A_686 = arith.addi %mul3A_684, %add3A_685 : i32
        %get3A_687 = arith.index_cast %add3A_686 : i32 to index
        %get3A_688 = arith.constant 0 : index
        %get3A_689 = tpu.vector_load %arg12[%get3A_687, %get3A_688] {strides = array<i32>} : memref<64x128xf32, #tpu.memory_space<vmem>>, vector<16xf32>,
        %get3A_690 = arith.index_cast %add3A_686 : i32 to index
        %get3A_691 = arith.constant 64 : index
        %get3A_692 = tpu.vector_load %arg10[%get3A_690, %get3A_691] {strides = array<i32>} : memref<64x128xf32, #tpu.memory_space<vmem>>, vector<16xf32>,
        %add3A_693 = arith.addf %get3A_692, %get3A_689 : vector<16xf32>
        %ge3A_694 = arith.constant 0.000000e+00 : f32
        %ge3A_695 = vector.broadcast %ge3A_694 : f32 to vector<16xf32>
        %ge3A_696 = arith.cmpf oge, %add3A_693, %ge3A_695 : vector<16xf32>
        %mul3A_697 = arith.constant 2.000000e-01 : f32
        %mul3A_698 = vector.broadcast %mul3A_697 : f32 to vector<16xf32>
        %mul3A_699 = arith.mulf %mul3A_698, %add3A_693 : vector<16xf32>
        %select_n3A_700 = arith.select %ge3A_696, %add3A_693, %mul3A_699 : vector<16xi1>, vector<16xf32>
        %exp3A_701 = math.exp %select_n3A_700 : vector<16xf32>
        %swap3A_702 = arith.index_cast %add3A_686 : i32 to index
        %swap3A_703 = arith.constant 64 : index
        %swap3A_704 = tpu.vector_load %arg11[%swap3A_702, %swap3A_703] {strides = array<i32>} : memref<64x128xf32, #tpu.memory_space<vmem>>, vector<16xf32>,
        tpu.vector_store %arg11[%swap3A_702, %swap3A_703], %exp3A_701 {strides = array<i32>} : memref<64x128xf32, #tpu.memory_space<vmem>>, vector<16xf32>,
        %get3A_705 = arith.index_cast %add3A_686 : i32 to index
        %get3A_706 = arith.constant 0 : index
        %get3A_707 = tpu.vector_load %arg10[%get3A_705, %get3A_706] {strides = array<i32>} : memref<64x128xf32, #tpu.memory_space<vmem>>, vector<16xf32>,
        %mul3A_708 = arith.mulf %get3A_707, %exp3A_701 : vector<16xf32>
        %swap3A_709 = arith.index_cast %add3A_686 : i32 to index
        %swap3A_710 = arith.constant 0 : index
        %swap3A_711 = tpu.vector_load %arg11[%swap3A_709, %swap3A_710] {strides = array<i32>} : memref<64x128xf32, #tpu.memory_space<vmem>>, vector<16xf32>,
        tpu.vector_store %arg11[%swap3A_709, %swap3A_710], %mul3A_708 {strides = array<i32>} : memref<64x128xf32, #tpu.memory_space<vmem>>, vector<16xf32>,
        %get3A_712 = arith.index_cast %add3A_686 : i32 to index
        %get3A_713 = arith.constant 16 : index
        %get3A_714 = tpu.vector_load %arg10[%get3A_712, %get3A_713] {strides = array<i32>} : memref<64x128xf32, #tpu.memory_space<vmem>>, vector<16xf32>,
        %mul3A_715 = arith.mulf %get3A_714, %exp3A_701 : vector<16xf32>
        %swap3A_716 = arith.index_cast %add3A_686 : i32 to index
        %swap3A_717 = arith.constant 16 : index
        %swap3A_718 = tpu.vector_load %arg11[%swap3A_716, %swap3A_717] {strides = array<i32>} : memref<64x128xf32, #tpu.memory_space<vmem>>, vector<16xf32>,
        tpu.vector_store %arg11[%swap3A_716, %swap3A_717], %mul3A_715 {strides = array<i32>} : memref<64x128xf32, #tpu.memory_space<vmem>>, vector<16xf32>,
        %get3A_719 = arith.index_cast %add3A_686 : i32 to index
        %get3A_720 = arith.constant 32 : index
        %get3A_721 = tpu.vector_load %arg10[%get3A_719, %get3A_720] {strides = array<i32>} : memref<64x128xf32, #tpu.memory_space<vmem>>, vector<16xf32>,
        %mul3A_722 = arith.mulf %get3A_721, %exp3A_701 : vector<16xf32>
        %swap3A_723 = arith.index_cast %add3A_686 : i32 to index
        %swap3A_724 = arith.constant 32 : index
        %swap3A_725 = tpu.vector_load %arg11[%swap3A_723, %swap3A_724] {strides = array<i32>} : memref<64x128xf32, #tpu.memory_space<vmem>>, vector<16xf32>,
        tpu.vector_store %arg11[%swap3A_723, %swap3A_724], %mul3A_722 {strides = array<i32>} : memref<64x128xf32, #tpu.memory_space<vmem>>, vector<16xf32>,
        %get3A_726 = arith.index_cast %add3A_686 : i32 to index
        %get3A_727 = arith.constant 48 : index
        %get3A_728 = tpu.vector_load %arg10[%get3A_726, %get3A_727] {strides = array<i32>} : memref<64x128xf32, #tpu.memory_space<vmem>>, vector<16xf32>,
        %mul3A_729 = arith.mulf %get3A_728, %exp3A_701 : vector<16xf32>
        %swap3A_730 = arith.index_cast %add3A_686 : i32 to index
        %swap3A_731 = arith.constant 48 : index
        %swap3A_732 = tpu.vector_load %arg11[%swap3A_730, %swap3A_731] {strides = array<i32>} : memref<64x128xf32, #tpu.memory_space<vmem>>, vector<16xf32>,
        tpu.vector_store %arg11[%swap3A_730, %swap3A_731], %mul3A_729 {strides = array<i32>} : memref<64x128xf32, #tpu.memory_space<vmem>>, vector<16xf32>,
        %mul3A_733 = arith.constant 16 : i32
        %mul3A_734 = arith.muli %scan3A_37, %mul3A_733 : i32
        %add3A_735 = arith.constant 14 : i32
        %add3A_736 = arith.addi %mul3A_734, %add3A_735 : i32
        %get3A_737 = arith.index_cast %add3A_736 : i32 to index
        %get3A_738 = arith.constant 0 : index
        %get3A_739 = tpu.vector_load %arg12[%get3A_737, %get3A_738] {strides = array<i32>} : memref<64x128xf32, #tpu.memory_space<vmem>>, vector<16xf32>,
        %get3A_740 = arith.index_cast %add3A_736 : i32 to index
        %get3A_741 = arith.constant 64 : index
        %get3A_742 = tpu.vector_load %arg10[%get3A_740, %get3A_741] {strides = array<i32>} : memref<64x128xf32, #tpu.memory_space<vmem>>, vector<16xf32>,
        %add3A_743 = arith.addf %get3A_742, %get3A_739 : vector<16xf32>
        %ge3A_744 = arith.constant 0.000000e+00 : f32
        %ge3A_745 = vector.broadcast %ge3A_744 : f32 to vector<16xf32>
        %ge3A_746 = arith.cmpf oge, %add3A_743, %ge3A_745 : vector<16xf32>
        %mul3A_747 = arith.constant 2.000000e-01 : f32
        %mul3A_748 = vector.broadcast %mul3A_747 : f32 to vector<16xf32>
        %mul3A_749 = arith.mulf %mul3A_748, %add3A_743 : vector<16xf32>
        %select_n3A_750 = arith.select %ge3A_746, %add3A_743, %mul3A_749 : vector<16xi1>, vector<16xf32>
        %exp3A_751 = math.exp %select_n3A_750 : vector<16xf32>
        %swap3A_752 = arith.index_cast %add3A_736 : i32 to index
        %swap3A_753 = arith.constant 64 : index
        %swap3A_754 = tpu.vector_load %arg11[%swap3A_752, %swap3A_753] {strides = array<i32>} : memref<64x128xf32, #tpu.memory_space<vmem>>, vector<16xf32>,
        tpu.vector_store %arg11[%swap3A_752, %swap3A_753], %exp3A_751 {strides = array<i32>} : memref<64x128xf32, #tpu.memory_space<vmem>>, vector<16xf32>,
        %get3A_755 = arith.index_cast %add3A_736 : i32 to index
        %get3A_756 = arith.constant 0 : index
        %get3A_757 = tpu.vector_load %arg10[%get3A_755, %get3A_756] {strides = array<i32>} : memref<64x128xf32, #tpu.memory_space<vmem>>, vector<16xf32>,
        %mul3A_758 = arith.mulf %get3A_757, %exp3A_751 : vector<16xf32>
        %swap3A_759 = arith.index_cast %add3A_736 : i32 to index
        %swap3A_760 = arith.constant 0 : index
        %swap3A_761 = tpu.vector_load %arg11[%swap3A_759, %swap3A_760] {strides = array<i32>} : memref<64x128xf32, #tpu.memory_space<vmem>>, vector<16xf32>,
        tpu.vector_store %arg11[%swap3A_759, %swap3A_760], %mul3A_758 {strides = array<i32>} : memref<64x128xf32, #tpu.memory_space<vmem>>, vector<16xf32>,
        %get3A_762 = arith.index_cast %add3A_736 : i32 to index
        %get3A_763 = arith.constant 16 : index
        %get3A_764 = tpu.vector_load %arg10[%get3A_762, %get3A_763] {strides = array<i32>} : memref<64x128xf32, #tpu.memory_space<vmem>>, vector<16xf32>,
        %mul3A_765 = arith.mulf %get3A_764, %exp3A_751 : vector<16xf32>
        %swap3A_766 = arith.index_cast %add3A_736 : i32 to index
        %swap3A_767 = arith.constant 16 : index
        %swap3A_768 = tpu.vector_load %arg11[%swap3A_766, %swap3A_767] {strides = array<i32>} : memref<64x128xf32, #tpu.memory_space<vmem>>, vector<16xf32>,
        tpu.vector_store %arg11[%swap3A_766, %swap3A_767], %mul3A_765 {strides = array<i32>} : memref<64x128xf32, #tpu.memory_space<vmem>>, vector<16xf32>,
        %get3A_769 = arith.index_cast %add3A_736 : i32 to index
        %get3A_770 = arith.constant 32 : index
        %get3A_771 = tpu.vector_load %arg10[%get3A_769, %get3A_770] {strides = array<i32>} : memref<64x128xf32, #tpu.memory_space<vmem>>, vector<16xf32>,
        %mul3A_772 = arith.mulf %get3A_771, %exp3A_751 : vector<16xf32>
        %swap3A_773 = arith.index_cast %add3A_736 : i32 to index
        %swap3A_774 = arith.constant 32 : index
        %swap3A_775 = tpu.vector_load %arg11[%swap3A_773, %swap3A_774] {strides = array<i32>} : memref<64x128xf32, #tpu.memory_space<vmem>>, vector<16xf32>,
        tpu.vector_store %arg11[%swap3A_773, %swap3A_774], %mul3A_772 {strides = array<i32>} : memref<64x128xf32, #tpu.memory_space<vmem>>, vector<16xf32>,
        %get3A_776 = arith.index_cast %add3A_736 : i32 to index
        %get3A_777 = arith.constant 48 : index
        %get3A_778 = tpu.vector_load %arg10[%get3A_776, %get3A_777] {strides = array<i32>} : memref<64x128xf32, #tpu.memory_space<vmem>>, vector<16xf32>,
        %mul3A_779 = arith.mulf %get3A_778, %exp3A_751 : vector<16xf32>
        %swap3A_780 = arith.index_cast %add3A_736 : i32 to index
        %swap3A_781 = arith.constant 48 : index
        %swap3A_782 = tpu.vector_load %arg11[%swap3A_780, %swap3A_781] {strides = array<i32>} : memref<64x128xf32, #tpu.memory_space<vmem>>, vector<16xf32>,
        tpu.vector_store %arg11[%swap3A_780, %swap3A_781], %mul3A_779 {strides = array<i32>} : memref<64x128xf32, #tpu.memory_space<vmem>>, vector<16xf32>,
        %mul3A_783 = arith.constant 16 : i32
        %mul3A_784 = arith.muli %scan3A_37, %mul3A_783 : i32
        %add3A_785 = arith.constant 15 : i32
        %add3A_786 = arith.addi %mul3A_784, %add3A_785 : i32
        %get3A_787 = arith.index_cast %add3A_786 : i32 to index
        %get3A_788 = arith.constant 0 : index
        %get3A_789 = tpu.vector_load %arg12[%get3A_787, %get3A_788] {strides = array<i32>} : memref<64x128xf32, #tpu.memory_space<vmem>>, vector<16xf32>,
        %get3A_790 = arith.index_cast %add3A_786 : i32 to index
        %get3A_791 = arith.constant 64 : index
        %get3A_792 = tpu.vector_load %arg10[%get3A_790, %get3A_791] {strides = array<i32>} : memref<64x128xf32, #tpu.memory_space<vmem>>, vector<16xf32>,
        %add3A_793 = arith.addf %get3A_792, %get3A_789 : vector<16xf32>
        %ge3A_794 = arith.constant 0.000000e+00 : f32
        %ge3A_795 = vector.broadcast %ge3A_794 : f32 to vector<16xf32>
        %ge3A_796 = arith.cmpf oge, %add3A_793, %ge3A_795 : vector<16xf32>
        %mul3A_797 = arith.constant 2.000000e-01 : f32
        %mul3A_798 = vector.broadcast %mul3A_797 : f32 to vector<16xf32>
        %mul3A_799 = arith.mulf %mul3A_798, %add3A_793 : vector<16xf32>
        %select_n3A_800 = arith.select %ge3A_796, %add3A_793, %mul3A_799 : vector<16xi1>, vector<16xf32>
        %exp3A_801 = math.exp %select_n3A_800 : vector<16xf32>
        %swap3A_802 = arith.index_cast %add3A_786 : i32 to index
        %swap3A_803 = arith.constant 64 : index
        %swap3A_804 = tpu.vector_load %arg11[%swap3A_802, %swap3A_803] {strides = array<i32>} : memref<64x128xf32, #tpu.memory_space<vmem>>, vector<16xf32>,
        tpu.vector_store %arg11[%swap3A_802, %swap3A_803], %exp3A_801 {strides = array<i32>} : memref<64x128xf32, #tpu.memory_space<vmem>>, vector<16xf32>,
        %get3A_805 = arith.index_cast %add3A_786 : i32 to index
        %get3A_806 = arith.constant 0 : index
        %get3A_807 = tpu.vector_load %arg10[%get3A_805, %get3A_806] {strides = array<i32>} : memref<64x128xf32, #tpu.memory_space<vmem>>, vector<16xf32>,
        %mul3A_808 = arith.mulf %get3A_807, %exp3A_801 : vector<16xf32>
        %swap3A_809 = arith.index_cast %add3A_786 : i32 to index
        %swap3A_810 = arith.constant 0 : index
        %swap3A_811 = tpu.vector_load %arg11[%swap3A_809, %swap3A_810] {strides = array<i32>} : memref<64x128xf32, #tpu.memory_space<vmem>>, vector<16xf32>,
        tpu.vector_store %arg11[%swap3A_809, %swap3A_810], %mul3A_808 {strides = array<i32>} : memref<64x128xf32, #tpu.memory_space<vmem>>, vector<16xf32>,
        %get3A_812 = arith.index_cast %add3A_786 : i32 to index
        %get3A_813 = arith.constant 16 : index
        %get3A_814 = tpu.vector_load %arg10[%get3A_812, %get3A_813] {strides = array<i32>} : memref<64x128xf32, #tpu.memory_space<vmem>>, vector<16xf32>,
        %mul3A_815 = arith.mulf %get3A_814, %exp3A_801 : vector<16xf32>
        %swap3A_816 = arith.index_cast %add3A_786 : i32 to index
        %swap3A_817 = arith.constant 16 : index
        %swap3A_818 = tpu.vector_load %arg11[%swap3A_816, %swap3A_817] {strides = array<i32>} : memref<64x128xf32, #tpu.memory_space<vmem>>, vector<16xf32>,
        tpu.vector_store %arg11[%swap3A_816, %swap3A_817], %mul3A_815 {strides = array<i32>} : memref<64x128xf32, #tpu.memory_space<vmem>>, vector<16xf32>,
        %get3A_819 = arith.index_cast %add3A_786 : i32 to index
        %get3A_820 = arith.constant 32 : index
        %get3A_821 = tpu.vector_load %arg10[%get3A_819, %get3A_820] {strides = array<i32>} : memref<64x128xf32, #tpu.memory_space<vmem>>, vector<16xf32>,
        %mul3A_822 = arith.mulf %get3A_821, %exp3A_801 : vector<16xf32>
        %swap3A_823 = arith.index_cast %add3A_786 : i32 to index
        %swap3A_824 = arith.constant 32 : index
        %swap3A_825 = tpu.vector_load %arg11[%swap3A_823, %swap3A_824] {strides = array<i32>} : memref<64x128xf32, #tpu.memory_space<vmem>>, vector<16xf32>,
        tpu.vector_store %arg11[%swap3A_823, %swap3A_824], %mul3A_822 {strides = array<i32>} : memref<64x128xf32, #tpu.memory_space<vmem>>, vector<16xf32>,
        %get3A_826 = arith.index_cast %add3A_786 : i32 to index
        %get3A_827 = arith.constant 48 : index
        %get3A_828 = tpu.vector_load %arg10[%get3A_826, %get3A_827] {strides = array<i32>} : memref<64x128xf32, #tpu.memory_space<vmem>>, vector<16xf32>,
        %mul3A_829 = arith.mulf %get3A_828, %exp3A_801 : vector<16xf32>
        %swap3A_830 = arith.index_cast %add3A_786 : i32 to index
        %swap3A_831 = arith.constant 48 : index
        %swap3A_832 = tpu.vector_load %arg11[%swap3A_830, %swap3A_831] {strides = array<i32>} : memref<64x128xf32, #tpu.memory_space<vmem>>, vector<16xf32>,
        tpu.vector_store %arg11[%swap3A_830, %swap3A_831], %mul3A_829 {strides = array<i32>} : memref<64x128xf32, #tpu.memory_space<vmem>>, vector<16xf32>,
      }
      %scan3A_36 = arith.constant 4 : i32
      "tpu.region"() ({
        %run_scoped3A = tpu.sem_alloc : memref<!tpu.dma_semaphore, #tpu.memory_space<semaphore_mem>>
        %dma_start3A_37 = arith.constant 0 : i32
        %dma_start3A_38 = arith.constant 0 : i32
        %dma_start3A_39 = tpu.memref_slice %arg13[%dma_start3A_37, %dma_start3A_38] : memref<10112x128xf32, #tpu.memory_space<vmem_shared>> -> memref<10112x128xf32, #tpu.memory_space<vmem_shared>>
        tpu.enqueue_indirect_dma source(%arg11 : memref<64x128xf32, #tpu.memory_space<vmem>>) target(%dma_start3A_39 : memref<10112x128xf32, #tpu.memory_space<vmem_shared>>) offsets(%arg9 : memref<64xi32, #tpu.memory_space<vmem>>) semaphore(%run_scoped3A : memref<!tpu.dma_semaphore, #tpu.memory_space<semaphore_mem>>) {add = true}
        %dma_wait3A_40 = arith.constant 0 : i32
        %dma_wait3A_41 = arith.constant 0 : i32
        %dma_wait3A_42 = tpu.memref_slice %arg13[%dma_wait3A_40, %dma_wait3A_41] : memref<10112x128xf32, #tpu.memory_space<vmem_shared>> -> memref<10112x128xf32, #tpu.memory_space<vmem_shared>>
        tpu.wait_indirect_dma semaphore(%run_scoped3A : memref<!tpu.dma_semaphore, #tpu.memory_space<semaphore_mem>>) src(%arg11 : memref<64x128xf32, #tpu.memory_space<vmem>>) dst(%dma_wait3A_42 : memref<10112x128xf32, #tpu.memory_space<vmem_shared>>)
        tpu.yield
      }) : () -> ()
    }
    %scan3A_15 = arith.constant 157 : i32
    %barrier3A_16 = arith.constant 0 : index
    tpu.barrier barrier_id(%barrier3A_16)
    "tpu.region"() ({
      %run_scoped3A = tpu.sem_alloc : memref<!tpu.dma_semaphore, #tpu.memory_space<semaphore_mem>>
      %dma_start3A = arith.constant 0 : i32
      %dma_start3A_17 = tpu.memref_slice %arg7[%arg0, %mul3A_2, %dma_start3A] : memref<2x10112x128xf32, #tpu.memory_space<hbm>> -> memref<1x632x128xf32, #tpu.memory_space<hbm>>
      %dma_start3A_18 = tpu.memref_squeeze %dma_start3A_17 : memref<1x632x128xf32, #tpu.memory_space<hbm>> -> memref<632x128xf32, #tpu.memory_space<hbm>>
      %dma_start3A_19 = arith.constant 0 : i32
      %dma_start3A_20 = tpu.memref_slice %arg13[%mul3A_2, %dma_start3A_19] : memref<10112x128xf32, #tpu.memory_space<vmem_shared>> -> memref<632x128xf32, #tpu.memory_space<vmem_shared>>
      tpu.enqueue_dma source(%dma_start3A_20 : memref<632x128xf32, #tpu.memory_space<vmem_shared>>) target(%dma_start3A_18 : memref<632x128xf32, #tpu.memory_space<hbm>>) target_semaphore(%run_scoped3A : memref<!tpu.dma_semaphore, #tpu.memory_space<semaphore_mem>>)
      %dma_wait3A = arith.constant 0 : i32
      %dma_wait3A_21 = tpu.memref_slice %arg7[%arg0, %mul3A_2, %dma_wait3A] : memref<2x10112x128xf32, #tpu.memory_space<hbm>> -> memref<1x632x128xf32, #tpu.memory_space<hbm>>
      %dma_wait3A_22 = tpu.memref_squeeze %dma_wait3A_21 : memref<1x632x128xf32, #tpu.memory_space<hbm>> -> memref<632x128xf32, #tpu.memory_space<hbm>>
      %dma_wait3A_23 = arith.constant 0 : i32
      %dma_wait3A_24 = tpu.memref_slice %arg13[%mul3A_2, %dma_wait3A_23] : memref<10112x128xf32, #tpu.memory_space<vmem_shared>> -> memref<632x128xf32, #tpu.memory_space<vmem_shared>>
      tpu.wait_dma2 semaphore(%run_scoped3A : memref<!tpu.dma_semaphore, #tpu.memory_space<semaphore_mem>>) src(%dma_wait3A_24 : memref<632x128xf32, #tpu.memory_space<vmem_shared>>) dst(%dma_wait3A_22 : memref<632x128xf32, #tpu.memory_space<hbm>>)
      tpu.yield
    }) : () -> ()
    return
  }
}

module attributes {stable_mosaic.version = 14 : i64} {
  func.func @body(%arg0: i32, %arg1: memref<1000x128xf32, #tpu.memory_space<vmem>>, %arg2: memref<128x64xf32, #tpu.memory_space<vmem>>, %arg3: memref<64x8xf32, #tpu.memory_space<vmem>>, %arg4: memref<64x8xf32, #tpu.memory_space<vmem>>, %arg5: memref<1000x128xf32, #tpu.memory_space<vmem>>, %arg6: memref<1000x16xf32, #tpu.memory_space<vmem>>) attributes {dimension_semantics = [#tpu.dimension_semantics<arbitrary>], iteration_bounds = array<i64: 10>, scalar_prefetch = 0 : i64, scratch_operands = 0 : i64, tpu.core_type = #tpu.core_type<tc>, window_params = [{transform_indices = @transform_0, window_bounds = array<i64: 1000, 128>}, {pipeline_mode = #tpu.pipeline_mode<synchronous>, transform_indices = @transform_1, window_bounds = array<i64: 128, 64>}, {pipeline_mode = #tpu.pipeline_mode<synchronous>, transform_indices = @transform_2, window_bounds = array<i64: 64, 8>}, {pipeline_mode = #tpu.pipeline_mode<synchronous>, transform_indices = @transform_3, window_bounds = array<i64: 64, 8>}, {transform_indices = @transform_4, window_bounds = array<i64: 1000, 128>}, {transform_indices = @transform_5, window_bounds = array<i64: 1000, 16>}]} {
    %get3A = arith.constant 0 : index
    %get3A_0 = arith.constant 0 : index
    %get3A_1 = vector.load %arg1[%get3A, %get3A_0] : memref<1000x128xf32, #tpu.memory_space<vmem>>, vector<1000x128xf32>
    %get3A_2 = arith.constant 0 : index
    %get3A_3 = arith.constant 0 : index
    %get3A_4 = vector.load %arg2[%get3A_2, %get3A_3] : memref<128x64xf32, #tpu.memory_space<vmem>>, vector<128x64xf32>
    %dot_general3A = arith.constant dense<0.000000e+00> : vector<1000x64xf32>
    %dot_general3A_5 = tpu.matmul %get3A_1, %get3A_4, %dot_general3A {dimension_numbers = #tpu.dot_dimension_numbers<[1], [0], [0], [1], [0, 0, 1, 1], [], []>, transpose_lhs_hint = false} : vector<1000x128xf32>, vector<128x64xf32>, vector<1000x64xf32> -> vector<1000x64xf32>
    %get3A_6 = arith.constant 0 : index
    %get3A_7 = arith.constant 0 : index
    %get3A_8 = vector.load %arg3[%get3A_6, %get3A_7] : memref<64x8xf32, #tpu.memory_space<vmem>>, vector<64x8xf32>
    %dot_general3A_9 = arith.constant dense<0.000000e+00> : vector<1000x8xf32>
    %dot_general3A_10 = tpu.matmul %dot_general3A_5, %get3A_8, %dot_general3A_9 {dimension_numbers = #tpu.dot_dimension_numbers<[1], [0], [0], [1], [0, 0, 1, 1], [], []>, transpose_lhs_hint = false} : vector<1000x64xf32>, vector<64x8xf32>, vector<1000x8xf32> -> vector<1000x8xf32>
    %get3A_11 = arith.constant 0 : index
    %get3A_12 = arith.constant 0 : index
    %get3A_13 = vector.load %arg4[%get3A_11, %get3A_12] : memref<64x8xf32, #tpu.memory_space<vmem>>, vector<64x8xf32>
    %dot_general3A_14 = arith.constant dense<0.000000e+00> : vector<1000x8xf32>
    %dot_general3A_15 = tpu.matmul %dot_general3A_5, %get3A_13, %dot_general3A_14 {dimension_numbers = #tpu.dot_dimension_numbers<[1], [0], [0], [1], [0, 0, 1, 1], [], []>, transpose_lhs_hint = false} : vector<1000x64xf32>, vector<64x8xf32>, vector<1000x8xf32> -> vector<1000x8xf32>
    %broadcast_in_dim3A = arith.constant 0.000000e+00 : f32
    %broadcast_in_dim3A_16 = vector.broadcast %broadcast_in_dim3A : f32 to vector<1000x56xf32>
    %concatenate3A = tpu.concatenate %dot_general3A_5, %dot_general3A_10, %broadcast_in_dim3A_16 in 1 : vector<1000x64xf32>, vector<1000x8xf32>, vector<1000x56xf32> -> vector<1000x128xf32>
    %swap3A = arith.constant 0 : index
    %swap3A_17 = arith.constant 0 : index
    %swap3A_18 = vector.load %arg5[%swap3A, %swap3A_17] : memref<1000x128xf32, #tpu.memory_space<vmem>>, vector<1000x128xf32>
    tpu.vector_store %arg5[%swap3A, %swap3A_17], %concatenate3A {strides = array<i32>} : memref<1000x128xf32, #tpu.memory_space<vmem>>, vector<1000x128xf32>,
    %broadcast_in_dim3A_19 = arith.constant 0.000000e+00 : f32
    %broadcast_in_dim3A_20 = vector.broadcast %broadcast_in_dim3A_19 : f32 to vector<1000x8xf32>
    %concatenate3A_21 = tpu.concatenate %dot_general3A_15, %broadcast_in_dim3A_20 in 1 : vector<1000x8xf32>, vector<1000x8xf32> -> vector<1000x16xf32>
    %swap3A_22 = arith.constant 0 : index
    %swap3A_23 = arith.constant 0 : index
    %swap3A_24 = vector.load %arg6[%swap3A_22, %swap3A_23] : memref<1000x16xf32, #tpu.memory_space<vmem>>, vector<1000x16xf32>
    tpu.vector_store %arg6[%swap3A_22, %swap3A_23], %concatenate3A_21 {strides = array<i32>} : memref<1000x16xf32, #tpu.memory_space<vmem>>, vector<1000x16xf32>,
    return
  }
  func.func @transform_0(%arg0: i32) -> (i32, i32) {
    %c0_i32 = arith.constant 0 : i32
    %c0_i32_0 = arith.constant 0 : i32
    return %arg0, %c0_i32 : i32, i32
  }
  func.func @transform_1(%arg0: i32) -> (i32, i32) {
    %c0_i32 = arith.constant 0 : i32
    %c0_i32_0 = arith.constant 0 : i32
    %c0_i32_1 = arith.constant 0 : i32
    return %c0_i32, %c0_i32_0 : i32, i32
  }
  func.func @transform_2(%arg0: i32) -> (i32, i32) {
    %c0_i32 = arith.constant 0 : i32
    %c0_i32_0 = arith.constant 0 : i32
    %c0_i32_1 = arith.constant 0 : i32
    return %c0_i32, %c0_i32_0 : i32, i32
  }
  func.func @transform_3(%arg0: i32) -> (i32, i32) {
    %c0_i32 = arith.constant 0 : i32
    %c0_i32_0 = arith.constant 0 : i32
    %c0_i32_1 = arith.constant 0 : i32
    return %c0_i32, %c0_i32_0 : i32, i32
  }
  func.func @transform_4(%arg0: i32) -> (i32, i32) {
    %c0_i32 = arith.constant 0 : i32
    %c0_i32_0 = arith.constant 0 : i32
    return %arg0, %c0_i32 : i32, i32
  }
  func.func @transform_5(%arg0: i32) -> (i32, i32) {
    %c0_i32 = arith.constant 0 : i32
    %c0_i32_0 = arith.constant 0 : i32
    return %arg0, %c0_i32 : i32, i32
  }
}

module attributes {stable_mosaic.version = 14 : i64} {
  func.func @body(%arg0: i32, %arg1: memref<1000x128xf32, #tpu.memory_space<vmem>>, %arg2: memref<1000x128xf32, #tpu.memory_space<vmem>>, %arg3: memref<8x64xf32, #tpu.memory_space<vmem>>, %arg4: memref<1x64xf32, #tpu.memory_space<vmem>>, %arg5: memref<64x128xf32, #tpu.memory_space<vmem>>, %arg6: memref<128x2xf32, #tpu.memory_space<vmem>>, %arg7: memref<1000x128xf32, #tpu.memory_space<vmem>>, %arg8: memref<1000x16xf32, #tpu.memory_space<vmem>>) attributes {dimension_semantics = [#tpu.dimension_semantics<arbitrary>], iteration_bounds = array<i64: 10>, scalar_prefetch = 0 : i64, scratch_operands = 0 : i64, tpu.core_type = #tpu.core_type<tc>, window_params = [{transform_indices = @transform_0, window_bounds = array<i64: 1000, 128>}, {transform_indices = @transform_1, window_bounds = array<i64: 1000, 128>}, {pipeline_mode = #tpu.pipeline_mode<synchronous>, transform_indices = @transform_2, window_bounds = array<i64: 8, 64>}, {pipeline_mode = #tpu.pipeline_mode<synchronous>, transform_indices = @transform_3, window_bounds = array<i64: 1, 64>}, {pipeline_mode = #tpu.pipeline_mode<synchronous>, transform_indices = @transform_4, window_bounds = array<i64: 64, 128>}, {pipeline_mode = #tpu.pipeline_mode<synchronous>, transform_indices = @transform_5, window_bounds = array<i64: 128, 2>}, {transform_indices = @transform_6, window_bounds = array<i64: 1000, 128>}, {transform_indices = @transform_7, window_bounds = array<i64: 1000, 16>}]} {
    %get3A = arith.constant 0 : index
    %get3A_0 = arith.constant 0 : index
    %get3A_1 = vector.load %arg1[%get3A, %get3A_0] : memref<1000x128xf32, #tpu.memory_space<vmem>>, vector<1000x64xf32>
    %get3A_2 = arith.constant 0 : index
    %get3A_3 = arith.constant 0 : index
    %get3A_4 = vector.load %arg2[%get3A_2, %get3A_3] : memref<1000x128xf32, #tpu.memory_space<vmem>>, vector<1000x64xf32>
    %add3A = arith.addf %get3A_1, %get3A_4 : vector<1000x64xf32>
    %get3A_5 = arith.constant 0 : index
    %get3A_6 = arith.constant 64 : index
    %get3A_7 = vector.load %arg1[%get3A_5, %get3A_6] : memref<1000x128xf32, #tpu.memory_space<vmem>>, vector<1000x8xf32>
    %get3A_8 = arith.constant 0 : index
    %get3A_9 = arith.constant 64 : index
    %get3A_10 = vector.load %arg2[%get3A_8, %get3A_9] : memref<1000x128xf32, #tpu.memory_space<vmem>>, vector<1000x8xf32>
    %add3A_11 = arith.addf %get3A_7, %get3A_10 : vector<1000x8xf32>
    %add3A_12 = arith.constant 1.000000e-16 : f32
    %add3A_13 = vector.broadcast %add3A_12 : f32 to vector<1000x8xf32>
    %add3A_14 = arith.addf %add3A_11, %add3A_13 : vector<1000x8xf32>
    %div3A = arith.constant 1.000000e+00 : f32
    %div3A_15 = vector.broadcast %div3A : f32 to vector<1000x8xf32>
    %div3A_16 = arith.divf %div3A_15, %add3A_14 : vector<1000x8xf32>
    %get3A_17 = arith.constant 0 : index
    %get3A_18 = arith.constant 0 : index
    %get3A_19 = vector.load %arg3[%get3A_17, %get3A_18] : memref<8x64xf32, #tpu.memory_space<vmem>>, vector<8x64xf32>
    %dot_general3A = arith.constant dense<0.000000e+00> : vector<1000x64xf32>
    %dot_general3A_20 = tpu.matmul %div3A_16, %get3A_19, %dot_general3A {dimension_numbers = #tpu.dot_dimension_numbers<[1], [0], [0], [1], [0, 0, 1, 1], [], []>, transpose_lhs_hint = false} : vector<1000x8xf32>, vector<8x64xf32>, vector<1000x64xf32> -> vector<1000x64xf32>
    %mul3A = arith.mulf %add3A, %dot_general3A_20 : vector<1000x64xf32>
    %get3A_21 = arith.constant 0 : index
    %get3A_22 = arith.constant 0 : index
    %get3A_23 = vector.load %arg4[%get3A_21, %get3A_22] : memref<1x64xf32, #tpu.memory_space<vmem>>, vector<1x64xf32>
    %add3A_24 = vector.broadcast %get3A_23 : vector<1x64xf32> to vector<1000x64xf32>
    %add3A_25 = arith.addf %mul3A, %add3A_24 : vector<1000x64xf32>
    %gt3A = arith.constant 0.000000e+00 : f32
    %gt3A_26 = vector.broadcast %gt3A : f32 to vector<1000x64xf32>
    %gt3A_27 = arith.cmpf ogt, %add3A_25, %gt3A_26 : vector<1000x64xf32>
    %min3A = arith.constant 0.000000e+00 : f32
    %min3A_28 = vector.broadcast %min3A : f32 to vector<1000x64xf32>
    %min3A_29 = arith.minimumf %add3A_25, %min3A_28 : vector<1000x64xf32>
    %exp3A = math.exp %min3A_29 : vector<1000x64xf32>
    %sub3A = arith.constant 1.000000e+00 : f32
    %sub3A_30 = vector.broadcast %sub3A : f32 to vector<1000x64xf32>
    %sub3A_31 = arith.subf %exp3A, %sub3A_30 : vector<1000x64xf32>
    %select_n3A = arith.select %gt3A_27, %add3A_25, %sub3A_31 : vector<1000x64xi1>, vector<1000x64xf32>
    %get3A_32 = arith.constant 0 : index
    %get3A_33 = arith.constant 0 : index
    %get3A_34 = vector.load %arg5[%get3A_32, %get3A_33] : memref<64x128xf32, #tpu.memory_space<vmem>>, vector<64x128xf32>
    %get3A_35 = arith.constant 0 : index
    %get3A_36 = arith.constant 0 : index
    %get3A_37 = vector.load %arg6[%get3A_35, %get3A_36] : memref<128x2xf32, #tpu.memory_space<vmem>>, vector<128x2xf32>
    %dot_general3A_38 = arith.constant dense<0.000000e+00> : vector<64x2xf32>
    %dot_general3A_39 = tpu.matmul %get3A_34, %get3A_37, %dot_general3A_38 {dimension_numbers = #tpu.dot_dimension_numbers<[1], [0], [0], [1], [0, 0, 1, 1], [], []>, transpose_lhs_hint = false} : vector<64x128xf32>, vector<128x2xf32>, vector<64x2xf32> -> vector<64x2xf32>
    %dot_general3A_40 = arith.constant dense<0.000000e+00> : vector<1000x2xf32>
    %dot_general3A_41 = tpu.matmul %select_n3A, %dot_general3A_39, %dot_general3A_40 {dimension_numbers = #tpu.dot_dimension_numbers<[1], [0], [0], [1], [0, 0, 1, 1], [], []>, transpose_lhs_hint = false} : vector<1000x64xf32>, vector<64x2xf32>, vector<1000x2xf32> -> vector<1000x2xf32>
    %broadcast_in_dim3A = arith.constant 1.000000e+00 : f32
    %broadcast_in_dim3A_42 = vector.broadcast %broadcast_in_dim3A : f32 to vector<1x16xf32>
    %slice3A = vector.extract_strided_slice %dot_general3A_41 {offsets = [0, 0], sizes = [1000, 1], strides = [1, 1]} : vector<1000x2xf32> to vector<1000x1xf32>
    %mul3A_43 = vector.broadcast %slice3A : vector<1000x1xf32> to vector<1000x16xf32>
    %mul3A_44 = vector.broadcast %broadcast_in_dim3A_42 : vector<1x16xf32> to vector<1000x16xf32>
    %mul3A_45 = arith.mulf %mul3A_43, %mul3A_44 : vector<1000x16xf32>
    %broadcast_in_dim3A_46 = arith.constant 0.000000e+00 : f32
    %broadcast_in_dim3A_47 = vector.broadcast %broadcast_in_dim3A_46 : f32 to vector<1000x48xf32>
    %concatenate3A = tpu.concatenate %select_n3A, %mul3A_45, %broadcast_in_dim3A_47 in 1 : vector<1000x64xf32>, vector<1000x16xf32>, vector<1000x48xf32> -> vector<1000x128xf32>
    %swap3A = arith.constant 0 : index
    %swap3A_48 = arith.constant 0 : index
    %swap3A_49 = vector.load %arg7[%swap3A, %swap3A_48] : memref<1000x128xf32, #tpu.memory_space<vmem>>, vector<1000x128xf32>
    tpu.vector_store %arg7[%swap3A, %swap3A_48], %concatenate3A {strides = array<i32>} : memref<1000x128xf32, #tpu.memory_space<vmem>>, vector<1000x128xf32>,
    %slice3A_50 = vector.extract_strided_slice %dot_general3A_41 {offsets = [0, 1], sizes = [1000, 1], strides = [1, 1]} : vector<1000x2xf32> to vector<1000x1xf32>
    %mul3A_51 = vector.broadcast %slice3A_50 : vector<1000x1xf32> to vector<1000x16xf32>
    %mul3A_52 = vector.broadcast %broadcast_in_dim3A_42 : vector<1x16xf32> to vector<1000x16xf32>
    %mul3A_53 = arith.mulf %mul3A_51, %mul3A_52 : vector<1000x16xf32>
    %swap3A_54 = arith.constant 0 : index
    %swap3A_55 = arith.constant 0 : index
    %swap3A_56 = vector.load %arg8[%swap3A_54, %swap3A_55] : memref<1000x16xf32, #tpu.memory_space<vmem>>, vector<1000x16xf32>
    tpu.vector_store %arg8[%swap3A_54, %swap3A_55], %mul3A_53 {strides = array<i32>} : memref<1000x16xf32, #tpu.memory_space<vmem>>, vector<1000x16xf32>,
    return
  }
  func.func @transform_0(%arg0: i32) -> (i32, i32) {
    %c0_i32 = arith.constant 0 : i32
    %c0_i32_0 = arith.constant 0 : i32
    return %arg0, %c0_i32 : i32, i32
  }
  func.func @transform_1(%arg0: i32) -> (i32, i32) {
    %c0_i32 = arith.constant 0 : i32
    %c0_i32_0 = arith.constant 0 : i32
    return %arg0, %c0_i32 : i32, i32
  }
  func.func @transform_2(%arg0: i32) -> (i32, i32) {
    %c0_i32 = arith.constant 0 : i32
    %c0_i32_0 = arith.constant 0 : i32
    %c0_i32_1 = arith.constant 0 : i32
    return %c0_i32, %c0_i32_0 : i32, i32
  }
  func.func @transform_3(%arg0: i32) -> (i32, i32) {
    %c0_i32 = arith.constant 0 : i32
    %c0_i32_0 = arith.constant 0 : i32
    %c0_i32_1 = arith.constant 0 : i32
    return %c0_i32, %c0_i32_0 : i32, i32
  }
  func.func @transform_4(%arg0: i32) -> (i32, i32) {
    %c0_i32 = arith.constant 0 : i32
    %c0_i32_0 = arith.constant 0 : i32
    %c0_i32_1 = arith.constant 0 : i32
    return %c0_i32, %c0_i32_0 : i32, i32
  }
  func.func @transform_5(%arg0: i32) -> (i32, i32) {
    %c0_i32 = arith.constant 0 : i32
    %c0_i32_0 = arith.constant 0 : i32
    %c0_i32_1 = arith.constant 0 : i32
    return %c0_i32, %c0_i32_0 : i32, i32
  }
  func.func @transform_6(%arg0: i32) -> (i32, i32) {
    %c0_i32 = arith.constant 0 : i32
    %c0_i32_0 = arith.constant 0 : i32
    return %arg0, %c0_i32 : i32, i32
  }
  func.func @transform_7(%arg0: i32) -> (i32, i32) {
    %c0_i32 = arith.constant 0 : i32
    %c0_i32_0 = arith.constant 0 : i32
    return %arg0, %c0_i32 : i32, i32
  }
}

module attributes {stable_mosaic.version = 14 : i64} {
  func.func @body(%arg0: i32, %arg1: memref<1000x128xf32, #tpu.memory_space<vmem>>, %arg2: memref<1000x128xf32, #tpu.memory_space<vmem>>, %arg3: memref<64x128xf32, #tpu.memory_space<vmem>>, %arg4: memref<1x128xf32, #tpu.memory_space<vmem>>, %arg5: memref<1000x128xf32, #tpu.memory_space<vmem>>) attributes {dimension_semantics = [#tpu.dimension_semantics<arbitrary>], iteration_bounds = array<i64: 10>, scalar_prefetch = 0 : i64, scratch_operands = 0 : i64, tpu.core_type = #tpu.core_type<tc>, window_params = [{transform_indices = @transform_0, window_bounds = array<i64: 1000, 128>}, {transform_indices = @transform_1, window_bounds = array<i64: 1000, 128>}, {pipeline_mode = #tpu.pipeline_mode<synchronous>, transform_indices = @transform_2, window_bounds = array<i64: 64, 128>}, {pipeline_mode = #tpu.pipeline_mode<synchronous>, transform_indices = @transform_3, window_bounds = array<i64: 1, 128>}, {transform_indices = @transform_4, window_bounds = array<i64: 1000, 128>}]} {
    %get3A = arith.constant 0 : index
    %get3A_0 = arith.constant 0 : index
    %get3A_1 = vector.load %arg1[%get3A, %get3A_0] : memref<1000x128xf32, #tpu.memory_space<vmem>>, vector<1000x64xf32>
    %get3A_2 = arith.constant 0 : index
    %get3A_3 = arith.constant 0 : index
    %get3A_4 = vector.load %arg2[%get3A_2, %get3A_3] : memref<1000x128xf32, #tpu.memory_space<vmem>>, vector<1000x64xf32>
    %add3A = arith.addf %get3A_1, %get3A_4 : vector<1000x64xf32>
    %get3A_5 = arith.constant 0 : index
    %get3A_6 = arith.constant 64 : index
    %get3A_7 = vector.load %arg1[%get3A_5, %get3A_6] : memref<1000x128xf32, #tpu.memory_space<vmem>>, vector<1000x1xf32>
    %get3A_8 = arith.constant 0 : index
    %get3A_9 = arith.constant 64 : index
    %get3A_10 = vector.load %arg2[%get3A_8, %get3A_9] : memref<1000x128xf32, #tpu.memory_space<vmem>>, vector<1000x1xf32>
    %add3A_11 = arith.addf %get3A_7, %get3A_10 : vector<1000x1xf32>
    %add3A_12 = arith.constant 1.000000e-16 : f32
    %add3A_13 = vector.broadcast %add3A_12 : f32 to vector<1000x1xf32>
    %add3A_14 = arith.addf %add3A_11, %add3A_13 : vector<1000x1xf32>
    %div3A = vector.broadcast %add3A_14 : vector<1000x1xf32> to vector<1000x64xf32>
    %div3A_15 = arith.divf %add3A, %div3A : vector<1000x64xf32>
    %get3A_16 = arith.constant 0 : index
    %get3A_17 = arith.constant 0 : index
    %get3A_18 = vector.load %arg3[%get3A_16, %get3A_17] : memref<64x128xf32, #tpu.memory_space<vmem>>, vector<64x128xf32>
    %dot_general3A = arith.constant dense<0.000000e+00> : vector<1000x128xf32>
    %dot_general3A_19 = tpu.matmul %div3A_15, %get3A_18, %dot_general3A {dimension_numbers = #tpu.dot_dimension_numbers<[1], [0], [0], [1], [0, 0, 1, 1], [], []>, transpose_lhs_hint = false} : vector<1000x64xf32>, vector<64x128xf32>, vector<1000x128xf32> -> vector<1000x128xf32>
    %get3A_20 = arith.constant 0 : index
    %get3A_21 = arith.constant 0 : index
    %get3A_22 = vector.load %arg4[%get3A_20, %get3A_21] : memref<1x128xf32, #tpu.memory_space<vmem>>, vector<1x128xf32>
    %add3A_23 = vector.broadcast %get3A_22 : vector<1x128xf32> to vector<1000x128xf32>
    %add3A_24 = arith.addf %dot_general3A_19, %add3A_23 : vector<1000x128xf32>
    %swap3A = arith.constant 0 : index
    %swap3A_25 = arith.constant 0 : index
    %swap3A_26 = vector.load %arg5[%swap3A, %swap3A_25] : memref<1000x128xf32, #tpu.memory_space<vmem>>, vector<1000x128xf32>
    tpu.vector_store %arg5[%swap3A, %swap3A_25], %add3A_24 {strides = array<i32>} : memref<1000x128xf32, #tpu.memory_space<vmem>>, vector<1000x128xf32>,
    return
  }
  func.func @transform_0(%arg0: i32) -> (i32, i32) {
    %c0_i32 = arith.constant 0 : i32
    %c0_i32_0 = arith.constant 0 : i32
    return %arg0, %c0_i32 : i32, i32
  }
  func.func @transform_1(%arg0: i32) -> (i32, i32) {
    %c0_i32 = arith.constant 0 : i32
    %c0_i32_0 = arith.constant 0 : i32
    return %arg0, %c0_i32 : i32, i32
  }
  func.func @transform_2(%arg0: i32) -> (i32, i32) {
    %c0_i32 = arith.constant 0 : i32
    %c0_i32_0 = arith.constant 0 : i32
    %c0_i32_1 = arith.constant 0 : i32
    return %c0_i32, %c0_i32_0 : i32, i32
  }
  func.func @transform_3(%arg0: i32) -> (i32, i32) {
    %c0_i32 = arith.constant 0 : i32
    %c0_i32_0 = arith.constant 0 : i32
    %c0_i32_1 = arith.constant 0 : i32
    return %c0_i32, %c0_i32_0 : i32, i32
  }
  func.func @transform_4(%arg0: i32) -> (i32, i32) {
    %c0_i32 = arith.constant 0 : i32
    %c0_i32_0 = arith.constant 0 : i32
    return %arg0, %c0_i32 : i32, i32
  }
}

</mosaic_0001>

<sc_bundles>
// kernel: kernel.10.cloned.1.call-start
scs
__scs_entry_jumppad:
0x0: {  	(pc) =	sbr.rel $0x88, $3  }
0x1: {  	(tag) =	ssettag $0x0;
	lr =	simm.s32 $0x1  }
0x2: {  	[smem:$0x3F97] =	sst lr;
	_ =	strace $0xD0000000  }
0x3: {  	_ = 	snop  }
0x4: {  	_ = 	snop  }
0x5: {  	_ = 	snop  }
0x6: {  	_ = 	snop  }
0x7: {  	_ = 	snop  }
__scs_overlays_trampoline_lowered:
0x8: {  	[smem:$0x3FA6] =	sst s0  }
0x9: {  	[smem:$0x3FA7] =	sst s1  }
0xa: {  	[smem:$0x3FA8] =	sst s2  }
0xb: {  	[smem:$0x3FA9] =	sst s3  }
0xc: {  	[smem:$0x3FAA] =	sst s4  }
0xd: {  	[smem:$0x3FAB] =	sst s5  }
0xe: {  	[smem:$0x3FAC] =	sst s6  }
0xf: {  	[smem:$0x3FAD] =	sst s7  }
0x10: {  	[smem:$0x3FAE] =	sst s8  }
0x11: {  	[smem:$0x3FAF] =	sst s9;
	s0 =	simm.s32 @!p0 $0x0  }
0x12: {  	s1 =	sld [smem:$0x3F95];
	s0 =	simm.s32 @p0 $0x1  }
0x13: {  	[smem:$0x3FB0] =	sst s0;
	s0 =	simm.s32 @!p1 $0x0  }
0x14: {  	s2 =	sld [smem:$0x3F94];
	s0 =	simm.s32 @p1 $0x1  }
0x15: {  	[smem:$0x3FB1] =	sst s0;
	s0 =	simm.s32 @!p2 $0x0  }
0x16: {  	s3 =	sld [smem:$0x3FDB];
	s0 =	simm.s32 @p2 $0x1  }
0x17: {  	s4 =	simm.s32 $0x1BF5;
	[smem:$0x3FB3] =	sst s0  }
0x18: {  	s0 =	sld [smem:$0x3F96];
	_ =	swait.ge [sflag:s4], $0x0  }
0x19: {  	s7 =	sld [smem:$0x3F97]  }
0x1a: {  	s8 =	sadd.s32 $0xFFFFE003, lr  }
0x1b: {  	s9 =	sadd.s32 $0xFFFFFEF7, lr;
	s5 =	simm.s32 $0xFFFFFFFF;
	p2 =	slt.u32 s8, $0xFFFFF086  }
0x1c: {  	p1 =	slt.u32 s9, $0xF7A;
	s5 =	simm.s32 @!p2 $0x0  }
0x1d: {  	s5 =	simm.s32 @p1 $0x1;
	p0 =	seq.s32 s7, s2  }
0x1e: {  	s7 =	smul.u32 @!p0 $0xF7A, s2;
	p2 =	seq.s32 @!p0 s5, $0x0  }
0x1f: {  	s9 =	smul.u32 $0xF7A, s1;
	s8 =	simm.s32 @!p0 $0x1BF5;
	p2 =	por !p2, p0  }
0x20: {  	[sflag:s8] =	ssyncset.s32 @!p0 $0xFFFFF086;
	s6 =	sadd.s32 @!p0 s3, s7;
	s7 =	simm.s32 @!p0 $0x108  }
0x21: {  	s3 =	sadd.s32 s3, s9;
	s6 =	sadd.s32 @!p0 $0x88, s6;
	s7 =	simm.s32 @p2 $0x1082  }
0x22: {  	[simem:s7], [sflag:s8] =	dma.local @!p0 [hbm:s6], $0xF7A  }
0x23: {  	s9 =	sor.u32 $0xD0000000, s2;
	s6 =	simm.s32 $0x108;
	_ =	swait.ge @!p0 [sflag:s8], $0x0  }
0x24: {  	s3 =	sadd.s32 $0x88, s3;
	s6 =	simm.s32 @!p1 $0x1082;
	[sflag:s4] =	ssyncset.s32 $0xFFFFF086  }
0x25: {  	[simem:s6], [sflag:s4] =	dma.local [hbm:s3], $0xF7A  }
0x26: {  	[smem:$0x3F97] =	sst s1;
	(tag) =	ssettag s2;
	_ =	strace s9  }
0x27: {  	s1 =	sld [smem:$0x3FA7]  }
0x28: {  	s2 =	sld [smem:$0x3FA8]  }
0x29: {  	s4 =	sld [smem:$0x3FAA]  }
0x2a: {  	p0 =	seq.s32 s5, $0x0;
	s5 =	sld [smem:$0x3FAB]  }
0x2b: {  	s6 =	sld [smem:$0x3FAC]  }
0x2c: {  	s7 =	sld [smem:$0x3FAD]  }
0x2d: {  	s3 =	simm.s32 $0x108;
	s8 =	sld [smem:$0x3FAE]  }
0x2e: {  	s3 =	simm.s32 @!p0 $0x1082;
	s9 =	sld [smem:$0x3FAF]  }
0x2f: {  	lr =	sadd.s32 s0, s3;
	s0 =	sld [smem:$0x3FA6]  }
0x30: {  	s3 =	sld [smem:$0x3FA9]  }
0x31: {  	[smem:$0x3FB2] =	sst s10  }
0x32: {  	s10 =	sld [smem:$0x3FB0];
	_ =	sdelay $0x3  }
0x33: {  	p0 =	seq.s32 s10, $0x1;
	s10 =	sld [smem:$0x3FB2];
	_ =	sdelay $0x3  }
0x34: {  	[smem:$0x3FB2] =	sst s10  }
0x35: {  	s10 =	sld [smem:$0x3FB1];
	_ =	sdelay $0x3  }
0x36: {  	p1 =	seq.s32 s10, $0x1;
	s10 =	sld [smem:$0x3FB2];
	_ =	sdelay $0x3  }
0x37: {  	[smem:$0x3FB2] =	sst s10  }
0x38: {  	s10 =	sld [smem:$0x3FB3]  }
0x39: {  	_ = 	snop;
	(pc) =	sbr.ind lr, $3  }
0x3a: {  	_ = 	snop  }
0x3b: {  	_ = 	snop  }
0x3c: {  	p2 =	seq.s32 s10, $0x1;
	s10 =	sld [smem:$0x3FB2]  }
0x3d: {  	_ =	shalt  }
0x3e: {  	_ =	shalt  }
0x3f: {  	_ =	shalt  }
0x40: {  	_ =	shalt  }
0x41: {  	_ =	shalt  }
0x42: {  	_ =	shalt  }
0x43: {  	_ =	shalt  }
0x44: {  	_ =	shalt  }
0x45: {  	_ =	shalt  }
0x46: {  	_ =	shalt  }
0x47: {  	_ =	shalt  }
0x48: {  	_ =	shalt  }
0x49: {  	_ =	shalt  }
0x4a: {  	_ =	shalt  }
0x4b: {  	_ =	shalt  }
0x4c: {  	_ =	shalt  }
0x4d: {  	_ =	shalt  }
0x4e: {  	_ =	shalt  }
0x4f: {  	_ =	shalt  }
0x50: {  	_ =	shalt  }
0x51: {  	_ =	shalt  }
0x52: {  	_ =	shalt  }
0x53: {  	_ =	shalt  }
0x54: {  	_ =	shalt  }
0x55: {  	_ =	shalt  }
0x56: {  	_ =	shalt  }
0x57: {  	_ =	shalt  }
0x58: {  	_ =	shalt  }
0x59: {  	_ =	shalt  }
0x5a: {  	_ =	shalt  }
0x5b: {  	_ =	shalt  }
0x5c: {  	_ =	shalt  }
0x5d: {  	_ =	shalt  }
0x5e: {  	_ =	shalt  }
0x5f: {  	_ =	shalt  }
0x60: {  	_ =	shalt  }
0x61: {  	_ =	shalt  }
0x62: {  	_ =	shalt  }
0x63: {  	_ =	shalt  }
0x64: {  	_ =	shalt  }
0x65: {  	_ =	shalt  }
0x66: {  	_ =	shalt  }
0x67: {  	_ =	shalt  }
0x68: {  	_ =	shalt  }
0x69: {  	_ =	shalt  }
0x6a: {  	_ =	shalt  }
0x6b: {  	_ =	shalt  }
0x6c: {  	_ =	shalt  }
0x6d: {  	_ =	shalt  }
0x6e: {  	_ =	shalt  }
0x6f: {  	_ =	shalt  }
0x70: {  	_ =	shalt  }
0x71: {  	_ =	shalt  }
0x72: {  	_ =	shalt  }
0x73: {  	_ =	shalt  }
0x74: {  	_ =	shalt  }
0x75: {  	_ =	shalt  }
0x76: {  	_ =	shalt  }
0x77: {  	_ =	shalt  }
0x78: {  	_ =	shalt  }
0x79: {  	_ =	shalt  }
0x7a: {  	_ =	shalt  }
0x7b: {  	_ =	shalt  }
0x7c: {  	_ =	shalt  }
0x7d: {  	_ =	shalt  }
0x7e: {  	_ =	shalt  }
0x7f: {  	_ =	shalt  }
0x80: {  	_ =	shalt  }
0x81: {  	_ =	shalt  }
0x82: {  	_ =	shalt  }
0x83: {  	_ =	shalt  }
0x84: {  	_ =	shalt  }
0x85: {  	_ =	shalt  }
0x86: {  	_ =	shalt  }
0x87: {  	_ =	shalt  }
.Lfunc_end0:
.L_simem_size_0:
called_computation.1_lowered:
.L_overlay_start_0:
0x88: {  	s2 =	sld [smem:$0x3FD9]  }
0x89: {  	s3 =	sld [smem:$0x3FFE];
	_ =	sdelay $0x1  }
0x8a: {  	s1 =	srdreg.scid  }
0x8b: {  	s0 =	sand.u32 $0x1, s1  }
0x8c: {  	s17 =	sshll.u32 s0, $0xA;
	s2 =	sadd.s32 s3, s2  }
0x8d: {  	s2 =	sadd.s32 s2, s17  }
0x8e: {  	[smem:$0x3FBE] =	sst s2  }
0x8f: {  	_ = 	snop  }
0x90: {  	s2 =	sld [smem:$0x3FD0];
	(tm) =	ssettm $0x1  }
0x91: {  	s18 =	sld [smem:$0x3FFB];
	_ =	sdelay $0x3  }
0x92: {  	_ =	strace s18  }
0x93: {  	s3 =	sld [smem:$0x3FFC];
	_ =	sdelay $0x3  }
0x94: {  	_ =	strace s3  }
0x95: {  	s3 =	sld [smem:$0x3FFD];
	_ =	sdelay $0x3  }
0x96: {  	_ =	strace s3  }
0x97: {  	_ =	strace $0x8FFFFFFF  }
0x98: {  	s19 =	sld [smem:$0x3FDB];
	_ =	sdelay $0x1  }
0x99: {  	s4 =	simm.s32 $_scs_section_size  }
0x9a: {  	s5 =	simm.s32 $_size__tile_overlayer_lowered;
	s6 =	simm.s32 $_tile_overlayer_lowered  }
0x9b: {  	s22 =	simm.s32 $0x1BFF;
	s21 =	sshll.u32 s6, $0x1;
	s3 =	sadd.s32 s4, s19  }
0x9c: {  	s7 =	simm.s32 $0x0;
	s20 =	sshll.u32 s5, $0x1;
	s5 =	sadd.s32 s21, s3  }
0x9d: {  	[timem:s7], [sflag:s22] =	dma.local [hbm:s5], s20  }
0x9e: {  	_ =	swait.ge [sflag:s22], s20  }
0x9f: {  	s4 =	ssub.s32 $0x0, s20;
	[sflag:s22] =	ssyncset.done $0x0  }
0xa0: {  	[sflag:s22] =	ssyncadd.s32 s4;
	_ =	sdelay $0x1  }
0xa1: {  	s23 =	simm.s32 $0x1B8B  }
0xa2: {  	_ =	swait.ge [sflag:s23], $0x1  }
0xa3: {  	[sflag:s23] =	ssyncset.done $0x0  }
0xa4: {  	s25 =	simm.s32 $0x1B8E;
	s24 =	sld [smem:$0x3FFE];
	[sflag:s23] =	ssyncadd.s32 $0xFFFFFFFF  }
0xa5: {  	s26 =	simm.s32 $execute0_lowered;
	[smem:$0x3FD2] =	sst s25  }
0xa6: {  	s5 =	sshll.u32 s26, $0x1;
	_ =	strace $0x80000049;
	[dreg:$0x1] =	wrdreg $0xFFFFFFFF  }
0xa7: {  	s28 =	simm.s32 $_size_execute0_lowered;
	s3 =	sadd.s32 s3, s5;
	[dreg:$0x0] =	wrdreg $0x0  }
0xa8: {  	s5 =	sshll.u32 s28, $0x1;
	[dreg:$0x2] =	wrdreg s3  }
0xa9: {  	[dreg:$0x3] =	wrdreg s5  }
0xaa: {  	[dreg:$0x4] =	wrdreg $0xC0  }
0xab: {  	_ =	task [dreg:s7], $0x5FFFF  }
0xac: {  	[dreg:$0x1] =	wrdreg $0xFFFFFFFF  }
0xad: {  	[dreg:$0x0] =	wrdreg $0x60  }
0xae: {  	[dreg:$0x2] =	wrdreg s24  }
0xaf: {  	[dreg:$0x3] =	wrdreg s2  }
0xb0: {  	[dreg:$0x4] =	wrdreg $0x61000  }
0xb1: {  	[dreg:$0x5] =	wrdreg $0x9  }
0xb2: {  	_ =	task.clear_ibuf [dreg:s7], $0x6FFFF;
	_ =	strace $0x90000049  }
0xb3: {  	s29 =	simm.s32 $0x9;
	_ =	strace $0x8000004B  }
0xb4: {  	_ =	swait.ge [sflag:s29], $0x1  }
0xb5: {  	[sflag:s29] =	ssyncadd.s32 $0xFFFFFFFF  }
0xb6: {  	_ =	strace $0x9000004B  }
0xb7: {  	_ =	sfence  }
0xb8: {  	s30 =	sld [smem:$0x0];
	_ =	sdelay $0x2  }
0xb9: {  	s31 =	sshll.u32 s1, $0xD;
	s1 =	sshrl.u32 s1, $0x2  }
0xba: {  	s3 =	sand.u32 $0x4000, s31;
	s1 =	sadd.s32 s1, s30  }
0xbb: {  	s0 =	sor.u32 s3, s0;
	s1 =	sshll.u32 s1, $0x11  }
0xbc: {  	s0 =	sor.u32 s1, s0  }
0xbd: {  	s0 =	sadd.s32 $0x8F2B, s0  }
0xbe: {  	[sflag:s0] =	ssyncadd.remote.s32 $0x1  }
0xbf: {  	_ =	sfence.sel $0xFFFF  }
0xc0: {  	[dreg:$0x0] =	wrdreg $0xFFFFFFFF;
	(pc) =	sbr.abs _section_cstart, $3  }
0xc1: {  	[dreg:$0x1] =	wrdreg $0xFFFFFFFF  }
0xc2: {  	_ =	task.clear_ibuf [dreg:s7], $0x2FFFF;
	_ =	strace $0x9FFFFFFF  }
0xc3: {  	(tm) =	ssettm $0x7FFFFFFF  }
tec
execute0_lowered:
.L_overlay_start_1:
0x0: {  	(tag) =	ssettag $0x1  }
0x1: {  	s8 =	rddreg [dreg:$0x0]  }
0x2: {  	s2 =	rddreg [dreg:$0x1]  }
0x3: {  	s3 =	rddreg [dreg:$0x2]  }
0x4: {  	s0 =	rddreg [dreg:$0x3];
	s4 =	simm.s32 $0x0;
	s1 =	stileid.u32  }
0x5: {  	s5 =	srdreg.scid;
	s16 =	simm.s32 $0x40;
	s17 =	simm.s32 $0x100  }
0x6: {  	s18 =	simm.s32 $0x4100;
	s19 =	simm.s32 $0x1;
	s20 =	simm.s32 $0x2100  }
0x7: {  	[smem:$0x7FF] =	sst s4;
	s9 =	smul.u32 $0x13C00, s1;
	s10 =	sand.u32 $0x1, s5  }
0x8: {  	s5 =	sadd.s32 $0xA00, s8;
	s6 =	sadd.s32 $0x27C00, s8;
	s7 =	sadd.s32 $0x4F400, s8  }
0x9: {  	s13 =	smul.u32 $0x4F000, s1;
	s29 =	sshll.u32 s1, $0x1;
	s31 =	sshll.u32 s1, $0x6  }
0xa: {  	_ =	strace $0x8000004A;
	s11 =	smul.u32 $0x13C000, s10;
	s26 =	ssub.s32 $0x2, s10  }
0xb: {  	s10 =	sor.u32 s10, s29;
	s12 =	sshrl.u32 s9, $0x3;
	s28 =	sshrl.u32 s26, $0x1  }
0xc: {  	s30 =	sshrl.u32 s13, $0x2;
	s10 =	smul.u32 $0x2740, s10;
	s9 =	sadd.s32 s9, s11  }
0xd: {  	s12 =	sadd.s32 s12, s8;
	s13 =	sadd.s32 s30, s3;
	s9 =	sshrl.u32 s9, $0x3  }
0xe: {  	s15 =	ssub.s32 s26, s28;
	s13 =	sshrl.u32 s13, $0x3;
	s14 =	sadd.s32 s9, s8  }
0xf: {  	s8 =	sadd.s32 $0x59200, s12;
	s9 =	sor.u32 $0x1C02, s31;
	s12 =	smax.u32 s15, $0x1  }
0x10: {  	v0 =	vimm.f32 $0.0e+00;
	s15 =	simm.s32 $0x80;
	s11 =	sadd.s32 $0x80A00, s14;
	s14 =	simm.s32 $0x2  }
.LBB2_1:
0x11: {  	[spmem:s13], [sflag:s9] =	dma.local [hbm:s8], $0x2780  }
0x12: {  	_ =	swait.ge [sflag:s14], $0x2780  }
0x13: {  	[sflag:s14] =	ssyncset.done $0x0  }
0x14: {  	s21 =	simm.s32 $0x200;
	s22 =	simm.s32 $0x0;
	[sflag:s14] =	ssyncadd.s32 $0xFFFFD880  }
.LBB2_2:
0x15: {  	p0 =	sne.s32 s21, $0x7E00;
	[tilespmem:s22+$0x2170] =	vst v0;
	s23 =	smov.u32 s21;
	s21 =	sadd.s32 $0x200, s21  }
.Ltmp0:
0x16: {  	[tilespmem:s22+$0x2150] =	vst v0;
	(pc) =	sbr.rel @p0 .LBB2_2-.Ltmp0, $2  }
0x17: {  	[tilespmem:s22+$0x2160] =	vst v0;
	_ =	sdelay $0x2  }
0x18: {  	s22 =	sshra.s32 s23, $0x2  }
0x19: {  	[tilespmem:s22+$0x2170] =	vst v0  }
0x1a: {  	[tilespmem:s22+$0x2150] =	vst v0  }
0x1b: {  	[tilespmem:s22+$0x2160] =	vst v0  }
0x1c: {  	s21 =	simm.s32 $0x0;
	s22 =	simm.s32 $0x0;
	[bflag:$0x0] =	sbarrier.arrive $0xFFFF  }
.LBB2_4:
0x1d: {  	s23 =	sshll.u32 s22, $0x6  }
0x1e: {  	s23 =	sadd.s32 s10, s23  }
0x1f: {  	s23 =	sshrl.u32 s23, $0x3  }
0x20: {  	s24 =	sadd.s32 s2, s23  }
0x21: {  	[tilespmem:s21], [sflag:$0x2] =	stream.linear.gather [hbm4b:s24+s21], $0x40, $0x38;
	[tilespmem:$0x19D00] =	vst v63  }
0x22: {  	_ =	swait.ge [sflag:s14], $0x40  }
0x23: {  	[sflag:s14] =	ssyncset.done $0x0  }
0x24: {  	s23 =	sadd.s32 s7, s23;
	[sflag:s14] =	ssyncadd.s32 $0xFFFFFFC0  }
0x25: {  	[tilespmem:s15], [sflag:$0x2] =	stream.linear.gather [hbm4b:s23+s21], $0x40, $0x38;
	[tilespmem:$0x19D00] =	vst v63  }
0x26: {  	_ =	swait.ge [sflag:s14], $0x40  }
0x27: {  	[sflag:s14] =	ssyncset.done $0x0  }
0x28: {  	[sflag:s14] =	ssyncadd.s32 $0xFFFFFFC0  }
0x29: {  	[tilespmem:s17], [sflag:$0x1] =	stream.indirect.gather [hbm4b:s5+s16], $0x80, s21, s16, $0xb8;
	[tilespmem:$0x19D00] =	vst v63  }
0x2a: {  	_ = 	snop  }
0x2b: {  	[tilespmem:s18], [sflag:$0x1] =	stream.indirect.gather [hbm4b:s6+s16], $0x80, s15, s16, $0xb8;
	[tilespmem:$0x19D00] =	vst v63  }
0x2c: {  	_ =	swait.ge [sflag:s19], $0x2000  }
0x2d: {  	[sflag:s19] =	ssyncset.done $0x0  }
0x2e: {  	[sflag:s19] =	ssyncadd.s32 $0xFFFFE000  }
0x2f: {  	_ =	swait.ge [sflag:s19], $0x2000  }
0x30: {  	[sflag:s19] =	ssyncset.done $0x0  }
0x31: {  	s23 =	simm.s32 $0x0;
	[sflag:s19] =	ssyncadd.s32 $0xFFFFE000  }
0x32: {  	v1 =	vld [tilespmem:s23+$0x4880]  }
0x33: {  	v2 =	vld [tilespmem:s23+$0x8C0]  }
0x34: {  	v3 =	vld [tilespmem:s23+$0x4100]  }
0x35: {  	v4 =	vld [tilespmem:s23+$0x140]  }
0x36: {  	v5 =	vld [tilespmem:s23+$0x4180]  }
0x37: {  	v6 =	vld [tilespmem:s23+$0x1C0]  }
0x38: {  	v7 =	vld [tilespmem:s23+$0x4200]  }
0x39: {  	v8 =	vld [tilespmem:s23+$0x4280]  }
0x3a: {  	v10 =	vld [tilespmem:s23+$0x2C0];
	v1 =	vadd.f32 v2, v1  }
0x3b: {  	v16 =	vld [tilespmem:s23+$0x4300]  }
0x3c: {  	v17 =	vld [tilespmem:s23+$0x4380];
	v9 =	vmul.f32 $2.000000030e-01, v1  }
0x3d: {  	v18 =	vld [tilespmem:s23+$0x3C0];
	vm0 =	vge.f32 v1, $0.0e+00  }
0x3e: {  	v19 =	vld [tilespmem:s23+$0x4400];
	v1 =	vsel vm0, v1, v9  }
0x3f: {  	v20 =	vld [tilespmem:s23+$0x4480];
	v3 =	vadd.f32 v4, v3;
	v1 =	vmul.f32 $1.442695020e+00, v1  }
0x40: {  	v21 =	vld [tilespmem:s23+$0x4C0]  }
0x41: {  	v14 =	vld [tilespmem:s23+$0x4500];
	v4 =	vmul.f32 $2.000000030e-01, v3;
	(erf) = vpow2.f32 v1;
	v1 =	vadd.f32 v6, v5  }
0x42: {  	v15 =	vld [tilespmem:s23+$0x540];
	vm13 =	vge.f32 v3, $0.0e+00  }
0x43: {  	v2 =	vld [tilespmem:s23+$0x240];
	v3 =	vsel vm13, v3, v4;
	v4 =	vmul.f32 $2.000000030e-01, v1  }
0x44: {  	v12 =	vld [tilespmem:s23+$0x4580];
	vm14 =	vge.f32 v1, $0.0e+00  }
0x45: {  	v13 =	vld [tilespmem:s23+$0x5C0];
	v1 =	vsel vm14, v1, v4  }
0x46: {  	v5 =	vld [tilespmem:s23+$0x8B0];
	v1 =	vmul.f32 $1.442695020e+00, v1  }
0x47: {  	v11 =	vld [tilespmem:s23+$0x640];
	v3 =	vmul.f32 $1.442695020e+00, v3  }
0x48: {  	v9 =	vld [tilespmem:s23+$0x340];
	v2 =	vadd.f32 v2, v7  }
0x49: {  	v63 =	vld [tilespmem:s23+$0x110];
	(erf) = vpow2.f32 v3  }
0x4a: {  	v24 =	vld [tilespmem:s23+$0x120];
	v3 =	vmul.f32 $2.000000030e-01, v2;
	(erf) = vpow2.f32 v1;
	v1 =	vpop (erf)  }
0x4b: {  	v6 =	vld [tilespmem:s23+$0x440];
	vm15 =	vge.f32 v2, $0.0e+00;
	v4 =	vadd.f32 v10, v8;
	v5 =	vmul.f32 v5, v1  }
0x4c: {  	v25 =	vld [tilespmem:s23+$0x130];
	v2 =	vsel vm15, v2, v3  }
0x4d: {  	v36 =	vld [tilespmem:s23+$0x180];
	v3 =	vmul.f32 $1.442695020e+00, v2;
	v7 =	vmul.f32 $2.000000030e-01, v4;
	[tilespmem:s23+$0x28B0] =	vst v5;
	v5 =	vadd.f32 v9, v16  }
0x4e: {  	v27 =	vld [tilespmem:s23+$0x190];
	v17 =	vadd.f32 v18, v17;
	vm4 =	vge.f32 v4, $0.0e+00  }
0x4f: {  	v29 =	vld [tilespmem:s23+$0x1B0];
	(erf) = vpow2.f32 v3;
	v4 =	vsel vm4, v4, v7;
	v7 =	vmul.f32 $2.000000030e-01, v5  }
0x50: {  	v30 =	vld [tilespmem:s23+$0x200];
	v19 =	vadd.f32 v6, v19;
	vm5 =	vge.f32 v5, $0.0e+00  }
0x51: {  	v32 =	vld [tilespmem:s23+$0x210];
	v8 =	vmul.f32 $1.442695020e+00, v4;
	v5 =	vsel vm5, v5, v7;
	v7 =	vmul.f32 $2.000000030e-01, v17  }
0x52: {  	v34 =	vld [tilespmem:s23+$0x230];
	v20 =	vadd.f32 v21, v20;
	vm6 =	vge.f32 v17, $0.0e+00  }
0x53: {  	v37 =	vld [tilespmem:s23+$0x280];
	v16 =	vpop (erf);
	(erf) = vpow2.f32 v8;
	v7 =	vsel vm6, v17, v7;
	v17 =	vmul.f32 $2.000000030e-01, v19  }
0x54: {  	v38 =	vld [tilespmem:s23+$0x290];
	vm7 =	vge.f32 v19, $0.0e+00;
	v21 =	vmul.f32 v16, v63;
	v8 =	vmul.f32 $1.442695020e+00, v5  }
0x55: {  	v40 =	vld [tilespmem:s23+$0x2B0];
	[tilespmem:s23+$0x28C0] =	vst v1;
	v24 =	vmul.f32 v24, v16;
	v23 =	vmul.f32 $1.442695020e+00, v7;
	v17 =	vsel vm7, v19, v17  }
0x56: {  	v41 =	vld [tilespmem:s23+$0x300];
	[tilespmem:s23+$0x2140] =	vst v16;
	(erf) = vpow2.f32 v8;
	v17 =	vmul.f32 $1.442695020e+00, v17  }
0x57: {  	v44 =	vld [tilespmem:s23+$0x330];
	[tilespmem:s23+$0x2110] =	vst v21;
	v18 =	vpop (erf);
	(erf) = vpow2.f32 v23  }
0x58: {  	v45 =	vld [tilespmem:s23+$0x380];
	[tilespmem:s23+$0x2120] =	vst v24;
	v22 =	vpop (erf);
	(erf) = vpow2.f32 v17  }
0x59: {  	[tilespmem:s23+$0x21C0] =	vst v18;
	v39 =	vmul.f32 v18, v27;
	v19 =	vld [tilespmem:s23+$0x100]  }
0x5a: {  	v46 =	vld [tilespmem:s23+$0x3A0];
	v35 =	vmul.f32 $2.000000030e-01, v20;
	[tilespmem:s23+$0x2240] =	vst v22;
	v42 =	vmul.f32 v22, v30  }
0x5b: {  	v47 =	vld [tilespmem:s23+$0x3B0];
	v14 =	vadd.f32 v15, v14;
	vm8 =	vge.f32 v20, $0.0e+00;
	v43 =	vmul.f32 v22, v32;
	[tilespmem:s23+$0x2190] =	vst v39  }
0x5c: {  	v48 =	vld [tilespmem:s23+$0x400];
	v20 =	vsel vm8, v20, v35;
	[tilespmem:s23+$0x2200] =	vst v42;
	v23 =	vmul.f32 v18, v36  }
0x5d: {  	v50 =	vld [tilespmem:s23+$0x430];
	v56 =	vmul.f32 $2.000000030e-01, v14;
	v20 =	vmul.f32 $1.442695020e+00, v20;
	[tilespmem:s23+$0x2210] =	vst v43  }
0x5e: {  	v53 =	vld [tilespmem:s23+$0x4A0];
	vm9 =	vge.f32 v14, $0.0e+00;
	[tilespmem:s23+$0x2180] =	vst v23;
	v17 =	vpop (erf);
	v19 =	vmul.f32 v16, v19  }
0x5f: {  	v54 =	vld [tilespmem:s23+$0x4B0];
	v14 =	vsel vm9, v14, v56;
	(erf) = vpow2.f32 v20;
	v16 =	vmul.f32 v25, v16;
	[tilespmem:s23+$0x22C0] =	vst v17;
	v26 =	vpop (erf)  }
0x60: {  	v57 =	vld [tilespmem:s23+$0x520];
	v14 =	vmul.f32 $1.442695020e+00, v14;
	v21 =	vmul.f32 v17, v37;
	[tilespmem:s23+$0x2100] =	vst v19;
	v28 =	vpop (erf)  }
0x61: {  	v58 =	vld [tilespmem:s23+$0x530];
	v24 =	vmul.f32 v17, v38;
	[tilespmem:s23+$0x2130] =	vst v16;
	v31 =	vpop (erf)  }
0x62: {  	v12 =	vadd.f32 v13, v12;
	v20 =	vld [tilespmem:s23+$0x1A0];
	[tilespmem:s23+$0x2280] =	vst v21;
	(erf) = vpow2.f32 v14;
	v14 =	vmul.f32 v50, v31  }
0x63: {  	v59 =	vld [tilespmem:s23+$0x620];
	[tilespmem:s23+$0x2290] =	vst v24  }
0x64: {  	v2 =	vld [tilespmem:s23+$0x4600];
	[tilespmem:s23+$0x2430] =	vst v14;
	v14 =	vmul.f32 $2.000000030e-01, v12  }
0x65: {  	v60 =	vld [tilespmem:s23+$0x6A0];
	vm10 =	vge.f32 v12, $0.0e+00;
	[tilespmem:s23+$0x2340] =	vst v26;
	v49 =	vmul.f32 v26, v41  }
0x66: {  	v15 =	vld [tilespmem:s23+$0x510];
	v51 =	vmul.f32 v44, v26;
	[tilespmem:s23+$0x23C0] =	vst v28;
	v12 =	vsel vm10, v12, v14  }
0x67: {  	v10 =	vld [tilespmem:s23+$0x6C0];
	v20 =	vmul.f32 v20, v18;
	[tilespmem:s23+$0x2300] =	vst v49;
	v12 =	vmul.f32 $1.442695020e+00, v12  }
0x68: {  	v19 =	vld [tilespmem:s23+$0x220];
	v18 =	vmul.f32 v29, v18;
	[tilespmem:s23+$0x2330] =	vst v51;
	v33 =	vpop (erf)  }
0x69: {  	v11 =	vadd.f32 v11, v2;
	v16 =	vld [tilespmem:s23+$0x2A0];
	[tilespmem:s23+$0x21A0] =	vst v20;
	(erf) = vpow2.f32 v12;
	v12 =	vmul.f32 v54, v33  }
0x6a: {  	v3 =	vld [tilespmem:s23+$0x4680];
	[tilespmem:s23+$0x21B0] =	vst v18  }
0x6b: {  	v4 =	vld [tilespmem:s23+$0x4700];
	v52 =	vmul.f32 v28, v45;
	[tilespmem:s23+$0x24B0] =	vst v12;
	v12 =	vmul.f32 $2.000000030e-01, v11  }
0x6c: {  	vm11 =	vge.f32 v11, $0.0e+00;
	v21 =	vmul.f32 v47, v28;
	v20 =	vld [tilespmem:s23+$0x310];
	[tilespmem:s23+$0x2440] =	vst v31  }
0x6d: {  	v9 =	vld [tilespmem:s23+$0x740];
	v19 =	vmul.f32 v19, v22;
	[tilespmem:s23+$0x2380] =	vst v52;
	v11 =	vsel vm11, v11, v12  }
0x6e: {  	v18 =	vld [tilespmem:s23+$0x320];
	v16 =	vmul.f32 v16, v17;
	[tilespmem:s23+$0x23B0] =	vst v21;
	v11 =	vmul.f32 $1.442695020e+00, v11  }
0x6f: {  	v17 =	vmul.f32 v40, v17;
	[tilespmem:s23+$0x2220] =	vst v19;
	v19 =	vld [tilespmem:s23+$0x390];
	v2 =	vpop (erf)  }
0x70: {  	v10 =	vadd.f32 v10, v3;
	[tilespmem:s23+$0x22A0] =	vst v16;
	v16 =	vld [tilespmem:s23+$0x410];
	(erf) = vpow2.f32 v11;
	v11 =	vmul.f32 v58, v2  }
0x71: {  	[tilespmem:s23+$0x22B0] =	vst v17;
	v17 =	vld [tilespmem:s23+$0x420];
	v20 =	vmul.f32 v26, v20  }
0x72: {  	v22 =	vmul.f32 v34, v22;
	v14 =	vld [tilespmem:s23+$0x5B0];
	[tilespmem:s23+$0x2530] =	vst v11;
	v11 =	vmul.f32 $2.000000030e-01, v10  }
0x73: {  	vm12 =	vge.f32 v10, $0.0e+00;
	v18 =	vmul.f32 v18, v26;
	[tilespmem:s23+$0x2310] =	vst v20;
	v20 =	vld [tilespmem:s23+$0x480]  }
0x74: {  	v6 =	vld [tilespmem:s23+$0x7C0];
	[tilespmem:s23+$0x2230] =	vst v22;
	v19 =	vmul.f32 v28, v19;
	v10 =	vsel vm12, v10, v11  }
0x75: {  	[tilespmem:s23+$0x2320] =	vst v18;
	v18 =	vld [tilespmem:s23+$0x490];
	v16 =	vmul.f32 v31, v16;
	v10 =	vmul.f32 $1.442695020e+00, v10  }
0x76: {  	v17 =	vmul.f32 v17, v31;
	[tilespmem:s23+$0x2390] =	vst v19;
	v19 =	vld [tilespmem:s23+$0x500];
	v3 =	vpop (erf)  }
0x77: {  	v5 =	vld [tilespmem:s23+$0x4780];
	v9 =	vadd.f32 v9, v4;
	[tilespmem:s23+$0x2410] =	vst v16;
	(erf) = vpow2.f32 v10;
	v10 =	vmul.f32 v14, v3  }
0x78: {  	v7 =	vld [tilespmem:s23+$0x4800];
	[tilespmem:s23+$0x2420] =	vst v17;
	v17 =	vmul.f32 v33, v20  }
0x79: {  	v15 =	vmul.f32 v2, v15;
	v12 =	vld [tilespmem:s23+$0x630];
	[tilespmem:s23+$0x25B0] =	vst v10;
	v10 =	vmul.f32 $2.000000030e-01, v9  }
0x7a: {  	vm13 =	vge.f32 v9, $0.0e+00;
	v16 =	vld [tilespmem:s23+$0x580];
	[tilespmem:s23+$0x2480] =	vst v17;
	v17 =	vmul.f32 v33, v18  }
0x7b: {  	v8 =	vld [tilespmem:s23+$0x840];
	[tilespmem:s23+$0x2510] =	vst v15;
	v19 =	vmul.f32 v2, v19;
	v9 =	vsel vm13, v9, v10  }
0x7c: {  	v13 =	vld [tilespmem:s23+$0x590];
	v18 =	vmul.f32 v53, v33;
	[tilespmem:s23+$0x2490] =	vst v17;
	v9 =	vmul.f32 $1.442695020e+00, v9  }
0x7d: {  	v20 =	vld [tilespmem:s23+$0x5A0];
	[tilespmem:s23+$0x2500] =	vst v19;
	v19 =	vmul.f32 v57, v2;
	v4 =	vpop (erf)  }
0x7e: {  	v61 =	vld [tilespmem:s23+$0x810];
	v6 =	vadd.f32 v6, v5;
	[tilespmem:s23+$0x24A0] =	vst v18;
	(erf) = vpow2.f32 v9;
	v9 =	vmul.f32 v12, v4  }
0x7f: {  	v17 =	vld [tilespmem:s23+$0x600];
	[tilespmem:s23+$0x2520] =	vst v19;
	v16 =	vmul.f32 v3, v16  }
0x80: {  	v7 =	vadd.f32 v8, v7;
	v15 =	vld [tilespmem:s23+$0x680];
	v10 =	vmul.f32 v59, v4;
	[tilespmem:s23+$0x2630] =	vst v9;
	v9 =	vmul.f32 $2.000000030e-01, v6  }
0x81: {  	vm14 =	vge.f32 v6, $0.0e+00;
	v18 =	vld [tilespmem:s23+$0x610];
	v13 =	vmul.f32 v3, v13;
	[tilespmem:s23+$0x2580] =	vst v16  }
0x82: {  	v19 =	vld [tilespmem:s23+$0x690];
	v16 =	vmul.f32 v20, v3;
	[tilespmem:s23+$0x2620] =	vst v10;
	v10 =	vmul.f32 $2.000000030e-01, v7;
	v6 =	vsel vm14, v6, v9  }
0x83: {  	vm15 =	vge.f32 v7, $0.0e+00;
	v11 =	vld [tilespmem:s23+$0x6B0];
	[tilespmem:s23+$0x2590] =	vst v13;
	v6 =	vmul.f32 $1.442695020e+00, v6  }
0x84: {  	v55 =	vmul.f32 v31, v48;
	v13 =	vld [tilespmem:s23+$0x700];
	[tilespmem:s23+$0x25A0] =	vst v16;
	v16 =	vmul.f32 v4, v17;
	v7 =	vsel vm15, v7, v10  }
0x85: {  	[tilespmem:s23+$0x24C0] =	vst v33;
	v14 =	vld [tilespmem:s23+$0x710];
	v5 =	vpop (erf);
	v7 =	vmul.f32 $1.442695020e+00, v7;
	(erf) = vpow2.f32 v6  }
0x86: {  	[tilespmem:s23+$0x2400] =	vst v55;
	v20 =	vld [tilespmem:s23+$0x790];
	v8 =	vmul.f32 v5, v15  }
0x87: {  	v17 =	vld [tilespmem:s23+$0x720];
	v18 =	vmul.f32 v4, v18;
	[tilespmem:s23+$0x2600] =	vst v16;
	v6 =	vpop (erf);
	(erf) = vpow2.f32 v7  }
0x88: {  	v16 =	vld [tilespmem:s23+$0x730];
	[tilespmem:s23+$0x2680] =	vst v8;
	v8 =	vmul.f32 v60, v5  }
0x89: {  	v22 =	vmul.f32 v46, v28;
	[tilespmem:s23+$0x2610] =	vst v18;
	v18 =	vld [tilespmem:s23+$0x780]  }
0x8a: {  	v15 =	vld [tilespmem:s23+$0x7A0];
	[tilespmem:s23+$0x26A0] =	vst v8;
	v7 =	vmul.f32 v6, v13;
	v8 =	vmul.f32 v6, v14  }
0x8b: {  	[tilespmem:s23+$0x23A0] =	vst v22;
	v12 =	vmul.f32 v5, v19;
	v19 =	vld [tilespmem:s23+$0x800];
	v10 =	vmul.f32 v11, v5  }
0x8c: {  	v9 =	vld [tilespmem:s23+$0x7B0];
	[tilespmem:s23+$0x2700] =	vst v7;
	v7 =	vmul.f32 v17, v6  }
0x8d: {  	v62 =	vld [tilespmem:s23+$0x820];
	[tilespmem:s23+$0x26B0] =	vst v10  }
0x8e: {  	v10 =	vld [tilespmem:s23+$0x830];
	[tilespmem:s23+$0x2710] =	vst v8;
	v8 =	vpop (erf)  }
0x8f: {  	v11 =	vld [tilespmem:s23+$0x880];
	[tilespmem:s23+$0x2690] =	vst v12;
	v13 =	vmul.f32 v16, v6;
	v63 =	vmul.f32 v8, v18  }
0x90: {  	v12 =	vld [tilespmem:s23+$0x890];
	[tilespmem:s23+$0x2720] =	vst v7;
	v16 =	vmul.f32 v8, v20;
	v14 =	vmul.f32 v15, v8;
	v7 =	vpop (erf)  }
0x91: {  	s24 =	simm.s32 $0x800;
	[tilespmem:s23+$0x2730] =	vst v13;
	v13 =	vld [tilespmem:s23+$0x8A0];
	v17 =	vmul.f32 v9, v8;
	v15 =	vmul.f32 v7, v19  }
0x92: {  	s25 =	simm.s32 $0x4000;
	v9 =	vld [tilespmem:s24+$0x4880];
	v18 =	vmul.f32 v7, v61;
	[tilespmem:s23+$0x2780] =	vst v63;
	v19 =	vmul.f32 v62, v7  }
.LBB2_5:
0x93: {  	p0 =	sne.s32 s25, $0x6000;
	v20 =	vld [tilespmem:s24+$0x8C0];
	[tilespmem:s23+$0x2790] =	vst v16;
	v10 =	vmul.f32 v10, v7  }
0x94: {  	v16 =	vld [tilespmem:s24+$0x4100];
	[tilespmem:s23+$0x27A0] =	vst v14;
	v11 =	vmul.f32 v1, v11  }
0x95: {  	v14 =	vld [tilespmem:s24+$0x140];
	[tilespmem:s23+$0x27B0] =	vst v17;
	v12 =	vmul.f32 v1, v12  }
0x96: {  	v17 =	vld [tilespmem:s24+$0x4180];
	[tilespmem:s23+$0x2800] =	vst v15;
	v1 =	vmul.f32 v13, v1  }
0x97: {  	v13 =	vld [tilespmem:s24+$0x1C0];
	[tilespmem:s23+$0x2810] =	vst v18  }
0x98: {  	v15 =	vld [tilespmem:s24+$0x4200];
	v9 =	vadd.f32 v20, v9;
	[tilespmem:s23+$0x2820] =	vst v19  }
0x99: {  	v18 =	vld [tilespmem:s24+$0x240];
	[tilespmem:s23+$0x2830] =	vst v10  }
0x9a: {  	v10 =	vadd.f32 v14, v16;
	v14 =	vld [tilespmem:s24+$0x4280];
	v16 =	vmul.f32 $2.000000030e-01, v9;
	[tilespmem:s23+$0x2880] =	vst v11  }
0x9b: {  	vm0 =	vge.f32 v9, $0.0e+00;
	v11 =	vld [tilespmem:s24+$0x2C0];
	[tilespmem:s23+$0x2890] =	vst v12  }
0x9c: {  	v12 =	vmul.f32 $2.000000030e-01, v10;
	v13 =	vadd.f32 v13, v17;
	v17 =	vld [tilespmem:s24+$0x4300];
	v9 =	vsel vm0, v9, v16;
	[tilespmem:s23+$0x28A0] =	vst v1  }
0x9d: {  	vm0 =	vge.f32 v10, $0.0e+00;
	v1 =	vld [tilespmem:s24+$0x340];
	v9 =	vmul.f32 $1.442695020e+00, v9;
	[tilespmem:s23+$0x2540] =	vst v2  }
0x9e: {  	vm1 =	vge.f32 v13, $0.0e+00;
	v2 =	vmul.f32 $2.000000030e-01, v13;
	v15 =	vadd.f32 v18, v15;
	v16 =	vld [tilespmem:s24+$0x4380];
	[tilespmem:s23+$0x25C0] =	vst v3  }
0x9f: {  	v3 =	vsel vm0, v10, v12;
	v10 =	vld [tilespmem:s24+$0x3C0];
	(erf) = vpow2.f32 v9;
	[tilespmem:s23+$0x2640] =	vst v4  }
0xa0: {  	vm0 =	vge.f32 v15, $0.0e+00;
	v4 =	vmul.f32 $2.000000030e-01, v15;
	v9 =	vadd.f32 v11, v14;
	v11 =	vld [tilespmem:s24+$0x4400];
	[tilespmem:s23+$0x26C0] =	vst v5  }
0xa1: {  	v3 =	vmul.f32 $1.442695020e+00, v3;
	v2 =	vsel vm1, v13, v2;
	v5 =	vld [tilespmem:s24+$0x440];
	[tilespmem:s23+$0x2740] =	vst v6  }
0xa2: {  	vm1 =	vge.f32 v9, $0.0e+00;
	v6 =	vmul.f32 $2.000000030e-01, v9;
	v1 =	vadd.f32 v1, v17;
	v12 =	vld [tilespmem:s24+$0x4480];
	[tilespmem:s23+$0x27C0] =	vst v8  }
0xa3: {  	v2 =	vmul.f32 $1.442695020e+00, v2;
	v4 =	vsel vm0, v15, v4;
	v8 =	vld [tilespmem:s24+$0x4C0];
	(erf) = vpow2.f32 v3;
	[tilespmem:s23+$0x2840] =	vst v7;
	s23 =	smov.u32 s24  }
0xa4: {  	vm0 =	vge.f32 v1, $0.0e+00;
	v3 =	vmul.f32 $2.000000030e-01, v1;
	v7 =	vadd.f32 v10, v16;
	v10 =	vld [tilespmem:s23+$0x8B0]  }
0xa5: {  	v4 =	vmul.f32 $1.442695020e+00, v4;
	v6 =	vsel vm1, v9, v6;
	v9 =	vld [tilespmem:s23+$0x4500];
	(erf) = vpow2.f32 v2  }
0xa6: {  	vm1 =	vge.f32 v7, $0.0e+00;
	v2 =	vmul.f32 $2.000000030e-01, v7;
	v5 =	vadd.f32 v5, v11;
	v11 =	vld [tilespmem:s23+$0x540]  }
0xa7: {  	v6 =	vmul.f32 $1.442695020e+00, v6;
	v3 =	vsel vm0, v1, v3;
	v13 =	vld [tilespmem:s23+$0x4580];
	(erf) = vpow2.f32 v4  }
0xa8: {  	vm0 =	vge.f32 v5, $0.0e+00;
	v4 =	vmul.f32 $2.000000030e-01, v5;
	v8 =	vadd.f32 v8, v12;
	v12 =	vld [tilespmem:s23+$0x5C0];
	v1 =	vpop (erf)  }
0xa9: {  	v3 =	vmul.f32 $1.442695020e+00, v3;
	v2 =	vsel vm1, v7, v2;
	v7 =	vld [tilespmem:s23+$0x4600];
	[tilespmem:s23+$0x28C0] =	vst v1;
	v15 =	vmul.f32 v10, v1  }
0xaa: {  	v4 =	vsel vm0, v5, v4;
	vm0 =	vge.f32 v8, $0.0e+00;
	v5 =	vmul.f32 $2.000000030e-01, v8;
	v14 =	vld [tilespmem:s23+$0x640]  }
0xab: {  	v2 =	vmul.f32 $1.442695020e+00, v2;
	v4 =	vmul.f32 $1.442695020e+00, v4;
	v9 =	vadd.f32 v11, v9;
	v11 =	vld [tilespmem:s23+$0x4680];
	[tilespmem:s23+$0x28B0] =	vst v15  }
0xac: {  	v5 =	vsel vm0, v8, v5;
	v8 =	vld [tilespmem:s23+$0x6C0];
	v10 =	vpop (erf);
	(erf) = vpow2.f32 v6  }
0xad: {  	[tilespmem:s23+$0x2140] =	vst v10;
	vm0 =	vge.f32 v9, $0.0e+00;
	v6 =	vmul.f32 $2.000000030e-01, v9;
	v12 =	vadd.f32 v12, v13;
	v13 =	vld [tilespmem:s23+$0x4700]  }
0xae: {  	v5 =	vmul.f32 $1.442695020e+00, v5;
	v15 =	vld [tilespmem:s23+$0x740];
	v16 =	vpop (erf);
	(erf) = vpow2.f32 v3  }
0xaf: {  	[tilespmem:s23+$0x21C0] =	vst v16;
	vm1 =	vge.f32 v12, $0.0e+00;
	v3 =	vmul.f32 $2.000000030e-01, v12;
	v7 =	vadd.f32 v14, v7;
	v14 =	vld [tilespmem:s23+$0x4780]  }
0xb0: {  	v6 =	vsel vm0, v9, v6;
	v9 =	vld [tilespmem:s23+$0x7C0];
	v17 =	vpop (erf);
	(erf) = vpow2.f32 v2  }
0xb1: {  	[tilespmem:s23+$0x2240] =	vst v17;
	vm0 =	vge.f32 v7, $0.0e+00;
	v2 =	vmul.f32 $2.000000030e-01, v7;
	v8 =	vadd.f32 v8, v11;
	v11 =	vld [tilespmem:s23+$0x4800]  }
0xb2: {  	v6 =	vmul.f32 $1.442695020e+00, v6;
	v3 =	vsel vm1, v12, v3;
	v12 =	vld [tilespmem:s23+$0x840];
	(erf) = vpow2.f32 v4  }
0xb3: {  	v4 =	vld [tilespmem:s23+$0x100];
	vm1 =	vge.f32 v8, $0.0e+00;
	v18 =	vmul.f32 $2.000000030e-01, v8;
	v13 =	vadd.f32 v15, v13  }
0xb4: {  	v3 =	vmul.f32 $1.442695020e+00, v3;
	v2 =	vsel vm0, v7, v2;
	v15 =	vld [tilespmem:s23+$0x110];
	(erf) = vpow2.f32 v5  }
0xb5: {  	v5 =	vld [tilespmem:s23+$0x120];
	vm0 =	vge.f32 v13, $0.0e+00;
	v7 =	vmul.f32 $2.000000030e-01, v13;
	v9 =	vadd.f32 v9, v14;
	v14 =	vpop (erf)  }
0xb6: {  	v2 =	vmul.f32 $1.442695020e+00, v2;
	v8 =	vsel vm1, v8, v18;
	v19 =	vld [tilespmem:s23+$0x130];
	[tilespmem:s23+$0x22C0] =	vst v14;
	(erf) = vpow2.f32 v6  }
0xb7: {  	v6 =	vld [tilespmem:s23+$0x180];
	vm1 =	vge.f32 v9, $0.0e+00;
	v21 =	vmul.f32 $2.000000030e-01, v9;
	v11 =	vadd.f32 v12, v11;
	v12 =	vpop (erf)  }
0xb8: {  	v8 =	vmul.f32 $1.442695020e+00, v8;
	v7 =	vsel vm0, v13, v7;
	v20 =	vld [tilespmem:s23+$0x190];
	[tilespmem:s23+$0x2340] =	vst v12;
	(erf) = vpow2.f32 v3  }
0xb9: {  	v3 =	vld [tilespmem:s23+$0x1A0];
	v9 =	vsel vm1, v9, v21;
	vm0 =	vge.f32 v11, $0.0e+00;
	v23 =	vmul.f32 $2.000000030e-01, v11;
	v18 =	vpop (erf)  }
0xba: {  	v7 =	vmul.f32 $1.442695020e+00, v7;
	v21 =	vld [tilespmem:s23+$0x1B0];
	[tilespmem:s23+$0x23C0] =	vst v18;
	v9 =	vmul.f32 $1.442695020e+00, v9  }
0xbb: {  	v4 =	vmul.f32 v10, v4;
	v22 =	vld [tilespmem:s23+$0x200];
	v11 =	vsel vm0, v11, v23;
	v13 =	vpop (erf);
	(erf) = vpow2.f32 v2  }
0xbc: {  	v23 =	vld [tilespmem:s23+$0x210];
	[tilespmem:s23+$0x2440] =	vst v13;
	v11 =	vmul.f32 $1.442695020e+00, v11;
	(erf) = vpow2.f32 v8  }
0xbd: {  	v24 =	vmul.f32 v10, v15;
	[tilespmem:s23+$0x2100] =	vst v4;
	v4 =	vld [tilespmem:s23+$0x220];
	v15 =	vpop (erf);
	(erf) = vpow2.f32 v7  }
0xbe: {  	v5 =	vmul.f32 v5, v10;
	v7 =	vld [tilespmem:s23+$0x230];
	[tilespmem:s23+$0x24C0] =	vst v15;
	(erf) = vpow2.f32 v9  }
0xbf: {  	v8 =	vmul.f32 v19, v10;
	[tilespmem:s23+$0x2110] =	vst v24;
	v9 =	vld [tilespmem:s23+$0x280];
	v2 =	vpop (erf);
	(erf) = vpow2.f32 v11  }
0xc0: {  	[tilespmem:s23+$0x2120] =	vst v5;
	v5 =	vmul.f32 v16, v6;
	v6 =	vmul.f32 v16, v20;
	v10 =	vld [tilespmem:s23+$0x290]  }
0xc1: {  	v11 =	vmul.f32 v21, v16;
	[tilespmem:s23+$0x2130] =	vst v8;
	v8 =	vmul.f32 v3, v16;
	v16 =	vld [tilespmem:s23+$0x2A0];
	v3 =	vpop (erf)  }
0xc2: {  	v19 =	vmul.f32 v17, v22;
	v20 =	vmul.f32 v17, v23;
	[tilespmem:s23+$0x2180] =	vst v5;
	v21 =	vld [tilespmem:s23+$0x2B0]  }
0xc3: {  	v22 =	vmul.f32 v4, v17;
	[tilespmem:s23+$0x2190] =	vst v6;
	v17 =	vmul.f32 v7, v17;
	v7 =	vld [tilespmem:s23+$0x300]  }
0xc4: {  	[tilespmem:s23+$0x21A0] =	vst v8;
	v9 =	vmul.f32 v14, v9;
	v23 =	vld [tilespmem:s23+$0x310];
	v4 =	vpop (erf)  }
0xc5: {  	[tilespmem:s23+$0x21B0] =	vst v11;
	v10 =	vmul.f32 v14, v10;
	v11 =	vld [tilespmem:s23+$0x320];
	v5 =	vpop (erf)  }
0xc6: {  	[tilespmem:s23+$0x2200] =	vst v19;
	v16 =	vmul.f32 v16, v14;
	v19 =	vld [tilespmem:s23+$0x330];
	v6 =	vpop (erf)  }
0xc7: {  	[tilespmem:s23+$0x2210] =	vst v20;
	v14 =	vmul.f32 v21, v14;
	v20 =	vld [tilespmem:s23+$0x380];
	v8 =	vpop (erf)  }
0xc8: {  	[tilespmem:s23+$0x2220] =	vst v22;
	v21 =	vmul.f32 v12, v7;
	v22 =	vld [tilespmem:s23+$0x390];
	v7 =	vpop (erf)  }
0xc9: {  	[tilespmem:s23+$0x2230] =	vst v17;
	v17 =	vmul.f32 v12, v23;
	v23 =	vld [tilespmem:s23+$0x3A0]  }
0xca: {  	[tilespmem:s23+$0x2280] =	vst v9;
	v9 =	vmul.f32 v11, v12;
	v11 =	vld [tilespmem:s23+$0x3B0]  }
0xcb: {  	[tilespmem:s23+$0x2290] =	vst v10;
	v10 =	vmul.f32 v19, v12;
	v12 =	vld [tilespmem:s23+$0x400]  }
0xcc: {  	[tilespmem:s23+$0x22A0] =	vst v16;
	v16 =	vmul.f32 v18, v20;
	v19 =	vld [tilespmem:s23+$0x410]  }
0xcd: {  	[tilespmem:s23+$0x22B0] =	vst v14;
	v14 =	vmul.f32 v18, v22;
	v20 =	vld [tilespmem:s23+$0x420]  }
0xce: {  	[tilespmem:s23+$0x2300] =	vst v21;
	v21 =	vmul.f32 v23, v18;
	v22 =	vld [tilespmem:s23+$0x430]  }
0xcf: {  	[tilespmem:s23+$0x2310] =	vst v17;
	v11 =	vmul.f32 v11, v18;
	v17 =	vld [tilespmem:s23+$0x480]  }
0xd0: {  	[tilespmem:s23+$0x2320] =	vst v9;
	v9 =	vmul.f32 v13, v12;
	v12 =	vld [tilespmem:s23+$0x490]  }
0xd1: {  	[tilespmem:s23+$0x2330] =	vst v10;
	v10 =	vmul.f32 v13, v19;
	v18 =	vld [tilespmem:s23+$0x4A0]  }
0xd2: {  	[tilespmem:s23+$0x2380] =	vst v16;
	v16 =	vmul.f32 v20, v13;
	v19 =	vld [tilespmem:s23+$0x4B0]  }
0xd3: {  	[tilespmem:s23+$0x2390] =	vst v14;
	v13 =	vmul.f32 v22, v13;
	v14 =	vld [tilespmem:s23+$0x500]  }
0xd4: {  	[tilespmem:s23+$0x23A0] =	vst v21;
	v17 =	vmul.f32 v15, v17;
	v20 =	vld [tilespmem:s23+$0x510]  }
0xd5: {  	[tilespmem:s23+$0x23B0] =	vst v11;
	v11 =	vmul.f32 v15, v12;
	v12 =	vld [tilespmem:s23+$0x520]  }
0xd6: {  	[tilespmem:s23+$0x2400] =	vst v9;
	v9 =	vmul.f32 v18, v15;
	v18 =	vld [tilespmem:s23+$0x530]  }
0xd7: {  	[tilespmem:s23+$0x2410] =	vst v10;
	v10 =	vmul.f32 v19, v15;
	v15 =	vld [tilespmem:s23+$0x580]  }
0xd8: {  	[tilespmem:s23+$0x2420] =	vst v16;
	v14 =	vmul.f32 v2, v14;
	v16 =	vld [tilespmem:s23+$0x590]  }
0xd9: {  	[tilespmem:s23+$0x2430] =	vst v13;
	v13 =	vmul.f32 v2, v20;
	v19 =	vld [tilespmem:s23+$0x5A0]  }
0xda: {  	[tilespmem:s23+$0x2480] =	vst v17;
	v12 =	vmul.f32 v12, v2;
	v17 =	vld [tilespmem:s23+$0x5B0]  }
0xdb: {  	[tilespmem:s23+$0x2490] =	vst v11;
	v11 =	vmul.f32 v18, v2;
	v18 =	vld [tilespmem:s23+$0x600]  }
0xdc: {  	[tilespmem:s23+$0x24A0] =	vst v9;
	v9 =	vmul.f32 v3, v15;
	v15 =	vld [tilespmem:s23+$0x610]  }
0xdd: {  	[tilespmem:s23+$0x24B0] =	vst v10;
	v10 =	vmul.f32 v3, v16;
	v16 =	vld [tilespmem:s23+$0x620]  }
0xde: {  	[tilespmem:s23+$0x2500] =	vst v14;
	v14 =	vmul.f32 v19, v3;
	v19 =	vld [tilespmem:s23+$0x630]  }
0xdf: {  	[tilespmem:s23+$0x2510] =	vst v13;
	v13 =	vmul.f32 v17, v3;
	v17 =	vld [tilespmem:s23+$0x680]  }
0xe0: {  	[tilespmem:s23+$0x2520] =	vst v12;
	v12 =	vmul.f32 v4, v18;
	v18 =	vld [tilespmem:s23+$0x690]  }
0xe1: {  	[tilespmem:s23+$0x2530] =	vst v11;
	v11 =	vmul.f32 v4, v15;
	v15 =	vld [tilespmem:s23+$0x6A0]  }
0xe2: {  	[tilespmem:s23+$0x2580] =	vst v9;
	v9 =	vmul.f32 v16, v4;
	v16 =	vld [tilespmem:s23+$0x6B0]  }
0xe3: {  	[tilespmem:s23+$0x2590] =	vst v10;
	v10 =	vmul.f32 v19, v4;
	v19 =	vld [tilespmem:s23+$0x700]  }
0xe4: {  	[tilespmem:s23+$0x25A0] =	vst v14;
	v14 =	vmul.f32 v5, v17;
	v17 =	vld [tilespmem:s23+$0x710]  }
0xe5: {  	[tilespmem:s23+$0x25B0] =	vst v13;
	v13 =	vmul.f32 v5, v18;
	v18 =	vld [tilespmem:s23+$0x720]  }
0xe6: {  	[tilespmem:s23+$0x2600] =	vst v12;
	v12 =	vmul.f32 v15, v5;
	v15 =	vld [tilespmem:s23+$0x730]  }
0xe7: {  	[tilespmem:s23+$0x2610] =	vst v11;
	v11 =	vmul.f32 v16, v5;
	v16 =	vld [tilespmem:s23+$0x780]  }
0xe8: {  	[tilespmem:s23+$0x2620] =	vst v9;
	v9 =	vmul.f32 v6, v19;
	v19 =	vld [tilespmem:s23+$0x790]  }
0xe9: {  	[tilespmem:s23+$0x2630] =	vst v10;
	v17 =	vmul.f32 v6, v17;
	v10 =	vld [tilespmem:s23+$0x7A0]  }
0xea: {  	[tilespmem:s23+$0x2680] =	vst v14;
	v18 =	vmul.f32 v18, v6;
	v20 =	vld [tilespmem:s23+$0x7B0]  }
0xeb: {  	[tilespmem:s23+$0x2690] =	vst v13;
	v13 =	vmul.f32 v15, v6;
	v15 =	vld [tilespmem:s23+$0x800]  }
0xec: {  	[tilespmem:s23+$0x26A0] =	vst v12;
	v21 =	vmul.f32 v8, v16;
	v22 =	vld [tilespmem:s23+$0x810]  }
0xed: {  	[tilespmem:s23+$0x26B0] =	vst v11;
	v16 =	vmul.f32 v8, v19;
	v19 =	vld [tilespmem:s23+$0x820]  }
.Ltmp1:
0xee: {  	[tilespmem:s23+$0x2700] =	vst v9;
	v14 =	vmul.f32 v10, v8;
	v10 =	vld [tilespmem:s23+$0x830];
	(pc) =	sbr.rel @p0 .LBB2_5-.Ltmp1, $4  }
0xef: {  	[tilespmem:s23+$0x2710] =	vst v17;
	v17 =	vmul.f32 v20, v8;
	v11 =	vld [tilespmem:s23+$0x880]  }
0xf0: {  	[tilespmem:s23+$0x2720] =	vst v18;
	v15 =	vmul.f32 v7, v15;
	v12 =	vld [tilespmem:s23+$0x890]  }
0xf1: {  	s24 =	sshra.s32 s25, $0x2;
	[tilespmem:s23+$0x2730] =	vst v13;
	v18 =	vmul.f32 v7, v22;
	v13 =	vld [tilespmem:s23+$0x8A0]  }
0xf2: {  	s25 =	sadd.s32 $0x2000, s25;
	v9 =	vld [tilespmem:s24+$0x4880];
	[tilespmem:s23+$0x2780] =	vst v21;
	v19 =	vmul.f32 v19, v7  }
0xf3: {  	v20 =	vld [tilespmem:s24+$0x8C0];
	[tilespmem:s23+$0x2790] =	vst v16  }
0xf4: {  	v16 =	vld [tilespmem:s24+$0x4100];
	[tilespmem:s23+$0x27A0] =	vst v14  }
0xf5: {  	v14 =	vld [tilespmem:s24+$0x140];
	[tilespmem:s23+$0x27B0] =	vst v17  }
0xf6: {  	v17 =	vld [tilespmem:s24+$0x4180];
	[tilespmem:s23+$0x2800] =	vst v15  }
0xf7: {  	v10 =	vmul.f32 v10, v7;
	v15 =	vld [tilespmem:s24+$0x1C0];
	[tilespmem:s23+$0x2810] =	vst v18  }
0xf8: {  	v11 =	vmul.f32 v1, v11;
	v18 =	vld [tilespmem:s24+$0x4200];
	[tilespmem:s23+$0x2820] =	vst v19  }
0xf9: {  	v50 =	vmul.f32 v1, v12;
	v19 =	vld [tilespmem:s24+$0x240];
	[tilespmem:s23+$0x2830] =	vst v10  }
0xfa: {  	v1 =	vmul.f32 v13, v1;
	v21 =	vld [tilespmem:s24+$0x4280];
	[tilespmem:s23+$0x2880] =	vst v11  }
0xfb: {  	v11 =	vld [tilespmem:s24+$0x2C0];
	[tilespmem:s23+$0x2890] =	vst v50  }
0xfc: {  	v22 =	vld [tilespmem:s24+$0x4300];
	[tilespmem:s23+$0x28A0] =	vst v1  }
0xfd: {  	v1 =	vadd.f32 v20, v9;
	v23 =	vld [tilespmem:s24+$0x340];
	[tilespmem:s23+$0x2540] =	vst v2  }
0xfe: {  	v51 =	vadd.f32 v14, v16;
	v2 =	vld [tilespmem:s24+$0x4380];
	[tilespmem:s23+$0x25C0] =	vst v3  }
0xff: {  	v9 =	vmul.f32 $2.000000030e-01, v1;
	v3 =	vld [tilespmem:s24+$0x3C0];
	[tilespmem:s23+$0x2640] =	vst v4  }
0x100: {  	v53 =	vmul.f32 $2.000000030e-01, v51;
	vm0 =	vge.f32 v1, $0.0e+00;
	v4 =	vld [tilespmem:s24+$0x4400];
	[tilespmem:s23+$0x26C0] =	vst v5  }
0x101: {  	vm13 =	vge.f32 v51, $0.0e+00;
	v1 =	vsel vm0, v1, v9;
	v52 =	vld [tilespmem:s24+$0x440];
	[tilespmem:s23+$0x2740] =	vst v6  }
0x102: {  	v5 =	vsel vm13, v51, v53;
	v1 =	vmul.f32 $1.442695020e+00, v1;
	v54 =	vld [tilespmem:s24+$0x4480];
	[tilespmem:s23+$0x27C0] =	vst v8  }
0x103: {  	v5 =	vmul.f32 $1.442695020e+00, v5;
	v55 =	vld [tilespmem:s24+$0x4C0];
	[tilespmem:s23+$0x2840] =	vst v7  }
0x104: {  	(erf) = vpow2.f32 v1;
	v1 =	vadd.f32 v15, v17;
	v8 =	vld [tilespmem:s24+$0x8B0]  }
0x105: {  	v57 =	vadd.f32 v19, v18;
	(erf) = vpow2.f32 v5;
	v14 =	vld [tilespmem:s24+$0x4500]  }
0x106: {  	v15 =	vld [tilespmem:s24+$0x540];
	v56 =	vmul.f32 $2.000000030e-01, v1  }
0x107: {  	v58 =	vmul.f32 $2.000000030e-01, v57;
	v12 =	vld [tilespmem:s24+$0x4580];
	vm14 =	vge.f32 v1, $0.0e+00  }
0x108: {  	vm15 =	vge.f32 v57, $0.0e+00;
	v13 =	vld [tilespmem:s24+$0x5C0];
	v1 =	vsel vm14, v1, v56  }
0x109: {  	v59 =	vadd.f32 v11, v21;
	v5 =	vsel vm15, v57, v58;
	v10 =	vld [tilespmem:s24+$0x4600];
	v1 =	vmul.f32 $1.442695020e+00, v1  }
0x10a: {  	v42 =	vld [tilespmem:s24+$0x100];
	v5 =	vmul.f32 $1.442695020e+00, v5  }
0x10b: {  	v61 =	vmul.f32 $2.000000030e-01, v59;
	v43 =	vld [tilespmem:s24+$0x110];
	(erf) = vpow2.f32 v1  }
0x10c: {  	vm4 =	vge.f32 v59, $0.0e+00;
	v24 =	vld [tilespmem:s24+$0x120];
	(erf) = vpow2.f32 v5  }
0x10d: {  	v62 =	vadd.f32 v23, v22;
	v6 =	vsel vm4, v59, v61;
	v25 =	vld [tilespmem:s24+$0x130];
	v1 =	vpop (erf)  }
0x10e: {  	v11 =	vld [tilespmem:s24+$0x640];
	v35 =	vmul.f32 $1.442695020e+00, v6;
	[tilespmem:s24+$0x28C0] =	vst v1;
	v60 =	vmul.f32 v8, v1;
	v63 =	vpop (erf)  }
0x10f: {  	v9 =	vld [tilespmem:s24+$0x6C0];
	v34 =	vmul.f32 $2.000000030e-01, v62;
	[tilespmem:s24+$0x2140] =	vst v63;
	v19 =	vmul.f32 v63, v42  }
0x110: {  	v46 =	vld [tilespmem:s24+$0x180];
	(erf) = vpow2.f32 v35;
	v20 =	vmul.f32 v63, v43;
	[tilespmem:s24+$0x28B0] =	vst v60  }
0x111: {  	vm5 =	vge.f32 v62, $0.0e+00;
	v27 =	vld [tilespmem:s24+$0x190];
	v24 =	vmul.f32 v24, v63;
	[tilespmem:s24+$0x2100] =	vst v19  }
0x112: {  	v3 =	vadd.f32 v3, v2;
	v29 =	vld [tilespmem:s24+$0x1B0];
	v2 =	vsel vm5, v62, v34;
	v18 =	vmul.f32 v25, v63;
	[tilespmem:s24+$0x2110] =	vst v20  }
0x113: {  	v7 =	vld [tilespmem:s24+$0x740];
	v38 =	vmul.f32 $1.442695020e+00, v2;
	[tilespmem:s24+$0x2120] =	vst v24  }
0x114: {  	v30 =	vld [tilespmem:s24+$0x200];
	v37 =	vmul.f32 $2.000000030e-01, v3;
	[tilespmem:s24+$0x2130] =	vst v18;
	v36 =	vpop (erf)  }
0x115: {  	v32 =	vld [tilespmem:s24+$0x210];
	v16 =	vadd.f32 v52, v4;
	(erf) = vpow2.f32 v38;
	[tilespmem:s24+$0x21C0] =	vst v36;
	v39 =	vpop (erf);
	v21 =	vmul.f32 v36, v46  }
0x116: {  	v48 =	vld [tilespmem:s24+$0x220];
	vm6 =	vge.f32 v3, $0.0e+00;
	v17 =	vadd.f32 v55, v54;
	v52 =	vmul.f32 v36, v27;
	[tilespmem:s24+$0x2240] =	vst v39  }
0x117: {  	v34 =	vld [tilespmem:s24+$0x230];
	v3 =	vsel vm6, v3, v37;
	v40 =	vmul.f32 $2.000000030e-01, v16;
	v22 =	vmul.f32 v29, v36;
	[tilespmem:s24+$0x2180] =	vst v21  }
0x118: {  	v47 =	vld [tilespmem:s24+$0x1A0];
	vm7 =	vge.f32 v16, $0.0e+00;
	v41 =	vmul.f32 $1.442695020e+00, v3;
	v44 =	vmul.f32 $2.000000030e-01, v17;
	[tilespmem:s24+$0x2190] =	vst v52  }
0x119: {  	v49 =	vld [tilespmem:s24+$0x280];
	v16 =	vsel vm7, v16, v40;
	vm8 =	vge.f32 v17, $0.0e+00;
	v56 =	vmul.f32 v39, v30;
	v45 =	vpop (erf);
	[tilespmem:s24+$0x21B0] =	vst v22  }
0x11a: {  	v50 =	vld [tilespmem:s24+$0x290];
	v16 =	vmul.f32 $1.442695020e+00, v16;
	v17 =	vsel vm8, v17, v44;
	v58 =	vmul.f32 v39, v32;
	[tilespmem:s24+$0x22C0] =	vst v45  }
0x11b: {  	v51 =	vld [tilespmem:s24+$0x2A0];
	v17 =	vmul.f32 $1.442695020e+00, v17;
	v19 =	vmul.f32 v48, v39;
	[tilespmem:s24+$0x2200] =	vst v56  }
0x11c: {  	v53 =	vld [tilespmem:s24+$0x2B0];
	(erf) = vpow2.f32 v41;
	v23 =	vmul.f32 v34, v39;
	[tilespmem:s24+$0x2210] =	vst v58  }
0x11d: {  	v57 =	vld [tilespmem:s24+$0x320];
	(erf) = vpow2.f32 v16;
	[tilespmem:s24+$0x2220] =	vst v19  }
0x11e: {  	v54 =	vld [tilespmem:s24+$0x300];
	(erf) = vpow2.f32 v17;
	v17 =	vmul.f32 v47, v36;
	v26 =	vpop (erf);
	[tilespmem:s24+$0x2230] =	vst v23  }
0x11f: {  	v55 =	vld [tilespmem:s24+$0x310];
	v20 =	vmul.f32 v45, v49;
	[tilespmem:s24+$0x2340] =	vst v26  }
0x120: {  	v59 =	vld [tilespmem:s24+$0x330];
	v24 =	vmul.f32 v45, v50;
	[tilespmem:s24+$0x21A0] =	vst v17  }
0x121: {  	v61 =	vld [tilespmem:s24+$0x390];
	v18 =	vmul.f32 v51, v45;
	[tilespmem:s24+$0x2280] =	vst v20  }
0x122: {  	v6 =	vld [tilespmem:s24+$0x4700];
	v16 =	vmul.f32 v53, v45;
	[tilespmem:s24+$0x2290] =	vst v24  }
0x123: {  	v4 =	vld [tilespmem:s24+$0x840];
	v34 =	vmul.f32 v26, v54;
	[tilespmem:s24+$0x22A0] =	vst v18  }
0x124: {  	v60 =	vld [tilespmem:s24+$0x380];
	v17 =	vmul.f32 v26, v55;
	[tilespmem:s24+$0x22B0] =	vst v16  }
0x125: {  	v62 =	vld [tilespmem:s24+$0x3A0];
	v22 =	vmul.f32 v57, v26;
	[tilespmem:s24+$0x2300] =	vst v34  }
0x126: {  	v2 =	vld [tilespmem:s24+$0x4780];
	v14 =	vadd.f32 v15, v14;
	v38 =	vmul.f32 v59, v26;
	[tilespmem:s24+$0x2310] =	vst v17  }
0x127: {  	v63 =	vld [tilespmem:s24+$0x3B0];
	[tilespmem:s24+$0x2320] =	vst v22  }
0x128: {  	v37 =	vld [tilespmem:s24+$0x480];
	v46 =	vmul.f32 $2.000000030e-01, v14;
	[tilespmem:s24+$0x2330] =	vst v38;
	v28 =	vpop (erf)  }
0x129: {  	vm9 =	vge.f32 v14, $0.0e+00;
	v30 =	vld [tilespmem:s24+$0x400];
	[tilespmem:s24+$0x23C0] =	vst v28;
	v31 =	vpop (erf);
	v40 =	vmul.f32 v28, v60  }
0x12a: {  	v32 =	vld [tilespmem:s24+$0x410];
	v14 =	vsel vm9, v14, v46;
	v19 =	vmul.f32 v28, v61;
	[tilespmem:s24+$0x2440] =	vst v31  }
0x12b: {  	v12 =	vadd.f32 v13, v12;
	v35 =	vld [tilespmem:s24+$0x420];
	v14 =	vmul.f32 $1.442695020e+00, v14;
	v23 =	vmul.f32 v62, v28;
	[tilespmem:s24+$0x2380] =	vst v40  }
0x12c: {  	v36 =	vld [tilespmem:s24+$0x430];
	v20 =	vmul.f32 v63, v28;
	[tilespmem:s24+$0x2390] =	vst v19  }
0x12d: {  	v8 =	vld [tilespmem:s24+$0x4680];
	v53 =	vmul.f32 $2.000000030e-01, v12;
	(erf) = vpow2.f32 v14;
	[tilespmem:s24+$0x23A0] =	vst v23  }
0x12e: {  	vm10 =	vge.f32 v12, $0.0e+00;
	v39 =	vld [tilespmem:s24+$0x490];
	v45 =	vmul.f32 v31, v30;
	v33 =	vpop (erf);
	[tilespmem:s24+$0x23B0] =	vst v20  }
0x12f: {  	v10 =	vadd.f32 v11, v10;
	v41 =	vld [tilespmem:s24+$0x4A0];
	v12 =	vsel vm10, v12, v53;
	v18 =	vmul.f32 v31, v32;
	[tilespmem:s24+$0x24C0] =	vst v33  }
0x130: {  	v42 =	vld [tilespmem:s24+$0x4B0];
	v12 =	vmul.f32 $1.442695020e+00, v12;
	v16 =	vmul.f32 v35, v31;
	[tilespmem:s24+$0x2400] =	vst v45  }
0x131: {  	v3 =	vld [tilespmem:s24+$0x4800];
	v61 =	vmul.f32 $2.000000030e-01, v10;
	v50 =	vmul.f32 v36, v31;
	[tilespmem:s24+$0x2410] =	vst v18  }
0x132: {  	v43 =	vld [tilespmem:s24+$0x500];
	(erf) = vpow2.f32 v12;
	[tilespmem:s24+$0x2420] =	vst v16;
	v52 =	vmul.f32 v33, v37  }
0x133: {  	vm11 =	vge.f32 v10, $0.0e+00;
	v44 =	vld [tilespmem:s24+$0x510];
	[tilespmem:s24+$0x2430] =	vst v50;
	v55 =	vmul.f32 v33, v39  }
0x134: {  	v8 =	vadd.f32 v9, v8;
	v47 =	vld [tilespmem:s24+$0x520];
	v10 =	vsel vm11, v10, v61;
	v57 =	vmul.f32 v41, v33;
	[tilespmem:s24+$0x2480] =	vst v52  }
0x135: {  	v48 =	vld [tilespmem:s24+$0x530];
	v59 =	vmul.f32 v42, v33;
	v10 =	vmul.f32 $1.442695020e+00, v10;
	[tilespmem:s24+$0x2490] =	vst v55  }
0x136: {  	v5 =	vld [tilespmem:s24+$0x7C0];
	v30 =	vmul.f32 $2.000000030e-01, v8;
	[tilespmem:s24+$0x24A0] =	vst v57;
	v11 =	vpop (erf)  }
0x137: {  	v49 =	vld [tilespmem:s24+$0x580];
	[tilespmem:s24+$0x24B0] =	vst v59;
	(erf) = vpow2.f32 v10;
	v19 =	vmul.f32 v11, v43  }
0x138: {  	vm12 =	vge.f32 v8, $0.0e+00;
	v51 =	vld [tilespmem:s24+$0x590];
	v15 =	vmul.f32 v11, v44;
	[tilespmem:s24+$0x2540] =	vst v11  }
0x139: {  	v6 =	vadd.f32 v7, v6;
	v54 =	vld [tilespmem:s24+$0x5A0];
	v8 =	vsel vm12, v8, v30;
	v25 =	vmul.f32 v47, v11;
	[tilespmem:s24+$0x2500] =	vst v19  }
0x13a: {  	v56 =	vld [tilespmem:s24+$0x5B0];
	v8 =	vmul.f32 $1.442695020e+00, v8;
	v27 =	vmul.f32 v48, v11;
	[tilespmem:s24+$0x2510] =	vst v15  }
0x13b: {  	v37 =	vmul.f32 $2.000000030e-01, v6;
	[tilespmem:s24+$0x2520] =	vst v25;
	v28 =	vpop (erf)  }
0x13c: {  	v58 =	vld [tilespmem:s24+$0x600];
	[tilespmem:s24+$0x2530] =	vst v27;
	(erf) = vpow2.f32 v8;
	v18 =	vmul.f32 v28, v49  }
0x13d: {  	vm13 =	vge.f32 v6, $0.0e+00;
	v60 =	vld [tilespmem:s24+$0x610];
	v13 =	vmul.f32 v28, v51;
	[tilespmem:s24+$0x25C0] =	vst v28  }
0x13e: {  	v2 =	vadd.f32 v5, v2;
	v62 =	vld [tilespmem:s24+$0x620];
	v6 =	vsel vm13, v6, v37;
	v17 =	vmul.f32 v54, v28;
	[tilespmem:s24+$0x2580] =	vst v18  }
0x13f: {  	v63 =	vld [tilespmem:s24+$0x630];
	v6 =	vmul.f32 $1.442695020e+00, v6;
	v34 =	vmul.f32 v56, v28;
	[tilespmem:s24+$0x2590] =	vst v13  }
0x140: {  	v46 =	vmul.f32 $2.000000030e-01, v2;
	[tilespmem:s24+$0x25A0] =	vst v17;
	v35 =	vpop (erf)  }
0x141: {  	v26 =	vld [tilespmem:s24+$0x680];
	[tilespmem:s24+$0x25B0] =	vst v34;
	(erf) = vpow2.f32 v6;
	v16 =	vmul.f32 v35, v58  }
0x142: {  	vm14 =	vge.f32 v2, $0.0e+00;
	v29 =	vld [tilespmem:s24+$0x690];
	v39 =	vmul.f32 v35, v60;
	[tilespmem:s24+$0x2640] =	vst v35  }
0x143: {  	v2 =	vsel vm14, v2, v46;
	v31 =	vld [tilespmem:s24+$0x6A0];
	v41 =	vmul.f32 v62, v35;
	[tilespmem:s24+$0x2600] =	vst v16  }
0x144: {  	v2 =	vmul.f32 $1.442695020e+00, v2;
	v32 =	vld [tilespmem:s24+$0x6B0];
	v43 =	vmul.f32 v63, v35;
	[tilespmem:s24+$0x2610] =	vst v39  }
0x145: {  	v3 =	vadd.f32 v4, v3;
	[tilespmem:s24+$0x2620] =	vst v41;
	v44 =	vpop (erf)  }
0x146: {  	v33 =	vld [tilespmem:s24+$0x700];
	[tilespmem:s24+$0x2630] =	vst v43;
	(erf) = vpow2.f32 v2;
	v15 =	vmul.f32 v44, v26  }
0x147: {  	v36 =	vld [tilespmem:s24+$0x710];
	v50 =	vmul.f32 $2.000000030e-01, v3;
	v19 =	vmul.f32 v44, v29;
	[tilespmem:s24+$0x26C0] =	vst v44  }
0x148: {  	vm15 =	vge.f32 v3, $0.0e+00;
	v38 =	vld [tilespmem:s24+$0x720];
	v49 =	vmul.f32 v31, v44;
	[tilespmem:s24+$0x2680] =	vst v15  }
0x149: {  	v40 =	vld [tilespmem:s24+$0x730];
	v3 =	vsel vm15, v3, v50;
	v2 =	vmul.f32 v32, v44;
	[tilespmem:s24+$0x2690] =	vst v19  }
0x14a: {  	v3 =	vmul.f32 $1.442695020e+00, v3;
	[tilespmem:s24+$0x26A0] =	vst v49;
	v52 =	vpop (erf)  }
0x14b: {  	v42 =	vld [tilespmem:s24+$0x780];
	[tilespmem:s24+$0x26B0] =	vst v2;
	v13 =	vmul.f32 v52, v33  }
0x14c: {  	v45 =	vld [tilespmem:s24+$0x790];
	(erf) = vpow2.f32 v3;
	v3 =	vmul.f32 v52, v36;
	[tilespmem:s24+$0x2740] =	vst v52  }
0x14d: {  	v47 =	vld [tilespmem:s24+$0x7A0];
	v55 =	vmul.f32 v38, v52;
	[tilespmem:s24+$0x2700] =	vst v13  }
0x14e: {  	v48 =	vld [tilespmem:s24+$0x7B0];
	v8 =	vmul.f32 v40, v52;
	[tilespmem:s24+$0x2710] =	vst v3  }
0x14f: {  	v3 =	vld [tilespmem:s24+$0x880];
	[tilespmem:s24+$0x2720] =	vst v55;
	v56 =	vpop (erf)  }
0x150: {  	[tilespmem:s24+$0x2730] =	vst v8;
	v58 =	vmul.f32 v56, v42  }
0x151: {  	v51 =	vld [tilespmem:s24+$0x800];
	v59 =	vmul.f32 v56, v45;
	[tilespmem:s24+$0x27C0] =	vst v56  }
0x152: {  	v53 =	vld [tilespmem:s24+$0x810];
	v16 =	vmul.f32 v47, v56;
	[tilespmem:s24+$0x2780] =	vst v58  }
0x153: {  	v2 =	vld [tilespmem:s24+$0x820];
	v4 =	vmul.f32 v48, v56;
	[tilespmem:s24+$0x2790] =	vst v59  }
0x154: {  	v54 =	vld [tilespmem:s24+$0x830];
	v3 =	vmul.f32 v1, v3;
	[tilespmem:s24+$0x27A0] =	vst v16  }
0x155: {  	v57 =	vld [tilespmem:s24+$0x890];
	v61 =	vpop (erf);
	[tilespmem:s24+$0x27B0] =	vst v4  }
0x156: {  	v60 =	vld [tilespmem:s24+$0x8A0];
	v62 =	vmul.f32 v61, v51;
	[tilespmem:s24+$0x2880] =	vst v3  }
0x157: {  	v10 =	vmul.f32 v61, v53;
	[tilespmem:s24+$0x2840] =	vst v61  }
0x158: {  	v2 =	vmul.f32 v2, v61;
	[tilespmem:s24+$0x2800] =	vst v62  }
0x159: {  	v63 =	vmul.f32 v54, v61;
	[tilespmem:s24+$0x2810] =	vst v10  }
0x15a: {  	[tilespmem:s24+$0x2820] =	vst v2;
	v2 =	vmul.f32 v1, v57  }
0x15b: {  	s22 =	sadd.s32 $0x1, s22;
	[tilespmem:s24+$0x2830] =	vst v63;
	v1 =	vmul.f32 v60, v1  }
0x15c: {  	p0 =	sne.s32 s22, $0x9D;
	[tilespmem:s24+$0x2890] =	vst v2  }
.Ltmp2:
0x15d: {  	[tilespmem:s24+$0x28A0] =	vst v1;
	(pc) =	sbr.rel @p0 .LBB2_4-.Ltmp2, $4  }
0x15e: {  	[spmem:s3] =	stream.indirect.scatter.add.f32 [tilespmem:s20], [sflag:$0x2], $0x80, s15, s16, $0xb8;
	[tilespmem:$0x19D00] =	vst v63  }
0x15f: {  	_ =	swait.ge [sflag:s14], $0x2000  }
0x160: {  	[sflag:s14] =	ssyncset.done $0x0  }
0x161: {  	[sflag:s14] =	ssyncadd.s32 $0xFFFFE000  }
0x162: {  	s4 =	sadd.s32 $0x1, s4  }
0x163: {  	p0 =	sne.s32 s4, s12  }
.Ltmp3:
0x164: {  	[bflag:$0x0] =	sbarrier.arrive $0xFFFF;
	(pc) =	sbr.rel @p0 .LBB2_1-.Ltmp3, $4  }
0x165: {  	[hbm:s11], [sflag:s9] =	dma.local [spmem:s13], $0x2780  }
0x166: {  	_ =	swait.ge [sflag:s14], $0x2780  }
0x167: {  	[sflag:s14] =	ssyncset.done $0x0  }
0x168: {  	[sflag:s14] =	ssyncadd.s32 $0xFFFFD880  }
0x169: {  	_ =	sfence.sel $0x180000  }
0x16a: {  	[bflag:$0x0] =	sbarrier.arrive $0xFFFF  }
0x16b: {  	p0 =	sne.s32 s1, $0x0;
	_ =	strace $0x9000004A  }
0x16c: {  	s0 =	sadd.s32 @!p0 $0x100000, s0;
	[bflag:$0x2] =	sbarrier.arrive $0xFFFF  }
0x16d: {  	[sflag:s0] =	ssyncadd.tile.s32 @!p0 $0x1;
	_ =	shalt  }
.Lfunc_end2:
_tile_overlayer_lowered:
.L_overlay_start_2:
0x16e: {  	(tag) =	ssettag $0x2  }
0x16f: {  	s0 =	rddreg [dreg:$0x0];
	s2 =	stileid.u32  }
0x170: {  	s1 =	rddreg [dreg:$0x1];
	p0 =	sne.s32 s2, $0x0  }
0x171: {  	s3 =	rddreg [dreg:$0x2];
	[bflag:$0x3] =	sbarrier.arrive $0xFFFF;
	s2 =	simm.s32 @!p0 $0x1C02  }
0x172: {  	[timem:s3], [sflag:s2] =	dma.local @!p0 [hbm:s0], s1  }
0x173: {  	s0 =	simm.s32 @!p0 $0x2  }
0x174: {  	_ =	swait.ge @!p0 [sflag:s0], s1  }
0x175: {  	s1 =	ssub.s32 @!p0 $0x0, s1;
	[sflag:s0] =	ssyncset.done @!p0 $0x0  }
0x176: {  	[sflag:s0] =	ssyncadd.s32 @!p0 s1  }
0x177: {  	[bflag:$0x3] =	sbarrier.arrive $0xFFFF  }
0x178: {  	_ =	shalt  }

// kernel: kernel.7.cloned.1.call-start
scs
__scs_entry_jumppad:
0x0: {  	(pc) =	sbr.rel $0x88, $3  }
0x1: {  	(tag) =	ssettag $0x0;
	lr =	simm.s32 $0x1  }
0x2: {  	[smem:$0x3F97] =	sst lr;
	_ =	strace $0xD0000000  }
0x3: {  	_ = 	snop  }
0x4: {  	_ = 	snop  }
0x5: {  	_ = 	snop  }
0x6: {  	_ = 	snop  }
0x7: {  	_ = 	snop  }
__scs_overlays_trampoline_lowered:
0x8: {  	[smem:$0x3FA6] =	sst s0  }
0x9: {  	[smem:$0x3FA7] =	sst s1  }
0xa: {  	[smem:$0x3FA8] =	sst s2  }
0xb: {  	[smem:$0x3FA9] =	sst s3  }
0xc: {  	[smem:$0x3FAA] =	sst s4  }
0xd: {  	[smem:$0x3FAB] =	sst s5  }
0xe: {  	[smem:$0x3FAC] =	sst s6  }
0xf: {  	[smem:$0x3FAD] =	sst s7  }
0x10: {  	[smem:$0x3FAE] =	sst s8  }
0x11: {  	[smem:$0x3FAF] =	sst s9;
	s0 =	simm.s32 @!p0 $0x0  }
0x12: {  	s1 =	sld [smem:$0x3F95];
	s0 =	simm.s32 @p0 $0x1  }
0x13: {  	[smem:$0x3FB0] =	sst s0;
	s0 =	simm.s32 @!p1 $0x0  }
0x14: {  	s2 =	sld [smem:$0x3F94];
	s0 =	simm.s32 @p1 $0x1  }
0x15: {  	[smem:$0x3FB1] =	sst s0;
	s0 =	simm.s32 @!p2 $0x0  }
0x16: {  	s3 =	sld [smem:$0x3FDB];
	s0 =	simm.s32 @p2 $0x1  }
0x17: {  	s4 =	simm.s32 $0x1BF5;
	[smem:$0x3FB3] =	sst s0  }
0x18: {  	s0 =	sld [smem:$0x3F96];
	_ =	swait.ge [sflag:s4], $0x0  }
0x19: {  	s7 =	sld [smem:$0x3F97]  }
0x1a: {  	s8 =	sadd.s32 $0xFFFFE003, lr  }
0x1b: {  	s9 =	sadd.s32 $0xFFFFFEF7, lr;
	s5 =	simm.s32 $0xFFFFFFFF;
	p2 =	slt.u32 s8, $0xFFFFF086  }
0x1c: {  	p1 =	slt.u32 s9, $0xF7A;
	s5 =	simm.s32 @!p2 $0x0  }
0x1d: {  	s5 =	simm.s32 @p1 $0x1;
	p0 =	seq.s32 s7, s2  }
0x1e: {  	s7 =	smul.u32 @!p0 $0xF7A, s2;
	p2 =	seq.s32 @!p0 s5, $0x0  }
0x1f: {  	s9 =	smul.u32 $0xF7A, s1;
	s8 =	simm.s32 @!p0 $0x1BF5;
	p2 =	por !p2, p0  }
0x20: {  	[sflag:s8] =	ssyncset.s32 @!p0 $0xFFFFF086;
	s6 =	sadd.s32 @!p0 s3, s7;
	s7 =	simm.s32 @!p0 $0x108  }
0x21: {  	s3 =	sadd.s32 s3, s9;
	s6 =	sadd.s32 @!p0 $0x88, s6;
	s7 =	simm.s32 @p2 $0x1082  }
0x22: {  	[simem:s7], [sflag:s8] =	dma.local @!p0 [hbm:s6], $0xF7A  }
0x23: {  	s9 =	sor.u32 $0xD0000000, s2;
	s6 =	simm.s32 $0x108;
	_ =	swait.ge @!p0 [sflag:s8], $0x0  }
0x24: {  	s3 =	sadd.s32 $0x88, s3;
	s6 =	simm.s32 @!p1 $0x1082;
	[sflag:s4] =	ssyncset.s32 $0xFFFFF086  }
0x25: {  	[simem:s6], [sflag:s4] =	dma.local [hbm:s3], $0xF7A  }
0x26: {  	[smem:$0x3F97] =	sst s1;
	(tag) =	ssettag s2;
	_ =	strace s9  }
0x27: {  	s1 =	sld [smem:$0x3FA7]  }
0x28: {  	s2 =	sld [smem:$0x3FA8]  }
0x29: {  	s4 =	sld [smem:$0x3FAA]  }
0x2a: {  	p0 =	seq.s32 s5, $0x0;
	s5 =	sld [smem:$0x3FAB]  }
0x2b: {  	s6 =	sld [smem:$0x3FAC]  }
0x2c: {  	s7 =	sld [smem:$0x3FAD]  }
0x2d: {  	s3 =	simm.s32 $0x108;
	s8 =	sld [smem:$0x3FAE]  }
0x2e: {  	s3 =	simm.s32 @!p0 $0x1082;
	s9 =	sld [smem:$0x3FAF]  }
0x2f: {  	lr =	sadd.s32 s0, s3;
	s0 =	sld [smem:$0x3FA6]  }
0x30: {  	s3 =	sld [smem:$0x3FA9]  }
0x31: {  	[smem:$0x3FB2] =	sst s10  }
0x32: {  	s10 =	sld [smem:$0x3FB0];
	_ =	sdelay $0x3  }
0x33: {  	p0 =	seq.s32 s10, $0x1;
	s10 =	sld [smem:$0x3FB2];
	_ =	sdelay $0x3  }
0x34: {  	[smem:$0x3FB2] =	sst s10  }
0x35: {  	s10 =	sld [smem:$0x3FB1];
	_ =	sdelay $0x3  }
0x36: {  	p1 =	seq.s32 s10, $0x1;
	s10 =	sld [smem:$0x3FB2];
	_ =	sdelay $0x3  }
0x37: {  	[smem:$0x3FB2] =	sst s10  }
0x38: {  	s10 =	sld [smem:$0x3FB3]  }
0x39: {  	_ = 	snop;
	(pc) =	sbr.ind lr, $3  }
0x3a: {  	_ = 	snop  }
0x3b: {  	_ = 	snop  }
0x3c: {  	p2 =	seq.s32 s10, $0x1;
	s10 =	sld [smem:$0x3FB2]  }
0x3d: {  	_ =	shalt  }
0x3e: {  	_ =	shalt  }
0x3f: {  	_ =	shalt  }
0x40: {  	_ =	shalt  }
0x41: {  	_ =	shalt  }
0x42: {  	_ =	shalt  }
0x43: {  	_ =	shalt  }
0x44: {  	_ =	shalt  }
0x45: {  	_ =	shalt  }
0x46: {  	_ =	shalt  }
0x47: {  	_ =	shalt  }
0x48: {  	_ =	shalt  }
0x49: {  	_ =	shalt  }
0x4a: {  	_ =	shalt  }
0x4b: {  	_ =	shalt  }
0x4c: {  	_ =	shalt  }
0x4d: {  	_ =	shalt  }
0x4e: {  	_ =	shalt  }
0x4f: {  	_ =	shalt  }
0x50: {  	_ =	shalt  }
0x51: {  	_ =	shalt  }
0x52: {  	_ =	shalt  }
0x53: {  	_ =	shalt  }
0x54: {  	_ =	shalt  }
0x55: {  	_ =	shalt  }
0x56: {  	_ =	shalt  }
0x57: {  	_ =	shalt  }
0x58: {  	_ =	shalt  }
0x59: {  	_ =	shalt  }
0x5a: {  	_ =	shalt  }
0x5b: {  	_ =	shalt  }
0x5c: {  	_ =	shalt  }
0x5d: {  	_ =	shalt  }
0x5e: {  	_ =	shalt  }
0x5f: {  	_ =	shalt  }
0x60: {  	_ =	shalt  }
0x61: {  	_ =	shalt  }
0x62: {  	_ =	shalt  }
0x63: {  	_ =	shalt  }
0x64: {  	_ =	shalt  }
0x65: {  	_ =	shalt  }
0x66: {  	_ =	shalt  }
0x67: {  	_ =	shalt  }
0x68: {  	_ =	shalt  }
0x69: {  	_ =	shalt  }
0x6a: {  	_ =	shalt  }
0x6b: {  	_ =	shalt  }
0x6c: {  	_ =	shalt  }
0x6d: {  	_ =	shalt  }
0x6e: {  	_ =	shalt  }
0x6f: {  	_ =	shalt  }
0x70: {  	_ =	shalt  }
0x71: {  	_ =	shalt  }
0x72: {  	_ =	shalt  }
0x73: {  	_ =	shalt  }
0x74: {  	_ =	shalt  }
0x75: {  	_ =	shalt  }
0x76: {  	_ =	shalt  }
0x77: {  	_ =	shalt  }
0x78: {  	_ =	shalt  }
0x79: {  	_ =	shalt  }
0x7a: {  	_ =	shalt  }
0x7b: {  	_ =	shalt  }
0x7c: {  	_ =	shalt  }
0x7d: {  	_ =	shalt  }
0x7e: {  	_ =	shalt  }
0x7f: {  	_ =	shalt  }
0x80: {  	_ =	shalt  }
0x81: {  	_ =	shalt  }
0x82: {  	_ =	shalt  }
0x83: {  	_ =	shalt  }
0x84: {  	_ =	shalt  }
0x85: {  	_ =	shalt  }
0x86: {  	_ =	shalt  }
0x87: {  	_ =	shalt  }
.Lfunc_end0:
.L_simem_size_0:
called_computation_lowered:
.L_overlay_start_0:
0x88: {  	s2 =	sld [smem:$0x3FD9]  }
0x89: {  	s3 =	sld [smem:$0x3FFE];
	_ =	sdelay $0x1  }
0x8a: {  	s1 =	srdreg.scid  }
0x8b: {  	s0 =	sand.u32 $0x1, s1  }
0x8c: {  	s17 =	sshll.u32 s0, $0xA;
	s2 =	sadd.s32 s3, s2  }
0x8d: {  	s2 =	sadd.s32 s2, s17  }
0x8e: {  	[smem:$0x3FBE] =	sst s2  }
0x8f: {  	_ = 	snop  }
0x90: {  	s2 =	sld [smem:$0x3FD0];
	(tm) =	ssettm $0x1  }
0x91: {  	s18 =	sld [smem:$0x3FFB];
	_ =	sdelay $0x3  }
0x92: {  	_ =	strace s18  }
0x93: {  	s3 =	sld [smem:$0x3FFC];
	_ =	sdelay $0x3  }
0x94: {  	_ =	strace s3  }
0x95: {  	s3 =	sld [smem:$0x3FFD];
	_ =	sdelay $0x3  }
0x96: {  	_ =	strace s3  }
0x97: {  	_ =	strace $0x8FFFFFFF  }
0x98: {  	s19 =	sld [smem:$0x3FDB];
	_ =	sdelay $0x1  }
0x99: {  	s4 =	simm.s32 $_scs_section_size  }
0x9a: {  	s5 =	simm.s32 $_size__tile_overlayer_lowered;
	s6 =	simm.s32 $_tile_overlayer_lowered  }
0x9b: {  	s22 =	simm.s32 $0x1BFF;
	s21 =	sshll.u32 s6, $0x1;
	s3 =	sadd.s32 s4, s19  }
0x9c: {  	s7 =	simm.s32 $0x0;
	s20 =	sshll.u32 s5, $0x1;
	s5 =	sadd.s32 s21, s3  }
0x9d: {  	[timem:s7], [sflag:s22] =	dma.local [hbm:s5], s20  }
0x9e: {  	_ =	swait.ge [sflag:s22], s20  }
0x9f: {  	s4 =	ssub.s32 $0x0, s20;
	[sflag:s22] =	ssyncset.done $0x0  }
0xa0: {  	[sflag:s22] =	ssyncadd.s32 s4;
	_ =	sdelay $0x1  }
0xa1: {  	s23 =	simm.s32 $0x1B8B  }
0xa2: {  	_ =	swait.ge [sflag:s23], $0x1  }
0xa3: {  	[sflag:s23] =	ssyncset.done $0x0  }
0xa4: {  	s25 =	simm.s32 $0x1B8E;
	s24 =	sld [smem:$0x3FFE];
	[sflag:s23] =	ssyncadd.s32 $0xFFFFFFFF  }
0xa5: {  	s26 =	simm.s32 $execute0_lowered;
	[smem:$0x3FD2] =	sst s25  }
0xa6: {  	s5 =	sshll.u32 s26, $0x1;
	_ =	strace $0x80000046;
	[dreg:$0x1] =	wrdreg $0xFFFFFFFF  }
0xa7: {  	s28 =	simm.s32 $_size_execute0_lowered;
	s3 =	sadd.s32 s3, s5;
	[dreg:$0x0] =	wrdreg $0x0  }
0xa8: {  	s5 =	sshll.u32 s28, $0x1;
	[dreg:$0x2] =	wrdreg s3  }
0xa9: {  	[dreg:$0x3] =	wrdreg s5  }
0xaa: {  	[dreg:$0x4] =	wrdreg $0xC0  }
0xab: {  	_ =	task [dreg:s7], $0x5FFFF  }
0xac: {  	[dreg:$0x1] =	wrdreg $0xFFFFFFFF  }
0xad: {  	[dreg:$0x0] =	wrdreg $0x60  }
0xae: {  	[dreg:$0x2] =	wrdreg s24  }
0xaf: {  	[dreg:$0x3] =	wrdreg s2  }
0xb0: {  	[dreg:$0x4] =	wrdreg $0x61000  }
0xb1: {  	[dreg:$0x5] =	wrdreg $0x9  }
0xb2: {  	_ =	task.clear_ibuf [dreg:s7], $0x6FFFF;
	_ =	strace $0x90000046  }
0xb3: {  	s29 =	simm.s32 $0x9;
	_ =	strace $0x80000048  }
0xb4: {  	_ =	swait.ge [sflag:s29], $0x1  }
0xb5: {  	[sflag:s29] =	ssyncadd.s32 $0xFFFFFFFF  }
0xb6: {  	_ =	strace $0x90000048  }
0xb7: {  	_ =	sfence  }
0xb8: {  	s30 =	sld [smem:$0x0];
	_ =	sdelay $0x2  }
0xb9: {  	s31 =	sshll.u32 s1, $0xD;
	s1 =	sshrl.u32 s1, $0x2  }
0xba: {  	s3 =	sand.u32 $0x4000, s31;
	s1 =	sadd.s32 s1, s30  }
0xbb: {  	s0 =	sor.u32 s3, s0;
	s1 =	sshll.u32 s1, $0x11  }
0xbc: {  	s0 =	sor.u32 s1, s0  }
0xbd: {  	s0 =	sadd.s32 $0x8F2B, s0  }
0xbe: {  	[sflag:s0] =	ssyncadd.remote.s32 $0x1  }
0xbf: {  	_ =	sfence.sel $0xFFFF  }
0xc0: {  	[dreg:$0x0] =	wrdreg $0xFFFFFFFF;
	(pc) =	sbr.abs _section_cstart, $3  }
0xc1: {  	[dreg:$0x1] =	wrdreg $0xFFFFFFFF  }
0xc2: {  	_ =	task.clear_ibuf [dreg:s7], $0x2FFFF;
	_ =	strace $0x9FFFFFFF  }
0xc3: {  	(tm) =	ssettm $0x7FFFFFFF  }
tec
execute0_lowered:
.L_overlay_start_1:
0x0: {  	(tag) =	ssettag $0x1  }
0x1: {  	s8 =	rddreg [dreg:$0x0]  }
0x2: {  	s2 =	rddreg [dreg:$0x1]  }
0x3: {  	s3 =	rddreg [dreg:$0x2]  }
0x4: {  	s0 =	rddreg [dreg:$0x3];
	s4 =	simm.s32 $0x0;
	s1 =	stileid.u32  }
0x5: {  	s5 =	srdreg.scid;
	s16 =	simm.s32 $0x40;
	s17 =	simm.s32 $0x100  }
0x6: {  	s18 =	simm.s32 $0x4100;
	s19 =	simm.s32 $0x1;
	s20 =	simm.s32 $0x2100  }
0x7: {  	[smem:$0x7FF] =	sst s4;
	s9 =	smul.u32 $0x13C00, s1;
	s10 =	sand.u32 $0x1, s5  }
0x8: {  	s5 =	sadd.s32 $0x28200, s8;
	s6 =	sadd.s32 $0xA00, s8;
	s7 =	sadd.s32 $0x4F400, s8  }
0x9: {  	s13 =	smul.u32 $0x4F000, s1;
	s29 =	sshll.u32 s1, $0x1;
	s31 =	sshll.u32 s1, $0x6  }
0xa: {  	_ =	strace $0x80000047;
	s11 =	smul.u32 $0x13C000, s10;
	s26 =	ssub.s32 $0x2, s10  }
0xb: {  	s10 =	sor.u32 s10, s29;
	s12 =	sshrl.u32 s9, $0x3;
	s28 =	sshrl.u32 s26, $0x1  }
0xc: {  	s30 =	sshrl.u32 s13, $0x2;
	s10 =	smul.u32 $0x2740, s10;
	s9 =	sadd.s32 s9, s11  }
0xd: {  	s12 =	sadd.s32 s12, s8;
	s13 =	sadd.s32 s30, s3;
	s9 =	sshrl.u32 s9, $0x3  }
0xe: {  	s15 =	ssub.s32 s26, s28;
	s13 =	sshrl.u32 s13, $0x3;
	s14 =	sadd.s32 s9, s8  }
0xf: {  	s8 =	sadd.s32 $0x59200, s12;
	s9 =	sor.u32 $0x1C02, s31;
	s12 =	smax.u32 s15, $0x1  }
0x10: {  	v0 =	vimm.f32 $0.0e+00;
	vm0 =	vmmov $0xff;
	s15 =	simm.s32 $0x80;
	s11 =	sadd.s32 $0x80A00, s14;
	s14 =	simm.s32 $0x2  }
.LBB2_1:
0x11: {  	[spmem:s13], [sflag:s9] =	dma.local [hbm:s8], $0x2780  }
0x12: {  	_ =	swait.ge [sflag:s14], $0x2780  }
0x13: {  	[sflag:s14] =	ssyncset.done $0x0  }
0x14: {  	s21 =	simm.s32 $0x200;
	s22 =	simm.s32 $0x0;
	[sflag:s14] =	ssyncadd.s32 $0xFFFFD880  }
.LBB2_2:
0x15: {  	p0 =	sne.s32 s21, $0x7E00;
	[tilespmem:s22+$0x2170] =	vst v0;
	s23 =	smov.u32 s21;
	s21 =	sadd.s32 $0x200, s21  }
.Ltmp0:
0x16: {  	[tilespmem:s22+$0x2150] =	vst v0;
	(pc) =	sbr.rel @p0 .LBB2_2-.Ltmp0, $2  }
0x17: {  	[tilespmem:s22+$0x2160] =	vst v0;
	_ =	sdelay $0x2  }
0x18: {  	s22 =	sshra.s32 s23, $0x2  }
0x19: {  	[tilespmem:s22+$0x2170] =	vst v0  }
0x1a: {  	[tilespmem:s22+$0x2150] =	vst v0  }
0x1b: {  	[tilespmem:s22+$0x2160] =	vst v0  }
0x1c: {  	s21 =	simm.s32 $0x0;
	s22 =	simm.s32 $0x0;
	[bflag:$0x0] =	sbarrier.arrive $0xFFFF  }
.LBB2_4:
0x1d: {  	s23 =	sshll.u32 s22, $0x6  }
0x1e: {  	s23 =	sadd.s32 s10, s23  }
0x1f: {  	s23 =	sshrl.u32 s23, $0x3  }
0x20: {  	s24 =	sadd.s32 s2, s23  }
0x21: {  	[tilespmem:s21], [sflag:$0x2] =	stream.linear.gather [hbm4b:s24+s21], $0x40, $0x38;
	[tilespmem:$0x19D00] =	vst v63  }
0x22: {  	_ =	swait.ge [sflag:s14], $0x40  }
0x23: {  	[sflag:s14] =	ssyncset.done $0x0  }
0x24: {  	s23 =	sadd.s32 s7, s23;
	[sflag:s14] =	ssyncadd.s32 $0xFFFFFFC0  }
0x25: {  	[tilespmem:s15], [sflag:$0x2] =	stream.linear.gather [hbm4b:s23+s21], $0x40, $0x38;
	[tilespmem:$0x19D00] =	vst v63  }
0x26: {  	_ =	swait.ge [sflag:s14], $0x40  }
0x27: {  	[sflag:s14] =	ssyncset.done $0x0  }
0x28: {  	[sflag:s14] =	ssyncadd.s32 $0xFFFFFFC0  }
0x29: {  	[tilespmem:s17], [sflag:$0x1] =	stream.indirect.gather [hbm4b:s5+s16], $0x80, s21, s16, $0xb8;
	[tilespmem:$0x19D00] =	vst v63  }
0x2a: {  	_ = 	snop  }
0x2b: {  	[tilespmem:s18], [sflag:$0x1] =	stream.indirect.gather [hbm4b:s6+s16], $0x80, s15, s16, $0xb8;
	[tilespmem:$0x19D00] =	vst v63  }
0x2c: {  	_ =	swait.ge [sflag:s19], $0x2000  }
0x2d: {  	[sflag:s19] =	ssyncset.done $0x0  }
0x2e: {  	[sflag:s19] =	ssyncadd.s32 $0xFFFFE000  }
0x2f: {  	_ =	swait.ge [sflag:s19], $0x2000  }
0x30: {  	[sflag:s19] =	ssyncset.done $0x0  }
0x31: {  	s23 =	simm.s32 $0x0;
	[sflag:s19] =	ssyncadd.s32 $0xFFFFE000  }
0x32: {  	v0 =	vld [tilespmem:s23+$0x4880]  }
0x33: {  	v1 =	vld [tilespmem:s23+$0x8C0]  }
0x34: {  	v2 =	vld [tilespmem:s23+$0x4100]  }
0x35: {  	v3 =	vld [tilespmem:s23+$0x140]  }
0x36: {  	v4 =	vld [tilespmem:s23+$0x4180]  }
0x37: {  	v5 =	vld [tilespmem:s23+$0x1C0]  }
0x38: {  	v7 =	vld [tilespmem:s23+$0x4280]  }
0x39: {  	v9 =	vld [tilespmem:s23+$0x2C0]  }
0x3a: {  	v11 =	vld [tilespmem:s23+$0x4380]  }
0x3b: {  	v12 =	vld [tilespmem:s23+$0x3C0]  }
0x3c: {  	v13 =	vld [tilespmem:s23+$0x4480]  }
0x3d: {  	v42 =	vld [tilespmem:s23+$0x4C0]  }
0x3e: {  	v45 =	vld [tilespmem:s23+$0x4580]  }
0x3f: {  	v17 =	vld [tilespmem:s23+$0x5C0]  }
0x40: {  	v50 =	vld [tilespmem:s23+$0x4680]  }
0x41: {  	v52 =	vld [tilespmem:s23+$0x6C0]  }
0x42: {  	v57 =	vld [tilespmem:s23+$0x4800]  }
0x43: {  	v58 =	vld [tilespmem:s23+$0x840]  }
0x44: {  	v0 =	vadd.f32 v1, v0  }
0x45: {  	v2 =	vadd.f32 v3, v2;
	v4 =	vadd.f32 v5, v4  }
0x46: {  	v7 =	vadd.f32 v9, v7;
	v11 =	vadd.f32 v12, v11  }
0x47: {  	v6 =	vld [tilespmem:s23+$0x4200];
	v5 =	vadd.f32 v42, v13;
	v9 =	vadd.f32 v17, v45  }
0x48: {  	v1 =	vld [tilespmem:s23+$0x240];
	v59 =	vadd.f32 v52, v50;
	v62 =	vadd.f32 v58, v57  }
0x49: {  	v10 =	vld [tilespmem:s23+$0x4300];
	v8 =	vmul.f32 $2.000000030e-01, v0;
	vm1 =	vge.f32 v0, $0.0e+00;
	v14 =	vmul.f32 $2.000000030e-01, v2  }
0x4a: {  	v41 =	vld [tilespmem:s23+$0x340];
	vm2 =	vge.f32 v4, $0.0e+00;
	v15 =	vmul.f32 $2.000000030e-01, v4;
	v47 =	vmul.f32 $2.000000030e-01, v7  }
0x4b: {  	v43 =	vld [tilespmem:s23+$0x4500];
	v53 =	vmul.f32 $2.000000030e-01, v11;
	v13 =	vmul.f32 $2.000000030e-01, v5;
	v0 =	vsel vm1, v0, v8  }
0x4c: {  	v44 =	vld [tilespmem:s23+$0x540];
	v17 =	vmul.f32 $2.000000030e-01, v9;
	vm1 =	vge.f32 v2, $0.0e+00;
	v0 =	vmul.f32 $1.442695020e+00, v0  }
0x4d: {  	v3 =	vld [tilespmem:s23+$0x440];
	v61 =	vmul.f32 $2.000000030e-01, v59;
	v1 =	vadd.f32 v1, v6;
	v2 =	vsel vm1, v2, v14  }
0x4e: {  	v4 =	vsel vm2, v4, v15;
	v2 =	vmul.f32 $1.442695020e+00, v2;
	(erf) = vpow2.f32 v0;
	v0 =	vld [tilespmem:s23+$0x4400]  }
0x4f: {  	v18 =	vld [tilespmem:s23+$0x640];
	v8 =	vadd.f32 v41, v10;
	vm2 =	vge.f32 v7, $0.0e+00;
	v16 =	vmul.f32 $2.000000030e-01, v1  }
0x50: {  	v4 =	vmul.f32 $1.442695020e+00, v4;
	vm1 =	vge.f32 v1, $0.0e+00;
	(erf) = vpow2.f32 v2;
	v2 =	vld [tilespmem:s23+$0x4600]  }
0x51: {  	v7 =	vsel vm2, v7, v47;
	v19 =	vmul.f32 $2.000000030e-01, v8;
	v1 =	vsel vm1, v1, v16  }
0x52: {  	v7 =	vmul.f32 $1.442695020e+00, v7;
	vm1 =	vge.f32 v8, $0.0e+00;
	v1 =	vmul.f32 $1.442695020e+00, v1  }
0x53: {  	(erf) = vpow2.f32 v4;
	v8 =	vsel vm1, v8, v19;
	v0 =	vadd.f32 v3, v0  }
0x54: {  	v6 =	vadd.f32 v44, v43;
	v8 =	vmul.f32 $1.442695020e+00, v8;
	(erf) = vpow2.f32 v1  }
0x55: {  	v2 =	vadd.f32 v18, v2;
	(erf) = vpow2.f32 v7;
	v1 =	vmul.f32 $2.000000030e-01, v0  }
0x56: {  	v14 =	vmul.f32 $2.000000030e-01, v6;
	vm1 =	vge.f32 v0, $0.0e+00;
	(erf) = vpow2.f32 v8  }
0x57: {  	v60 =	vmul.f32 $2.000000030e-01, v2;
	v22 =	vpop (erf);
	v0 =	vsel vm1, v0, v1;
	vm1 =	vge.f32 v6, $0.0e+00  }
0x58: {  	v46 =	vld [tilespmem:s23+$0x8B0];
	v48 =	vbroadcast v22, $0x6;
	v49 =	vbroadcast v22, $0x7;
	v6 =	vsel vm1, v6, v14  }
0x59: {  	vm2 =	vge.f32 v11, $0.0e+00;
	v0 =	vmul.f32 $1.442695020e+00, v0;
	v19 =	vpop (erf);
	v6 =	vmul.f32 $1.442695020e+00, v6  }
0x5a: {  	vm1 =	vge.f32 v9, $0.0e+00;
	v20 =	vbroadcast v19, $0x0;
	v23 =	vbroadcast v19, $0x1  }
0x5b: {  	v54 =	vld [tilespmem:s23+$0x4700];
	v9 =	vsel vm1, v9, v17;
	v24 =	vbroadcast v19, $0x2;
	v25 =	vbroadcast v19, $0x3  }
0x5c: {  	v55 =	vld [tilespmem:s23+$0x740];
	v26 =	vbroadcast v19, $0x4;
	v27 =	vbroadcast v19, $0x5;
	v51 =	vsel vm0, v48, v49  }
0x5d: {  	v56 =	vld [tilespmem:s23+$0x4780];
	vm1 =	vge.f32 v59, $0.0e+00;
	v28 =	vbroadcast v19, $0x6;
	v3 =	vmul.f32 v46, v51  }
0x5e: {  	v1 =	vld [tilespmem:s23+$0x7C0];
	[tilespmem:s23+$0x2140] =	vst v19;
	v19 =	vbroadcast v19, $0x7;
	v9 =	vmul.f32 $1.442695020e+00, v9;
	v7 =	vsel vm1, v59, v61  }
0x5f: {  	v7 =	vmul.f32 $1.442695020e+00, v7;
	[tilespmem:s23+$0x28B0] =	vst v3;
	v3 =	vsel vm2, v11, v53;
	vm2 =	vge.f32 v5, $0.0e+00  }
0x60: {  	v11 =	vmul.f32 $2.000000030e-01, v62;
	v3 =	vmul.f32 $1.442695020e+00, v3;
	v5 =	vsel vm2, v5, v13;
	v13 =	vpop (erf)  }
0x61: {  	v5 =	vmul.f32 $1.442695020e+00, v5;
	v30 =	vbroadcast v13, $0x0  }
0x62: {  	v4 =	vadd.f32 v55, v54;
	v31 =	vbroadcast v13, $0x1;
	v32 =	vbroadcast v13, $0x2  }
0x63: {  	v1 =	vadd.f32 v1, v56;
	v34 =	vbroadcast v13, $0x3;
	v36 =	vbroadcast v13, $0x4  }
0x64: {  	vm2 =	vge.f32 v2, $0.0e+00;
	v39 =	vbroadcast v13, $0x5;
	(erf) = vpow2.f32 v3;
	v3 =	vld [tilespmem:s23+$0x1A0]  }
0x65: {  	v2 =	vsel vm2, v2, v60;
	(erf) = vpow2.f32 v0;
	v0 =	vmul.f32 $2.000000030e-01, v1  }
0x66: {  	vm1 =	vge.f32 v1, $0.0e+00;
	v40 =	vbroadcast v13, $0x6;
	v2 =	vmul.f32 $1.442695020e+00, v2  }
0x67: {  	v41 =	vbroadcast v13, $0x7;
	(erf) = vpow2.f32 v5;
	v0 =	vsel vm1, v1, v0  }
0x68: {  	vm1 =	vge.f32 v62, $0.0e+00;
	(erf) = vpow2.f32 v6;
	v0 =	vmul.f32 $1.442695020e+00, v0  }
0x69: {  	v5 =	vsel vm1, v62, v11;
	(erf) = vpow2.f32 v9;
	[tilespmem:$0x1FE00] =	vst v3;
	v3 =	vmul.f32 $2.000000030e-01, v4  }
0x6a: {  	v14 =	vld [tilespmem:s23+$0x100];
	vm2 =	vge.f32 v4, $0.0e+00;
	v5 =	vmul.f32 $1.442695020e+00, v5;
	(erf) = vpow2.f32 v2;
	v2 =	vpop (erf)  }
0x6b: {  	v1 =	vld [tilespmem:s23+$0x230];
	(erf) = vpow2.f32 v7;
	v42 =	vbroadcast v2, $0x0;
	v3 =	vsel vm2, v4, v3  }
0x6c: {  	v44 =	vbroadcast v2, $0x1;
	v3 =	vmul.f32 $1.442695020e+00, v3  }
0x6d: {  	v63 =	vld [tilespmem:s23+$0x200];
	v46 =	vbroadcast v2, $0x2;
	v47 =	vbroadcast v2, $0x3  }
0x6e: {  	v48 =	vbroadcast v2, $0x4;
	v50 =	vbroadcast v2, $0x5  }
0x6f: {  	v20 =	vsel vm0, v20, v23;
	v53 =	vbroadcast v2, $0x6;
	(erf) = vpow2.f32 v3  }
0x70: {  	v18 =	vld [tilespmem:s23+$0x110];
	[tilespmem:$0x1FE30] =	vst v1;
	v1 =	vmul.f32 v20, v14;
	(erf) = vpow2.f32 v0;
	v3 =	vpop (erf)  }
0x71: {  	v29 =	vld [tilespmem:s23+$0x2A0];
	v55 =	vbroadcast v3, $0x0;
	v59 =	vbroadcast v3, $0x1  }
0x72: {  	v12 =	vld [tilespmem:s23+$0x120];
	[tilespmem:$0x1FE10] =	vst v63;
	v60 =	vbroadcast v3, $0x2;
	v63 =	vbroadcast v3, $0x3  }
0x73: {  	v8 =	vld [tilespmem:s23+$0x210];
	v52 =	vbroadcast v3, $0x4;
	v7 =	vbroadcast v3, $0x5  }
0x74: {  	v17 =	vld [tilespmem:s23+$0x130];
	[tilespmem:s23+$0x22C0] =	vst v3;
	v9 =	vbroadcast v3, $0x6;
	v11 =	vbroadcast v3, $0x7;
	v3 =	vsel vm0, v24, v25  }
0x75: {  	v33 =	vld [tilespmem:s23+$0x2B0];
	[tilespmem:$0x1FF60] =	vst v1;
	(erf) = vpow2.f32 v5;
	v5 =	vpop (erf);
	v1 =	vmul.f32 v3, v18  }
0x76: {  	v51 =	vld [tilespmem:s23+$0x180];
	v23 =	vsel vm0, v26, v27;
	v54 =	vbroadcast v2, $0x7;
	v21 =	vbroadcast v5, $0x0  }
0x77: {  	v61 =	vld [tilespmem:s23+$0x1B0];
	v4 =	vbroadcast v5, $0x1;
	[tilespmem:$0x1FF70] =	vst v1;
	v1 =	vmul.f32 v23, v12  }
0x78: {  	v15 =	vld [tilespmem:s23+$0x190];
	[tilespmem:$0x1FE20] =	vst v8;
	v14 =	vsel vm0, v28, v19;
	v8 =	vbroadcast v5, $0x2;
	v26 =	vbroadcast v5, $0x3  }
0x79: {  	v35 =	vld [tilespmem:s23+$0x300];
	v18 =	vbroadcast v5, $0x4;
	v3 =	vsel vm0, v30, v31;
	[tilespmem:$0x1FF80] =	vst v1;
	v1 =	vmul.f32 v17, v14  }
0x7a: {  	v37 =	vpop (erf);
	v20 =	vbroadcast v5, $0x6;
	v30 =	vsel vm0, v36, v39;
	v36 =	vsel vm0, v40, v41;
	v40 =	vld [tilespmem:$0x1FE20]  }
0x7b: {  	v38 =	vld [tilespmem:s23+$0x310];
	v34 =	vsel vm0, v32, v34;
	v41 =	vbroadcast v37, $0x1;
	[tilespmem:$0x1FF90] =	vst v1;
	v1 =	vmul.f32 v3, v51  }
0x7c: {  	v16 =	vld [tilespmem:s23+$0x290];
	v43 =	vpop (erf);
	v61 =	vmul.f32 v61, v36;
	v36 =	vsel vm0, v46, v47;
	v46 =	vbroadcast v37, $0x3  }
0x7d: {  	v58 =	vld [tilespmem:s23+$0x280];
	v55 =	vsel vm0, v55, v59;
	v59 =	vbroadcast v43, $0x0;
	[tilespmem:$0x1FFA0] =	vst v1;
	v1 =	vmul.f32 v34, v15  }
0x7e: {  	v49 =	vld [tilespmem:s23+$0x330];
	[tilespmem:s23+$0x2340] =	vst v5;
	v9 =	vsel vm0, v9, v11;
	v17 =	vbroadcast v5, $0x5;
	v5 =	vbroadcast v5, $0x7  }
0x7f: {  	v28 =	vmul.f32 v36, v40;
	v40 =	vsel vm0, v60, v63;
	v60 =	vbroadcast v43, $0x1;
	[tilespmem:$0x1FFB0] =	vst v1;
	v1 =	vld [tilespmem:$0x1FE00]  }
0x80: {  	v45 =	vld [tilespmem:s23+$0x320];
	v7 =	vsel vm0, v52, v7;
	v63 =	vbroadcast v43, $0x2;
	v36 =	vmul.f32 v33, v9  }
0x81: {  	v39 =	vld [tilespmem:$0x1FE10];
	v14 =	vsel vm0, v8, v26;
	v33 =	vbroadcast v43, $0x4;
	v31 =	vmul.f32 v40, v16  }
0x82: {  	v57 =	vld [tilespmem:s23+$0x380];
	v40 =	vmul.f32 v7, v29;
	v29 =	vbroadcast v43, $0x3;
	v5 =	vsel vm0, v20, v5  }
0x83: {  	v56 =	vld [tilespmem:s23+$0x220];
	v7 =	vmul.f32 v14, v38;
	v5 =	vmul.f32 v49, v5  }
0x84: {  	[tilespmem:s23+$0x21C0] =	vst v13;
	v13 =	vld [tilespmem:s23+$0x400];
	v15 =	vbroadcast v37, $0x0;
	v1 =	vmul.f32 v30, v1  }
0x85: {  	v62 =	vld [tilespmem:s23+$0x390];
	v30 =	vsel vm0, v42, v44;
	v44 =	vsel vm0, v53, v54;
	v54 =	vbroadcast v37, $0x6  }
0x86: {  	v53 =	vsel vm0, v18, v17;
	v18 =	vbroadcast v43, $0x6;
	v27 =	vmul.f32 v30, v39;
	v39 =	vld [tilespmem:$0x1FE30]  }
0x87: {  	v19 =	vld [tilespmem:s23+$0x3B0];
	v30 =	vsel vm0, v48, v50;
	v48 =	vbroadcast v37, $0x4;
	[tilespmem:$0x1FFC0] =	vst v1;
	v1 =	vbroadcast v37, $0x2  }
0x88: {  	v25 =	vld [tilespmem:s23+$0x3A0];
	v10 =	vpop (erf);
	v50 =	vbroadcast v37, $0x5;
	v38 =	vmul.f32 v53, v45  }
0x89: {  	v47 =	vld [tilespmem:s23+$0x430];
	v45 =	vbroadcast v10, $0x2;
	v42 =	vmul.f32 v30, v56;
	v1 =	vsel vm0, v1, v46  }
0x8a: {  	v52 =	vld [tilespmem:s23+$0x4B0];
	v56 =	vbroadcast v37, $0x7;
	v53 =	vmul.f32 v1, v62  }
0x8b: {  	v11 =	vld [tilespmem:s23+$0x500];
	v4 =	vsel vm0, v21, v4;
	[tilespmem:$0x1FFD0] =	vst v42;
	v42 =	vmul.f32 v39, v44;
	v44 =	vmul.f32 v55, v58  }
0x8c: {  	v21 =	vld [tilespmem:s23+$0x510];
	v60 =	vsel vm0, v59, v60;
	v39 =	vmul.f32 v4, v35;
	v35 =	vbroadcast v43, $0x5  }
0x8d: {  	[tilespmem:s23+$0x2440] =	vst v43;
	v51 =	vld [tilespmem:s23+$0x410];
	v43 =	vbroadcast v43, $0x7;
	v55 =	vsel vm0, v15, v41;
	v15 =	vbroadcast v10, $0x0  }
0x8e: {  	v34 =	vld [tilespmem:s23+$0x420];
	v1 =	vsel vm0, v54, v56;
	v41 =	vbroadcast v10, $0x1;
	v55 =	vmul.f32 v55, v57  }
0x8f: {  	v30 =	vld [tilespmem:s23+$0x480];
	v57 =	vsel vm0, v48, v50;
	v48 =	vbroadcast v10, $0x3;
	v50 =	vbroadcast v10, $0x4  }
0x90: {  	v17 =	vld [tilespmem:s23+$0x530];
	v62 =	vsel vm0, v63, v29;
	v49 =	vmul.f32 v57, v25;
	v57 =	vmul.f32 v19, v1  }
0x91: {  	v0 =	vpop (erf);
	v63 =	vld [tilespmem:s23+$0x630];
	v19 =	vbroadcast v10, $0x5;
	v1 =	vmul.f32 v60, v13;
	v25 =	vsel vm0, v33, v35  }
0x92: {  	[tilespmem:s23+$0x2240] =	vst v2;
	v56 =	vld [tilespmem:s23+$0x690];
	v60 =	vmul.f32 v62, v51;
	v33 =	vbroadcast v0, $0x0;
	v18 =	vsel vm0, v18, v43  }
0x93: {  	[tilespmem:s23+$0x23C0] =	vst v37;
	v37 =	vld [tilespmem:s23+$0x490];
	v15 =	vsel vm0, v15, v41;
	v62 =	vbroadcast v0, $0x3;
	v59 =	vmul.f32 v47, v18  }
0x94: {  	[tilespmem:s23+$0x24C0] =	vst v10;
	v54 =	vld [tilespmem:s23+$0x680];
	v18 =	vbroadcast v0, $0x2;
	v29 =	vsel vm0, v45, v48;
	v48 =	vmul.f32 v15, v30  }
0x95: {  	[tilespmem:s23+$0x2540] =	vst v0;
	v30 =	vbroadcast v0, $0x4;
	v45 =	vbroadcast v0, $0x5;
	v47 =	vld [tilespmem:s23+$0x710]  }
0x96: {  	v58 =	vld [tilespmem:s23+$0x6A0];
	[tilespmem:$0x1FE40] =	vst v63;
	v63 =	vmul.f32 v25, v34;
	v25 =	vbroadcast v0, $0x1;
	v19 =	vsel vm0, v50, v19  }
0x97: {  	v6 =	vpop (erf);
	v35 =	vld [tilespmem:s23+$0x6B0];
	[tilespmem:$0x1FE60] =	vst v56;
	v50 =	vbroadcast v0, $0x6;
	v0 =	vbroadcast v0, $0x7;
	v56 =	vsel vm0, v30, v45  }
0x98: {  	v26 =	vld [tilespmem:s23+$0x520];
	[tilespmem:$0x1FFF0] =	vst v5;
	v30 =	vbroadcast v6, $0x5;
	v13 =	vsel vm0, v33, v25;
	v25 =	vbroadcast v6, $0x4  }
0x99: {  	v16 =	vbroadcast v10, $0x6;
	v5 =	vld [tilespmem:s23+$0x5A0];
	v10 =	vbroadcast v10, $0x7;
	[tilespmem:$0x1FE50] =	vst v54;
	v0 =	vsel vm0, v50, v0  }
0x9a: {  	v2 =	vpop (erf);
	[tilespmem:$0x1FEA0] =	vst v47;
	v47 =	vsel vm0, v25, v30;
	v30 =	vmul.f32 v17, v0;
	v0 =	vld [tilespmem:s23+$0x800]  }
0x9b: {  	v43 =	vmul.f32 v29, v37;
	v10 =	vsel vm0, v16, v10;
	v54 =	vld [tilespmem:s23+$0x730];
	v16 =	vbroadcast v2, $0x6;
	[tilespmem:$0x1FE70] =	vst v58  }
0x9c: {  	v58 =	vbroadcast v6, $0x0;
	v33 =	vld [tilespmem:s23+$0x790];
	[tilespmem:$0x1FE80] =	vst v35;
	v35 =	vmul.f32 v52, v10  }
0x9d: {  	v12 =	vld [tilespmem:s23+$0x4A0];
	v52 =	vsel vm0, v18, v62;
	v29 =	vmul.f32 v13, v11;
	v62 =	vbroadcast v6, $0x1  }
0x9e: {  	[tilespmem:s23+$0x2640] =	vst v2;
	v41 =	vld [tilespmem:s23+$0x700];
	v10 =	vbroadcast v2, $0x4;
	v11 =	vbroadcast v2, $0x5  }
0x9f: {  	v45 =	vmul.f32 v52, v21;
	[tilespmem:$0x1FF10] =	vst v0;
	v0 =	vmul.f32 v47, v5;
	v47 =	vld [tilespmem:$0x1FF60]  }
0xa0: {  	v52 =	vbroadcast v2, $0x0;
	[tilespmem:$0x1FEC0] =	vst v54;
	v54 =	vbroadcast v2, $0x1  }
0xa1: {  	v51 =	vld [tilespmem:s23+$0x720];
	v13 =	vsel vm0, v58, v62;
	v58 =	vbroadcast v2, $0x3;
	[tilespmem:$0x1FEE0] =	vst v33;
	v33 =	vmul.f32 v56, v26  }
0xa2: {  	[tilespmem:$0x1FFE0] =	vst v7;
	v7 =	vld [tilespmem:s23+$0x590];
	v56 =	vbroadcast v2, $0x2;
	v2 =	vbroadcast v2, $0x7  }
0xa3: {  	v50 =	vld [tilespmem:s23+$0x810];
	[tilespmem:$0x1FE90] =	vst v41;
	v41 =	vmul.f32 v19, v12  }
0xa4: {  	v18 =	vbroadcast v6, $0x2;
	v19 =	vbroadcast v6, $0x3;
	[tilespmem:s23+$0x2100] =	vst v47;
	v47 =	vsel vm0, v16, v2;
	v2 =	vld [tilespmem:$0x1FF70];
	_ =	sdelay $0x1  }
0xa5: {  	[tilespmem:$0x1FEB0] =	vst v51;
	v51 =	vbroadcast v6, $0x6;
	v18 =	vsel vm0, v18, v19  }
0xa6: {  	[tilespmem:s23+$0x25C0] =	vst v6;
	v24 =	vpop (erf);
	v6 =	vbroadcast v6, $0x7;
	v25 =	vmul.f32 v18, v7  }
0xa7: {  	[tilespmem:$0x1FF20] =	vst v50;
	v7 =	vsel vm0, v52, v54;
	v50 =	vbroadcast v24, $0x0;
	v52 =	vbroadcast v24, $0x3  }
0xa8: {  	v5 =	vsel vm0, v51, v6;
	v51 =	vbroadcast v24, $0x1;
	[tilespmem:s23+$0x2110] =	vst v2;
	v2 =	vbroadcast v24, $0x2  }
0xa9: {  	v62 =	vld [tilespmem:s23+$0x880]  }
0xaa: {  	v50 =	vsel vm0, v50, v51;
	v51 =	vsel vm0, v2, v52;
	v2 =	vld [tilespmem:$0x1FF90];
	_ =	sdelay $0x3  }
0xab: {  	v37 =	vld [tilespmem:s23+$0x7B0];
	[tilespmem:$0x1FF30] =	vst v62  }
0xac: {  	v62 =	vbroadcast v24, $0x7;
	[tilespmem:s23+$0x2130] =	vst v2;
	v2 =	vbroadcast v24, $0x6  }
0xad: {  	[tilespmem:s23+$0x21B0] =	vst v61;
	v17 =	vld [tilespmem:s23+$0x8A0]  }
0xae: {  	[tilespmem:s23+$0x26C0] =	vst v24;
	v52 =	vsel vm0, v2, v62;
	v2 =	vld [tilespmem:$0x1FFB0]  }
0xaf: {  	v23 =	vpop (erf);
	[tilespmem:s23+$0x2210] =	vst v28;
	v54 =	vld [tilespmem:$0x1FF80]  }
0xb0: {  	[tilespmem:$0x1FF00] =	vst v37;
	v37 =	vbroadcast v23, $0x3;
	v16 =	vld [tilespmem:$0x1FFA0]  }
0xb1: {  	[tilespmem:s23+$0x2740] =	vst v23;
	v6 =	vsel vm0, v56, v58;
	v56 =	vbroadcast v24, $0x4;
	v58 =	vbroadcast v24, $0x5  }
0xb2: {  	[tilespmem:$0x1FF50] =	vst v17;
	v17 =	vbroadcast v23, $0x1;
	v24 =	vbroadcast v23, $0x0;
	v62 =	vld [tilespmem:$0x1FFC0]  }
0xb3: {  	v34 =	vld [tilespmem:s23+$0x7A0];
	v4 =	vsel vm0, v10, v11;
	v11 =	vbroadcast v23, $0x5;
	[tilespmem:s23+$0x2190] =	vst v2;
	v2 =	vbroadcast v23, $0x2  }
0xb4: {  	[tilespmem:s23+$0x2120] =	vst v54;
	v54 =	vsel vm0, v56, v58;
	v56 =	vsel vm0, v24, v17;
	v24 =	vbroadcast v23, $0x4  }
0xb5: {  	v3 =	vpop (erf);
	[tilespmem:s23+$0x2180] =	vst v16;
	v16 =	vbroadcast v23, $0x7;
	v58 =	vsel vm0, v2, v37;
	v2 =	vbroadcast v23, $0x6  }
0xb6: {  	[tilespmem:s23+$0x2200] =	vst v27;
	v61 =	vsel vm0, v24, v11;
	v24 =	vbroadcast v3, $0x1;
	v23 =	vbroadcast v3, $0x0  }
0xb7: {  	v17 =	vbroadcast v3, $0x3;
	[tilespmem:s23+$0x21A0] =	vst v62;
	v62 =	vsel vm0, v2, v16;
	v2 =	vbroadcast v3, $0x2  }
0xb8: {  	v28 =	vbroadcast v3, $0x5;
	v27 =	vbroadcast v3, $0x4;
	[tilespmem:$0x1FEF0] =	vst v34;
	v34 =	vld [tilespmem:$0x1FFD0];
	v23 =	vsel vm0, v23, v24  }
0xb9: {  	[tilespmem:s23+$0x27C0] =	vst v3;
	v24 =	vsel vm0, v2, v17;
	v2 =	vbroadcast v3, $0x6;
	v3 =	vbroadcast v3, $0x7  }
0xba: {  	v32 =	vpop (erf);
	v27 =	vsel vm0, v27, v28  }
0xbb: {  	v28 =	vsel vm0, v2, v3;
	v2 =	vbroadcast v32, $0x2;
	v3 =	vbroadcast v32, $0x3;
	_ =	sdelay $0x1  }
0xbc: {  	[tilespmem:s23+$0x2220] =	vst v34;
	v34 =	vsel vm0, v2, v3;
	v2 =	vbroadcast v32, $0x6;
	v3 =	vbroadcast v32, $0x7  }
0xbd: {  	v8 =	vld [tilespmem:s23+$0x620]  }
0xbe: {  	[tilespmem:s23+$0x2300] =	vst v39;
	v39 =	vsel vm0, v2, v3;
	v2 =	vld [tilespmem:$0x1FFE0]  }
0xbf: {  	[tilespmem:s23+$0x28C0] =	vst v22;
	v9 =	vld [tilespmem:s23+$0x610]  }
0xc0: {  	v20 =	vld [tilespmem:s23+$0x580];
	[tilespmem:s23+$0x2290] =	vst v31  }
0xc1: {  	v14 =	vld [tilespmem:s23+$0x5B0];
	[tilespmem:s23+$0x22A0] =	vst v40  }
0xc2: {  	v46 =	vld [tilespmem:s23+$0x600];
	[tilespmem:s23+$0x2230] =	vst v42;
	v42 =	vbroadcast v32, $0x1;
	v37 =	vbroadcast v32, $0x0  }
0xc3: {  	v15 =	vld [tilespmem:s23+$0x890];
	v3 =	vbroadcast v22, $0x3;
	[tilespmem:s23+$0x2310] =	vst v2;
	v2 =	vbroadcast v22, $0x2  }
0xc4: {  	[tilespmem:s23+$0x2280] =	vst v44;
	v44 =	vbroadcast v32, $0x4;
	v12 =	vld [tilespmem:s23+$0x780]  }
0xc5: {  	[tilespmem:s23+$0x22B0] =	vst v36;
	v10 =	vbroadcast v32, $0x5;
	v31 =	vsel vm0, v37, v42;
	v37 =	vsel vm0, v2, v3;
	v3 =	vld [tilespmem:$0x1FFF0]  }
0xc6: {  	[tilespmem:s23+$0x2320] =	vst v38;
	v38 =	vmul.f32 v4, v8;
	v26 =	vmul.f32 v13, v20  }
0xc7: {  	[tilespmem:s23+$0x2840] =	vst v32;
	v11 =	vbroadcast v22, $0x0;
	v16 =	vbroadcast v22, $0x1  }
0xc8: {  	v21 =	vld [tilespmem:s23+$0x830];
	[tilespmem:$0x1FF40] =	vst v15;
	v17 =	vbroadcast v22, $0x4;
	v22 =	vbroadcast v22, $0x5  }
0xc9: {  	s24 =	simm.s32 $0x800;
	v20 =	vld [tilespmem:s23+$0x820];
	v36 =	vsel vm0, v44, v10;
	[tilespmem:$0x1FED0] =	vst v12;
	v40 =	vmul.f32 v7, v46;
	v44 =	vmul.f32 v14, v5  }
0xca: {  	s25 =	simm.s32 $0x4000;
	v42 =	vmul.f32 v6, v9;
	v32 =	vsel vm0, v11, v16;
	v2 =	vld [tilespmem:s24+$0x4880];
	v22 =	vsel vm0, v17, v22;
	[tilespmem:s23+$0x2330] =	vst v3  }
.LBB2_5:
0xcb: {  	v4 =	vld [tilespmem:$0x1FE40];
	_ =	sdelay $0x4  }
0xcc: {  	v14 =	vmul.f32 v4, v47;
	v47 =	vld [tilespmem:$0x1FE50];
	_ =	sdelay $0x4  }
0xcd: {  	v13 =	vmul.f32 v50, v47;
	v50 =	vld [tilespmem:$0x1FE70];
	_ =	sdelay $0x2  }
0xce: {  	v3 =	vld [tilespmem:s24+$0x8C0];
	[tilespmem:s23+$0x2380] =	vst v55  }
0xcf: {  	v4 =	vld [tilespmem:s24+$0x4100]  }
0xd0: {  	[tilespmem:s23+$0x2390] =	vst v53;
	v53 =	vmul.f32 v54, v50;
	v54 =	vld [tilespmem:$0x1FEA0];
	_ =	sdelay $0x2  }
0xd1: {  	v6 =	vld [tilespmem:s24+$0x140];
	[tilespmem:s23+$0x23A0] =	vst v49  }
0xd2: {  	v8 =	vld [tilespmem:s24+$0x4180];
	[tilespmem:s23+$0x23B0] =	vst v57  }
0xd3: {  	v49 =	vmul.f32 v58, v54;
	v58 =	vld [tilespmem:s24+$0x1C0]  }
0xd4: {  	[tilespmem:s23+$0x2400] =	vst v1;
	v1 =	vld [tilespmem:$0x1FEC0];
	_ =	sdelay $0x4  }
0xd5: {  	v46 =	vmul.f32 v1, v62;
	v1 =	vld [tilespmem:$0x1FED0];
	_ =	sdelay $0x4  }
0xd6: {  	v12 =	vmul.f32 v23, v1;
	v23 =	vadd.f32 v3, v2;
	v2 =	vld [tilespmem:$0x1FEE0]  }
0xd7: {  	v5 =	vld [tilespmem:$0x1FE60];
	_ =	sdelay $0x3  }
0xd8: {  	v10 =	vmul.f32 v24, v2;
	v2 =	vld [tilespmem:$0x1FEF0]  }
0xd9: {  	v55 =	vmul.f32 v51, v5;
	v51 =	vld [tilespmem:$0x1FE80];
	_ =	sdelay $0x3  }
0xda: {  	v9 =	vmul.f32 v27, v2;
	v2 =	vld [tilespmem:$0x1FF00]  }
0xdb: {  	v51 =	vmul.f32 v51, v52;
	v52 =	vld [tilespmem:$0x1FE90];
	_ =	sdelay $0x2  }
0xdc: {  	v11 =	vld [tilespmem:$0x1FF50]  }
0xdd: {  	v7 =	vmul.f32 v2, v28;
	v2 =	vld [tilespmem:$0x1FF10]  }
0xde: {  	v50 =	vmul.f32 v56, v52;
	v56 =	vld [tilespmem:$0x1FEB0]  }
0xdf: {  	v1 =	vld [tilespmem:s24+$0x4200];
	[tilespmem:s23+$0x2410] =	vst v60  }
0xe0: {  	v15 =	vld [tilespmem:s24+$0x240];
	[tilespmem:s23+$0x2420] =	vst v63  }
0xe1: {  	v17 =	vld [tilespmem:s24+$0x4280]  }
0xe2: {  	v16 =	vadd.f32 v6, v4;
	[tilespmem:s23+$0x2430] =	vst v59;
	v60 =	vmul.f32 v31, v2;
	v2 =	vld [tilespmem:$0x1FF20]  }
0xe3: {  	v57 =	vmul.f32 v61, v56;
	v61 =	vmul.f32 $2.000000030e-01, v23;
	v19 =	vld [tilespmem:s24+$0x2C0];
	[tilespmem:s23+$0x2480] =	vst v48  }
0xe4: {  	v62 =	vmul.f32 v36, v20;
	v20 =	vmul.f32 $2.000000030e-01, v16;
	vm1 =	vge.f32 v23, $0.0e+00;
	v24 =	vld [tilespmem:s24+$0x4300];
	[tilespmem:s23+$0x2490] =	vst v43  }
0xe5: {  	v6 =	vsel vm1, v23, v61;
	vm1 =	vge.f32 v16, $0.0e+00;
	v23 =	vld [tilespmem:s24+$0x340];
	[tilespmem:s23+$0x24A0] =	vst v41  }
0xe6: {  	v63 =	vmul.f32 $1.442695020e+00, v6;
	v16 =	vsel vm1, v16, v20;
	v36 =	vld [tilespmem:s24+$0x4380];
	[tilespmem:s23+$0x24B0] =	vst v35  }
0xe7: {  	v20 =	vld [tilespmem:s24+$0x3C0];
	[tilespmem:s23+$0x2500] =	vst v29;
	v3 =	vmul.f32 v34, v2;
	v2 =	vmul.f32 v21, v39;
	v21 =	vadd.f32 v58, v8  }
0xe8: {  	(erf) = vpow2.f32 v63;
	v17 =	vadd.f32 v19, v17;
	v19 =	vld [tilespmem:s24+$0x4400]  }
0xe9: {  	v1 =	vadd.f32 v15, v1;
	v34 =	vld [tilespmem:$0x1FF30];
	v18 =	vmul.f32 $2.000000030e-01, v21  }
0xea: {  	[tilespmem:s23+$0x2510] =	vst v45;
	v39 =	vld [tilespmem:$0x1FF40];
	vm2 =	vge.f32 v21, $0.0e+00  }
0xeb: {  	v27 =	vmul.f32 $2.000000030e-01, v1;
	v18 =	vsel vm2, v21, v18;
	v21 =	vld [tilespmem:s24+$0x440];
	[tilespmem:s23+$0x2520] =	vst v33  }
0xec: {  	v11 =	vmul.f32 v22, v11;
	vm1 =	vge.f32 v1, $0.0e+00;
	v23 =	vadd.f32 v23, v24;
	v24 =	vld [tilespmem:s24+$0x4480];
	[tilespmem:s23+$0x2530] =	vst v30  }
0xed: {  	v16 =	vmul.f32 $1.442695020e+00, v16;
	v22 =	vmul.f32 $2.000000030e-01, v17;
	v1 =	vsel vm1, v1, v27;
	v27 =	vld [tilespmem:s24+$0x4C0];
	[tilespmem:s23+$0x2580] =	vst v26  }
0xee: {  	v15 =	vadd.f32 v20, v36;
	vm2 =	vge.f32 v17, $0.0e+00;
	v18 =	vmul.f32 $1.442695020e+00, v18;
	v20 =	vld [tilespmem:s24+$0x4500];
	[tilespmem:s23+$0x2590] =	vst v25  }
0xef: {  	(erf) = vpow2.f32 v16;
	v41 =	vmul.f32 $2.000000030e-01, v23;
	v17 =	vsel vm2, v17, v22;
	v22 =	vld [tilespmem:s24+$0x540];
	[tilespmem:s23+$0x25A0] =	vst v0  }
0xf0: {  	v26 =	vmul.f32 $1.442695020e+00, v1;
	(erf) = vpow2.f32 v18;
	v18 =	vadd.f32 v21, v19;
	v19 =	vld [tilespmem:s24+$0x4580];
	[tilespmem:s23+$0x25B0] =	vst v44  }
0xf1: {  	vm1 =	vge.f32 v23, $0.0e+00;
	v1 =	vpop (erf);
	v21 =	vld [tilespmem:s24+$0x8B0];
	[tilespmem:s23+$0x2600] =	vst v40  }
0xf2: {  	v16 =	vsel vm1, v23, v41;
	v29 =	vbroadcast v1, $0x6;
	(erf) = vpow2.f32 v26;
	v25 =	vld [tilespmem:s24+$0x5C0];
	[tilespmem:s23+$0x2610] =	vst v42  }
0xf3: {  	v23 =	vmul.f32 $2.000000030e-01, v18;
	v24 =	vadd.f32 v27, v24;
	v27 =	vbroadcast v1, $0x7;
	v26 =	vld [tilespmem:s24+$0x4600];
	[tilespmem:s23+$0x2620] =	vst v38  }
0xf4: {  	vm1 =	vge.f32 v18, $0.0e+00;
	v20 =	vadd.f32 v22, v20;
	v22 =	vld [tilespmem:s24+$0x640];
	[tilespmem:s23+$0x2630] =	vst v14  }
0xf5: {  	v43 =	vsel vm1, v18, v23;
	v27 =	vsel vm0, v29, v27;
	v18 =	vld [tilespmem:s24+$0x4680];
	[tilespmem:s23+$0x2680] =	vst v13  }
0xf6: {  	v44 =	vmul.f32 $2.000000030e-01, v20;
	v23 =	vld [tilespmem:s24+$0x6C0];
	v21 =	vmul.f32 v21, v27;
	[tilespmem:s23+$0x2690] =	vst v55  }
0xf7: {  	vm1 =	vge.f32 v20, $0.0e+00;
	v19 =	vadd.f32 v25, v19;
	v25 =	vld [tilespmem:s24+$0x4700];
	[tilespmem:s23+$0x26A0] =	vst v53  }
0xf8: {  	v30 =	vsel vm1, v20, v44;
	v20 =	vld [tilespmem:s24+$0x740];
	[tilespmem:s24+$0x28B0] =	vst v21  }
0xf9: {  	v22 =	vadd.f32 v22, v26;
	v26 =	vld [tilespmem:s24+$0x4780];
	[tilespmem:s23+$0x26B0] =	vst v51  }
0xfa: {  	vm2 =	vge.f32 v15, $0.0e+00;
	v0 =	vmul.f32 $2.000000030e-01, v15;
	v21 =	vmul.f32 $2.000000030e-01, v19;
	v29 =	vld [tilespmem:s24+$0x7C0];
	[tilespmem:s23+$0x2700] =	vst v50  }
0xfb: {  	v17 =	vmul.f32 $1.442695020e+00, v17;
	v45 =	vpop (erf);
	vm1 =	vge.f32 v19, $0.0e+00;
	v18 =	vadd.f32 v23, v18;
	v23 =	vld [tilespmem:s24+$0x4800];
	[tilespmem:s23+$0x2710] =	vst v49  }
0xfc: {  	v16 =	vmul.f32 $1.442695020e+00, v16;
	v0 =	vsel vm2, v15, v0;
	v48 =	vpop (erf);
	v19 =	vsel vm1, v19, v21;
	v21 =	vld [tilespmem:s24+$0x840];
	[tilespmem:s23+$0x2720] =	vst v57  }
0xfd: {  	v0 =	vmul.f32 $1.442695020e+00, v0;
	v13 =	vpop (erf);
	(erf) = vpow2.f32 v17;
	v53 =	vld [tilespmem:s24+$0x100];
	[tilespmem:s23+$0x2730] =	vst v46  }
0xfe: {  	v6 =	vmul.f32 v32, v34;
	(erf) = vpow2.f32 v16;
	v20 =	vadd.f32 v20, v25;
	v25 =	vld [tilespmem:s24+$0x110];
	[tilespmem:s23+$0x2780] =	vst v12  }
0xff: {  	v28 =	vmul.f32 $2.000000030e-01, v24;
	(erf) = vpow2.f32 v0;
	v0 =	vld [tilespmem:s24+$0x120];
	[tilespmem:s23+$0x2790] =	vst v10  }
0x100: {  	v8 =	vmul.f32 v37, v39;
	v61 =	vbroadcast v45, $0x3;
	vm2 =	vge.f32 v24, $0.0e+00;
	v10 =	vld [tilespmem:s24+$0x130];
	[tilespmem:s23+$0x27A0] =	vst v9  }
0x101: {  	v63 =	vbroadcast v45, $0x5;
	v24 =	vsel vm2, v24, v28;
	v27 =	vmul.f32 $1.442695020e+00, v43;
	v9 =	vld [tilespmem:s24+$0x180];
	[tilespmem:s23+$0x27B0] =	vst v7  }
0x102: {  	v24 =	vmul.f32 $1.442695020e+00, v24;
	v34 =	vbroadcast v48, $0x1;
	[tilespmem:$0x1FAC0] =	vst v53  }
0x103: {  	v35 =	vbroadcast v48, $0x2;
	v36 =	vbroadcast v48, $0x3;
	v7 =	vld [tilespmem:s24+$0x190];
	[tilespmem:s23+$0x2800] =	vst v60  }
0x104: {  	v38 =	vbroadcast v48, $0x4;
	v39 =	vbroadcast v48, $0x5;
	v5 =	vld [tilespmem:s24+$0x1A0];
	[tilespmem:s23+$0x2810] =	vst v3  }
0x105: {  	v40 =	vbroadcast v48, $0x6;
	v42 =	vbroadcast v48, $0x7;
	[tilespmem:$0x1FAF0] =	vst v0  }
0x106: {  	v28 =	vmul.f32 $1.442695020e+00, v30;
	v30 =	vbroadcast v45, $0x0;
	v3 =	vld [tilespmem:s24+$0x1B0];
	[tilespmem:s23+$0x2820] =	vst v62  }
0x107: {  	v43 =	vbroadcast v13, $0x0;
	v51 =	vbroadcast v13, $0x5;
	v4 =	vld [tilespmem:s24+$0x200];
	[tilespmem:s23+$0x2830] =	vst v2  }
0x108: {  	v52 =	vmul.f32 $2.000000030e-01, v22;
	(erf) = vpow2.f32 v27;
	[tilespmem:$0x1FB20] =	vst v9  }
0x109: {  	v49 =	vbroadcast v13, $0x4;
	v19 =	vmul.f32 $1.442695020e+00, v19;
	v2 =	vld [tilespmem:s24+$0x210];
	[tilespmem:s23+$0x2880] =	vst v6  }
0x10a: {  	vm2 =	vge.f32 v22, $0.0e+00;
	(erf) = vpow2.f32 v24;
	v54 =	vmul.f32 $2.000000030e-01, v18;
	[tilespmem:$0x1FB30] =	vst v7  }
0x10b: {  	v17 =	vsel vm2, v22, v52;
	v46 =	vbroadcast v13, $0x2;
	v52 =	vbroadcast v13, $0x6;
	v7 =	vpop (erf);
	[tilespmem:$0x1FB50] =	vst v5  }
0x10c: {  	v56 =	vmul.f32 $1.442695020e+00, v17;
	v5 =	vpop (erf);
	(erf) = vpow2.f32 v28;
	[tilespmem:$0x1FB70] =	vst v3  }
0x10d: {  	vm1 =	vge.f32 v18, $0.0e+00;
	v3 =	vbroadcast v45, $0x1;
	(erf) = vpow2.f32 v19;
	v19 =	vld [tilespmem:s24+$0x220];
	[tilespmem:s23+$0x2890] =	vst v8  }
0x10e: {  	v17 =	vbroadcast v48, $0x0;
	v55 =	vadd.f32 v29, v26;
	v8 =	vsel vm0, v35, v36;
	[tilespmem:$0x1FB90] =	vst v4  }
0x10f: {  	vm2 =	vge.f32 v20, $0.0e+00;
	v16 =	vsel vm1, v18, v54;
	[tilespmem:$0x1FB40] =	vst v8;
	v32 =	vsel vm0, v30, v3;
	v3 =	vld [tilespmem:s24+$0x230]  }
0x110: {  	v54 =	vbroadcast v13, $0x7;
	vm1 =	vge.f32 v55, $0.0e+00;
	v57 =	vmul.f32 $2.000000030e-01, v55;
	[tilespmem:$0x1FBB0] =	vst v2  }
0x111: {  	v58 =	vadd.f32 v21, v23;
	v0 =	vmul.f32 $2.000000030e-01, v20;
	v8 =	vsel vm0, v40, v42;
	[tilespmem:s23+$0x28A0] =	vst v11  }
0x112: {  	v16 =	vmul.f32 $1.442695020e+00, v16;
	v60 =	vbroadcast v45, $0x2;
	v18 =	vsel vm1, v55, v57;
	s23 =	smov.u32 s24;
	[tilespmem:$0x1FB80] =	vst v8  }
0x113: {  	v59 =	vmul.f32 $2.000000030e-01, v58;
	v12 =	vmul.f32 $1.442695020e+00, v18;
	v0 =	vsel vm2, v20, v0;
	[tilespmem:s23+$0x2140] =	vst v45  }
0x114: {  	vm1 =	vge.f32 v58, $0.0e+00;
	v62 =	vbroadcast v45, $0x4;
	v0 =	vmul.f32 $1.442695020e+00, v0;
	[tilespmem:$0x1FBE0] =	vst v3;
	v3 =	vld [tilespmem:s23+$0x280]  }
0x115: {  	v9 =	vsel vm1, v58, v59;
	v55 =	vbroadcast v7, $0x0;
	[tilespmem:s23+$0x21C0] =	vst v48;
	v48 =	vbroadcast v13, $0x3  }
0x116: {  	v37 =	vsel vm0, v62, v63;
	v57 =	vbroadcast v7, $0x1;
	v58 =	vbroadcast v7, $0x2;
	[tilespmem:s23+$0x22C0] =	vst v7;
	v41 =	vld [tilespmem:s23+$0x320]  }
0x117: {  	v63 =	vbroadcast v7, $0x5;
	v4 =	vpop (erf);
	(erf) = vpow2.f32 v56;
	[tilespmem:s23+$0x2340] =	vst v5;
	v47 =	vld [tilespmem:s23+$0x380];
	v8 =	vsel vm0, v46, v48  }
0x118: {  	v22 =	vsel vm0, v17, v34;
	v17 =	vbroadcast v7, $0x6;
	(erf) = vpow2.f32 v16;
	v50 =	vld [tilespmem:s23+$0x390];
	[tilespmem:$0x1FBC0] =	vst v8  }
0x119: {  	v34 =	vbroadcast v5, $0x0;
	v35 =	vld [tilespmem:s23+$0x430];
	[tilespmem:$0x1FC00] =	vst v3;
	v3 =	vpop (erf);
	(erf) = vpow2.f32 v0;
	v0 =	vsel vm0, v60, v61  }
0x11a: {  	v2 =	vmul.f32 $1.442695020e+00, v9;
	v16 =	vbroadcast v45, $0x6;
	[tilespmem:$0x1FAE0] =	vst v0;
	v0 =	vld [tilespmem:s23+$0x290]  }
0x11b: {  	v9 =	vsel vm0, v38, v39;
	v38 =	vbroadcast v5, $0x1;
	v39 =	vbroadcast v5, $0x2;
	v62 =	vld [tilespmem:s23+$0x410];
	[tilespmem:$0x1FC70] =	vst v41  }
0x11c: {  	v15 =	vbroadcast v4, $0x3;
	v53 =	vld [tilespmem:s23+$0x3A0];
	v8 =	vsel vm0, v52, v54;
	v52 =	vbroadcast v5, $0x6;
	[tilespmem:$0x1FC90] =	vst v47  }
0x11d: {  	v44 =	vld [tilespmem:s23+$0x330];
	v54 =	vbroadcast v4, $0x0;
	[tilespmem:$0x1FCA0] =	vst v50;
	v47 =	vbroadcast v5, $0x3  }
0x11e: {  	[tilespmem:$0x1FD00] =	vst v35;
	v50 =	vld [tilespmem:s23+$0x490];
	v35 =	vbroadcast v4, $0x6;
	v60 =	vbroadcast v7, $0x3  }
0x11f: {  	v61 =	vbroadcast v7, $0x4;
	v7 =	vbroadcast v7, $0x7;
	[tilespmem:$0x1FC20] =	vst v0;
	v0 =	vld [tilespmem:s23+$0x2A0]  }
0x120: {  	[tilespmem:$0x1FCE0] =	vst v62;
	v62 =	vld [tilespmem:s23+$0x4B0];
	(erf) = vpow2.f32 v12;
	v12 =	vbroadcast v4, $0x2  }
0x121: {  	[tilespmem:$0x1FCB0] =	vst v53;
	v53 =	vld [tilespmem:s23+$0x4A0];
	v41 =	vsel vm0, v39, v47;
	v39 =	vbroadcast v3, $0x0;
	v42 =	vbroadcast v3, $0x1  }
0x122: {  	[tilespmem:$0x1FC80] =	vst v44;
	v44 =	vbroadcast v3, $0x2;
	v47 =	vbroadcast v3, $0x3  }
0x123: {  	[tilespmem:$0x1FD20] =	vst v50;
	v50 =	vbroadcast v3, $0x4;
	v48 =	vsel vm0, v61, v63;
	v63 =	vbroadcast v4, $0x1  }
0x124: {  	[tilespmem:$0x1FC30] =	vst v0;
	v0 =	vpop (erf);
	(erf) = vpow2.f32 v2;
	v2 =	vbroadcast v45, $0x7  }
0x125: {  	[tilespmem:$0x1FD40] =	vst v62;
	v45 =	vbroadcast v13, $0x1;
	v62 =	vbroadcast v0, $0x1  }
0x126: {  	[tilespmem:$0x1FD30] =	vst v53;
	v53 =	vsel vm0, v12, v15;
	v12 =	vbroadcast v0, $0x2;
	v15 =	vbroadcast v0, $0x4  }
0x127: {  	[tilespmem:$0x1FB60] =	vst v9;
	v2 =	vsel vm0, v16, v2;
	v9 =	vsel vm0, v43, v45;
	v45 =	vsel vm0, v17, v7  }
0x128: {  	v59 =	vld [tilespmem:s23+$0x400];
	v17 =	vbroadcast v4, $0x4;
	[tilespmem:$0x1FBA0] =	vst v9;
	v9 =	vsel vm0, v49, v51;
	v49 =	vbroadcast v5, $0x4  }
0x129: {  	[tilespmem:s23+$0x23C0] =	vst v4;
	v43 =	vsel vm0, v34, v38;
	v51 =	vbroadcast v5, $0x5;
	v5 =	vbroadcast v5, $0x7  }
0x12a: {  	v34 =	vbroadcast v4, $0x5;
	v38 =	vld [tilespmem:s23+$0x520];
	[tilespmem:$0x1FBD0] =	vst v9;
	v9 =	vsel vm0, v55, v57;
	v55 =	vsel vm0, v58, v60  }
0x12b: {  	[tilespmem:$0x1FB10] =	vst v2;
	v2 =	vld [tilespmem:s23+$0x310];
	v60 =	vsel vm0, v49, v51;
	v57 =	vsel vm0, v52, v5;
	v52 =	vbroadcast v3, $0x5  }
0x12c: {  	[tilespmem:s23+$0x2440] =	vst v3;
	v49 =	vsel vm0, v54, v63;
	v54 =	vbroadcast v3, $0x6;
	v3 =	vbroadcast v3, $0x7  }
0x12d: {  	[tilespmem:$0x1FCD0] =	vst v59;
	v4 =	vbroadcast v4, $0x7;
	v58 =	vbroadcast v0, $0x0;
	v63 =	vsel vm0, v17, v34  }
0x12e: {  	[tilespmem:s23+$0x24C0] =	vst v0;
	v34 =	vbroadcast v0, $0x5;
	v29 =	vsel vm0, v54, v3;
	v3 =	vbroadcast v0, $0x3  }
0x12f: {  	[tilespmem:$0x1FD70] =	vst v38;
	v38 =	vbroadcast v0, $0x6;
	v0 =	vbroadcast v0, $0x7  }
0x130: {  	v59 =	vsel vm0, v35, v4;
	v35 =	vsel vm0, v39, v42;
	v30 =	vsel vm0, v50, v52;
	[tilespmem:$0x1FC60] =	vst v2;
	v2 =	vpop (erf)  }
0x131: {  	v52 =	vbroadcast v2, $0x2;
	v42 =	vsel vm0, v38, v0;
	v0 =	vbroadcast v2, $0x3;
	_ =	sdelay $0x1  }
0x132: {  	[tilespmem:$0x1FAD0] =	vst v25;
	v25 =	vsel vm0, v52, v0;
	v0 =	vld [tilespmem:s23+$0x6B0];
	_ =	sdelay $0x4  }
0x133: {  	[tilespmem:$0x1FE80] =	vst v0;
	v0 =	vld [tilespmem:s23+$0x700];
	_ =	sdelay $0x4  }
0x134: {  	[tilespmem:$0x1FE90] =	vst v0;
	v0 =	vld [tilespmem:s23+$0x710];
	_ =	sdelay $0x4  }
0x135: {  	[tilespmem:$0x1FEA0] =	vst v0;
	v0 =	vld [tilespmem:s23+$0x720];
	_ =	sdelay $0x4  }
0x136: {  	[tilespmem:$0x1FEB0] =	vst v0;
	v0 =	vld [tilespmem:s23+$0x730];
	_ =	sdelay $0x3  }
0x137: {  	v33 =	vld [tilespmem:s23+$0x2B0]  }
0x138: {  	[tilespmem:$0x1FEC0] =	vst v0;
	v0 =	vld [tilespmem:s23+$0x780];
	_ =	sdelay $0x2  }
0x139: {  	v56 =	vld [tilespmem:s23+$0x3B0]  }
0x13a: {  	[tilespmem:$0x1FC40] =	vst v33;
	v33 =	vld [tilespmem:s23+$0x420]  }
0x13b: {  	[tilespmem:$0x1FED0] =	vst v0;
	v0 =	vld [tilespmem:s23+$0x790]  }
0x13c: {  	v46 =	vld [tilespmem:s23+$0x480]  }
0x13d: {  	[tilespmem:s23+$0x2240] =	vst v13;
	v40 =	vld [tilespmem:s23+$0x530]  }
0x13e: {  	[tilespmem:$0x1FCC0] =	vst v56;
	v56 =	vld [tilespmem:s23+$0x5A0]  }
0x13f: {  	[tilespmem:$0x1FCF0] =	vst v33;
	v33 =	vld [tilespmem:s23+$0x510]  }
0x140: {  	[tilespmem:$0x1FEE0] =	vst v0;
	v0 =	vld [tilespmem:s23+$0x7A0]  }
0x141: {  	[tilespmem:$0x1FD10] =	vst v46;
	v46 =	vld [tilespmem:s23+$0x580]  }
0x142: {  	[tilespmem:$0x1FD80] =	vst v40;
	v13 =	vld [tilespmem:s23+$0x500]  }
0x143: {  	[tilespmem:$0x1FDB0] =	vst v56;
	v61 =	vld [tilespmem:s23+$0x5B0]  }
0x144: {  	[tilespmem:$0x1FD60] =	vst v33;
	v33 =	vsel vm0, v44, v47;
	v47 =	vld [tilespmem:s23+$0x620]  }
0x145: {  	[tilespmem:$0x1FEF0] =	vst v0;
	v0 =	vld [tilespmem:s23+$0x7B0]  }
0x146: {  	[tilespmem:$0x1FD90] =	vst v46;
	v51 =	vld [tilespmem:s23+$0x590]  }
0x147: {  	[tilespmem:$0x1FD50] =	vst v13;
	v13 =	vld [tilespmem:s23+$0x600]  }
0x148: {  	[tilespmem:$0x1FDC0] =	vst v61;
	v17 =	vld [tilespmem:s23+$0x610]  }
0x149: {  	[tilespmem:$0x1FDF0] =	vst v47;
	v44 =	vsel vm0, v12, v3;
	v3 =	vbroadcast v2, $0x0  }
0x14a: {  	v6 =	vpop (erf);
	v56 =	vbroadcast v2, $0x4;
	v61 =	vbroadcast v2, $0x6;
	[tilespmem:$0x1FF00] =	vst v0;
	v0 =	vld [tilespmem:s23+$0x800]  }
0x14b: {  	v26 =	vsel vm0, v58, v62;
	v58 =	vld [tilespmem:s23+$0x690];
	[tilespmem:$0x1FDA0] =	vst v51;
	v51 =	vbroadcast v2, $0x1;
	v12 =	vbroadcast v6, $0x0  }
0x14c: {  	v62 =	vld [tilespmem:s23+$0x6A0];
	v40 =	vsel vm0, v15, v34;
	[tilespmem:$0x1FDD0] =	vst v13;
	v13 =	vbroadcast v6, $0x1;
	v15 =	vbroadcast v6, $0x2  }
0x14d: {  	v50 =	vld [tilespmem:s23+$0x630];
	[tilespmem:$0x1FDE0] =	vst v17;
	v17 =	vbroadcast v6, $0x3;
	v34 =	vbroadcast v6, $0x4  }
0x14e: {  	v54 =	vld [tilespmem:s23+$0x680];
	[tilespmem:s23+$0x2540] =	vst v2;
	v16 =	vpop (erf);
	v39 =	vbroadcast v6, $0x5;
	v46 =	vbroadcast v6, $0x6  }
0x14f: {  	v47 =	vbroadcast v6, $0x7;
	v52 =	vbroadcast v16, $0x2;
	[tilespmem:$0x1FF10] =	vst v0;
	v0 =	vld [tilespmem:s23+$0x810]  }
0x150: {  	[tilespmem:$0x1FE60] =	vst v58;
	v18 =	vbroadcast v16, $0x4;
	v58 =	vbroadcast v16, $0x6  }
0x151: {  	[tilespmem:$0x1FE70] =	vst v62;
	v38 =	vsel vm0, v3, v51;
	v3 =	vbroadcast v2, $0x5;
	v2 =	vbroadcast v2, $0x7  }
0x152: {  	v14 =	vpop (erf);
	[tilespmem:$0x1FE40] =	vst v50;
	v50 =	vbroadcast v16, $0x0;
	v51 =	vbroadcast v16, $0x1  }
0x153: {  	[tilespmem:$0x1FE50] =	vst v54;
	v54 =	vbroadcast v16, $0x3;
	v20 =	vbroadcast v14, $0x0  }
0x154: {  	v21 =	vbroadcast v14, $0x2;
	v62 =	vbroadcast v14, $0x3;
	[tilespmem:$0x1FF20] =	vst v0;
	v0 =	vld [tilespmem:s23+$0x880]  }
0x155: {  	v11 =	vld [tilespmem:s23+$0x300];
	[tilespmem:s23+$0x25C0] =	vst v6;
	v23 =	vpop (erf);
	v6 =	vsel vm0, v34, v39;
	v34 =	vbroadcast v14, $0x4;
	v24 =	vbroadcast v14, $0x6  }
0x156: {  	v7 =	vsel vm0, v46, v47;
	v39 =	vbroadcast v14, $0x7;
	v28 =	vbroadcast v23, $0x2  }
0x157: {  	[tilespmem:$0x1FB00] =	vst v10;
	v31 =	vbroadcast v23, $0x4;
	v10 =	vbroadcast v23, $0x6;
	v3 =	vsel vm0, v56, v3  }
0x158: {  	[tilespmem:$0x1FBF0] =	vst v8;
	v4 =	vsel vm0, v61, v2;
	v8 =	vsel vm0, v50, v51;
	v56 =	vbroadcast v16, $0x5  }
0x159: {  	v46 =	vsel vm0, v52, v54;
	v61 =	vbroadcast v16, $0x7;
	v51 =	vsel vm0, v21, v62;
	[tilespmem:$0x1FF30] =	vst v0;
	v0 =	vld [tilespmem:s23+$0x890]  }
0x15a: {  	[tilespmem:$0x1FC50] =	vst v11;
	v27 =	vpop (erf);
	v52 =	vsel vm0, v24, v39;
	v24 =	vbroadcast v23, $0x3;
	v62 =	vbroadcast v23, $0x5  }
0x15b: {  	[tilespmem:s23+$0x2640] =	vst v16;
	v5 =	vsel vm0, v15, v17;
	v11 =	vbroadcast v27, $0x1;
	v16 =	vbroadcast v27, $0x3  }
0x15c: {  	[tilespmem:$0x1FC10] =	vst v9;
	v17 =	vbroadcast v27, $0x5;
	v9 =	vsel vm0, v18, v56;
	v18 =	vbroadcast v14, $0x1  }
0x15d: {  	[tilespmem:s23+$0x2740] =	vst v23;
	v36 =	vpop (erf);
	v47 =	vsel vm0, v58, v61;
	v58 =	vbroadcast v23, $0x0;
	v61 =	vbroadcast v23, $0x1  }
0x15e: {  	v39 =	vbroadcast v36, $0x0;
	v23 =	vbroadcast v23, $0x7;
	v50 =	vsel vm0, v20, v18;
	[tilespmem:$0x1FF40] =	vst v0;
	v0 =	vld [tilespmem:s23+$0x8A0]  }
0x15f: {  	v18 =	vbroadcast v14, $0x5;
	v56 =	vsel vm0, v58, v61;
	v58 =	vsel vm0, v28, v24  }
0x160: {  	v24 =	vbroadcast v27, $0x0;
	v61 =	vsel vm0, v31, v62;
	v28 =	vbroadcast v27, $0x2  }
0x161: {  	v62 =	vsel vm0, v10, v23;
	v31 =	vbroadcast v27, $0x4;
	v10 =	vbroadcast v27, $0x6  }
0x162: {  	[tilespmem:s23+$0x26C0] =	vst v14;
	v14 =	vbroadcast v1, $0x0;
	v54 =	vsel vm0, v34, v18;
	v23 =	vsel vm0, v24, v11  }
0x163: {  	v24 =	vsel vm0, v28, v16;
	v11 =	vbroadcast v27, $0x7;
	v16 =	vbroadcast v36, $0x1;
	[tilespmem:$0x1FF50] =	vst v0;
	v0 =	vld [tilespmem:$0x1FAC0]  }
0x164: {  	[tilespmem:s23+$0x27C0] =	vst v27;
	v27 =	vsel vm0, v31, v17;
	v17 =	vbroadcast v36, $0x2;
	v34 =	vbroadcast v36, $0x3  }
0x165: {  	v28 =	vsel vm0, v10, v11;
	v10 =	vbroadcast v36, $0x4;
	v11 =	vbroadcast v36, $0x5  }
0x166: {  	v31 =	vsel vm0, v39, v16;
	v16 =	vbroadcast v36, $0x6;
	v34 =	vsel vm0, v17, v34  }
0x167: {  	[tilespmem:s23+$0x2840] =	vst v36;
	v17 =	vbroadcast v36, $0x7;
	v36 =	vsel vm0, v10, v11;
	v10 =	vbroadcast v1, $0x1  }
0x168: {  	v15 =	vmul.f32 v32, v0;
	v0 =	vld [tilespmem:$0x1FAD0]  }
0x169: {  	v32 =	vsel vm0, v14, v10;
	v14 =	vld [tilespmem:$0x1FAE0];
	_ =	sdelay $0x4  }
0x16a: {  	v10 =	vmul.f32 v14, v0;
	v0 =	vld [tilespmem:$0x1FAF0];
	_ =	sdelay $0x3  }
0x16b: {  	v39 =	vsel vm0, v16, v17;
	v17 =	vld [tilespmem:$0x1FB10]  }
0x16c: {  	v16 =	vmul.f32 v37, v0;
	v0 =	vld [tilespmem:$0x1FB00];
	_ =	sdelay $0x2  }
0x16d: {  	v2 =	vsel vm0, v12, v13;
	v13 =	vbroadcast v1, $0x2;
	v12 =	vbroadcast v1, $0x3;
	_ =	sdelay $0x1  }
0x16e: {  	v37 =	vsel vm0, v13, v12;
	v12 =	vmul.f32 v0, v17;
	v0 =	vld [tilespmem:$0x1FB20];
	_ =	sdelay $0x3  }
0x16f: {  	[tilespmem:s23+$0x28C0] =	vst v1;
	v11 =	vbroadcast v1, $0x4;
	v1 =	vbroadcast v1, $0x5  }
0x170: {  	v13 =	vmul.f32 v22, v0;
	v0 =	vld [tilespmem:$0x1FB30]  }
0x171: {  	v22 =	vsel vm0, v11, v1;
	v1 =	vld [tilespmem:$0x1FB40];
	_ =	sdelay $0x3  }
0x172: {  	[tilespmem:s23+$0x2100] =	vst v15;
	v15 =	vld [tilespmem:$0x1FB60]  }
0x173: {  	v1 =	vmul.f32 v1, v0;
	v0 =	vld [tilespmem:$0x1FB50];
	_ =	sdelay $0x3  }
0x174: {  	[tilespmem:s23+$0x2120] =	vst v16;
	v16 =	vld [tilespmem:$0x1FB80]  }
0x175: {  	[tilespmem:s23+$0x2110] =	vst v10;
	v10 =	vmul.f32 v15, v0;
	v0 =	vld [tilespmem:$0x1FB70];
	_ =	sdelay $0x3  }
0x176: {  	v17 =	vld [tilespmem:$0x1FBA0]  }
0x177: {  	v11 =	vmul.f32 v0, v16;
	v0 =	vld [tilespmem:$0x1FB90];
	_ =	sdelay $0x3  }
0x178: {  	v16 =	vld [tilespmem:$0x1FBC0]  }
0x179: {  	v14 =	vmul.f32 v17, v0;
	v0 =	vld [tilespmem:$0x1FBB0];
	_ =	sdelay $0x4  }
0x17a: {  	[tilespmem:s23+$0x2130] =	vst v12;
	v12 =	vmul.f32 v16, v0;
	v0 =	vld [tilespmem:$0x1FBD0];
	_ =	sdelay $0x2  }
0x17b: {  	[tilespmem:s23+$0x2190] =	vst v1;
	v1 =	vld [tilespmem:$0x1FC30]  }
0x17c: {  	v17 =	vld [tilespmem:$0x1FBF0]  }
0x17d: {  	v15 =	vmul.f32 v0, v19;
	v0 =	vld [tilespmem:$0x1FBE0];
	_ =	sdelay $0x4  }
0x17e: {  	[tilespmem:s23+$0x2180] =	vst v13;
	v13 =	vmul.f32 v0, v17;
	v17 =	vmul.f32 v48, v1;
	v1 =	vld [tilespmem:$0x1FC40];
	_ =	sdelay $0x4  }
0x17f: {  	[tilespmem:s23+$0x21A0] =	vst v10;
	v10 =	vmul.f32 v1, v45;
	v1 =	vld [tilespmem:$0x1FC50];
	_ =	sdelay $0x4  }
0x180: {  	v18 =	vmul.f32 v43, v1;
	v1 =	vld [tilespmem:$0x1FC60];
	_ =	sdelay $0x4  }
0x181: {  	[tilespmem:s23+$0x21B0] =	vst v11;
	v11 =	vmul.f32 v41, v1;
	v1 =	vld [tilespmem:$0x1FC70];
	_ =	sdelay $0x2  }
0x182: {  	v16 =	vld [tilespmem:$0x1FC10]  }
0x183: {  	v0 =	vld [tilespmem:$0x1FC00]  }
0x184: {  	v19 =	vmul.f32 v60, v1;
	v1 =	vld [tilespmem:$0x1FC80];
	_ =	sdelay $0x3  }
0x185: {  	v16 =	vmul.f32 v16, v0;
	v0 =	vld [tilespmem:$0x1FC20]  }
0x186: {  	[tilespmem:s23+$0x2200] =	vst v14;
	v14 =	vmul.f32 v1, v57;
	v1 =	vld [tilespmem:$0x1FC90];
	_ =	sdelay $0x4  }
0x187: {  	v0 =	vmul.f32 v55, v0;
	v55 =	vmul.f32 v49, v1;
	v1 =	vld [tilespmem:$0x1FCA0];
	_ =	sdelay $0x3  }
0x188: {  	v43 =	vld [tilespmem:$0x1FCF0]  }
0x189: {  	v53 =	vmul.f32 v53, v1;
	v1 =	vld [tilespmem:$0x1FCB0]  }
0x18a: {  	[tilespmem:s23+$0x2290] =	vst v0;
	v0 =	vld [tilespmem:$0x1FD20];
	_ =	sdelay $0x2  }
0x18b: {  	v41 =	vld [tilespmem:$0x1FCE0]  }
0x18c: {  	v49 =	vmul.f32 v63, v1;
	v1 =	vld [tilespmem:$0x1FCC0]  }
0x18d: {  	v63 =	vmul.f32 v30, v43;
	v43 =	vmul.f32 v44, v0;
	v0 =	vld [tilespmem:$0x1FD30];
	_ =	sdelay $0x3  }
0x18e: {  	v57 =	vmul.f32 v1, v59;
	v1 =	vld [tilespmem:$0x1FCD0]  }
0x18f: {  	v60 =	vmul.f32 v33, v41;
	v41 =	vmul.f32 v40, v0;
	v0 =	vld [tilespmem:$0x1FD40];
	_ =	sdelay $0x3  }
0x190: {  	v45 =	vld [tilespmem:$0x1FD00]  }
0x191: {  	v1 =	vmul.f32 v35, v1;
	v35 =	vmul.f32 v0, v42;
	v0 =	vld [tilespmem:$0x1FD50];
	_ =	sdelay $0x4  }
0x192: {  	v59 =	vmul.f32 v45, v29;
	v29 =	vmul.f32 v38, v0;
	v0 =	vld [tilespmem:$0x1FD60];
	_ =	sdelay $0x4  }
0x193: {  	v45 =	vmul.f32 v25, v0;
	v0 =	vld [tilespmem:$0x1FD70];
	_ =	sdelay $0x4  }
0x194: {  	v33 =	vmul.f32 v3, v0;
	v0 =	vld [tilespmem:$0x1FD80];
	_ =	sdelay $0x3  }
0x195: {  	v48 =	vld [tilespmem:$0x1FD10]  }
0x196: {  	v30 =	vmul.f32 v0, v4;
	v0 =	vld [tilespmem:$0x1FD90];
	_ =	sdelay $0x3  }
0x197: {  	v3 =	vld [tilespmem:$0x1FDE0]  }
0x198: {  	v48 =	vmul.f32 v26, v48;
	v26 =	vmul.f32 v2, v0;
	v0 =	vld [tilespmem:$0x1FDA0]  }
0x199: {  	v2 =	vld [tilespmem:$0x1FDC0]  }
0x19a: {  	[tilespmem:s23+$0x2210] =	vst v12  }
0x19b: {  	[tilespmem:s23+$0x2220] =	vst v15  }
0x19c: {  	[tilespmem:s23+$0x2230] =	vst v13;
	v42 =	vmul.f32 v46, v3;
	v3 =	vld [tilespmem:$0x1FDF0]  }
0x19d: {  	[tilespmem:s23+$0x22A0] =	vst v17;
	v25 =	vmul.f32 v5, v0;
	v0 =	vld [tilespmem:$0x1FDB0]  }
0x19e: {  	p0 =	sne.s32 s25, $0x6000;
	[tilespmem:s23+$0x2280] =	vst v16;
	v44 =	vmul.f32 v2, v7;
	v2 =	vld [tilespmem:$0x1FDD0]  }
.Ltmp1:
0x19f: {  	[tilespmem:s23+$0x22B0] =	vst v10;
	(pc) =	sbr.rel @p0 .LBB2_5-.Ltmp1, $4  }
0x1a0: {  	[tilespmem:s23+$0x2300] =	vst v18  }
0x1a1: {  	v21 =	vld [tilespmem:s23+$0x830];
	[tilespmem:s23+$0x2310] =	vst v11  }
0x1a2: {  	s24 =	sshra.s32 s25, $0x2;
	v20 =	vld [tilespmem:s23+$0x820];
	[tilespmem:s23+$0x2320] =	vst v19;
	v38 =	vmul.f32 v9, v3  }
0x1a3: {  	s25 =	sadd.s32 $0x2000, s25;
	v0 =	vmul.f32 v6, v0;
	v40 =	vmul.f32 v8, v2;
	v2 =	vld [tilespmem:s24+$0x4880];
	[tilespmem:s23+$0x2330] =	vst v14  }
0x1a4: {  	v3 =	vld [tilespmem:s24+$0x8C0]  }
0x1a5: {  	[tilespmem:s23+$0x2380] =	vst v55;
	v55 =	vld [tilespmem:$0x1FE80]  }
0x1a6: {  	v9 =	vld [tilespmem:s24+$0x4100]  }
0x1a7: {  	[tilespmem:s23+$0x2390] =	vst v53;
	v53 =	vld [tilespmem:$0x1FE70]  }
0x1a8: {  	v11 =	vld [tilespmem:s24+$0x140]  }
0x1a9: {  	[tilespmem:s23+$0x23A0] =	vst v49;
	v49 =	vld [tilespmem:$0x1FE60]  }
0x1aa: {  	v12 =	vld [tilespmem:s24+$0x4180];
	[tilespmem:s23+$0x23B0] =	vst v57  }
0x1ab: {  	v10 =	vld [tilespmem:s24+$0x1C0];
	[tilespmem:s23+$0x2400] =	vst v1  }
0x1ac: {  	v13 =	vld [tilespmem:s24+$0x4200];
	[tilespmem:s23+$0x2410] =	vst v60  }
0x1ad: {  	v14 =	vld [tilespmem:s24+$0x240]  }
0x1ae: {  	[tilespmem:s23+$0x2420] =	vst v63;
	v7 =	vmul.f32 v54, v53;
	v53 =	vld [tilespmem:$0x1FEE0]  }
0x1af: {  	v16 =	vld [tilespmem:s24+$0x4280];
	[tilespmem:s23+$0x2430] =	vst v59  }
0x1b0: {  	v17 =	vld [tilespmem:s24+$0x2C0];
	[tilespmem:s23+$0x2480] =	vst v48  }
0x1b1: {  	v18 =	vld [tilespmem:s24+$0x4300];
	[tilespmem:s23+$0x2490] =	vst v43  }
0x1b2: {  	v19 =	vld [tilespmem:s24+$0x340];
	[tilespmem:s23+$0x24A0] =	vst v41  }
0x1b3: {  	v41 =	vld [tilespmem:s24+$0x4380];
	[tilespmem:s23+$0x24B0] =	vst v35  }
0x1b4: {  	v35 =	vld [tilespmem:s24+$0x3C0];
	[tilespmem:s23+$0x2500] =	vst v29  }
0x1b5: {  	v29 =	vld [tilespmem:s24+$0x4400];
	[tilespmem:s23+$0x2510] =	vst v45  }
0x1b6: {  	v43 =	vld [tilespmem:s24+$0x440];
	[tilespmem:s23+$0x2520] =	vst v33  }
0x1b7: {  	v15 =	vld [tilespmem:s24+$0x4480];
	[tilespmem:s23+$0x2530] =	vst v30  }
0x1b8: {  	v8 =	vadd.f32 v3, v2;
	v30 =	vld [tilespmem:s24+$0x4C0];
	[tilespmem:s23+$0x2580] =	vst v26  }
0x1b9: {  	v45 =	vld [tilespmem:s24+$0x4500];
	[tilespmem:s23+$0x2590] =	vst v25  }
0x1ba: {  	v2 =	vmul.f32 $2.000000030e-01, v8;
	v46 =	vld [tilespmem:s24+$0x540];
	[tilespmem:s23+$0x25A0] =	vst v0  }
0x1bb: {  	vm1 =	vge.f32 v8, $0.0e+00;
	v48 =	vld [tilespmem:s24+$0x4580]  }
0x1bc: {  	v1 =	vsel vm1, v8, v2;
	[tilespmem:s23+$0x25B0] =	vst v44;
	v44 =	vld [tilespmem:$0x1FE40]  }
0x1bd: {  	v60 =	vld [tilespmem:$0x1FEA0];
	v25 =	vmul.f32 $1.442695020e+00, v1  }
0x1be: {  	v59 =	vld [tilespmem:$0x1FE90]  }
0x1bf: {  	v54 =	vmul.f32 v24, v53;
	v53 =	vld [tilespmem:$0x1FF40];
	(erf) = vpow2.f32 v25  }
0x1c0: {  	v25 =	vld [tilespmem:$0x1FEB0]  }
0x1c1: {  	v1 =	vmul.f32 v44, v47;
	v47 =	vld [tilespmem:$0x1FE50]  }
0x1c2: {  	v26 =	vld [tilespmem:s24+$0x8B0];
	[tilespmem:s23+$0x2600] =	vst v40  }
0x1c3: {  	v40 =	vld [tilespmem:s24+$0x5C0];
	[tilespmem:s23+$0x2610] =	vst v42  }
0x1c4: {  	v6 =	vld [tilespmem:s24+$0x4600];
	[tilespmem:s23+$0x2620] =	vst v38  }
0x1c5: {  	v38 =	vld [tilespmem:s24+$0x640];
	[tilespmem:s23+$0x2630] =	vst v1  }
0x1c6: {  	v4 =	vld [tilespmem:s24+$0x4680];
	v2 =	vmul.f32 v50, v47  }
0x1c7: {  	v50 =	vmul.f32 v51, v49;
	v49 =	vld [tilespmem:$0x1FEC0]  }
0x1c8: {  	v33 =	vpop (erf);
	v47 =	vmul.f32 v61, v25;
	v61 =	vld [tilespmem:$0x1FF10];
	[tilespmem:s23+$0x2680] =	vst v2  }
0x1c9: {  	v51 =	vbroadcast v33, $0x6;
	v5 =	vbroadcast v33, $0x7;
	v42 =	vld [tilespmem:s24+$0x6C0]  }
0x1ca: {  	v11 =	vadd.f32 v11, v9;
	[tilespmem:s23+$0x2690] =	vst v50;
	v50 =	vld [tilespmem:$0x1FED0]  }
0x1cb: {  	v20 =	vmul.f32 v36, v20;
	v2 =	vsel vm0, v51, v5;
	v5 =	vld [tilespmem:s24+$0x4700];
	[tilespmem:s23+$0x26A0] =	vst v7  }
0x1cc: {  	v36 =	vmul.f32 $2.000000030e-01, v11;
	v0 =	vmul.f32 v26, v2;
	v44 =	vld [tilespmem:s24+$0x740]  }
0x1cd: {  	vm1 =	vge.f32 v11, $0.0e+00;
	v2 =	vld [tilespmem:s24+$0x4780]  }
0x1ce: {  	v57 =	vmul.f32 v55, v52;
	v11 =	vsel vm1, v11, v36;
	[tilespmem:s24+$0x28B0] =	vst v0;
	v0 =	vmul.f32 v56, v59;
	v56 =	vld [tilespmem:$0x1FEF0]  }
0x1cf: {  	v11 =	vmul.f32 $1.442695020e+00, v11;
	v59 =	vld [tilespmem:$0x1FF00]  }
0x1d0: {  	v8 =	vmul.f32 v49, v62;
	v62 =	vmul.f32 v31, v61;
	v31 =	vld [tilespmem:$0x1FF50];
	[tilespmem:s23+$0x26B0] =	vst v57  }
0x1d1: {  	v63 =	vmul.f32 v58, v60;
	v26 =	vld [tilespmem:s24+$0x7C0];
	[tilespmem:s23+$0x2700] =	vst v0  }
0x1d2: {  	(erf) = vpow2.f32 v11;
	v0 =	vld [tilespmem:s24+$0x4800]  }
0x1d3: {  	[tilespmem:s23+$0x2710] =	vst v63;
	v63 =	vld [tilespmem:$0x1FF20]  }
0x1d4: {  	v3 =	vld [tilespmem:s24+$0x840]  }
0x1d5: {  	v51 =	vmul.f32 v23, v50;
	[tilespmem:s23+$0x2720] =	vst v47;
	v47 =	vld [tilespmem:$0x1FF30]  }
0x1d6: {  	v12 =	vadd.f32 v10, v12;
	v25 =	vld [tilespmem:s24+$0x100];
	[tilespmem:s23+$0x2730] =	vst v8  }
0x1d7: {  	v21 =	vmul.f32 v21, v39;
	v18 =	vadd.f32 v19, v18;
	v57 =	vmul.f32 v27, v56;
	v52 =	vld [tilespmem:s24+$0x110];
	[tilespmem:s23+$0x2780] =	vst v51  }
0x1d8: {  	vm1 =	vge.f32 v12, $0.0e+00;
	v17 =	vadd.f32 v17, v16;
	v60 =	vmul.f32 v59, v28;
	v55 =	vld [tilespmem:s24+$0x120];
	[tilespmem:s23+$0x2790] =	vst v54  }
0x1d9: {  	v36 =	vadd.f32 v30, v15;
	v46 =	vadd.f32 v46, v45;
	v61 =	vmul.f32 $2.000000030e-01, v18;
	v58 =	vld [tilespmem:s24+$0x130];
	[tilespmem:s23+$0x27A0] =	vst v57  }
0x1da: {  	v6 =	vadd.f32 v38, v6;
	v51 =	vmul.f32 $2.000000030e-01, v12;
	v7 =	vmul.f32 v34, v63;
	v34 =	vld [tilespmem:s24+$0x180];
	[tilespmem:s23+$0x27B0] =	vst v60  }
0x1db: {  	v4 =	vadd.f32 v42, v4;
	v54 =	vmul.f32 v37, v53;
	v37 =	vpop (erf);
	v2 =	vadd.f32 v26, v2;
	v50 =	vld [tilespmem:s24+$0x190];
	[tilespmem:s23+$0x2800] =	vst v62  }
0x1dc: {  	v12 =	vsel vm1, v12, v51;
	v51 =	vmul.f32 $2.000000030e-01, v6;
	v26 =	vbroadcast v37, $0x1;
	[tilespmem:$0x1F960] =	vst v52  }
0x1dd: {  	v5 =	vadd.f32 v44, v5;
	v30 =	vbroadcast v37, $0x4;
	v24 =	vbroadcast v37, $0x7;
	[tilespmem:$0x1F970] =	vst v55  }
0x1de: {  	v49 =	vmul.f32 v32, v47;
	v12 =	vmul.f32 $1.442695020e+00, v12;
	v62 =	vadd.f32 v35, v41;
	v55 =	vld [tilespmem:s24+$0x1A0];
	[tilespmem:s23+$0x2810] =	vst v7  }
0x1df: {  	v32 =	vmul.f32 v22, v31;
	v47 =	vmul.f32 $2.000000030e-01, v46;
	v52 =	vadd.f32 v14, v13;
	[tilespmem:$0x1F980] =	vst v58  }
0x1e0: {  	v0 =	vadd.f32 v3, v0;
	(erf) = vpow2.f32 v12;
	v63 =	vmul.f32 $2.000000030e-01, v62;
	v57 =	vld [tilespmem:s24+$0x1B0];
	[tilespmem:s23+$0x2820] =	vst v20  }
0x1e1: {  	v7 =	vadd.f32 v43, v29;
	v43 =	vmul.f32 $2.000000030e-01, v36;
	v56 =	vmul.f32 $2.000000030e-01, v52;
	[tilespmem:$0x1F990] =	vst v34  }
0x1e2: {  	v29 =	vbroadcast v37, $0x3;
	vm1 =	vge.f32 v52, $0.0e+00;
	v58 =	vmul.f32 $2.000000030e-01, v17;
	v16 =	vld [tilespmem:s24+$0x200];
	[tilespmem:s23+$0x2830] =	vst v21  }
0x1e3: {  	v59 =	vsel vm1, v52, v56;
	vm1 =	vge.f32 v17, $0.0e+00;
	v34 =	vld [tilespmem:s24+$0x210];
	[tilespmem:s23+$0x2880] =	vst v49;
	v49 =	vadd.f32 v40, v48  }
0x1e4: {  	v35 =	vmul.f32 $2.000000030e-01, v7;
	[tilespmem:$0x1F9A0] =	vst v50;
	v60 =	vmul.f32 $1.442695020e+00, v59;
	v11 =	vsel vm1, v17, v58  }
0x1e5: {  	vm1 =	vge.f32 v18, $0.0e+00;
	v17 =	vld [tilespmem:s24+$0x220];
	[tilespmem:s23+$0x2890] =	vst v54;
	v11 =	vmul.f32 $1.442695020e+00, v11;
	v50 =	vmul.f32 $2.000000030e-01, v49  }
0x1e6: {  	[tilespmem:$0x1F9B0] =	vst v55;
	v12 =	vsel vm1, v18, v61;
	v55 =	vmul.f32 $2.000000030e-01, v4;
	v61 =	vmul.f32 $2.000000030e-01, v2  }
0x1e7: {  	vm1 =	vge.f32 v62, $0.0e+00;
	v21 =	vld [tilespmem:s24+$0x230];
	[tilespmem:s23+$0x28A0] =	vst v32;
	v32 =	vbroadcast v37, $0x5;
	(erf) = vpow2.f32 v60  }
0x1e8: {  	v12 =	vmul.f32 $1.442695020e+00, v12;
	v20 =	vsel vm1, v62, v63;
	v60 =	vmul.f32 $2.000000030e-01, v5  }
0x1e9: {  	vm1 =	vge.f32 v7, $0.0e+00;
	v63 =	vmul.f32 $2.000000030e-01, v0;
	(erf) = vpow2.f32 v11  }
0x1ea: {  	v41 =	vmul.f32 $1.442695020e+00, v20;
	v18 =	vsel vm1, v7, v35;
	vm1 =	vge.f32 v36, $0.0e+00  }
0x1eb: {  	(erf) = vpow2.f32 v12;
	v27 =	vmul.f32 $1.442695020e+00, v18;
	v11 =	vsel vm1, v36, v43  }
0x1ec: {  	v28 =	vpop (erf);
	vm1 =	vge.f32 v46, $0.0e+00;
	(erf) = vpow2.f32 v41;
	v11 =	vmul.f32 $1.442695020e+00, v11  }
0x1ed: {  	v12 =	vsel vm1, v46, v47;
	v36 =	vbroadcast v28, $0x0;
	v1 =	vbroadcast v28, $0x3  }
0x1ee: {  	vm1 =	vge.f32 v49, $0.0e+00;
	(erf) = vpow2.f32 v27;
	v12 =	vmul.f32 $1.442695020e+00, v12  }
0x1ef: {  	v20 =	vsel vm1, v49, v50;
	vm1 =	vge.f32 v6, $0.0e+00;
	v27 =	vbroadcast v37, $0x2  }
0x1f0: {  	v20 =	vmul.f32 $1.442695020e+00, v20;
	v6 =	vsel vm1, v6, v51;
	vm1 =	vge.f32 v4, $0.0e+00  }
0x1f1: {  	v19 =	vld [tilespmem:s24+$0x510];
	v6 =	vmul.f32 $1.442695020e+00, v6;
	v4 =	vsel vm1, v4, v55;
	vm1 =	vge.f32 v5, $0.0e+00  }
0x1f2: {  	v18 =	vld [tilespmem:s24+$0x500];
	v4 =	vmul.f32 $1.442695020e+00, v4;
	v62 =	vsel vm1, v5, v60;
	vm1 =	vge.f32 v2, $0.0e+00  }
0x1f3: {  	v3 =	vmul.f32 $1.442695020e+00, v62;
	v2 =	vsel vm1, v2, v61;
	v62 =	vbroadcast v28, $0x1  }
0x1f4: {  	vm1 =	vge.f32 v0, $0.0e+00;
	v23 =	vpop (erf);
	(erf) = vpow2.f32 v11;
	v2 =	vmul.f32 $1.442695020e+00, v2  }
0x1f5: {  	v5 =	vld [tilespmem:s24+$0x590];
	v0 =	vsel vm1, v0, v63;
	v11 =	vbroadcast v37, $0x0;
	v63 =	vbroadcast v28, $0x2  }
0x1f6: {  	[tilespmem:$0x1F9E0] =	vst v19;
	v19 =	vld [tilespmem:$0x1F990];
	v22 =	vpop (erf);
	(erf) = vpow2.f32 v12;
	v0 =	vmul.f32 $1.442695020e+00, v0  }
0x1f7: {  	[tilespmem:$0x1F9D0] =	vst v18;
	v18 =	vld [tilespmem:$0x1F980];
	v46 =	vpop (erf);
	(erf) = vpow2.f32 v20;
	v11 =	vsel vm0, v11, v26;
	v26 =	vbroadcast v28, $0x6  }
0x1f8: {  	v27 =	vsel vm0, v27, v29;
	v42 =	vpop (erf);
	(erf) = vpow2.f32 v6;
	v6 =	vbroadcast v37, $0x6  }
0x1f9: {  	v1 =	vsel vm0, v63, v1;
	v38 =	vmul.f32 v11, v25;
	v31 =	vpop (erf);
	(erf) = vpow2.f32 v4;
	v4 =	vld [tilespmem:$0x1F960]  }
0x1fa: {  	v29 =	vld [tilespmem:s24+$0x580];
	v25 =	vbroadcast v23, $0x0;
	[tilespmem:$0x1FA00] =	vst v5;
	v11 =	vsel vm0, v36, v62;
	v5 =	vbroadcast v23, $0x4  }
0x1fb: {  	[tilespmem:$0x1F9C0] =	vst v57;
	v63 =	vmul.f32 v11, v19;
	v19 =	vbroadcast v23, $0x6;
	v24 =	vsel vm0, v6, v24;
	v6 =	vld [tilespmem:$0x1F970]  }
0x1fc: {  	[tilespmem:s24+$0x2140] =	vst v37;
	v32 =	vsel vm0, v30, v32;
	v30 =	vmul.f32 v18, v24;
	v24 =	vbroadcast v23, $0x3  }
0x1fd: {  	[tilespmem:s24+$0x28C0] =	vst v33;
	v11 =	vld [tilespmem:s24+$0x610];
	v20 =	vpop (erf);
	(erf) = vpow2.f32 v3;
	v3 =	vbroadcast v28, $0x5  }
0x1fe: {  	[tilespmem:s24+$0x21C0] =	vst v28;
	v37 =	vmul.f32 v27, v4;
	v27 =	vbroadcast v23, $0x1  }
0x1ff: {  	[tilespmem:$0x1F9F0] =	vst v29;
	v4 =	vbroadcast v23, $0x2;
	v12 =	vpop (erf);
	(erf) = vpow2.f32 v2  }
0x200: {  	v15 =	vld [tilespmem:s24+$0x280];
	[tilespmem:s24+$0x2100] =	vst v38;
	v29 =	vmul.f32 v32, v6;
	v2 =	vbroadcast v22, $0x0  }
0x201: {  	v18 =	vld [tilespmem:$0x1F9B0];
	[tilespmem:s24+$0x2180] =	vst v63;
	v63 =	vbroadcast v20, $0x0;
	v7 =	vpop (erf);
	(erf) = vpow2.f32 v0  }
0x202: {  	[tilespmem:$0x1FA20] =	vst v11;
	v6 =	vld [tilespmem:$0x1F9A0];
	v0 =	vbroadcast v28, $0x4;
	v28 =	vbroadcast v28, $0x7;
	v25 =	vsel vm0, v25, v27  }
0x203: {  	v11 =	vld [tilespmem:s24+$0x690];
	v4 =	vsel vm0, v4, v24;
	[tilespmem:s24+$0x2110] =	vst v37;
	v37 =	vbroadcast v20, $0x7;
	v38 =	vbroadcast v12, $0x0  }
0x204: {  	[tilespmem:s24+$0x2240] =	vst v23;
	v27 =	vld [tilespmem:$0x1F9C0];
	v24 =	vmul.f32 v25, v16;
	v34 =	vmul.f32 v4, v34  }
0x205: {  	[tilespmem:s24+$0x22C0] =	vst v22;
	v4 =	vbroadcast v22, $0x2;
	v16 =	vld [tilespmem:s24+$0x6A0];
	v3 =	vsel vm0, v0, v3;
	v0 =	vbroadcast v23, $0x5  }
0x206: {  	v41 =	vld [tilespmem:s24+$0x290];
	[tilespmem:s24+$0x2340] =	vst v46;
	v26 =	vsel vm0, v26, v28;
	v23 =	vbroadcast v23, $0x7;
	v28 =	vmul.f32 v3, v18  }
0x207: {  	[tilespmem:s24+$0x2210] =	vst v34;
	v34 =	vbroadcast v7, $0x7;
	v32 =	vmul.f32 v1, v6;
	v6 =	vld [tilespmem:s24+$0x680];
	v0 =	vsel vm0, v5, v0  }
0x208: {  	v54 =	vld [tilespmem:s24+$0x2B0];
	[tilespmem:s24+$0x23C0] =	vst v42;
	v5 =	vbroadcast v22, $0x1;
	v1 =	vsel vm0, v19, v23;
	v23 =	vbroadcast v22, $0x5  }
0x209: {  	[tilespmem:$0x1FA40] =	vst v11;
	v11 =	vld [tilespmem:s24+$0x700];
	v18 =	vmul.f32 v0, v17;
	v17 =	vbroadcast v22, $0x3  }
0x20a: {  	v62 =	vld [tilespmem:s24+$0x600];
	v26 =	vmul.f32 v27, v26;
	v19 =	vmul.f32 v21, v1;
	[tilespmem:$0x1FA50] =	vst v16  }
0x20b: {  	v59 =	vld [tilespmem:s24+$0x310];
	v16 =	vbroadcast v22, $0x6;
	[tilespmem:s24+$0x2190] =	vst v32;
	v4 =	vsel vm0, v4, v17;
	v17 =	vbroadcast v22, $0x7  }
0x20c: {  	v32 =	vbroadcast v7, $0x6;
	[tilespmem:$0x1FA30] =	vst v6;
	v6 =	vsel vm0, v2, v5;
	v5 =	vbroadcast v22, $0x4  }
0x20d: {  	v47 =	vld [tilespmem:s24+$0x2A0];
	[tilespmem:s24+$0x2440] =	vst v31;
	v3 =	vsel vm0, v16, v17;
	v16 =	vbroadcast v46, $0x2;
	v17 =	vbroadcast v46, $0x3  }
0x20e: {  	[tilespmem:$0x1FA60] =	vst v11;
	v11 =	vbroadcast v46, $0x1;
	v41 =	vmul.f32 v4, v41  }
0x20f: {  	[tilespmem:$0x1FA10] =	vst v62;
	v5 =	vsel vm0, v5, v23;
	v23 =	vbroadcast v46, $0x0;
	v0 =	vsel vm0, v16, v17  }
0x210: {  	[tilespmem:s24+$0x2130] =	vst v30;
	v16 =	vmul.f32 v54, v3;
	v17 =	vmul.f32 v0, v59  }
0x211: {  	v57 =	vld [tilespmem:s24+$0x300];
	[tilespmem:s24+$0x24C0] =	vst v20;
	v59 =	vbroadcast v46, $0x4;
	v1 =	vsel vm0, v23, v11;
	v11 =	vmul.f32 v6, v15  }
0x212: {  	v48 =	vld [tilespmem:s24+$0x320];
	[tilespmem:s24+$0x2540] =	vst v12;
	v15 =	vmul.f32 v5, v47;
	v5 =	vbroadcast v46, $0x5  }
0x213: {  	[tilespmem:s24+$0x25C0] =	vst v7;
	v8 =	vpop (erf);
	v3 =	vbroadcast v42, $0x0;
	v0 =	vbroadcast v42, $0x1;
	v6 =	vld [tilespmem:s24+$0x800]  }
0x214: {  	v60 =	vld [tilespmem:s24+$0x3A0];
	v2 =	vbroadcast v46, $0x6;
	[tilespmem:s24+$0x2290] =	vst v41;
	v41 =	vbroadcast v8, $0x1;
	v47 =	vsel vm0, v59, v5  }
0x215: {  	v55 =	vld [tilespmem:s24+$0x330];
	[tilespmem:s24+$0x2120] =	vst v29;
	v5 =	vsel vm0, v3, v0;
	v3 =	vbroadcast v42, $0x4;
	v0 =	vbroadcast v42, $0x5  }
0x216: {  	[tilespmem:s24+$0x2640] =	vst v8;
	v9 =	vpop (erf);
	v46 =	vbroadcast v46, $0x7;
	v57 =	vmul.f32 v1, v57  }
0x217: {  	v58 =	vld [tilespmem:s24+$0x390];
	[tilespmem:s24+$0x26C0] =	vst v9;
	v1 =	vbroadcast v42, $0x3;
	v0 =	vsel vm0, v3, v0;
	v3 =	vmul.f32 v47, v48  }
0x218: {  	v36 =	vld [tilespmem:s24+$0x5B0];
	v47 =	vbroadcast v31, $0x2;
	[tilespmem:$0x1FAA0] =	vst v6;
	v6 =	vsel vm0, v2, v46;
	v2 =	vbroadcast v42, $0x2  }
0x219: {  	v56 =	vld [tilespmem:s24+$0x380];
	[tilespmem:s24+$0x2200] =	vst v24;
	v10 =	vpop (erf);
	v0 =	vmul.f32 v0, v60;
	v60 =	vbroadcast v31, $0x0  }
0x21a: {  	v61 =	vld [tilespmem:s24+$0x3B0];
	[tilespmem:s24+$0x21A0] =	vst v28;
	v13 =	vpop (erf);
	v6 =	vmul.f32 v55, v6;
	v4 =	vsel vm0, v2, v1;
	v2 =	vbroadcast v42, $0x6  }
0x21b: {  	v1 =	vbroadcast v42, $0x7;
	[tilespmem:s24+$0x23A0] =	vst v0;
	v0 =	vsel vm0, v32, v34;
	v32 =	vbroadcast v13, $0x0  }
0x21c: {  	v49 =	vld [tilespmem:s24+$0x400];
	[tilespmem:s24+$0x21B0] =	vst v26;
	v34 =	vbroadcast v13, $0x1;
	v4 =	vmul.f32 v4, v58  }
0x21d: {  	v50 =	vld [tilespmem:s24+$0x410];
	[tilespmem:s24+$0x2220] =	vst v18;
	v58 =	vbroadcast v31, $0x4;
	v0 =	vmul.f32 v36, v0  }
0x21e: {  	[tilespmem:s24+$0x2230] =	vst v19;
	v22 =	vld [tilespmem:s24+$0x710];
	v1 =	vsel vm0, v2, v1;
	v2 =	vmul.f32 v5, v56;
	v56 =	vbroadcast v31, $0x3  }
0x21f: {  	[tilespmem:s24+$0x2740] =	vst v10;
	v1 =	vmul.f32 v61, v1;
	v61 =	vbroadcast v31, $0x1  }
0x220: {  	v53 =	vld [tilespmem:s24+$0x480];
	[tilespmem:s24+$0x27C0] =	vst v13;
	v14 =	vpop (erf);
	v36 =	vbroadcast v13, $0x3;
	v29 =	vsel vm0, v47, v56;
	v47 =	vbroadcast v20, $0x1  }
0x221: {  	[tilespmem:s24+$0x2840] =	vst v14;
	v56 =	vbroadcast v20, $0x2;
	v5 =	vsel vm0, v60, v61;
	v60 =	vbroadcast v31, $0x5  }
0x222: {  	v54 =	vld [tilespmem:s24+$0x790];
	[tilespmem:s24+$0x22B0] =	vst v16;
	v61 =	vbroadcast v31, $0x6;
	v31 =	vbroadcast v31, $0x7  }
0x223: {  	v52 =	vld [tilespmem:s24+$0x430];
	[tilespmem:$0x1FA70] =	vst v22;
	v28 =	vmul.f32 v29, v50;
	v5 =	vmul.f32 v5, v49  }
0x224: {  	v51 =	vld [tilespmem:s24+$0x420];
	[tilespmem:s24+$0x2310] =	vst v17;
	v50 =	vsel vm0, v63, v47;
	v63 =	vbroadcast v20, $0x6;
	v47 =	vbroadcast v12, $0x1  }
0x225: {  	v23 =	vld [tilespmem:s24+$0x780];
	[tilespmem:s24+$0x2280] =	vst v11;
	v49 =	vbroadcast v12, $0x2;
	v24 =	vmul.f32 v50, v53  }
0x226: {  	[tilespmem:s24+$0x22A0] =	vst v15;
	v30 =	vsel vm0, v58, v60;
	v58 =	vbroadcast v20, $0x3;
	v60 =	vbroadcast v20, $0x4  }
0x227: {  	v59 =	vld [tilespmem:s24+$0x810];
	[tilespmem:$0x1FA90] =	vst v54;
	v31 =	vsel vm0, v61, v31;
	v61 =	vbroadcast v20, $0x5;
	v50 =	vbroadcast v12, $0x3  }
0x228: {  	v44 =	vld [tilespmem:s24+$0x4B0];
	v53 =	vbroadcast v12, $0x6;
	[tilespmem:s24+$0x2410] =	vst v28;
	v28 =	vbroadcast v10, $0x6  }
0x229: {  	[tilespmem:s24+$0x2300] =	vst v57;
	v26 =	vmul.f32 v30, v51;
	v30 =	vmul.f32 v52, v31  }
0x22a: {  	v45 =	vld [tilespmem:s24+$0x490];
	[tilespmem:$0x1FA80] =	vst v23;
	v51 =	vbroadcast v12, $0x4;
	v52 =	vbroadcast v12, $0x5  }
0x22b: {  	v43 =	vld [tilespmem:s24+$0x4A0];
	[tilespmem:s24+$0x2320] =	vst v3;
	v19 =	vsel vm0, v63, v37;
	v12 =	vbroadcast v12, $0x7;
	v63 =	vbroadcast v7, $0x3  }
0x22c: {  	v57 =	vld [tilespmem:$0x1F9E0];
	[tilespmem:$0x1FAB0] =	vst v59;
	v20 =	vsel vm0, v38, v47;
	v31 =	vbroadcast v7, $0x5;
	v47 =	vbroadcast v8, $0x5  }
0x22d: {  	v39 =	vld [tilespmem:s24+$0x520];
	[tilespmem:s24+$0x2330] =	vst v6;
	v29 =	vsel vm0, v56, v58;
	v15 =	vmul.f32 v44, v19;
	v58 =	vbroadcast v7, $0x0  }
0x22e: {  	v40 =	vld [tilespmem:s24+$0x530];
	[tilespmem:s24+$0x2390] =	vst v4;
	v18 =	vsel vm0, v60, v61;
	v60 =	vbroadcast v7, $0x1;
	v61 =	vbroadcast v7, $0x2  }
0x22f: {  	v35 =	vld [tilespmem:s24+$0x5A0];
	[tilespmem:s24+$0x25B0] =	vst v0;
	v19 =	vsel vm0, v49, v50;
	v44 =	vbroadcast v8, $0x3;
	v49 =	vbroadcast v8, $0x6  }
0x230: {  	[tilespmem:s24+$0x2480] =	vst v24;
	v24 =	vbroadcast v10, $0x2;
	v11 =	vmul.f32 v29, v45  }
0x231: {  	[tilespmem:s24+$0x2380] =	vst v2;
	v18 =	vmul.f32 v18, v43;
	v19 =	vmul.f32 v19, v57  }
0x232: {  	[tilespmem:s24+$0x23B0] =	vst v1;
	v29 =	vbroadcast v7, $0x4;
	v43 =	vbroadcast v8, $0x2  }
0x233: {  	[tilespmem:s24+$0x2400] =	vst v5;
	v16 =	vsel vm0, v51, v52;
	v45 =	vbroadcast v8, $0x4;
	v52 =	vbroadcast v9, $0x0  }
0x234: {  	v12 =	vsel vm0, v53, v12;
	[tilespmem:s24+$0x2420] =	vst v26;
	v53 =	vbroadcast v9, $0x1;
	v57 =	vbroadcast v9, $0x3  }
0x235: {  	v37 =	vld [tilespmem:$0x1F9F0];
	[tilespmem:s24+$0x2430] =	vst v30;
	v26 =	vbroadcast v10, $0x4;
	v16 =	vmul.f32 v16, v39  }
0x236: {  	v38 =	vld [tilespmem:$0x1FA00];
	v12 =	vmul.f32 v40, v12;
	v40 =	vbroadcast v8, $0x0;
	[tilespmem:s24+$0x24B0] =	vst v15  }
0x237: {  	v3 =	vsel vm0, v58, v60;
	v8 =	vbroadcast v8, $0x7;
	v58 =	vbroadcast v9, $0x4;
	[tilespmem:s24+$0x2490] =	vst v11  }
0x238: {  	v62 =	vld [tilespmem:s24+$0x620];
	v2 =	vsel vm0, v61, v63;
	v60 =	vbroadcast v9, $0x5;
	v61 =	vbroadcast v9, $0x6;
	[tilespmem:s24+$0x24A0] =	vst v18  }
0x239: {  	v56 =	vld [tilespmem:$0x1F9D0];
	v4 =	vsel vm0, v29, v31;
	[tilespmem:s24+$0x2510] =	vst v19;
	v19 =	vbroadcast v10, $0x0;
	v29 =	vbroadcast v10, $0x7  }
0x23a: {  	v50 =	vld [tilespmem:$0x1FA10];
	v6 =	vsel vm0, v43, v44;
	v44 =	vbroadcast v14, $0x0;
	v3 =	vmul.f32 v3, v37;
	[tilespmem:s24+$0x2520] =	vst v16  }
0x23b: {  	v27 =	vld [tilespmem:s24+$0x630];
	v5 =	vsel vm0, v45, v47;
	v45 =	vbroadcast v14, $0x1;
	v2 =	vmul.f32 v2, v38;
	[tilespmem:s24+$0x2530] =	vst v12  }
0x23c: {  	v51 =	vld [tilespmem:$0x1FA20];
	v47 =	vbroadcast v14, $0x2;
	v39 =	vmul.f32 v4, v35;
	[tilespmem:s24+$0x2580] =	vst v3  }
0x23d: {  	v21 =	vld [tilespmem:s24+$0x730];
	v5 =	vmul.f32 v5, v62;
	v35 =	vbroadcast v13, $0x2;
	[tilespmem:s24+$0x2590] =	vst v2  }
0x23e: {  	v54 =	vld [tilespmem:s24+$0x7A0];
	v4 =	vsel vm0, v40, v41;
	v37 =	vbroadcast v13, $0x4;
	v20 =	vmul.f32 v20, v56;
	[tilespmem:s24+$0x25A0] =	vst v39  }
0x23f: {  	v63 =	vld [tilespmem:$0x1FA40];
	v7 =	vsel vm0, v49, v8;
	v38 =	vbroadcast v13, $0x5;
	v4 =	vmul.f32 v4, v50;
	[tilespmem:s24+$0x2620] =	vst v5  }
0x240: {  	v18 =	vld [tilespmem:$0x1FA50];
	v8 =	vsel vm0, v52, v53;
	v40 =	vbroadcast v13, $0x7;
	v7 =	vmul.f32 v27, v7;
	[tilespmem:s24+$0x2500] =	vst v20  }
0x241: {  	v25 =	vld [tilespmem:s24+$0x6B0];
	v56 =	vbroadcast v9, $0x2;
	v6 =	vmul.f32 v6, v51;
	v2 =	vsel vm0, v28, v29;
	[tilespmem:s24+$0x2600] =	vst v4  }
0x242: {  	v22 =	vld [tilespmem:s24+$0x720];
	v49 =	vbroadcast v14, $0x3;
	v5 =	vsel vm0, v37, v38;
	v2 =	vmul.f32 v21, v2;
	[tilespmem:s24+$0x2630] =	vst v7  }
0x243: {  	v62 =	vld [tilespmem:$0x1FA30];
	v9 =	vbroadcast v9, $0x7;
	v15 =	vsel vm0, v56, v57;
	v5 =	vmul.f32 v5, v54;
	[tilespmem:s24+$0x2610] =	vst v6  }
0x244: {  	v11 =	vsel vm0, v58, v60;
	v41 =	vld [tilespmem:$0x1FA80];
	v27 =	vbroadcast v10, $0x5;
	v15 =	vmul.f32 v15, v63;
	[tilespmem:s24+$0x2730] =	vst v2  }
0x245: {  	v43 =	vld [tilespmem:$0x1FA90];
	v52 =	vbroadcast v14, $0x6;
	v9 =	vsel vm0, v61, v9;
	v11 =	vmul.f32 v11, v18;
	[tilespmem:s24+$0x27A0] =	vst v5  }
0x246: {  	v23 =	vld [tilespmem:s24+$0x7B0];
	v53 =	vbroadcast v14, $0x7;
	v0 =	vsel vm0, v26, v27;
	v9 =	vmul.f32 v25, v9;
	[tilespmem:s24+$0x2690] =	vst v15  }
0x247: {  	v30 =	vld [tilespmem:$0x1FA60];
	v50 =	vbroadcast v14, $0x4;
	v0 =	vmul.f32 v0, v22;
	[tilespmem:s24+$0x26A0] =	vst v11  }
0x248: {  	v59 =	vld [tilespmem:s24+$0x820];
	v39 =	vbroadcast v13, $0x6;
	v4 =	vsel vm0, v32, v34;
	v8 =	vmul.f32 v8, v62;
	[tilespmem:s24+$0x26B0] =	vst v9  }
0x249: {  	v31 =	vld [tilespmem:$0x1FA70];
	v20 =	vbroadcast v10, $0x1;
	v6 =	vsel vm0, v35, v36;
	v4 =	vmul.f32 v4, v41;
	[tilespmem:s24+$0x2720] =	vst v0  }
0x24a: {  	v51 =	vbroadcast v14, $0x5;
	v56 =	vld [tilespmem:$0x1FAB0];
	v7 =	vsel vm0, v39, v40;
	v6 =	vmul.f32 v6, v43;
	[tilespmem:s24+$0x2680] =	vst v8  }
0x24b: {  	v42 =	vld [tilespmem:s24+$0x880];
	v25 =	vbroadcast v10, $0x3;
	v3 =	vsel vm0, v19, v20;
	v7 =	vmul.f32 v23, v7;
	[tilespmem:s24+$0x2780] =	vst v4  }
0x24c: {  	v58 =	vbroadcast v33, $0x1;
	v54 =	vld [tilespmem:$0x1FAA0];
	v2 =	vsel vm0, v50, v51;
	v3 =	vmul.f32 v3, v30;
	[tilespmem:s24+$0x2790] =	vst v6  }
0x24d: {  	v46 =	vld [tilespmem:s24+$0x830];
	v57 =	vbroadcast v33, $0x0;
	v1 =	vsel vm0, v24, v25;
	v2 =	vmul.f32 v2, v59;
	[tilespmem:s24+$0x27B0] =	vst v7  }
0x24e: {  	v55 =	vld [tilespmem:s24+$0x8A0];
	v60 =	vbroadcast v33, $0x3;
	v0 =	vsel vm0, v47, v49;
	v1 =	vmul.f32 v1, v31;
	[tilespmem:s24+$0x2700] =	vst v3  }
0x24f: {  	v48 =	vld [tilespmem:s24+$0x890];
	v61 =	vbroadcast v33, $0x4;
	v4 =	vsel vm0, v57, v58;
	v0 =	vmul.f32 v0, v56;
	[tilespmem:s24+$0x2820] =	vst v2  }
0x250: {  	v62 =	vbroadcast v33, $0x5;
	v3 =	vsel vm0, v44, v45;
	v4 =	vmul.f32 v4, v42;
	[tilespmem:s24+$0x2710] =	vst v1  }
0x251: {  	v59 =	vbroadcast v33, $0x2;
	v3 =	vmul.f32 v3, v54;
	v1 =	vsel vm0, v52, v53;
	[tilespmem:s24+$0x2810] =	vst v0  }
0x252: {  	v1 =	vmul.f32 v46, v1;
	v0 =	vsel vm0, v61, v62;
	[tilespmem:s24+$0x2880] =	vst v4  }
0x253: {  	[tilespmem:s24+$0x2800] =	vst v3;
	v3 =	vsel vm0, v59, v60;
	v0 =	vmul.f32 v0, v55  }
0x254: {  	s22 =	sadd.s32 $0x1, s22;
	v63 =	vmul.f32 v3, v48;
	[tilespmem:s24+$0x2830] =	vst v1  }
0x255: {  	p0 =	sne.s32 s22, $0x9D;
	[tilespmem:s24+$0x28A0] =	vst v0  }
.Ltmp2:
0x256: {  	[tilespmem:s24+$0x2890] =	vst v63;
	(pc) =	sbr.rel @p0 .LBB2_4-.Ltmp2, $4  }
0x257: {  	[spmem:s3] =	stream.indirect.scatter.add.f32 [tilespmem:s20], [sflag:$0x2], $0x80, s15, s16, $0xb8;
	[tilespmem:$0x19D00] =	vst v63  }
0x258: {  	_ =	swait.ge [sflag:s14], $0x2000  }
0x259: {  	[sflag:s14] =	ssyncset.done $0x0  }
0x25a: {  	[sflag:s14] =	ssyncadd.s32 $0xFFFFE000  }
0x25b: {  	s4 =	sadd.s32 $0x1, s4  }
0x25c: {  	p0 =	sne.s32 s4, s12  }
.Ltmp3:
0x25d: {  	[bflag:$0x0] =	sbarrier.arrive $0xFFFF;
	(pc) =	sbr.rel @p0 .LBB2_1-.Ltmp3, $4  }
0x25e: {  	[hbm:s11], [sflag:s9] =	dma.local [spmem:s13], $0x2780  }
0x25f: {  	_ =	swait.ge [sflag:s14], $0x2780  }
0x260: {  	[sflag:s14] =	ssyncset.done $0x0  }
0x261: {  	v0 =	vimm.f32 $0.0e+00;
	[sflag:s14] =	ssyncadd.s32 $0xFFFFD880  }
0x262: {  	_ =	sfence.sel $0x180000  }
0x263: {  	[bflag:$0x0] =	sbarrier.arrive $0xFFFF  }
0x264: {  	p0 =	sne.s32 s1, $0x0;
	_ =	strace $0x90000047  }
0x265: {  	s0 =	sadd.s32 @!p0 $0x100000, s0;
	[bflag:$0x2] =	sbarrier.arrive $0xFFFF  }
0x266: {  	[sflag:s0] =	ssyncadd.tile.s32 @!p0 $0x1;
	_ =	shalt  }
.Lfunc_end2:
_tile_overlayer_lowered:
.L_overlay_start_2:
0x267: {  	(tag) =	ssettag $0x2  }
0x268: {  	s0 =	rddreg [dreg:$0x0];
	s2 =	stileid.u32  }
0x269: {  	s1 =	rddreg [dreg:$0x1];
	p0 =	sne.s32 s2, $0x0  }
0x26a: {  	s3 =	rddreg [dreg:$0x2];
	[bflag:$0x3] =	sbarrier.arrive $0xFFFF;
	s2 =	simm.s32 @!p0 $0x1C02  }
0x26b: {  	[timem:s3], [sflag:s2] =	dma.local @!p0 [hbm:s0], s1  }
0x26c: {  	s0 =	simm.s32 @!p0 $0x2  }
0x26d: {  	_ =	swait.ge @!p0 [sflag:s0], s1  }
0x26e: {  	s1 =	ssub.s32 @!p0 $0x0, s1;
	[sflag:s0] =	ssyncset.done @!p0 $0x0  }
0x26f: {  	[sflag:s0] =	ssyncadd.s32 @!p0 s1  }
0x270: {  	[bflag:$0x3] =	sbarrier.arrive $0xFFFF  }
0x271: {  	_ =	shalt  }

</sc_bundles>
